<compile_context>
chip_gen: v7x
topology: tpu7x:2x2x1
jax: 0.10.2.dev20260603
libtpu: 0.0.44.dev20260713+nightly
codegen_flags: <defaults>
</compile_context>

<pallas_src>
import functools

import jax
import jax.numpy as jnp
from jax import lax
from jax.experimental import pallas as pl
from jax.experimental.pallas import tpu as pltpu
from jax.experimental.pallas import tpu_sc as plsc

N = 10000
E = 320000
F = 128
H = 64
G = 64

NC = 2
NS = 16
NW = NC * NS

CHUNK = 128
NCH = 80
PT = NCH * CHUNK
EPAD = PT * NW
NTRASH = 512
NTOT = N + NTRASH
TRASH_PER_TILE = NTRASH // NS

NBUF = 8
LOOKAHEAD = 6

ROWS_PER_TILE = 624
TAIL_OFF = NS * ROWS_PER_TILE
TAIL_ROWS = N - TAIL_OFF
DEGW = 16

_SC_MESH = dict(
    mesh=plsc.VectorSubcoreMesh(core_axis_name="c", subcore_axis_name="s"),
    compiler_params=pltpu.CompilerParams(use_tc_tiling_on_sc=False),
)



def _sc_deg_body(dstp_hbm, ones_hbm, zeros_hbm, out_hbm, dst_t, ones_v, acc_sh, sem_s):
    cid = lax.axis_index("c")
    sid = lax.axis_index("s")
    wid = cid * NS + sid
    r0 = sid * ROWS_PER_TILE
    pltpu.sync_copy(zeros_hbm, acc_sh.at[pl.ds(r0, ROWS_PER_TILE)])

    pltpu.sync_copy(zeros_hbm.at[pl.ds(0, TRASH_PER_TILE)],
                    acc_sh.at[pl.ds(N + sid * TRASH_PER_TILE, TRASH_PER_TILE)])

    @pl.when(sid == 0)
    def _zero_tail():
        pltpu.sync_copy(zeros_hbm.at[pl.ds(0, TAIL_ROWS)],
                        acc_sh.at[pl.ds(TAIL_OFF, TAIL_ROWS)])

    pltpu.sync_copy(ones_hbm, ones_v)
    pltpu.sync_copy(dstp_hbm.at[wid], dst_t)
    plsc.subcore_barrier()

    def _wait_scatter(j):
        pltpu.make_async_copy(ones_v, acc_sh.at[dst_t.at[0]], sem_s.at[j]).wait()

    def body(k, carry):
        for j in range(NBUF):
            p = k * NBUF + j

            @pl.when(p >= NBUF)
            def _ws(j=j):
                _wait_scatter(j)

            pltpu.async_copy(ones_v, acc_sh.at[dst_t.at[p]], sem_s.at[j], add=True)
        return carry

    lax.fori_loop(0, NCH // NBUF, body, 0)
    for j in range(NBUF):
        _wait_scatter(j)
    plsc.subcore_barrier()
    pltpu.sync_copy(acc_sh.at[pl.ds(r0, ROWS_PER_TILE)],
                    out_hbm.at[cid, pl.ds(r0, ROWS_PER_TILE)])

    @pl.when(sid == 0)
    def _write_tail():
        pltpu.sync_copy(acc_sh.at[pl.ds(TAIL_OFF, TAIL_ROWS)],
                        out_hbm.at[cid, pl.ds(TAIL_OFF, TAIL_ROWS)])


_sc_deg = functools.partial(
    pl.kernel,
    out_type=jax.ShapeDtypeStruct((NC, N, DEGW), jnp.float32),
    scratch_types=[
        pltpu.VMEM((NCH, CHUNK), jnp.int32),
        pltpu.VMEM((CHUNK, DEGW), jnp.float32),
        pltpu.VMEM_SHARED((NTOT, DEGW), jnp.float32),
        pltpu.SemaphoreType.DMA((NBUF,)),
    ],
    **_SC_MESH,
)(_sc_deg_body)


def _sc_agg_body(hs_hbm, srcp_hbm, dstp_hbm, zeros_hbm, out_hbm,
                 src_t, dst_t, rows, acc_sh, sem_g, sem_s):
    cid = lax.axis_index("c")
    sid = lax.axis_index("s")
    wid = cid * NS + sid
    r0 = sid * ROWS_PER_TILE
    pltpu.sync_copy(zeros_hbm, acc_sh.at[pl.ds(r0, ROWS_PER_TILE)])

    pltpu.sync_copy(zeros_hbm.at[pl.ds(0, TRASH_PER_TILE)],
                    acc_sh.at[pl.ds(N + sid * TRASH_PER_TILE, TRASH_PER_TILE)])

    @pl.when(sid == 0)
    def _zero_tail():
        pltpu.sync_copy(zeros_hbm.at[pl.ds(0, TAIL_ROWS)],
                        acc_sh.at[pl.ds(TAIL_OFF, TAIL_ROWS)])

    pltpu.sync_copy(srcp_hbm.at[wid], src_t)
    pltpu.sync_copy(dstp_hbm.at[wid], dst_t)
    plsc.subcore_barrier()

    def _gather(c, j):
        pltpu.async_copy(hs_hbm.at[src_t.at[c]], rows.at[j], sem_g.at[j])

    def _wait_gather(c, j):
        pltpu.make_async_copy(hs_hbm.at[src_t.at[c]], rows.at[j], sem_g.at[j]).wait()

    def _scatter(c, j):
        pltpu.async_copy(rows.at[j], acc_sh.at[dst_t.at[c]], sem_s.at[j], add=True)

    def _wait_scatter(j):
        pltpu.make_async_copy(rows.at[j], acc_sh.at[dst_t.at[0]], sem_s.at[j]).wait()

    for j in range(LOOKAHEAD):
        _gather(j, j)

    def body(k, carry):
        for j in range(NBUF):
            p = k * NBUF + j
            pf = p + LOOKAHEAD
            jj = (j + LOOKAHEAD) % NBUF

            @pl.when(pf < NCH)
            def _prefetch(pf=pf, jj=jj):
                @pl.when(pf >= NBUF)
                def _ws(jj=jj):
                    _wait_scatter(jj)

                _gather(pf, jj)

            _wait_gather(p, j)
            _scatter(p, j)
        return carry

    lax.fori_loop(0, NCH // NBUF, body, 0)
    for j in range(NBUF):
        _wait_scatter(j)
    plsc.subcore_barrier()
    pltpu.sync_copy(acc_sh.at[pl.ds(r0, ROWS_PER_TILE)],
                    out_hbm.at[cid, pl.ds(r0, ROWS_PER_TILE)])

    @pl.when(sid == 0)
    def _write_tail():
        pltpu.sync_copy(acc_sh.at[pl.ds(TAIL_OFF, TAIL_ROWS)],
                        out_hbm.at[cid, pl.ds(TAIL_OFF, TAIL_ROWS)])


_sc_agg = functools.partial(
    pl.kernel,
    out_type=jax.ShapeDtypeStruct((NC, N, H), jnp.float32),
    scratch_types=[
        pltpu.VMEM((NCH, CHUNK), jnp.int32),
        pltpu.VMEM((NCH, CHUNK), jnp.int32),
        pltpu.VMEM((NBUF, CHUNK, H), jnp.float32),
        pltpu.VMEM_SHARED((NTOT, H), jnp.float32),
        pltpu.SemaphoreType.DMA((NBUF,)),
        pltpu.SemaphoreType.DMA((NBUF,)),
    ],
    **_SC_MESH,
)(_sc_agg_body)



BLK = 2000
NBLK = N // BLK


def _tc1_body(x_ref, w1_ref, degp_ref, hs_ref, dinv_ref):
    deg = degp_ref[0, :, 0:1] + degp_ref[1, :, 0:1] + 1.0
    dinv = lax.rsqrt(deg)
    u = jnp.dot(x_ref[...], w1_ref[...], preferred_element_type=jnp.float32)
    hs_ref[...] = u * dinv
    dinv_ref[...] = dinv


def _tc1(x, w1, degp):
    return pl.pallas_call(
        _tc1_body,
        grid=(NBLK,),
        in_specs=[
            pl.BlockSpec((BLK, F), lambda i: (i, 0)),
            pl.BlockSpec((F, H), lambda i: (0, 0)),
            pl.BlockSpec((NC, BLK, DEGW), lambda i: (0, i, 0)),
        ],
        out_specs=[
            pl.BlockSpec((BLK, H), lambda i: (i, 0)),
            pl.BlockSpec((BLK, 1), lambda i: (i, 0)),
        ],
        out_shape=[
            jax.ShapeDtypeStruct((N, H), jnp.float32),
            jax.ShapeDtypeStruct((N, 1), jnp.float32),
        ],
    )(x, w1, degp)


def _tc2_body(p_ref, hs1_ref, dinv_ref, b1_ref, w2_ref, hs2_ref):
    dinv = dinv_ref[...]
    t = jnp.maximum(dinv * (p_ref[0] + p_ref[1] + hs1_ref[...]) + b1_ref[...], 0.0)
    hs2_ref[...] = dinv * jnp.dot(t, w2_ref[...], preferred_element_type=jnp.float32)


def _tc2(p, hs1, dinv, b1, w2):
    return pl.pallas_call(
        _tc2_body,
        grid=(NBLK,),
        in_specs=[
            pl.BlockSpec((NC, BLK, H), lambda i: (0, i, 0)),
            pl.BlockSpec((BLK, H), lambda i: (i, 0)),
            pl.BlockSpec((BLK, 1), lambda i: (i, 0)),
            pl.BlockSpec((1, H), lambda i: (0, 0)),
            pl.BlockSpec((H, H), lambda i: (0, 0)),
        ],
        out_specs=pl.BlockSpec((BLK, H), lambda i: (i, 0)),
        out_shape=jax.ShapeDtypeStruct((N, H), jnp.float32),
    )(p, hs1, dinv, b1, w2)


def _tc3_body(q_ref, hs2_ref, dinv_ref, b2_ref, bidx_ref, w3_ref, b3_ref,
              out_ref, pooled_ref):
    i = pl.program_id(0)

    @pl.when(i == 0)
    def _init():
        pooled_ref[...] = jnp.full((G, H), -jnp.inf, jnp.float32)

    dinv = dinv_ref[...]
    h2 = jnp.maximum(dinv * (q_ref[0] + q_ref[1] + hs2_ref[...]) + b2_ref[...], 0.0)
    bidx = bidx_ref[...]

    def gbody(g, carry):
        v = jnp.where(bidx == g, h2, -jnp.inf)
        m = jnp.max(v, axis=0, keepdims=True)
        pooled_ref[pl.ds(g, 1), :] = jnp.maximum(pooled_ref[pl.ds(g, 1), :], m)
        return carry

    g_lo = bidx[0, 0]
    g_hi = bidx[BLK - 1, 0]
    lax.fori_loop(g_lo, g_hi + 1, gbody, 0)

    @pl.when(i == NBLK - 1)
    def _fin():
        out_ref[...] = (jnp.dot(pooled_ref[...], w3_ref[...],
                                preferred_element_type=jnp.float32) + b3_ref[...])


def _tc3(q, hs2, dinv, b2, bidx, w3, b3):
    return pl.pallas_call(
        _tc3_body,
        grid=(NBLK,),
        in_specs=[
            pl.BlockSpec((NC, BLK, H), lambda i: (0, i, 0)),
            pl.BlockSpec((BLK, H), lambda i: (i, 0)),
            pl.BlockSpec((BLK, 1), lambda i: (i, 0)),
            pl.BlockSpec((1, H), lambda i: (0, 0)),
            pl.BlockSpec((BLK, 1), lambda i: (i, 0)),
            pl.BlockSpec((H, 1), lambda i: (0, 0)),
            pl.BlockSpec((1, 1), lambda i: (0, 0)),
        ],
        out_specs=pl.BlockSpec((G, 1), lambda i: (0, 0)),
        out_shape=jax.ShapeDtypeStruct((G, 1), jnp.float32),
        scratch_shapes=[pltpu.VMEM((G, H), jnp.float32)],
    )(q, hs2, dinv, b2, bidx, w3, b3)



def kernel(x, edge_index, batch_index, W1, b1, W2, b2, W3, b3):
    src = edge_index[0]
    dst = edge_index[1]
    npad = EPAD - E
    pad_iota = jnp.arange(npad, dtype=jnp.int32)
    srcp = jnp.concatenate(
        [src, pad_iota % N]).reshape(NW, NCH, CHUNK)
    dstp = jnp.concatenate(
        [dst, N + pad_iota % NTRASH]).reshape(NW, NCH, CHUNK)
    zeros_h = jnp.zeros((ROWS_PER_TILE, H), jnp.float32)
    zeros_d = jnp.zeros((ROWS_PER_TILE, DEGW), jnp.float32)
    ones_d = jnp.ones((CHUNK, DEGW), jnp.float32)

    degp = _sc_deg(dstp, ones_d, zeros_d)
    hs1, dinv = _tc1(x, W1, degp)
    p = _sc_agg(hs1, srcp, dstp, zeros_h)
    hs2 = _tc2(p, hs1, dinv, b1.reshape(1, H), W2)
    q = _sc_agg(hs2, srcp, dstp, zeros_h)
    return _tc3(q, hs2, dinv, b2.reshape(1, H), batch_index.reshape(N, 1),
                W3, b3.reshape(1, 1))

# --- scband reference (transcript-rebuilt; emitter-appended) ---
"""Pipeline reference for scband-esolnet-14723147891347 (READ-ONLY COPY).

The authoritative reference and input builder live on the scoring server;
editing this copy changes nothing except your own understanding.
"""

import jax, jax.numpy as jnp
import numpy as np

N = 10000   # nodes
E = 320000  # edges
F = 128     # input features (dataset.num_features surrogate at production scale)
H = 64      # hidden_channels
G = 64      # graphs per batch (BATCH)


def setup_inputs(seed: int = 0) -> dict:
    key = jax.random.key(seed)
    ks = jax.random.split(key, 8)
    x = jax.random.normal(ks[0], (N, F), dtype=jnp.float32)
    edge_index = jax.random.randint(ks[1], (2, E), 0, N, dtype=jnp.int32)
    batch_index = jnp.sort(jax.random.randint(ks[2], (N,), 0, G, dtype=jnp.int32))
    # learned parameters (GCNConv weights use x @ W convention: W[in, out])
    W1 = jax.random.normal(ks[3], (F, H), dtype=jnp.float32) * (1.0 / np.sqrt(F))
    b1 = jnp.zeros((H,), dtype=jnp.float32)
    W2 = jax.random.normal(ks[4], (H, H), dtype=jnp.float32) * (1.0 / np.sqrt(H))
    b2 = jnp.zeros((H,), dtype=jnp.float32)
    W3 = jax.random.normal(ks[5], (H, 1), dtype=jnp.float32) * (1.0 / np.sqrt(H))
    b3 = jnp.zeros((1,), dtype=jnp.float32)
    return {"x": x, "edge_index": edge_index, "batch_index": batch_index,
            "W1": W1, "b1": b1, "W2": W2, "b2": b2, "W3": W3, "b3": b3}


def _gcn_norm(edge_index):
    # PyG GCNConv: add self loops, symmetric normalization D^-1/2 (A+I) D^-1/2
    src, dst = edge_index[0], edge_index[1]
    loop = jnp.arange(N, dtype=src.dtype)
    src_f = jnp.concatenate([src, loop])
    dst_f = jnp.concatenate([dst, loop])
    deg = jax.ops.segment_sum(jnp.ones(src_f.shape[0], jnp.float32), dst_f, num_segments=N)
    dinv = jnp.where(deg > 0, 1.0 / jnp.sqrt(deg), 0.0)
    norm = dinv[src_f] * dinv[dst_f]
    return src_f, dst_f, norm


def _gcn_conv(x, W, b, src, dst, norm):
    h = x @ W
    msg = h[src] * norm[:, None]
    out = jax.ops.segment_sum(msg, dst, num_segments=N)
    return out + b


def reference(x, edge_index, batch_index, W1, b1, W2, b2, W3, b3):
    src, dst, norm = _gcn_norm(edge_index)
    h = jax.nn.relu(_gcn_conv(x, W1, b1, src, dst, norm))
    # dropout is identity in eval/reference mode
    h = jax.nn.relu(_gcn_conv(h, W2, b2, src, dst, norm))
    pooled = jax.ops.segment_max(h, batch_index, num_segments=G)  # global_max_pool
    out = pooled @ W3 + b3
    return out

if __name__ == "__main__":
    import jax
    _d = setup_inputs()
    print(jax.jit(kernel)(*tuple(_d.values())))

</pallas_src>

<mosaic_0001>
#map = affine_map<(d0, d1) -> (0, 0)>
#map1 = affine_map<(d0, d1) -> (0, 0, 0)>
module attributes {stable_mosaic.version = 14 : i64} {
  func.func @_sc_agg_body(%arg0: i32, %arg1: i32, %arg2: memref<10000x64xf32, #tpu.memory_space<hbm>>, %arg3: memref<32x80x128xi32, #tpu.memory_space<hbm>>, %arg4: memref<32x80x128xi32, #tpu.memory_space<hbm>>, %arg5: memref<624x64xf32, #tpu.memory_space<hbm>>, %arg6: memref<2x10000x64xf32, #tpu.memory_space<hbm>>, %arg7: memref<80x128xi32, #tpu.memory_space<vmem>>, %arg8: memref<80x128xi32, #tpu.memory_space<vmem>>, %arg9: memref<8x128x64xf32, #tpu.memory_space<vmem>>, %arg10: memref<10512x64xf32, #tpu.memory_space<vmem_shared>>, %arg11: memref<8x!tpu.dma_semaphore, #tpu.memory_space<semaphore_mem>>, %arg12: memref<8x!tpu.dma_semaphore, #tpu.memory_space<semaphore_mem>>) attributes {dimension_semantics = [#tpu.dimension_semantics<core_parallel>, #tpu.dimension_semantics<subcore_parallel>], iteration_bounds = array<i64: 2, 16>, scalar_prefetch = 0 : i64, scratch_operands = 6 : i64, tpu.core_type = #tpu.core_type<sc_vector_subcore>, window_params = [{transform_indices = #map}, {transform_indices = #map1}, {transform_indices = #map1}, {transform_indices = #map}, {transform_indices = #map1}]} {
    %mul3A = arith.constant 16 : i32
    %mul3A_0 = arith.muli %arg0, %mul3A : i32
    %add3A = arith.addi %mul3A_0, %arg1 : i32
    %mul3A_1 = arith.constant 624 : i32
    %mul3A_2 = arith.muli %arg1, %mul3A_1 : i32
    "tpu.region"() ({
      %run_scoped3A = tpu.sem_alloc : memref<!tpu.dma_semaphore, #tpu.memory_space<semaphore_mem>>
      %dma_start3A_228 = arith.constant 0 : i32
      %dma_start3A_229 = tpu.memref_slice %arg10[%mul3A_2, %dma_start3A_228] : memref<10512x64xf32, #tpu.memory_space<vmem_shared>> -> memref<624x64xf32, #tpu.memory_space<vmem_shared>>
      tpu.enqueue_dma source(%arg5 : memref<624x64xf32, #tpu.memory_space<hbm>>) target(%dma_start3A_229 : memref<624x64xf32, #tpu.memory_space<vmem_shared>>) target_semaphore(%run_scoped3A : memref<!tpu.dma_semaphore, #tpu.memory_space<semaphore_mem>>)
      %dma_wait3A_230 = arith.constant 0 : i32
      %dma_wait3A_231 = tpu.memref_slice %arg10[%mul3A_2, %dma_wait3A_230] : memref<10512x64xf32, #tpu.memory_space<vmem_shared>> -> memref<624x64xf32, #tpu.memory_space<vmem_shared>>
      tpu.wait_dma2 semaphore(%run_scoped3A : memref<!tpu.dma_semaphore, #tpu.memory_space<semaphore_mem>>) src(%arg5 : memref<624x64xf32, #tpu.memory_space<hbm>>) dst(%dma_wait3A_231 : memref<624x64xf32, #tpu.memory_space<vmem_shared>>)
      tpu.yield
    }) : () -> ()
    %mul3A_3 = arith.constant 32 : i32
    %mul3A_4 = arith.muli %arg1, %mul3A_3 : i32
    %add3A_5 = arith.constant 10000 : i32
    %add3A_6 = arith.addi %add3A_5, %mul3A_4 : i32
    "tpu.region"() ({
      %run_scoped3A = tpu.sem_alloc : memref<!tpu.dma_semaphore, #tpu.memory_space<semaphore_mem>>
      %dma_start3A_228 = arith.constant 0 : i32
      %dma_start3A_229 = tpu.memref_slice %arg10[%add3A_6, %dma_start3A_228] : memref<10512x64xf32, #tpu.memory_space<vmem_shared>> -> memref<32x64xf32, #tpu.memory_space<vmem_shared>>
      %dma_start3A_230 = arith.constant 0 : i32
      %dma_start3A_231 = arith.constant 0 : i32
      %dma_start3A_232 = tpu.memref_slice %arg5[%dma_start3A_230, %dma_start3A_231] : memref<624x64xf32, #tpu.memory_space<hbm>> -> memref<32x64xf32, #tpu.memory_space<hbm>>
      tpu.enqueue_dma source(%dma_start3A_232 : memref<32x64xf32, #tpu.memory_space<hbm>>) target(%dma_start3A_229 : memref<32x64xf32, #tpu.memory_space<vmem_shared>>) target_semaphore(%run_scoped3A : memref<!tpu.dma_semaphore, #tpu.memory_space<semaphore_mem>>)
      %dma_wait3A_233 = arith.constant 0 : i32
      %dma_wait3A_234 = tpu.memref_slice %arg10[%add3A_6, %dma_wait3A_233] : memref<10512x64xf32, #tpu.memory_space<vmem_shared>> -> memref<32x64xf32, #tpu.memory_space<vmem_shared>>
      %dma_wait3A_235 = arith.constant 0 : i32
      %dma_wait3A_236 = arith.constant 0 : i32
      %dma_wait3A_237 = tpu.memref_slice %arg5[%dma_wait3A_235, %dma_wait3A_236] : memref<624x64xf32, #tpu.memory_space<hbm>> -> memref<32x64xf32, #tpu.memory_space<hbm>>
      tpu.wait_dma2 semaphore(%run_scoped3A : memref<!tpu.dma_semaphore, #tpu.memory_space<semaphore_mem>>) src(%dma_wait3A_237 : memref<32x64xf32, #tpu.memory_space<hbm>>) dst(%dma_wait3A_234 : memref<32x64xf32, #tpu.memory_space<vmem_shared>>)
      tpu.yield
    }) : () -> ()
    %eq3A = arith.constant 0 : i32
    %eq3A_7 = arith.cmpi eq, %arg1, %eq3A : i32
    %convert_element_type3A = arith.extui %eq3A_7 : i1 to i32
    %cond3A = arith.constant 0 : i32
    %cond3A_8 = arith.cmpi ne, %convert_element_type3A, %cond3A : i32
    scf.if %cond3A_8 {
      "tpu.region"() ({
        %run_scoped3A = tpu.sem_alloc : memref<!tpu.dma_semaphore, #tpu.memory_space<semaphore_mem>>
        %dma_start3A_228 = arith.constant 9984 : i32
        %dma_start3A_229 = arith.constant 0 : i32
        %dma_start3A_230 = tpu.memref_slice %arg10[%dma_start3A_228, %dma_start3A_229] : memref<10512x64xf32, #tpu.memory_space<vmem_shared>> -> memref<16x64xf32, #tpu.memory_space<vmem_shared>>
        %dma_start3A_231 = arith.constant 0 : i32
        %dma_start3A_232 = arith.constant 0 : i32
        %dma_start3A_233 = tpu.memref_slice %arg5[%dma_start3A_231, %dma_start3A_232] : memref<624x64xf32, #tpu.memory_space<hbm>> -> memref<16x64xf32, #tpu.memory_space<hbm>>
        tpu.enqueue_dma source(%dma_start3A_233 : memref<16x64xf32, #tpu.memory_space<hbm>>) target(%dma_start3A_230 : memref<16x64xf32, #tpu.memory_space<vmem_shared>>) target_semaphore(%run_scoped3A : memref<!tpu.dma_semaphore, #tpu.memory_space<semaphore_mem>>)
        %dma_wait3A_234 = arith.constant 9984 : i32
        %dma_wait3A_235 = arith.constant 0 : i32
        %dma_wait3A_236 = tpu.memref_slice %arg10[%dma_wait3A_234, %dma_wait3A_235] : memref<10512x64xf32, #tpu.memory_space<vmem_shared>> -> memref<16x64xf32, #tpu.memory_space<vmem_shared>>
        %dma_wait3A_237 = arith.constant 0 : i32
        %dma_wait3A_238 = arith.constant 0 : i32
        %dma_wait3A_239 = tpu.memref_slice %arg5[%dma_wait3A_237, %dma_wait3A_238] : memref<624x64xf32, #tpu.memory_space<hbm>> -> memref<16x64xf32, #tpu.memory_space<hbm>>
        tpu.wait_dma2 semaphore(%run_scoped3A : memref<!tpu.dma_semaphore, #tpu.memory_space<semaphore_mem>>) src(%dma_wait3A_239 : memref<16x64xf32, #tpu.memory_space<hbm>>) dst(%dma_wait3A_236 : memref<16x64xf32, #tpu.memory_space<vmem_shared>>)
        tpu.yield
      }) : () -> ()
    } else {
    }
    "tpu.region"() ({
      %run_scoped3A = tpu.sem_alloc : memref<!tpu.dma_semaphore, #tpu.memory_space<semaphore_mem>>
      %dma_start3A_228 = arith.constant 0 : i32
      %dma_start3A_229 = arith.constant 0 : i32
      %dma_start3A_230 = tpu.memref_slice %arg3[%add3A, %dma_start3A_228, %dma_start3A_229] : memref<32x80x128xi32, #tpu.memory_space<hbm>> -> memref<1x80x128xi32, #tpu.memory_space<hbm>>
      %dma_start3A_231 = tpu.memref_squeeze %dma_start3A_230 : memref<1x80x128xi32, #tpu.memory_space<hbm>> -> memref<80x128xi32, #tpu.memory_space<hbm>>
      %dma_start3A_232 = arith.constant 0 : i32
      %dma_start3A_233 = arith.constant 0 : i32
      %dma_start3A_234 = tpu.memref_slice %arg3[%add3A, %dma_start3A_232, %dma_start3A_233] : memref<32x80x128xi32, #tpu.memory_space<hbm>> -> memref<1x80x128xi32, #tpu.memory_space<hbm>>
      %dma_start3A_235 = tpu.memref_squeeze %dma_start3A_234 : memref<1x80x128xi32, #tpu.memory_space<hbm>> -> memref<80x128xi32, #tpu.memory_space<hbm>>
      tpu.enqueue_dma source(%dma_start3A_235 : memref<80x128xi32, #tpu.memory_space<hbm>>) target(%arg7 : memref<80x128xi32, #tpu.memory_space<vmem>>) target_semaphore(%run_scoped3A : memref<!tpu.dma_semaphore, #tpu.memory_space<semaphore_mem>>)
      %dma_wait3A_236 = arith.constant 0 : i32
      %dma_wait3A_237 = arith.constant 0 : i32
      %dma_wait3A_238 = tpu.memref_slice %arg3[%add3A, %dma_wait3A_236, %dma_wait3A_237] : memref<32x80x128xi32, #tpu.memory_space<hbm>> -> memref<1x80x128xi32, #tpu.memory_space<hbm>>
      %dma_wait3A_239 = tpu.memref_squeeze %dma_wait3A_238 : memref<1x80x128xi32, #tpu.memory_space<hbm>> -> memref<80x128xi32, #tpu.memory_space<hbm>>
      %dma_wait3A_240 = arith.constant 0 : i32
      %dma_wait3A_241 = arith.constant 0 : i32
      %dma_wait3A_242 = tpu.memref_slice %arg3[%add3A, %dma_wait3A_240, %dma_wait3A_241] : memref<32x80x128xi32, #tpu.memory_space<hbm>> -> memref<1x80x128xi32, #tpu.memory_space<hbm>>
      %dma_wait3A_243 = tpu.memref_squeeze %dma_wait3A_242 : memref<1x80x128xi32, #tpu.memory_space<hbm>> -> memref<80x128xi32, #tpu.memory_space<hbm>>
      tpu.wait_dma2 semaphore(%run_scoped3A : memref<!tpu.dma_semaphore, #tpu.memory_space<semaphore_mem>>) src(%dma_wait3A_243 : memref<80x128xi32, #tpu.memory_space<hbm>>) dst(%arg7 : memref<80x128xi32, #tpu.memory_space<vmem>>)
      tpu.yield
    }) : () -> ()
    "tpu.region"() ({
      %run_scoped3A = tpu.sem_alloc : memref<!tpu.dma_semaphore, #tpu.memory_space<semaphore_mem>>
      %dma_start3A_228 = arith.constant 0 : i32
      %dma_start3A_229 = arith.constant 0 : i32
      %dma_start3A_230 = tpu.memref_slice %arg4[%add3A, %dma_start3A_228, %dma_start3A_229] : memref<32x80x128xi32, #tpu.memory_space<hbm>> -> memref<1x80x128xi32, #tpu.memory_space<hbm>>
      %dma_start3A_231 = tpu.memref_squeeze %dma_start3A_230 : memref<1x80x128xi32, #tpu.memory_space<hbm>> -> memref<80x128xi32, #tpu.memory_space<hbm>>
      %dma_start3A_232 = arith.constant 0 : i32
      %dma_start3A_233 = arith.constant 0 : i32
      %dma_start3A_234 = tpu.memref_slice %arg4[%add3A, %dma_start3A_232, %dma_start3A_233] : memref<32x80x128xi32, #tpu.memory_space<hbm>> -> memref<1x80x128xi32, #tpu.memory_space<hbm>>
      %dma_start3A_235 = tpu.memref_squeeze %dma_start3A_234 : memref<1x80x128xi32, #tpu.memory_space<hbm>> -> memref<80x128xi32, #tpu.memory_space<hbm>>
      tpu.enqueue_dma source(%dma_start3A_235 : memref<80x128xi32, #tpu.memory_space<hbm>>) target(%arg8 : memref<80x128xi32, #tpu.memory_space<vmem>>) target_semaphore(%run_scoped3A : memref<!tpu.dma_semaphore, #tpu.memory_space<semaphore_mem>>)
      %dma_wait3A_236 = arith.constant 0 : i32
      %dma_wait3A_237 = arith.constant 0 : i32
      %dma_wait3A_238 = tpu.memref_slice %arg4[%add3A, %dma_wait3A_236, %dma_wait3A_237] : memref<32x80x128xi32, #tpu.memory_space<hbm>> -> memref<1x80x128xi32, #tpu.memory_space<hbm>>
      %dma_wait3A_239 = tpu.memref_squeeze %dma_wait3A_238 : memref<1x80x128xi32, #tpu.memory_space<hbm>> -> memref<80x128xi32, #tpu.memory_space<hbm>>
      %dma_wait3A_240 = arith.constant 0 : i32
      %dma_wait3A_241 = arith.constant 0 : i32
      %dma_wait3A_242 = tpu.memref_slice %arg4[%add3A, %dma_wait3A_240, %dma_wait3A_241] : memref<32x80x128xi32, #tpu.memory_space<hbm>> -> memref<1x80x128xi32, #tpu.memory_space<hbm>>
      %dma_wait3A_243 = tpu.memref_squeeze %dma_wait3A_242 : memref<1x80x128xi32, #tpu.memory_space<hbm>> -> memref<80x128xi32, #tpu.memory_space<hbm>>
      tpu.wait_dma2 semaphore(%run_scoped3A : memref<!tpu.dma_semaphore, #tpu.memory_space<semaphore_mem>>) src(%dma_wait3A_243 : memref<80x128xi32, #tpu.memory_space<hbm>>) dst(%arg8 : memref<80x128xi32, #tpu.memory_space<vmem>>)
      tpu.yield
    }) : () -> ()
    %barrier3A = arith.constant 0 : index
    tpu.barrier barrier_id(%barrier3A)
    %dma_start3A = arith.constant 0 : i32
    %dma_start3A_9 = arith.constant 0 : i32
    %dma_start3A_10 = arith.constant 0 : i32
    %dma_start3A_11 = arith.constant 0 : i32
    %dma_start3A_12 = arith.constant 0 : i32
    %dma_start3A_13 = tpu.memref_slice %arg9[%dma_start3A_9, %dma_start3A_11, %dma_start3A_12] : memref<8x128x64xf32, #tpu.memory_space<vmem>> -> memref<1x128x64xf32, #tpu.memory_space<vmem>>
    %dma_start3A_14 = tpu.memref_squeeze %dma_start3A_13 : memref<1x128x64xf32, #tpu.memory_space<vmem>> -> memref<128x64xf32, #tpu.memory_space<vmem>>
    %dma_start3A_15 = arith.constant 0 : i32
    %dma_start3A_16 = tpu.memref_slice %arg7[%dma_start3A, %dma_start3A_15] : memref<80x128xi32, #tpu.memory_space<vmem>> -> memref<1x128xi32, #tpu.memory_space<vmem>>
    %dma_start3A_17 = tpu.memref_squeeze %dma_start3A_16 : memref<1x128xi32, #tpu.memory_space<vmem>> -> memref<128xi32, #tpu.memory_space<vmem>>
    %dma_start3A_18 = arith.constant 0 : i32
    %dma_start3A_19 = arith.constant 0 : i32
    %dma_start3A_20 = tpu.memref_slice %arg2[%dma_start3A_18, %dma_start3A_19] : memref<10000x64xf32, #tpu.memory_space<hbm>> -> memref<10000x64xf32, #tpu.memory_space<hbm>>
    %dma_start3A_21 = tpu.memref_slice %arg11[%dma_start3A_10] : memref<8x!tpu.dma_semaphore, #tpu.memory_space<semaphore_mem>> -> memref<1x!tpu.dma_semaphore, #tpu.memory_space<semaphore_mem>>
    %dma_start3A_22 = tpu.memref_squeeze %dma_start3A_21 : memref<1x!tpu.dma_semaphore, #tpu.memory_space<semaphore_mem>> -> memref<!tpu.dma_semaphore, #tpu.memory_space<semaphore_mem>>
    tpu.enqueue_indirect_dma source(%dma_start3A_20 : memref<10000x64xf32, #tpu.memory_space<hbm>>) target(%dma_start3A_14 : memref<128x64xf32, #tpu.memory_space<vmem>>) offsets(%dma_start3A_17 : memref<128xi32, #tpu.memory_space<vmem>>) semaphore(%dma_start3A_22 : memref<!tpu.dma_semaphore, #tpu.memory_space<semaphore_mem>>)
    %dma_start3A_23 = arith.constant 1 : i32
    %dma_start3A_24 = arith.constant 1 : i32
    %dma_start3A_25 = arith.constant 1 : i32
    %dma_start3A_26 = arith.constant 0 : i32
    %dma_start3A_27 = arith.constant 0 : i32
    %dma_start3A_28 = tpu.memref_slice %arg9[%dma_start3A_24, %dma_start3A_26, %dma_start3A_27] : memref<8x128x64xf32, #tpu.memory_space<vmem>> -> memref<1x128x64xf32, #tpu.memory_space<vmem>>
    %dma_start3A_29 = tpu.memref_squeeze %dma_start3A_28 : memref<1x128x64xf32, #tpu.memory_space<vmem>> -> memref<128x64xf32, #tpu.memory_space<vmem>>
    %dma_start3A_30 = arith.constant 0 : i32
    %dma_start3A_31 = tpu.memref_slice %arg7[%dma_start3A_23, %dma_start3A_30] : memref<80x128xi32, #tpu.memory_space<vmem>> -> memref<1x128xi32, #tpu.memory_space<vmem>>
    %dma_start3A_32 = tpu.memref_squeeze %dma_start3A_31 : memref<1x128xi32, #tpu.memory_space<vmem>> -> memref<128xi32, #tpu.memory_space<vmem>>
    %dma_start3A_33 = arith.constant 0 : i32
    %dma_start3A_34 = arith.constant 0 : i32
    %dma_start3A_35 = tpu.memref_slice %arg2[%dma_start3A_33, %dma_start3A_34] : memref<10000x64xf32, #tpu.memory_space<hbm>> -> memref<10000x64xf32, #tpu.memory_space<hbm>>
    %dma_start3A_36 = tpu.memref_slice %arg11[%dma_start3A_25] : memref<8x!tpu.dma_semaphore, #tpu.memory_space<semaphore_mem>> -> memref<1x!tpu.dma_semaphore, #tpu.memory_space<semaphore_mem>>
    %dma_start3A_37 = tpu.memref_squeeze %dma_start3A_36 : memref<1x!tpu.dma_semaphore, #tpu.memory_space<semaphore_mem>> -> memref<!tpu.dma_semaphore, #tpu.memory_space<semaphore_mem>>
    tpu.enqueue_indirect_dma source(%dma_start3A_35 : memref<10000x64xf32, #tpu.memory_space<hbm>>) target(%dma_start3A_29 : memref<128x64xf32, #tpu.memory_space<vmem>>) offsets(%dma_start3A_32 : memref<128xi32, #tpu.memory_space<vmem>>) semaphore(%dma_start3A_37 : memref<!tpu.dma_semaphore, #tpu.memory_space<semaphore_mem>>)
    %dma_start3A_38 = arith.constant 2 : i32
    %dma_start3A_39 = arith.constant 2 : i32
    %dma_start3A_40 = arith.constant 2 : i32
    %dma_start3A_41 = arith.constant 0 : i32
    %dma_start3A_42 = arith.constant 0 : i32
    %dma_start3A_43 = tpu.memref_slice %arg9[%dma_start3A_39, %dma_start3A_41, %dma_start3A_42] : memref<8x128x64xf32, #tpu.memory_space<vmem>> -> memref<1x128x64xf32, #tpu.memory_space<vmem>>
    %dma_start3A_44 = tpu.memref_squeeze %dma_start3A_43 : memref<1x128x64xf32, #tpu.memory_space<vmem>> -> memref<128x64xf32, #tpu.memory_space<vmem>>
    %dma_start3A_45 = arith.constant 0 : i32
    %dma_start3A_46 = tpu.memref_slice %arg7[%dma_start3A_38, %dma_start3A_45] : memref<80x128xi32, #tpu.memory_space<vmem>> -> memref<1x128xi32, #tpu.memory_space<vmem>>
    %dma_start3A_47 = tpu.memref_squeeze %dma_start3A_46 : memref<1x128xi32, #tpu.memory_space<vmem>> -> memref<128xi32, #tpu.memory_space<vmem>>
    %dma_start3A_48 = arith.constant 0 : i32
    %dma_start3A_49 = arith.constant 0 : i32
    %dma_start3A_50 = tpu.memref_slice %arg2[%dma_start3A_48, %dma_start3A_49] : memref<10000x64xf32, #tpu.memory_space<hbm>> -> memref<10000x64xf32, #tpu.memory_space<hbm>>
    %dma_start3A_51 = tpu.memref_slice %arg11[%dma_start3A_40] : memref<8x!tpu.dma_semaphore, #tpu.memory_space<semaphore_mem>> -> memref<1x!tpu.dma_semaphore, #tpu.memory_space<semaphore_mem>>
    %dma_start3A_52 = tpu.memref_squeeze %dma_start3A_51 : memref<1x!tpu.dma_semaphore, #tpu.memory_space<semaphore_mem>> -> memref<!tpu.dma_semaphore, #tpu.memory_space<semaphore_mem>>
    tpu.enqueue_indirect_dma source(%dma_start3A_50 : memref<10000x64xf32, #tpu.memory_space<hbm>>) target(%dma_start3A_44 : memref<128x64xf32, #tpu.memory_space<vmem>>) offsets(%dma_start3A_47 : memref<128xi32, #tpu.memory_space<vmem>>) semaphore(%dma_start3A_52 : memref<!tpu.dma_semaphore, #tpu.memory_space<semaphore_mem>>)
    %dma_start3A_53 = arith.constant 3 : i32
    %dma_start3A_54 = arith.constant 3 : i32
    %dma_start3A_55 = arith.constant 3 : i32
    %dma_start3A_56 = arith.constant 0 : i32
    %dma_start3A_57 = arith.constant 0 : i32
    %dma_start3A_58 = tpu.memref_slice %arg9[%dma_start3A_54, %dma_start3A_56, %dma_start3A_57] : memref<8x128x64xf32, #tpu.memory_space<vmem>> -> memref<1x128x64xf32, #tpu.memory_space<vmem>>
    %dma_start3A_59 = tpu.memref_squeeze %dma_start3A_58 : memref<1x128x64xf32, #tpu.memory_space<vmem>> -> memref<128x64xf32, #tpu.memory_space<vmem>>
    %dma_start3A_60 = arith.constant 0 : i32
    %dma_start3A_61 = tpu.memref_slice %arg7[%dma_start3A_53, %dma_start3A_60] : memref<80x128xi32, #tpu.memory_space<vmem>> -> memref<1x128xi32, #tpu.memory_space<vmem>>
    %dma_start3A_62 = tpu.memref_squeeze %dma_start3A_61 : memref<1x128xi32, #tpu.memory_space<vmem>> -> memref<128xi32, #tpu.memory_space<vmem>>
    %dma_start3A_63 = arith.constant 0 : i32
    %dma_start3A_64 = arith.constant 0 : i32
    %dma_start3A_65 = tpu.memref_slice %arg2[%dma_start3A_63, %dma_start3A_64] : memref<10000x64xf32, #tpu.memory_space<hbm>> -> memref<10000x64xf32, #tpu.memory_space<hbm>>
    %dma_start3A_66 = tpu.memref_slice %arg11[%dma_start3A_55] : memref<8x!tpu.dma_semaphore, #tpu.memory_space<semaphore_mem>> -> memref<1x!tpu.dma_semaphore, #tpu.memory_space<semaphore_mem>>
    %dma_start3A_67 = tpu.memref_squeeze %dma_start3A_66 : memref<1x!tpu.dma_semaphore, #tpu.memory_space<semaphore_mem>> -> memref<!tpu.dma_semaphore, #tpu.memory_space<semaphore_mem>>
    tpu.enqueue_indirect_dma source(%dma_start3A_65 : memref<10000x64xf32, #tpu.memory_space<hbm>>) target(%dma_start3A_59 : memref<128x64xf32, #tpu.memory_space<vmem>>) offsets(%dma_start3A_62 : memref<128xi32, #tpu.memory_space<vmem>>) semaphore(%dma_start3A_67 : memref<!tpu.dma_semaphore, #tpu.memory_space<semaphore_mem>>)
    %dma_start3A_68 = arith.constant 4 : i32
    %dma_start3A_69 = arith.constant 4 : i32
    %dma_start3A_70 = arith.constant 4 : i32
    %dma_start3A_71 = arith.constant 0 : i32
    %dma_start3A_72 = arith.constant 0 : i32
    %dma_start3A_73 = tpu.memref_slice %arg9[%dma_start3A_69, %dma_start3A_71, %dma_start3A_72] : memref<8x128x64xf32, #tpu.memory_space<vmem>> -> memref<1x128x64xf32, #tpu.memory_space<vmem>>
    %dma_start3A_74 = tpu.memref_squeeze %dma_start3A_73 : memref<1x128x64xf32, #tpu.memory_space<vmem>> -> memref<128x64xf32, #tpu.memory_space<vmem>>
    %dma_start3A_75 = arith.constant 0 : i32
    %dma_start3A_76 = tpu.memref_slice %arg7[%dma_start3A_68, %dma_start3A_75] : memref<80x128xi32, #tpu.memory_space<vmem>> -> memref<1x128xi32, #tpu.memory_space<vmem>>
    %dma_start3A_77 = tpu.memref_squeeze %dma_start3A_76 : memref<1x128xi32, #tpu.memory_space<vmem>> -> memref<128xi32, #tpu.memory_space<vmem>>
    %dma_start3A_78 = arith.constant 0 : i32
    %dma_start3A_79 = arith.constant 0 : i32
    %dma_start3A_80 = tpu.memref_slice %arg2[%dma_start3A_78, %dma_start3A_79] : memref<10000x64xf32, #tpu.memory_space<hbm>> -> memref<10000x64xf32, #tpu.memory_space<hbm>>
    %dma_start3A_81 = tpu.memref_slice %arg11[%dma_start3A_70] : memref<8x!tpu.dma_semaphore, #tpu.memory_space<semaphore_mem>> -> memref<1x!tpu.dma_semaphore, #tpu.memory_space<semaphore_mem>>
    %dma_start3A_82 = tpu.memref_squeeze %dma_start3A_81 : memref<1x!tpu.dma_semaphore, #tpu.memory_space<semaphore_mem>> -> memref<!tpu.dma_semaphore, #tpu.memory_space<semaphore_mem>>
    tpu.enqueue_indirect_dma source(%dma_start3A_80 : memref<10000x64xf32, #tpu.memory_space<hbm>>) target(%dma_start3A_74 : memref<128x64xf32, #tpu.memory_space<vmem>>) offsets(%dma_start3A_77 : memref<128xi32, #tpu.memory_space<vmem>>) semaphore(%dma_start3A_82 : memref<!tpu.dma_semaphore, #tpu.memory_space<semaphore_mem>>)
    %dma_start3A_83 = arith.constant 5 : i32
    %dma_start3A_84 = arith.constant 5 : i32
    %dma_start3A_85 = arith.constant 5 : i32
    %dma_start3A_86 = arith.constant 0 : i32
    %dma_start3A_87 = arith.constant 0 : i32
    %dma_start3A_88 = tpu.memref_slice %arg9[%dma_start3A_84, %dma_start3A_86, %dma_start3A_87] : memref<8x128x64xf32, #tpu.memory_space<vmem>> -> memref<1x128x64xf32, #tpu.memory_space<vmem>>
    %dma_start3A_89 = tpu.memref_squeeze %dma_start3A_88 : memref<1x128x64xf32, #tpu.memory_space<vmem>> -> memref<128x64xf32, #tpu.memory_space<vmem>>
    %dma_start3A_90 = arith.constant 0 : i32
    %dma_start3A_91 = tpu.memref_slice %arg7[%dma_start3A_83, %dma_start3A_90] : memref<80x128xi32, #tpu.memory_space<vmem>> -> memref<1x128xi32, #tpu.memory_space<vmem>>
    %dma_start3A_92 = tpu.memref_squeeze %dma_start3A_91 : memref<1x128xi32, #tpu.memory_space<vmem>> -> memref<128xi32, #tpu.memory_space<vmem>>
    %dma_start3A_93 = arith.constant 0 : i32
    %dma_start3A_94 = arith.constant 0 : i32
    %dma_start3A_95 = tpu.memref_slice %arg2[%dma_start3A_93, %dma_start3A_94] : memref<10000x64xf32, #tpu.memory_space<hbm>> -> memref<10000x64xf32, #tpu.memory_space<hbm>>
    %dma_start3A_96 = tpu.memref_slice %arg11[%dma_start3A_85] : memref<8x!tpu.dma_semaphore, #tpu.memory_space<semaphore_mem>> -> memref<1x!tpu.dma_semaphore, #tpu.memory_space<semaphore_mem>>
    %dma_start3A_97 = tpu.memref_squeeze %dma_start3A_96 : memref<1x!tpu.dma_semaphore, #tpu.memory_space<semaphore_mem>> -> memref<!tpu.dma_semaphore, #tpu.memory_space<semaphore_mem>>
    tpu.enqueue_indirect_dma source(%dma_start3A_95 : memref<10000x64xf32, #tpu.memory_space<hbm>>) target(%dma_start3A_89 : memref<128x64xf32, #tpu.memory_space<vmem>>) offsets(%dma_start3A_92 : memref<128xi32, #tpu.memory_space<vmem>>) semaphore(%dma_start3A_97 : memref<!tpu.dma_semaphore, #tpu.memory_space<semaphore_mem>>)
    %scan3A = arith.constant 0 : i32
    %scan3A_98 = arith.constant 0 : i32
    %scan3A_99 = arith.constant 10 : i32
    %scan3A_100 = arith.addi %scan3A_98, %scan3A_99 : i32
    %scan3A_101 = arith.constant 1 : i32
    scf.for %scan3A_228 = %scan3A_98 to %scan3A_100 step %scan3A_101  : i32 {
      %mul3A_229 = arith.constant 8 : i32
      %mul3A_230 = arith.muli %scan3A_228, %mul3A_229 : i32
      %add3A_231 = arith.constant 0 : i32
      %add3A_232 = arith.addi %mul3A_230, %add3A_231 : i32
      %add3A_233 = arith.constant 6 : i32
      %add3A_234 = arith.addi %add3A_232, %add3A_233 : i32
      %lt3A = arith.constant 80 : i32
      %lt3A_235 = arith.cmpi slt, %add3A_234, %lt3A : i32
      %convert_element_type3A_236 = arith.extui %lt3A_235 : i1 to i32
      %cond3A_237 = arith.constant 0 : i32
      %cond3A_238 = arith.cmpi ne, %convert_element_type3A_236, %cond3A_237 : i32
      scf.if %cond3A_238 {
        %ge3A = arith.constant 8 : i32
        %ge3A_540 = arith.cmpi sge, %add3A_234, %ge3A : i32
        %convert_element_type3A_541 = arith.extui %ge3A_540 : i1 to i32
        %cond3A_542 = arith.constant 0 : i32
        %cond3A_543 = arith.cmpi ne, %convert_element_type3A_541, %cond3A_542 : i32
        scf.if %cond3A_543 {
          %dma_wait3A_558 = arith.constant 6 : i32
          %dma_wait3A_559 = arith.constant 0 : i32
          %dma_wait3A_560 = arith.constant 6 : i32
          %dma_wait3A_561 = arith.constant 0 : i32
          %dma_wait3A_562 = arith.constant 0 : i32
          %dma_wait3A_563 = tpu.memref_slice %arg9[%dma_wait3A_558, %dma_wait3A_561, %dma_wait3A_562] : memref<8x128x64xf32, #tpu.memory_space<vmem>> -> memref<1x128x64xf32, #tpu.memory_space<vmem>>
          %dma_wait3A_564 = tpu.memref_squeeze %dma_wait3A_563 : memref<1x128x64xf32, #tpu.memory_space<vmem>> -> memref<128x64xf32, #tpu.memory_space<vmem>>
          %dma_wait3A_565 = arith.constant 0 : i32
          %dma_wait3A_566 = tpu.memref_slice %arg8[%dma_wait3A_559, %dma_wait3A_565] : memref<80x128xi32, #tpu.memory_space<vmem>> -> memref<1x128xi32, #tpu.memory_space<vmem>>
          %dma_wait3A_567 = tpu.memref_squeeze %dma_wait3A_566 : memref<1x128xi32, #tpu.memory_space<vmem>> -> memref<128xi32, #tpu.memory_space<vmem>>
          %dma_wait3A_568 = arith.constant 0 : i32
          %dma_wait3A_569 = arith.constant 0 : i32
          %dma_wait3A_570 = tpu.memref_slice %arg10[%dma_wait3A_568, %dma_wait3A_569] : memref<10512x64xf32, #tpu.memory_space<vmem_shared>> -> memref<10512x64xf32, #tpu.memory_space<vmem_shared>>
          %dma_wait3A_571 = tpu.memref_slice %arg12[%dma_wait3A_560] : memref<8x!tpu.dma_semaphore, #tpu.memory_space<semaphore_mem>> -> memref<1x!tpu.dma_semaphore, #tpu.memory_space<semaphore_mem>>
          %dma_wait3A_572 = tpu.memref_squeeze %dma_wait3A_571 : memref<1x!tpu.dma_semaphore, #tpu.memory_space<semaphore_mem>> -> memref<!tpu.dma_semaphore, #tpu.memory_space<semaphore_mem>>
          tpu.wait_indirect_dma semaphore(%dma_wait3A_572 : memref<!tpu.dma_semaphore, #tpu.memory_space<semaphore_mem>>) src(%dma_wait3A_564 : memref<128x64xf32, #tpu.memory_space<vmem>>) dst(%dma_wait3A_570 : memref<10512x64xf32, #tpu.memory_space<vmem_shared>>)
        } else {
        }
        %dma_start3A_544 = arith.constant 6 : i32
        %dma_start3A_545 = arith.constant 6 : i32
        %dma_start3A_546 = arith.constant 0 : i32
        %dma_start3A_547 = arith.constant 0 : i32
        %dma_start3A_548 = tpu.memref_slice %arg9[%dma_start3A_544, %dma_start3A_546, %dma_start3A_547] : memref<8x128x64xf32, #tpu.memory_space<vmem>> -> memref<1x128x64xf32, #tpu.memory_space<vmem>>
        %dma_start3A_549 = tpu.memref_squeeze %dma_start3A_548 : memref<1x128x64xf32, #tpu.memory_space<vmem>> -> memref<128x64xf32, #tpu.memory_space<vmem>>
        %dma_start3A_550 = arith.constant 0 : i32
        %dma_start3A_551 = tpu.memref_slice %arg7[%add3A_234, %dma_start3A_550] : memref<80x128xi32, #tpu.memory_space<vmem>> -> memref<1x128xi32, #tpu.memory_space<vmem>>
        %dma_start3A_552 = tpu.memref_squeeze %dma_start3A_551 : memref<1x128xi32, #tpu.memory_space<vmem>> -> memref<128xi32, #tpu.memory_space<vmem>>
        %dma_start3A_553 = arith.constant 0 : i32
        %dma_start3A_554 = arith.constant 0 : i32
        %dma_start3A_555 = tpu.memref_slice %arg2[%dma_start3A_553, %dma_start3A_554] : memref<10000x64xf32, #tpu.memory_space<hbm>> -> memref<10000x64xf32, #tpu.memory_space<hbm>>
        %dma_start3A_556 = tpu.memref_slice %arg11[%dma_start3A_545] : memref<8x!tpu.dma_semaphore, #tpu.memory_space<semaphore_mem>> -> memref<1x!tpu.dma_semaphore, #tpu.memory_space<semaphore_mem>>
        %dma_start3A_557 = tpu.memref_squeeze %dma_start3A_556 : memref<1x!tpu.dma_semaphore, #tpu.memory_space<semaphore_mem>> -> memref<!tpu.dma_semaphore, #tpu.memory_space<semaphore_mem>>
        tpu.enqueue_indirect_dma source(%dma_start3A_555 : memref<10000x64xf32, #tpu.memory_space<hbm>>) target(%dma_start3A_549 : memref<128x64xf32, #tpu.memory_space<vmem>>) offsets(%dma_start3A_552 : memref<128xi32, #tpu.memory_space<vmem>>) semaphore(%dma_start3A_557 : memref<!tpu.dma_semaphore, #tpu.memory_space<semaphore_mem>>)
      } else {
      }
      %dma_wait3A_239 = arith.constant 0 : i32
      %dma_wait3A_240 = arith.constant 0 : i32
      %dma_wait3A_241 = arith.constant 0 : i32
      %dma_wait3A_242 = arith.constant 0 : i32
      %dma_wait3A_243 = tpu.memref_slice %arg9[%dma_wait3A_239, %dma_wait3A_241, %dma_wait3A_242] : memref<8x128x64xf32, #tpu.memory_space<vmem>> -> memref<1x128x64xf32, #tpu.memory_space<vmem>>
      %dma_wait3A_244 = tpu.memref_squeeze %dma_wait3A_243 : memref<1x128x64xf32, #tpu.memory_space<vmem>> -> memref<128x64xf32, #tpu.memory_space<vmem>>
      %dma_wait3A_245 = arith.constant 0 : i32
      %dma_wait3A_246 = tpu.memref_slice %arg7[%add3A_232, %dma_wait3A_245] : memref<80x128xi32, #tpu.memory_space<vmem>> -> memref<1x128xi32, #tpu.memory_space<vmem>>
      %dma_wait3A_247 = tpu.memref_squeeze %dma_wait3A_246 : memref<1x128xi32, #tpu.memory_space<vmem>> -> memref<128xi32, #tpu.memory_space<vmem>>
      %dma_wait3A_248 = arith.constant 0 : i32
      %dma_wait3A_249 = arith.constant 0 : i32
      %dma_wait3A_250 = tpu.memref_slice %arg2[%dma_wait3A_248, %dma_wait3A_249] : memref<10000x64xf32, #tpu.memory_space<hbm>> -> memref<10000x64xf32, #tpu.memory_space<hbm>>
      %dma_wait3A_251 = tpu.memref_slice %arg11[%dma_wait3A_240] : memref<8x!tpu.dma_semaphore, #tpu.memory_space<semaphore_mem>> -> memref<1x!tpu.dma_semaphore, #tpu.memory_space<semaphore_mem>>
      %dma_wait3A_252 = tpu.memref_squeeze %dma_wait3A_251 : memref<1x!tpu.dma_semaphore, #tpu.memory_space<semaphore_mem>> -> memref<!tpu.dma_semaphore, #tpu.memory_space<semaphore_mem>>
      tpu.wait_indirect_dma semaphore(%dma_wait3A_252 : memref<!tpu.dma_semaphore, #tpu.memory_space<semaphore_mem>>) src(%dma_wait3A_250 : memref<10000x64xf32, #tpu.memory_space<hbm>>) dst(%dma_wait3A_244 : memref<128x64xf32, #tpu.memory_space<vmem>>)
      %dma_start3A_253 = arith.constant 0 : i32
      %dma_start3A_254 = arith.constant 0 : i32
      %dma_start3A_255 = arith.constant 0 : i32
      %dma_start3A_256 = arith.constant 0 : i32
      %dma_start3A_257 = tpu.memref_slice %arg9[%dma_start3A_253, %dma_start3A_255, %dma_start3A_256] : memref<8x128x64xf32, #tpu.memory_space<vmem>> -> memref<1x128x64xf32, #tpu.memory_space<vmem>>
      %dma_start3A_258 = tpu.memref_squeeze %dma_start3A_257 : memref<1x128x64xf32, #tpu.memory_space<vmem>> -> memref<128x64xf32, #tpu.memory_space<vmem>>
      %dma_start3A_259 = arith.constant 0 : i32
      %dma_start3A_260 = tpu.memref_slice %arg8[%add3A_232, %dma_start3A_259] : memref<80x128xi32, #tpu.memory_space<vmem>> -> memref<1x128xi32, #tpu.memory_space<vmem>>
      %dma_start3A_261 = tpu.memref_squeeze %dma_start3A_260 : memref<1x128xi32, #tpu.memory_space<vmem>> -> memref<128xi32, #tpu.memory_space<vmem>>
      %dma_start3A_262 = arith.constant 0 : i32
      %dma_start3A_263 = arith.constant 0 : i32
      %dma_start3A_264 = tpu.memref_slice %arg10[%dma_start3A_262, %dma_start3A_263] : memref<10512x64xf32, #tpu.memory_space<vmem_shared>> -> memref<10512x64xf32, #tpu.memory_space<vmem_shared>>
      %dma_start3A_265 = tpu.memref_slice %arg12[%dma_start3A_254] : memref<8x!tpu.dma_semaphore, #tpu.memory_space<semaphore_mem>> -> memref<1x!tpu.dma_semaphore, #tpu.memory_space<semaphore_mem>>
      %dma_start3A_266 = tpu.memref_squeeze %dma_start3A_265 : memref<1x!tpu.dma_semaphore, #tpu.memory_space<semaphore_mem>> -> memref<!tpu.dma_semaphore, #tpu.memory_space<semaphore_mem>>
      tpu.enqueue_indirect_dma source(%dma_start3A_258 : memref<128x64xf32, #tpu.memory_space<vmem>>) target(%dma_start3A_264 : memref<10512x64xf32, #tpu.memory_space<vmem_shared>>) offsets(%dma_start3A_261 : memref<128xi32, #tpu.memory_space<vmem>>) semaphore(%dma_start3A_266 : memref<!tpu.dma_semaphore, #tpu.memory_space<semaphore_mem>>) {add = true}
      %mul3A_267 = arith.constant 8 : i32
      %mul3A_268 = arith.muli %scan3A_228, %mul3A_267 : i32
      %add3A_269 = arith.constant 1 : i32
      %add3A_270 = arith.addi %mul3A_268, %add3A_269 : i32
      %add3A_271 = arith.constant 6 : i32
      %add3A_272 = arith.addi %add3A_270, %add3A_271 : i32
      %lt3A_273 = arith.constant 80 : i32
      %lt3A_274 = arith.cmpi slt, %add3A_272, %lt3A_273 : i32
      %convert_element_type3A_275 = arith.extui %lt3A_274 : i1 to i32
      %cond3A_276 = arith.constant 0 : i32
      %cond3A_277 = arith.cmpi ne, %convert_element_type3A_275, %cond3A_276 : i32
      scf.if %cond3A_277 {
        %ge3A = arith.constant 8 : i32
        %ge3A_540 = arith.cmpi sge, %add3A_272, %ge3A : i32
        %convert_element_type3A_541 = arith.extui %ge3A_540 : i1 to i32
        %cond3A_542 = arith.constant 0 : i32
        %cond3A_543 = arith.cmpi ne, %convert_element_type3A_541, %cond3A_542 : i32
        scf.if %cond3A_543 {
          %dma_wait3A_558 = arith.constant 7 : i32
          %dma_wait3A_559 = arith.constant 0 : i32
          %dma_wait3A_560 = arith.constant 7 : i32
          %dma_wait3A_561 = arith.constant 0 : i32
          %dma_wait3A_562 = arith.constant 0 : i32
          %dma_wait3A_563 = tpu.memref_slice %arg9[%dma_wait3A_558, %dma_wait3A_561, %dma_wait3A_562] : memref<8x128x64xf32, #tpu.memory_space<vmem>> -> memref<1x128x64xf32, #tpu.memory_space<vmem>>
          %dma_wait3A_564 = tpu.memref_squeeze %dma_wait3A_563 : memref<1x128x64xf32, #tpu.memory_space<vmem>> -> memref<128x64xf32, #tpu.memory_space<vmem>>
          %dma_wait3A_565 = arith.constant 0 : i32
          %dma_wait3A_566 = tpu.memref_slice %arg8[%dma_wait3A_559, %dma_wait3A_565] : memref<80x128xi32, #tpu.memory_space<vmem>> -> memref<1x128xi32, #tpu.memory_space<vmem>>
          %dma_wait3A_567 = tpu.memref_squeeze %dma_wait3A_566 : memref<1x128xi32, #tpu.memory_space<vmem>> -> memref<128xi32, #tpu.memory_space<vmem>>
          %dma_wait3A_568 = arith.constant 0 : i32
          %dma_wait3A_569 = arith.constant 0 : i32
          %dma_wait3A_570 = tpu.memref_slice %arg10[%dma_wait3A_568, %dma_wait3A_569] : memref<10512x64xf32, #tpu.memory_space<vmem_shared>> -> memref<10512x64xf32, #tpu.memory_space<vmem_shared>>
          %dma_wait3A_571 = tpu.memref_slice %arg12[%dma_wait3A_560] : memref<8x!tpu.dma_semaphore, #tpu.memory_space<semaphore_mem>> -> memref<1x!tpu.dma_semaphore, #tpu.memory_space<semaphore_mem>>
          %dma_wait3A_572 = tpu.memref_squeeze %dma_wait3A_571 : memref<1x!tpu.dma_semaphore, #tpu.memory_space<semaphore_mem>> -> memref<!tpu.dma_semaphore, #tpu.memory_space<semaphore_mem>>
          tpu.wait_indirect_dma semaphore(%dma_wait3A_572 : memref<!tpu.dma_semaphore, #tpu.memory_space<semaphore_mem>>) src(%dma_wait3A_564 : memref<128x64xf32, #tpu.memory_space<vmem>>) dst(%dma_wait3A_570 : memref<10512x64xf32, #tpu.memory_space<vmem_shared>>)
        } else {
        }
        %dma_start3A_544 = arith.constant 7 : i32
        %dma_start3A_545 = arith.constant 7 : i32
        %dma_start3A_546 = arith.constant 0 : i32
        %dma_start3A_547 = arith.constant 0 : i32
        %dma_start3A_548 = tpu.memref_slice %arg9[%dma_start3A_544, %dma_start3A_546, %dma_start3A_547] : memref<8x128x64xf32, #tpu.memory_space<vmem>> -> memref<1x128x64xf32, #tpu.memory_space<vmem>>
        %dma_start3A_549 = tpu.memref_squeeze %dma_start3A_548 : memref<1x128x64xf32, #tpu.memory_space<vmem>> -> memref<128x64xf32, #tpu.memory_space<vmem>>
        %dma_start3A_550 = arith.constant 0 : i32
        %dma_start3A_551 = tpu.memref_slice %arg7[%add3A_272, %dma_start3A_550] : memref<80x128xi32, #tpu.memory_space<vmem>> -> memref<1x128xi32, #tpu.memory_space<vmem>>
        %dma_start3A_552 = tpu.memref_squeeze %dma_start3A_551 : memref<1x128xi32, #tpu.memory_space<vmem>> -> memref<128xi32, #tpu.memory_space<vmem>>
        %dma_start3A_553 = arith.constant 0 : i32
        %dma_start3A_554 = arith.constant 0 : i32
        %dma_start3A_555 = tpu.memref_slice %arg2[%dma_start3A_553, %dma_start3A_554] : memref<10000x64xf32, #tpu.memory_space<hbm>> -> memref<10000x64xf32, #tpu.memory_space<hbm>>
        %dma_start3A_556 = tpu.memref_slice %arg11[%dma_start3A_545] : memref<8x!tpu.dma_semaphore, #tpu.memory_space<semaphore_mem>> -> memref<1x!tpu.dma_semaphore, #tpu.memory_space<semaphore_mem>>
        %dma_start3A_557 = tpu.memref_squeeze %dma_start3A_556 : memref<1x!tpu.dma_semaphore, #tpu.memory_space<semaphore_mem>> -> memref<!tpu.dma_semaphore, #tpu.memory_space<semaphore_mem>>
        tpu.enqueue_indirect_dma source(%dma_start3A_555 : memref<10000x64xf32, #tpu.memory_space<hbm>>) target(%dma_start3A_549 : memref<128x64xf32, #tpu.memory_space<vmem>>) offsets(%dma_start3A_552 : memref<128xi32, #tpu.memory_space<vmem>>) semaphore(%dma_start3A_557 : memref<!tpu.dma_semaphore, #tpu.memory_space<semaphore_mem>>)
      } else {
      }
      %dma_wait3A_278 = arith.constant 1 : i32
      %dma_wait3A_279 = arith.constant 1 : i32
      %dma_wait3A_280 = arith.constant 0 : i32
      %dma_wait3A_281 = arith.constant 0 : i32
      %dma_wait3A_282 = tpu.memref_slice %arg9[%dma_wait3A_278, %dma_wait3A_280, %dma_wait3A_281] : memref<8x128x64xf32, #tpu.memory_space<vmem>> -> memref<1x128x64xf32, #tpu.memory_space<vmem>>
      %dma_wait3A_283 = tpu.memref_squeeze %dma_wait3A_282 : memref<1x128x64xf32, #tpu.memory_space<vmem>> -> memref<128x64xf32, #tpu.memory_space<vmem>>
      %dma_wait3A_284 = arith.constant 0 : i32
      %dma_wait3A_285 = tpu.memref_slice %arg7[%add3A_270, %dma_wait3A_284] : memref<80x128xi32, #tpu.memory_space<vmem>> -> memref<1x128xi32, #tpu.memory_space<vmem>>
      %dma_wait3A_286 = tpu.memref_squeeze %dma_wait3A_285 : memref<1x128xi32, #tpu.memory_space<vmem>> -> memref<128xi32, #tpu.memory_space<vmem>>
      %dma_wait3A_287 = arith.constant 0 : i32
      %dma_wait3A_288 = arith.constant 0 : i32
      %dma_wait3A_289 = tpu.memref_slice %arg2[%dma_wait3A_287, %dma_wait3A_288] : memref<10000x64xf32, #tpu.memory_space<hbm>> -> memref<10000x64xf32, #tpu.memory_space<hbm>>
      %dma_wait3A_290 = tpu.memref_slice %arg11[%dma_wait3A_279] : memref<8x!tpu.dma_semaphore, #tpu.memory_space<semaphore_mem>> -> memref<1x!tpu.dma_semaphore, #tpu.memory_space<semaphore_mem>>
      %dma_wait3A_291 = tpu.memref_squeeze %dma_wait3A_290 : memref<1x!tpu.dma_semaphore, #tpu.memory_space<semaphore_mem>> -> memref<!tpu.dma_semaphore, #tpu.memory_space<semaphore_mem>>
      tpu.wait_indirect_dma semaphore(%dma_wait3A_291 : memref<!tpu.dma_semaphore, #tpu.memory_space<semaphore_mem>>) src(%dma_wait3A_289 : memref<10000x64xf32, #tpu.memory_space<hbm>>) dst(%dma_wait3A_283 : memref<128x64xf32, #tpu.memory_space<vmem>>)
      %dma_start3A_292 = arith.constant 1 : i32
      %dma_start3A_293 = arith.constant 1 : i32
      %dma_start3A_294 = arith.constant 0 : i32
      %dma_start3A_295 = arith.constant 0 : i32
      %dma_start3A_296 = tpu.memref_slice %arg9[%dma_start3A_292, %dma_start3A_294, %dma_start3A_295] : memref<8x128x64xf32, #tpu.memory_space<vmem>> -> memref<1x128x64xf32, #tpu.memory_space<vmem>>
      %dma_start3A_297 = tpu.memref_squeeze %dma_start3A_296 : memref<1x128x64xf32, #tpu.memory_space<vmem>> -> memref<128x64xf32, #tpu.memory_space<vmem>>
      %dma_start3A_298 = arith.constant 0 : i32
      %dma_start3A_299 = tpu.memref_slice %arg8[%add3A_270, %dma_start3A_298] : memref<80x128xi32, #tpu.memory_space<vmem>> -> memref<1x128xi32, #tpu.memory_space<vmem>>
      %dma_start3A_300 = tpu.memref_squeeze %dma_start3A_299 : memref<1x128xi32, #tpu.memory_space<vmem>> -> memref<128xi32, #tpu.memory_space<vmem>>
      %dma_start3A_301 = arith.constant 0 : i32
      %dma_start3A_302 = arith.constant 0 : i32
      %dma_start3A_303 = tpu.memref_slice %arg10[%dma_start3A_301, %dma_start3A_302] : memref<10512x64xf32, #tpu.memory_space<vmem_shared>> -> memref<10512x64xf32, #tpu.memory_space<vmem_shared>>
      %dma_start3A_304 = tpu.memref_slice %arg12[%dma_start3A_293] : memref<8x!tpu.dma_semaphore, #tpu.memory_space<semaphore_mem>> -> memref<1x!tpu.dma_semaphore, #tpu.memory_space<semaphore_mem>>
      %dma_start3A_305 = tpu.memref_squeeze %dma_start3A_304 : memref<1x!tpu.dma_semaphore, #tpu.memory_space<semaphore_mem>> -> memref<!tpu.dma_semaphore, #tpu.memory_space<semaphore_mem>>
      tpu.enqueue_indirect_dma source(%dma_start3A_297 : memref<128x64xf32, #tpu.memory_space<vmem>>) target(%dma_start3A_303 : memref<10512x64xf32, #tpu.memory_space<vmem_shared>>) offsets(%dma_start3A_300 : memref<128xi32, #tpu.memory_space<vmem>>) semaphore(%dma_start3A_305 : memref<!tpu.dma_semaphore, #tpu.memory_space<semaphore_mem>>) {add = true}
      %mul3A_306 = arith.constant 8 : i32
      %mul3A_307 = arith.muli %scan3A_228, %mul3A_306 : i32
      %add3A_308 = arith.constant 2 : i32
      %add3A_309 = arith.addi %mul3A_307, %add3A_308 : i32
      %add3A_310 = arith.constant 6 : i32
      %add3A_311 = arith.addi %add3A_309, %add3A_310 : i32
      %lt3A_312 = arith.constant 80 : i32
      %lt3A_313 = arith.cmpi slt, %add3A_311, %lt3A_312 : i32
      %convert_element_type3A_314 = arith.extui %lt3A_313 : i1 to i32
      %cond3A_315 = arith.constant 0 : i32
      %cond3A_316 = arith.cmpi ne, %convert_element_type3A_314, %cond3A_315 : i32
      scf.if %cond3A_316 {
        %ge3A = arith.constant 8 : i32
        %ge3A_540 = arith.cmpi sge, %add3A_311, %ge3A : i32
        %convert_element_type3A_541 = arith.extui %ge3A_540 : i1 to i32
        %cond3A_542 = arith.constant 0 : i32
        %cond3A_543 = arith.cmpi ne, %convert_element_type3A_541, %cond3A_542 : i32
        scf.if %cond3A_543 {
          %dma_wait3A_558 = arith.constant 0 : i32
          %dma_wait3A_559 = arith.constant 0 : i32
          %dma_wait3A_560 = arith.constant 0 : i32
          %dma_wait3A_561 = arith.constant 0 : i32
          %dma_wait3A_562 = arith.constant 0 : i32
          %dma_wait3A_563 = tpu.memref_slice %arg9[%dma_wait3A_558, %dma_wait3A_561, %dma_wait3A_562] : memref<8x128x64xf32, #tpu.memory_space<vmem>> -> memref<1x128x64xf32, #tpu.memory_space<vmem>>
          %dma_wait3A_564 = tpu.memref_squeeze %dma_wait3A_563 : memref<1x128x64xf32, #tpu.memory_space<vmem>> -> memref<128x64xf32, #tpu.memory_space<vmem>>
          %dma_wait3A_565 = arith.constant 0 : i32
          %dma_wait3A_566 = tpu.memref_slice %arg8[%dma_wait3A_559, %dma_wait3A_565] : memref<80x128xi32, #tpu.memory_space<vmem>> -> memref<1x128xi32, #tpu.memory_space<vmem>>
          %dma_wait3A_567 = tpu.memref_squeeze %dma_wait3A_566 : memref<1x128xi32, #tpu.memory_space<vmem>> -> memref<128xi32, #tpu.memory_space<vmem>>
          %dma_wait3A_568 = arith.constant 0 : i32
          %dma_wait3A_569 = arith.constant 0 : i32
          %dma_wait3A_570 = tpu.memref_slice %arg10[%dma_wait3A_568, %dma_wait3A_569] : memref<10512x64xf32, #tpu.memory_space<vmem_shared>> -> memref<10512x64xf32, #tpu.memory_space<vmem_shared>>
          %dma_wait3A_571 = tpu.memref_slice %arg12[%dma_wait3A_560] : memref<8x!tpu.dma_semaphore, #tpu.memory_space<semaphore_mem>> -> memref<1x!tpu.dma_semaphore, #tpu.memory_space<semaphore_mem>>
          %dma_wait3A_572 = tpu.memref_squeeze %dma_wait3A_571 : memref<1x!tpu.dma_semaphore, #tpu.memory_space<semaphore_mem>> -> memref<!tpu.dma_semaphore, #tpu.memory_space<semaphore_mem>>
          tpu.wait_indirect_dma semaphore(%dma_wait3A_572 : memref<!tpu.dma_semaphore, #tpu.memory_space<semaphore_mem>>) src(%dma_wait3A_564 : memref<128x64xf32, #tpu.memory_space<vmem>>) dst(%dma_wait3A_570 : memref<10512x64xf32, #tpu.memory_space<vmem_shared>>)
        } else {
        }
        %dma_start3A_544 = arith.constant 0 : i32
        %dma_start3A_545 = arith.constant 0 : i32
        %dma_start3A_546 = arith.constant 0 : i32
        %dma_start3A_547 = arith.constant 0 : i32
        %dma_start3A_548 = tpu.memref_slice %arg9[%dma_start3A_544, %dma_start3A_546, %dma_start3A_547] : memref<8x128x64xf32, #tpu.memory_space<vmem>> -> memref<1x128x64xf32, #tpu.memory_space<vmem>>
        %dma_start3A_549 = tpu.memref_squeeze %dma_start3A_548 : memref<1x128x64xf32, #tpu.memory_space<vmem>> -> memref<128x64xf32, #tpu.memory_space<vmem>>
        %dma_start3A_550 = arith.constant 0 : i32
        %dma_start3A_551 = tpu.memref_slice %arg7[%add3A_311, %dma_start3A_550] : memref<80x128xi32, #tpu.memory_space<vmem>> -> memref<1x128xi32, #tpu.memory_space<vmem>>
        %dma_start3A_552 = tpu.memref_squeeze %dma_start3A_551 : memref<1x128xi32, #tpu.memory_space<vmem>> -> memref<128xi32, #tpu.memory_space<vmem>>
        %dma_start3A_553 = arith.constant 0 : i32
        %dma_start3A_554 = arith.constant 0 : i32
        %dma_start3A_555 = tpu.memref_slice %arg2[%dma_start3A_553, %dma_start3A_554] : memref<10000x64xf32, #tpu.memory_space<hbm>> -> memref<10000x64xf32, #tpu.memory_space<hbm>>
        %dma_start3A_556 = tpu.memref_slice %arg11[%dma_start3A_545] : memref<8x!tpu.dma_semaphore, #tpu.memory_space<semaphore_mem>> -> memref<1x!tpu.dma_semaphore, #tpu.memory_space<semaphore_mem>>
        %dma_start3A_557 = tpu.memref_squeeze %dma_start3A_556 : memref<1x!tpu.dma_semaphore, #tpu.memory_space<semaphore_mem>> -> memref<!tpu.dma_semaphore, #tpu.memory_space<semaphore_mem>>
        tpu.enqueue_indirect_dma source(%dma_start3A_555 : memref<10000x64xf32, #tpu.memory_space<hbm>>) target(%dma_start3A_549 : memref<128x64xf32, #tpu.memory_space<vmem>>) offsets(%dma_start3A_552 : memref<128xi32, #tpu.memory_space<vmem>>) semaphore(%dma_start3A_557 : memref<!tpu.dma_semaphore, #tpu.memory_space<semaphore_mem>>)
      } else {
      }
      %dma_wait3A_317 = arith.constant 2 : i32
      %dma_wait3A_318 = arith.constant 2 : i32
      %dma_wait3A_319 = arith.constant 0 : i32
      %dma_wait3A_320 = arith.constant 0 : i32
      %dma_wait3A_321 = tpu.memref_slice %arg9[%dma_wait3A_317, %dma_wait3A_319, %dma_wait3A_320] : memref<8x128x64xf32, #tpu.memory_space<vmem>> -> memref<1x128x64xf32, #tpu.memory_space<vmem>>
      %dma_wait3A_322 = tpu.memref_squeeze %dma_wait3A_321 : memref<1x128x64xf32, #tpu.memory_space<vmem>> -> memref<128x64xf32, #tpu.memory_space<vmem>>
      %dma_wait3A_323 = arith.constant 0 : i32
      %dma_wait3A_324 = tpu.memref_slice %arg7[%add3A_309, %dma_wait3A_323] : memref<80x128xi32, #tpu.memory_space<vmem>> -> memref<1x128xi32, #tpu.memory_space<vmem>>
      %dma_wait3A_325 = tpu.memref_squeeze %dma_wait3A_324 : memref<1x128xi32, #tpu.memory_space<vmem>> -> memref<128xi32, #tpu.memory_space<vmem>>
      %dma_wait3A_326 = arith.constant 0 : i32
      %dma_wait3A_327 = arith.constant 0 : i32
      %dma_wait3A_328 = tpu.memref_slice %arg2[%dma_wait3A_326, %dma_wait3A_327] : memref<10000x64xf32, #tpu.memory_space<hbm>> -> memref<10000x64xf32, #tpu.memory_space<hbm>>
      %dma_wait3A_329 = tpu.memref_slice %arg11[%dma_wait3A_318] : memref<8x!tpu.dma_semaphore, #tpu.memory_space<semaphore_mem>> -> memref<1x!tpu.dma_semaphore, #tpu.memory_space<semaphore_mem>>
      %dma_wait3A_330 = tpu.memref_squeeze %dma_wait3A_329 : memref<1x!tpu.dma_semaphore, #tpu.memory_space<semaphore_mem>> -> memref<!tpu.dma_semaphore, #tpu.memory_space<semaphore_mem>>
      tpu.wait_indirect_dma semaphore(%dma_wait3A_330 : memref<!tpu.dma_semaphore, #tpu.memory_space<semaphore_mem>>) src(%dma_wait3A_328 : memref<10000x64xf32, #tpu.memory_space<hbm>>) dst(%dma_wait3A_322 : memref<128x64xf32, #tpu.memory_space<vmem>>)
      %dma_start3A_331 = arith.constant 2 : i32
      %dma_start3A_332 = arith.constant 2 : i32
      %dma_start3A_333 = arith.constant 0 : i32
      %dma_start3A_334 = arith.constant 0 : i32
      %dma_start3A_335 = tpu.memref_slice %arg9[%dma_start3A_331, %dma_start3A_333, %dma_start3A_334] : memref<8x128x64xf32, #tpu.memory_space<vmem>> -> memref<1x128x64xf32, #tpu.memory_space<vmem>>
      %dma_start3A_336 = tpu.memref_squeeze %dma_start3A_335 : memref<1x128x64xf32, #tpu.memory_space<vmem>> -> memref<128x64xf32, #tpu.memory_space<vmem>>
      %dma_start3A_337 = arith.constant 0 : i32
      %dma_start3A_338 = tpu.memref_slice %arg8[%add3A_309, %dma_start3A_337] : memref<80x128xi32, #tpu.memory_space<vmem>> -> memref<1x128xi32, #tpu.memory_space<vmem>>
      %dma_start3A_339 = tpu.memref_squeeze %dma_start3A_338 : memref<1x128xi32, #tpu.memory_space<vmem>> -> memref<128xi32, #tpu.memory_space<vmem>>
      %dma_start3A_340 = arith.constant 0 : i32
      %dma_start3A_341 = arith.constant 0 : i32
      %dma_start3A_342 = tpu.memref_slice %arg10[%dma_start3A_340, %dma_start3A_341] : memref<10512x64xf32, #tpu.memory_space<vmem_shared>> -> memref<10512x64xf32, #tpu.memory_space<vmem_shared>>
      %dma_start3A_343 = tpu.memref_slice %arg12[%dma_start3A_332] : memref<8x!tpu.dma_semaphore, #tpu.memory_space<semaphore_mem>> -> memref<1x!tpu.dma_semaphore, #tpu.memory_space<semaphore_mem>>
      %dma_start3A_344 = tpu.memref_squeeze %dma_start3A_343 : memref<1x!tpu.dma_semaphore, #tpu.memory_space<semaphore_mem>> -> memref<!tpu.dma_semaphore, #tpu.memory_space<semaphore_mem>>
      tpu.enqueue_indirect_dma source(%dma_start3A_336 : memref<128x64xf32, #tpu.memory_space<vmem>>) target(%dma_start3A_342 : memref<10512x64xf32, #tpu.memory_space<vmem_shared>>) offsets(%dma_start3A_339 : memref<128xi32, #tpu.memory_space<vmem>>) semaphore(%dma_start3A_344 : memref<!tpu.dma_semaphore, #tpu.memory_space<semaphore_mem>>) {add = true}
      %mul3A_345 = arith.constant 8 : i32
      %mul3A_346 = arith.muli %scan3A_228, %mul3A_345 : i32
      %add3A_347 = arith.constant 3 : i32
      %add3A_348 = arith.addi %mul3A_346, %add3A_347 : i32
      %add3A_349 = arith.constant 6 : i32
      %add3A_350 = arith.addi %add3A_348, %add3A_349 : i32
      %lt3A_351 = arith.constant 80 : i32
      %lt3A_352 = arith.cmpi slt, %add3A_350, %lt3A_351 : i32
      %convert_element_type3A_353 = arith.extui %lt3A_352 : i1 to i32
      %cond3A_354 = arith.constant 0 : i32
      %cond3A_355 = arith.cmpi ne, %convert_element_type3A_353, %cond3A_354 : i32
      scf.if %cond3A_355 {
        %ge3A = arith.constant 8 : i32
        %ge3A_540 = arith.cmpi sge, %add3A_350, %ge3A : i32
        %convert_element_type3A_541 = arith.extui %ge3A_540 : i1 to i32
        %cond3A_542 = arith.constant 0 : i32
        %cond3A_543 = arith.cmpi ne, %convert_element_type3A_541, %cond3A_542 : i32
        scf.if %cond3A_543 {
          %dma_wait3A_558 = arith.constant 1 : i32
          %dma_wait3A_559 = arith.constant 0 : i32
          %dma_wait3A_560 = arith.constant 1 : i32
          %dma_wait3A_561 = arith.constant 0 : i32
          %dma_wait3A_562 = arith.constant 0 : i32
          %dma_wait3A_563 = tpu.memref_slice %arg9[%dma_wait3A_558, %dma_wait3A_561, %dma_wait3A_562] : memref<8x128x64xf32, #tpu.memory_space<vmem>> -> memref<1x128x64xf32, #tpu.memory_space<vmem>>
          %dma_wait3A_564 = tpu.memref_squeeze %dma_wait3A_563 : memref<1x128x64xf32, #tpu.memory_space<vmem>> -> memref<128x64xf32, #tpu.memory_space<vmem>>
          %dma_wait3A_565 = arith.constant 0 : i32
          %dma_wait3A_566 = tpu.memref_slice %arg8[%dma_wait3A_559, %dma_wait3A_565] : memref<80x128xi32, #tpu.memory_space<vmem>> -> memref<1x128xi32, #tpu.memory_space<vmem>>
          %dma_wait3A_567 = tpu.memref_squeeze %dma_wait3A_566 : memref<1x128xi32, #tpu.memory_space<vmem>> -> memref<128xi32, #tpu.memory_space<vmem>>
          %dma_wait3A_568 = arith.constant 0 : i32
          %dma_wait3A_569 = arith.constant 0 : i32
          %dma_wait3A_570 = tpu.memref_slice %arg10[%dma_wait3A_568, %dma_wait3A_569] : memref<10512x64xf32, #tpu.memory_space<vmem_shared>> -> memref<10512x64xf32, #tpu.memory_space<vmem_shared>>
          %dma_wait3A_571 = tpu.memref_slice %arg12[%dma_wait3A_560] : memref<8x!tpu.dma_semaphore, #tpu.memory_space<semaphore_mem>> -> memref<1x!tpu.dma_semaphore, #tpu.memory_space<semaphore_mem>>
          %dma_wait3A_572 = tpu.memref_squeeze %dma_wait3A_571 : memref<1x!tpu.dma_semaphore, #tpu.memory_space<semaphore_mem>> -> memref<!tpu.dma_semaphore, #tpu.memory_space<semaphore_mem>>
          tpu.wait_indirect_dma semaphore(%dma_wait3A_572 : memref<!tpu.dma_semaphore, #tpu.memory_space<semaphore_mem>>) src(%dma_wait3A_564 : memref<128x64xf32, #tpu.memory_space<vmem>>) dst(%dma_wait3A_570 : memref<10512x64xf32, #tpu.memory_space<vmem_shared>>)
        } else {
        }
        %dma_start3A_544 = arith.constant 1 : i32
        %dma_start3A_545 = arith.constant 1 : i32
        %dma_start3A_546 = arith.constant 0 : i32
        %dma_start3A_547 = arith.constant 0 : i32
        %dma_start3A_548 = tpu.memref_slice %arg9[%dma_start3A_544, %dma_start3A_546, %dma_start3A_547] : memref<8x128x64xf32, #tpu.memory_space<vmem>> -> memref<1x128x64xf32, #tpu.memory_space<vmem>>
        %dma_start3A_549 = tpu.memref_squeeze %dma_start3A_548 : memref<1x128x64xf32, #tpu.memory_space<vmem>> -> memref<128x64xf32, #tpu.memory_space<vmem>>
        %dma_start3A_550 = arith.constant 0 : i32
        %dma_start3A_551 = tpu.memref_slice %arg7[%add3A_350, %dma_start3A_550] : memref<80x128xi32, #tpu.memory_space<vmem>> -> memref<1x128xi32, #tpu.memory_space<vmem>>
        %dma_start3A_552 = tpu.memref_squeeze %dma_start3A_551 : memref<1x128xi32, #tpu.memory_space<vmem>> -> memref<128xi32, #tpu.memory_space<vmem>>
        %dma_start3A_553 = arith.constant 0 : i32
        %dma_start3A_554 = arith.constant 0 : i32
        %dma_start3A_555 = tpu.memref_slice %arg2[%dma_start3A_553, %dma_start3A_554] : memref<10000x64xf32, #tpu.memory_space<hbm>> -> memref<10000x64xf32, #tpu.memory_space<hbm>>
        %dma_start3A_556 = tpu.memref_slice %arg11[%dma_start3A_545] : memref<8x!tpu.dma_semaphore, #tpu.memory_space<semaphore_mem>> -> memref<1x!tpu.dma_semaphore, #tpu.memory_space<semaphore_mem>>
        %dma_start3A_557 = tpu.memref_squeeze %dma_start3A_556 : memref<1x!tpu.dma_semaphore, #tpu.memory_space<semaphore_mem>> -> memref<!tpu.dma_semaphore, #tpu.memory_space<semaphore_mem>>
        tpu.enqueue_indirect_dma source(%dma_start3A_555 : memref<10000x64xf32, #tpu.memory_space<hbm>>) target(%dma_start3A_549 : memref<128x64xf32, #tpu.memory_space<vmem>>) offsets(%dma_start3A_552 : memref<128xi32, #tpu.memory_space<vmem>>) semaphore(%dma_start3A_557 : memref<!tpu.dma_semaphore, #tpu.memory_space<semaphore_mem>>)
      } else {
      }
      %dma_wait3A_356 = arith.constant 3 : i32
      %dma_wait3A_357 = arith.constant 3 : i32
      %dma_wait3A_358 = arith.constant 0 : i32
      %dma_wait3A_359 = arith.constant 0 : i32
      %dma_wait3A_360 = tpu.memref_slice %arg9[%dma_wait3A_356, %dma_wait3A_358, %dma_wait3A_359] : memref<8x128x64xf32, #tpu.memory_space<vmem>> -> memref<1x128x64xf32, #tpu.memory_space<vmem>>
      %dma_wait3A_361 = tpu.memref_squeeze %dma_wait3A_360 : memref<1x128x64xf32, #tpu.memory_space<vmem>> -> memref<128x64xf32, #tpu.memory_space<vmem>>
      %dma_wait3A_362 = arith.constant 0 : i32
      %dma_wait3A_363 = tpu.memref_slice %arg7[%add3A_348, %dma_wait3A_362] : memref<80x128xi32, #tpu.memory_space<vmem>> -> memref<1x128xi32, #tpu.memory_space<vmem>>
      %dma_wait3A_364 = tpu.memref_squeeze %dma_wait3A_363 : memref<1x128xi32, #tpu.memory_space<vmem>> -> memref<128xi32, #tpu.memory_space<vmem>>
      %dma_wait3A_365 = arith.constant 0 : i32
      %dma_wait3A_366 = arith.constant 0 : i32
      %dma_wait3A_367 = tpu.memref_slice %arg2[%dma_wait3A_365, %dma_wait3A_366] : memref<10000x64xf32, #tpu.memory_space<hbm>> -> memref<10000x64xf32, #tpu.memory_space<hbm>>
      %dma_wait3A_368 = tpu.memref_slice %arg11[%dma_wait3A_357] : memref<8x!tpu.dma_semaphore, #tpu.memory_space<semaphore_mem>> -> memref<1x!tpu.dma_semaphore, #tpu.memory_space<semaphore_mem>>
      %dma_wait3A_369 = tpu.memref_squeeze %dma_wait3A_368 : memref<1x!tpu.dma_semaphore, #tpu.memory_space<semaphore_mem>> -> memref<!tpu.dma_semaphore, #tpu.memory_space<semaphore_mem>>
      tpu.wait_indirect_dma semaphore(%dma_wait3A_369 : memref<!tpu.dma_semaphore, #tpu.memory_space<semaphore_mem>>) src(%dma_wait3A_367 : memref<10000x64xf32, #tpu.memory_space<hbm>>) dst(%dma_wait3A_361 : memref<128x64xf32, #tpu.memory_space<vmem>>)
      %dma_start3A_370 = arith.constant 3 : i32
      %dma_start3A_371 = arith.constant 3 : i32
      %dma_start3A_372 = arith.constant 0 : i32
      %dma_start3A_373 = arith.constant 0 : i32
      %dma_start3A_374 = tpu.memref_slice %arg9[%dma_start3A_370, %dma_start3A_372, %dma_start3A_373] : memref<8x128x64xf32, #tpu.memory_space<vmem>> -> memref<1x128x64xf32, #tpu.memory_space<vmem>>
      %dma_start3A_375 = tpu.memref_squeeze %dma_start3A_374 : memref<1x128x64xf32, #tpu.memory_space<vmem>> -> memref<128x64xf32, #tpu.memory_space<vmem>>
      %dma_start3A_376 = arith.constant 0 : i32
      %dma_start3A_377 = tpu.memref_slice %arg8[%add3A_348, %dma_start3A_376] : memref<80x128xi32, #tpu.memory_space<vmem>> -> memref<1x128xi32, #tpu.memory_space<vmem>>
      %dma_start3A_378 = tpu.memref_squeeze %dma_start3A_377 : memref<1x128xi32, #tpu.memory_space<vmem>> -> memref<128xi32, #tpu.memory_space<vmem>>
      %dma_start3A_379 = arith.constant 0 : i32
      %dma_start3A_380 = arith.constant 0 : i32
      %dma_start3A_381 = tpu.memref_slice %arg10[%dma_start3A_379, %dma_start3A_380] : memref<10512x64xf32, #tpu.memory_space<vmem_shared>> -> memref<10512x64xf32, #tpu.memory_space<vmem_shared>>
      %dma_start3A_382 = tpu.memref_slice %arg12[%dma_start3A_371] : memref<8x!tpu.dma_semaphore, #tpu.memory_space<semaphore_mem>> -> memref<1x!tpu.dma_semaphore, #tpu.memory_space<semaphore_mem>>
      %dma_start3A_383 = tpu.memref_squeeze %dma_start3A_382 : memref<1x!tpu.dma_semaphore, #tpu.memory_space<semaphore_mem>> -> memref<!tpu.dma_semaphore, #tpu.memory_space<semaphore_mem>>
      tpu.enqueue_indirect_dma source(%dma_start3A_375 : memref<128x64xf32, #tpu.memory_space<vmem>>) target(%dma_start3A_381 : memref<10512x64xf32, #tpu.memory_space<vmem_shared>>) offsets(%dma_start3A_378 : memref<128xi32, #tpu.memory_space<vmem>>) semaphore(%dma_start3A_383 : memref<!tpu.dma_semaphore, #tpu.memory_space<semaphore_mem>>) {add = true}
      %mul3A_384 = arith.constant 8 : i32
      %mul3A_385 = arith.muli %scan3A_228, %mul3A_384 : i32
      %add3A_386 = arith.constant 4 : i32
      %add3A_387 = arith.addi %mul3A_385, %add3A_386 : i32
      %add3A_388 = arith.constant 6 : i32
      %add3A_389 = arith.addi %add3A_387, %add3A_388 : i32
      %lt3A_390 = arith.constant 80 : i32
      %lt3A_391 = arith.cmpi slt, %add3A_389, %lt3A_390 : i32
      %convert_element_type3A_392 = arith.extui %lt3A_391 : i1 to i32
      %cond3A_393 = arith.constant 0 : i32
      %cond3A_394 = arith.cmpi ne, %convert_element_type3A_392, %cond3A_393 : i32
      scf.if %cond3A_394 {
        %ge3A = arith.constant 8 : i32
        %ge3A_540 = arith.cmpi sge, %add3A_389, %ge3A : i32
        %convert_element_type3A_541 = arith.extui %ge3A_540 : i1 to i32
        %cond3A_542 = arith.constant 0 : i32
        %cond3A_543 = arith.cmpi ne, %convert_element_type3A_541, %cond3A_542 : i32
        scf.if %cond3A_543 {
          %dma_wait3A_558 = arith.constant 2 : i32
          %dma_wait3A_559 = arith.constant 0 : i32
          %dma_wait3A_560 = arith.constant 2 : i32
          %dma_wait3A_561 = arith.constant 0 : i32
          %dma_wait3A_562 = arith.constant 0 : i32
          %dma_wait3A_563 = tpu.memref_slice %arg9[%dma_wait3A_558, %dma_wait3A_561, %dma_wait3A_562] : memref<8x128x64xf32, #tpu.memory_space<vmem>> -> memref<1x128x64xf32, #tpu.memory_space<vmem>>
          %dma_wait3A_564 = tpu.memref_squeeze %dma_wait3A_563 : memref<1x128x64xf32, #tpu.memory_space<vmem>> -> memref<128x64xf32, #tpu.memory_space<vmem>>
          %dma_wait3A_565 = arith.constant 0 : i32
          %dma_wait3A_566 = tpu.memref_slice %arg8[%dma_wait3A_559, %dma_wait3A_565] : memref<80x128xi32, #tpu.memory_space<vmem>> -> memref<1x128xi32, #tpu.memory_space<vmem>>
          %dma_wait3A_567 = tpu.memref_squeeze %dma_wait3A_566 : memref<1x128xi32, #tpu.memory_space<vmem>> -> memref<128xi32, #tpu.memory_space<vmem>>
          %dma_wait3A_568 = arith.constant 0 : i32
          %dma_wait3A_569 = arith.constant 0 : i32
          %dma_wait3A_570 = tpu.memref_slice %arg10[%dma_wait3A_568, %dma_wait3A_569] : memref<10512x64xf32, #tpu.memory_space<vmem_shared>> -> memref<10512x64xf32, #tpu.memory_space<vmem_shared>>
          %dma_wait3A_571 = tpu.memref_slice %arg12[%dma_wait3A_560] : memref<8x!tpu.dma_semaphore, #tpu.memory_space<semaphore_mem>> -> memref<1x!tpu.dma_semaphore, #tpu.memory_space<semaphore_mem>>
          %dma_wait3A_572 = tpu.memref_squeeze %dma_wait3A_571 : memref<1x!tpu.dma_semaphore, #tpu.memory_space<semaphore_mem>> -> memref<!tpu.dma_semaphore, #tpu.memory_space<semaphore_mem>>
          tpu.wait_indirect_dma semaphore(%dma_wait3A_572 : memref<!tpu.dma_semaphore, #tpu.memory_space<semaphore_mem>>) src(%dma_wait3A_564 : memref<128x64xf32, #tpu.memory_space<vmem>>) dst(%dma_wait3A_570 : memref<10512x64xf32, #tpu.memory_space<vmem_shared>>)
        } else {
        }
        %dma_start3A_544 = arith.constant 2 : i32
        %dma_start3A_545 = arith.constant 2 : i32
        %dma_start3A_546 = arith.constant 0 : i32
        %dma_start3A_547 = arith.constant 0 : i32
        %dma_start3A_548 = tpu.memref_slice %arg9[%dma_start3A_544, %dma_start3A_546, %dma_start3A_547] : memref<8x128x64xf32, #tpu.memory_space<vmem>> -> memref<1x128x64xf32, #tpu.memory_space<vmem>>
        %dma_start3A_549 = tpu.memref_squeeze %dma_start3A_548 : memref<1x128x64xf32, #tpu.memory_space<vmem>> -> memref<128x64xf32, #tpu.memory_space<vmem>>
        %dma_start3A_550 = arith.constant 0 : i32
        %dma_start3A_551 = tpu.memref_slice %arg7[%add3A_389, %dma_start3A_550] : memref<80x128xi32, #tpu.memory_space<vmem>> -> memref<1x128xi32, #tpu.memory_space<vmem>>
        %dma_start3A_552 = tpu.memref_squeeze %dma_start3A_551 : memref<1x128xi32, #tpu.memory_space<vmem>> -> memref<128xi32, #tpu.memory_space<vmem>>
        %dma_start3A_553 = arith.constant 0 : i32
        %dma_start3A_554 = arith.constant 0 : i32
        %dma_start3A_555 = tpu.memref_slice %arg2[%dma_start3A_553, %dma_start3A_554] : memref<10000x64xf32, #tpu.memory_space<hbm>> -> memref<10000x64xf32, #tpu.memory_space<hbm>>
        %dma_start3A_556 = tpu.memref_slice %arg11[%dma_start3A_545] : memref<8x!tpu.dma_semaphore, #tpu.memory_space<semaphore_mem>> -> memref<1x!tpu.dma_semaphore, #tpu.memory_space<semaphore_mem>>
        %dma_start3A_557 = tpu.memref_squeeze %dma_start3A_556 : memref<1x!tpu.dma_semaphore, #tpu.memory_space<semaphore_mem>> -> memref<!tpu.dma_semaphore, #tpu.memory_space<semaphore_mem>>
        tpu.enqueue_indirect_dma source(%dma_start3A_555 : memref<10000x64xf32, #tpu.memory_space<hbm>>) target(%dma_start3A_549 : memref<128x64xf32, #tpu.memory_space<vmem>>) offsets(%dma_start3A_552 : memref<128xi32, #tpu.memory_space<vmem>>) semaphore(%dma_start3A_557 : memref<!tpu.dma_semaphore, #tpu.memory_space<semaphore_mem>>)
      } else {
      }
      %dma_wait3A_395 = arith.constant 4 : i32
      %dma_wait3A_396 = arith.constant 4 : i32
      %dma_wait3A_397 = arith.constant 0 : i32
      %dma_wait3A_398 = arith.constant 0 : i32
      %dma_wait3A_399 = tpu.memref_slice %arg9[%dma_wait3A_395, %dma_wait3A_397, %dma_wait3A_398] : memref<8x128x64xf32, #tpu.memory_space<vmem>> -> memref<1x128x64xf32, #tpu.memory_space<vmem>>
      %dma_wait3A_400 = tpu.memref_squeeze %dma_wait3A_399 : memref<1x128x64xf32, #tpu.memory_space<vmem>> -> memref<128x64xf32, #tpu.memory_space<vmem>>
      %dma_wait3A_401 = arith.constant 0 : i32
      %dma_wait3A_402 = tpu.memref_slice %arg7[%add3A_387, %dma_wait3A_401] : memref<80x128xi32, #tpu.memory_space<vmem>> -> memref<1x128xi32, #tpu.memory_space<vmem>>
      %dma_wait3A_403 = tpu.memref_squeeze %dma_wait3A_402 : memref<1x128xi32, #tpu.memory_space<vmem>> -> memref<128xi32, #tpu.memory_space<vmem>>
      %dma_wait3A_404 = arith.constant 0 : i32
      %dma_wait3A_405 = arith.constant 0 : i32
      %dma_wait3A_406 = tpu.memref_slice %arg2[%dma_wait3A_404, %dma_wait3A_405] : memref<10000x64xf32, #tpu.memory_space<hbm>> -> memref<10000x64xf32, #tpu.memory_space<hbm>>
      %dma_wait3A_407 = tpu.memref_slice %arg11[%dma_wait3A_396] : memref<8x!tpu.dma_semaphore, #tpu.memory_space<semaphore_mem>> -> memref<1x!tpu.dma_semaphore, #tpu.memory_space<semaphore_mem>>
      %dma_wait3A_408 = tpu.memref_squeeze %dma_wait3A_407 : memref<1x!tpu.dma_semaphore, #tpu.memory_space<semaphore_mem>> -> memref<!tpu.dma_semaphore, #tpu.memory_space<semaphore_mem>>
      tpu.wait_indirect_dma semaphore(%dma_wait3A_408 : memref<!tpu.dma_semaphore, #tpu.memory_space<semaphore_mem>>) src(%dma_wait3A_406 : memref<10000x64xf32, #tpu.memory_space<hbm>>) dst(%dma_wait3A_400 : memref<128x64xf32, #tpu.memory_space<vmem>>)
      %dma_start3A_409 = arith.constant 4 : i32
      %dma_start3A_410 = arith.constant 4 : i32
      %dma_start3A_411 = arith.constant 0 : i32
      %dma_start3A_412 = arith.constant 0 : i32
      %dma_start3A_413 = tpu.memref_slice %arg9[%dma_start3A_409, %dma_start3A_411, %dma_start3A_412] : memref<8x128x64xf32, #tpu.memory_space<vmem>> -> memref<1x128x64xf32, #tpu.memory_space<vmem>>
      %dma_start3A_414 = tpu.memref_squeeze %dma_start3A_413 : memref<1x128x64xf32, #tpu.memory_space<vmem>> -> memref<128x64xf32, #tpu.memory_space<vmem>>
      %dma_start3A_415 = arith.constant 0 : i32
      %dma_start3A_416 = tpu.memref_slice %arg8[%add3A_387, %dma_start3A_415] : memref<80x128xi32, #tpu.memory_space<vmem>> -> memref<1x128xi32, #tpu.memory_space<vmem>>
      %dma_start3A_417 = tpu.memref_squeeze %dma_start3A_416 : memref<1x128xi32, #tpu.memory_space<vmem>> -> memref<128xi32, #tpu.memory_space<vmem>>
      %dma_start3A_418 = arith.constant 0 : i32
      %dma_start3A_419 = arith.constant 0 : i32
      %dma_start3A_420 = tpu.memref_slice %arg10[%dma_start3A_418, %dma_start3A_419] : memref<10512x64xf32, #tpu.memory_space<vmem_shared>> -> memref<10512x64xf32, #tpu.memory_space<vmem_shared>>
      %dma_start3A_421 = tpu.memref_slice %arg12[%dma_start3A_410] : memref<8x!tpu.dma_semaphore, #tpu.memory_space<semaphore_mem>> -> memref<1x!tpu.dma_semaphore, #tpu.memory_space<semaphore_mem>>
      %dma_start3A_422 = tpu.memref_squeeze %dma_start3A_421 : memref<1x!tpu.dma_semaphore, #tpu.memory_space<semaphore_mem>> -> memref<!tpu.dma_semaphore, #tpu.memory_space<semaphore_mem>>
      tpu.enqueue_indirect_dma source(%dma_start3A_414 : memref<128x64xf32, #tpu.memory_space<vmem>>) target(%dma_start3A_420 : memref<10512x64xf32, #tpu.memory_space<vmem_shared>>) offsets(%dma_start3A_417 : memref<128xi32, #tpu.memory_space<vmem>>) semaphore(%dma_start3A_422 : memref<!tpu.dma_semaphore, #tpu.memory_space<semaphore_mem>>) {add = true}
      %mul3A_423 = arith.constant 8 : i32
      %mul3A_424 = arith.muli %scan3A_228, %mul3A_423 : i32
      %add3A_425 = arith.constant 5 : i32
      %add3A_426 = arith.addi %mul3A_424, %add3A_425 : i32
      %add3A_427 = arith.constant 6 : i32
      %add3A_428 = arith.addi %add3A_426, %add3A_427 : i32
      %lt3A_429 = arith.constant 80 : i32
      %lt3A_430 = arith.cmpi slt, %add3A_428, %lt3A_429 : i32
      %convert_element_type3A_431 = arith.extui %lt3A_430 : i1 to i32
      %cond3A_432 = arith.constant 0 : i32
      %cond3A_433 = arith.cmpi ne, %convert_element_type3A_431, %cond3A_432 : i32
      scf.if %cond3A_433 {
        %ge3A = arith.constant 8 : i32
        %ge3A_540 = arith.cmpi sge, %add3A_428, %ge3A : i32
        %convert_element_type3A_541 = arith.extui %ge3A_540 : i1 to i32
        %cond3A_542 = arith.constant 0 : i32
        %cond3A_543 = arith.cmpi ne, %convert_element_type3A_541, %cond3A_542 : i32
        scf.if %cond3A_543 {
          %dma_wait3A_558 = arith.constant 3 : i32
          %dma_wait3A_559 = arith.constant 0 : i32
          %dma_wait3A_560 = arith.constant 3 : i32
          %dma_wait3A_561 = arith.constant 0 : i32
          %dma_wait3A_562 = arith.constant 0 : i32
          %dma_wait3A_563 = tpu.memref_slice %arg9[%dma_wait3A_558, %dma_wait3A_561, %dma_wait3A_562] : memref<8x128x64xf32, #tpu.memory_space<vmem>> -> memref<1x128x64xf32, #tpu.memory_space<vmem>>
          %dma_wait3A_564 = tpu.memref_squeeze %dma_wait3A_563 : memref<1x128x64xf32, #tpu.memory_space<vmem>> -> memref<128x64xf32, #tpu.memory_space<vmem>>
          %dma_wait3A_565 = arith.constant 0 : i32
          %dma_wait3A_566 = tpu.memref_slice %arg8[%dma_wait3A_559, %dma_wait3A_565] : memref<80x128xi32, #tpu.memory_space<vmem>> -> memref<1x128xi32, #tpu.memory_space<vmem>>
          %dma_wait3A_567 = tpu.memref_squeeze %dma_wait3A_566 : memref<1x128xi32, #tpu.memory_space<vmem>> -> memref<128xi32, #tpu.memory_space<vmem>>
          %dma_wait3A_568 = arith.constant 0 : i32
          %dma_wait3A_569 = arith.constant 0 : i32
          %dma_wait3A_570 = tpu.memref_slice %arg10[%dma_wait3A_568, %dma_wait3A_569] : memref<10512x64xf32, #tpu.memory_space<vmem_shared>> -> memref<10512x64xf32, #tpu.memory_space<vmem_shared>>
          %dma_wait3A_571 = tpu.memref_slice %arg12[%dma_wait3A_560] : memref<8x!tpu.dma_semaphore, #tpu.memory_space<semaphore_mem>> -> memref<1x!tpu.dma_semaphore, #tpu.memory_space<semaphore_mem>>
          %dma_wait3A_572 = tpu.memref_squeeze %dma_wait3A_571 : memref<1x!tpu.dma_semaphore, #tpu.memory_space<semaphore_mem>> -> memref<!tpu.dma_semaphore, #tpu.memory_space<semaphore_mem>>
          tpu.wait_indirect_dma semaphore(%dma_wait3A_572 : memref<!tpu.dma_semaphore, #tpu.memory_space<semaphore_mem>>) src(%dma_wait3A_564 : memref<128x64xf32, #tpu.memory_space<vmem>>) dst(%dma_wait3A_570 : memref<10512x64xf32, #tpu.memory_space<vmem_shared>>)
        } else {
        }
        %dma_start3A_544 = arith.constant 3 : i32
        %dma_start3A_545 = arith.constant 3 : i32
        %dma_start3A_546 = arith.constant 0 : i32
        %dma_start3A_547 = arith.constant 0 : i32
        %dma_start3A_548 = tpu.memref_slice %arg9[%dma_start3A_544, %dma_start3A_546, %dma_start3A_547] : memref<8x128x64xf32, #tpu.memory_space<vmem>> -> memref<1x128x64xf32, #tpu.memory_space<vmem>>
        %dma_start3A_549 = tpu.memref_squeeze %dma_start3A_548 : memref<1x128x64xf32, #tpu.memory_space<vmem>> -> memref<128x64xf32, #tpu.memory_space<vmem>>
        %dma_start3A_550 = arith.constant 0 : i32
        %dma_start3A_551 = tpu.memref_slice %arg7[%add3A_428, %dma_start3A_550] : memref<80x128xi32, #tpu.memory_space<vmem>> -> memref<1x128xi32, #tpu.memory_space<vmem>>
        %dma_start3A_552 = tpu.memref_squeeze %dma_start3A_551 : memref<1x128xi32, #tpu.memory_space<vmem>> -> memref<128xi32, #tpu.memory_space<vmem>>
        %dma_start3A_553 = arith.constant 0 : i32
        %dma_start3A_554 = arith.constant 0 : i32
        %dma_start3A_555 = tpu.memref_slice %arg2[%dma_start3A_553, %dma_start3A_554] : memref<10000x64xf32, #tpu.memory_space<hbm>> -> memref<10000x64xf32, #tpu.memory_space<hbm>>
        %dma_start3A_556 = tpu.memref_slice %arg11[%dma_start3A_545] : memref<8x!tpu.dma_semaphore, #tpu.memory_space<semaphore_mem>> -> memref<1x!tpu.dma_semaphore, #tpu.memory_space<semaphore_mem>>
        %dma_start3A_557 = tpu.memref_squeeze %dma_start3A_556 : memref<1x!tpu.dma_semaphore, #tpu.memory_space<semaphore_mem>> -> memref<!tpu.dma_semaphore, #tpu.memory_space<semaphore_mem>>
        tpu.enqueue_indirect_dma source(%dma_start3A_555 : memref<10000x64xf32, #tpu.memory_space<hbm>>) target(%dma_start3A_549 : memref<128x64xf32, #tpu.memory_space<vmem>>) offsets(%dma_start3A_552 : memref<128xi32, #tpu.memory_space<vmem>>) semaphore(%dma_start3A_557 : memref<!tpu.dma_semaphore, #tpu.memory_space<semaphore_mem>>)
      } else {
      }
      %dma_wait3A_434 = arith.constant 5 : i32
      %dma_wait3A_435 = arith.constant 5 : i32
      %dma_wait3A_436 = arith.constant 0 : i32
      %dma_wait3A_437 = arith.constant 0 : i32
      %dma_wait3A_438 = tpu.memref_slice %arg9[%dma_wait3A_434, %dma_wait3A_436, %dma_wait3A_437] : memref<8x128x64xf32, #tpu.memory_space<vmem>> -> memref<1x128x64xf32, #tpu.memory_space<vmem>>
      %dma_wait3A_439 = tpu.memref_squeeze %dma_wait3A_438 : memref<1x128x64xf32, #tpu.memory_space<vmem>> -> memref<128x64xf32, #tpu.memory_space<vmem>>
      %dma_wait3A_440 = arith.constant 0 : i32
      %dma_wait3A_441 = tpu.memref_slice %arg7[%add3A_426, %dma_wait3A_440] : memref<80x128xi32, #tpu.memory_space<vmem>> -> memref<1x128xi32, #tpu.memory_space<vmem>>
      %dma_wait3A_442 = tpu.memref_squeeze %dma_wait3A_441 : memref<1x128xi32, #tpu.memory_space<vmem>> -> memref<128xi32, #tpu.memory_space<vmem>>
      %dma_wait3A_443 = arith.constant 0 : i32
      %dma_wait3A_444 = arith.constant 0 : i32
      %dma_wait3A_445 = tpu.memref_slice %arg2[%dma_wait3A_443, %dma_wait3A_444] : memref<10000x64xf32, #tpu.memory_space<hbm>> -> memref<10000x64xf32, #tpu.memory_space<hbm>>
      %dma_wait3A_446 = tpu.memref_slice %arg11[%dma_wait3A_435] : memref<8x!tpu.dma_semaphore, #tpu.memory_space<semaphore_mem>> -> memref<1x!tpu.dma_semaphore, #tpu.memory_space<semaphore_mem>>
      %dma_wait3A_447 = tpu.memref_squeeze %dma_wait3A_446 : memref<1x!tpu.dma_semaphore, #tpu.memory_space<semaphore_mem>> -> memref<!tpu.dma_semaphore, #tpu.memory_space<semaphore_mem>>
      tpu.wait_indirect_dma semaphore(%dma_wait3A_447 : memref<!tpu.dma_semaphore, #tpu.memory_space<semaphore_mem>>) src(%dma_wait3A_445 : memref<10000x64xf32, #tpu.memory_space<hbm>>) dst(%dma_wait3A_439 : memref<128x64xf32, #tpu.memory_space<vmem>>)
      %dma_start3A_448 = arith.constant 5 : i32
      %dma_start3A_449 = arith.constant 5 : i32
      %dma_start3A_450 = arith.constant 0 : i32
      %dma_start3A_451 = arith.constant 0 : i32
      %dma_start3A_452 = tpu.memref_slice %arg9[%dma_start3A_448, %dma_start3A_450, %dma_start3A_451] : memref<8x128x64xf32, #tpu.memory_space<vmem>> -> memref<1x128x64xf32, #tpu.memory_space<vmem>>
      %dma_start3A_453 = tpu.memref_squeeze %dma_start3A_452 : memref<1x128x64xf32, #tpu.memory_space<vmem>> -> memref<128x64xf32, #tpu.memory_space<vmem>>
      %dma_start3A_454 = arith.constant 0 : i32
      %dma_start3A_455 = tpu.memref_slice %arg8[%add3A_426, %dma_start3A_454] : memref<80x128xi32, #tpu.memory_space<vmem>> -> memref<1x128xi32, #tpu.memory_space<vmem>>
      %dma_start3A_456 = tpu.memref_squeeze %dma_start3A_455 : memref<1x128xi32, #tpu.memory_space<vmem>> -> memref<128xi32, #tpu.memory_space<vmem>>
      %dma_start3A_457 = arith.constant 0 : i32
      %dma_start3A_458 = arith.constant 0 : i32
      %dma_start3A_459 = tpu.memref_slice %arg10[%dma_start3A_457, %dma_start3A_458] : memref<10512x64xf32, #tpu.memory_space<vmem_shared>> -> memref<10512x64xf32, #tpu.memory_space<vmem_shared>>
      %dma_start3A_460 = tpu.memref_slice %arg12[%dma_start3A_449] : memref<8x!tpu.dma_semaphore, #tpu.memory_space<semaphore_mem>> -> memref<1x!tpu.dma_semaphore, #tpu.memory_space<semaphore_mem>>
      %dma_start3A_461 = tpu.memref_squeeze %dma_start3A_460 : memref<1x!tpu.dma_semaphore, #tpu.memory_space<semaphore_mem>> -> memref<!tpu.dma_semaphore, #tpu.memory_space<semaphore_mem>>
      tpu.enqueue_indirect_dma source(%dma_start3A_453 : memref<128x64xf32, #tpu.memory_space<vmem>>) target(%dma_start3A_459 : memref<10512x64xf32, #tpu.memory_space<vmem_shared>>) offsets(%dma_start3A_456 : memref<128xi32, #tpu.memory_space<vmem>>) semaphore(%dma_start3A_461 : memref<!tpu.dma_semaphore, #tpu.memory_space<semaphore_mem>>) {add = true}
      %mul3A_462 = arith.constant 8 : i32
      %mul3A_463 = arith.muli %scan3A_228, %mul3A_462 : i32
      %add3A_464 = arith.constant 6 : i32
      %add3A_465 = arith.addi %mul3A_463, %add3A_464 : i32
      %add3A_466 = arith.constant 6 : i32
      %add3A_467 = arith.addi %add3A_465, %add3A_466 : i32
      %lt3A_468 = arith.constant 80 : i32
      %lt3A_469 = arith.cmpi slt, %add3A_467, %lt3A_468 : i32
      %convert_element_type3A_470 = arith.extui %lt3A_469 : i1 to i32
      %cond3A_471 = arith.constant 0 : i32
      %cond3A_472 = arith.cmpi ne, %convert_element_type3A_470, %cond3A_471 : i32
      scf.if %cond3A_472 {
        %ge3A = arith.constant 8 : i32
        %ge3A_540 = arith.cmpi sge, %add3A_467, %ge3A : i32
        %convert_element_type3A_541 = arith.extui %ge3A_540 : i1 to i32
        %cond3A_542 = arith.constant 0 : i32
        %cond3A_543 = arith.cmpi ne, %convert_element_type3A_541, %cond3A_542 : i32
        scf.if %cond3A_543 {
          %dma_wait3A_558 = arith.constant 4 : i32
          %dma_wait3A_559 = arith.constant 0 : i32
          %dma_wait3A_560 = arith.constant 4 : i32
          %dma_wait3A_561 = arith.constant 0 : i32
          %dma_wait3A_562 = arith.constant 0 : i32
          %dma_wait3A_563 = tpu.memref_slice %arg9[%dma_wait3A_558, %dma_wait3A_561, %dma_wait3A_562] : memref<8x128x64xf32, #tpu.memory_space<vmem>> -> memref<1x128x64xf32, #tpu.memory_space<vmem>>
          %dma_wait3A_564 = tpu.memref_squeeze %dma_wait3A_563 : memref<1x128x64xf32, #tpu.memory_space<vmem>> -> memref<128x64xf32, #tpu.memory_space<vmem>>
          %dma_wait3A_565 = arith.constant 0 : i32
          %dma_wait3A_566 = tpu.memref_slice %arg8[%dma_wait3A_559, %dma_wait3A_565] : memref<80x128xi32, #tpu.memory_space<vmem>> -> memref<1x128xi32, #tpu.memory_space<vmem>>
          %dma_wait3A_567 = tpu.memref_squeeze %dma_wait3A_566 : memref<1x128xi32, #tpu.memory_space<vmem>> -> memref<128xi32, #tpu.memory_space<vmem>>
          %dma_wait3A_568 = arith.constant 0 : i32
          %dma_wait3A_569 = arith.constant 0 : i32
          %dma_wait3A_570 = tpu.memref_slice %arg10[%dma_wait3A_568, %dma_wait3A_569] : memref<10512x64xf32, #tpu.memory_space<vmem_shared>> -> memref<10512x64xf32, #tpu.memory_space<vmem_shared>>
          %dma_wait3A_571 = tpu.memref_slice %arg12[%dma_wait3A_560] : memref<8x!tpu.dma_semaphore, #tpu.memory_space<semaphore_mem>> -> memref<1x!tpu.dma_semaphore, #tpu.memory_space<semaphore_mem>>
          %dma_wait3A_572 = tpu.memref_squeeze %dma_wait3A_571 : memref<1x!tpu.dma_semaphore, #tpu.memory_space<semaphore_mem>> -> memref<!tpu.dma_semaphore, #tpu.memory_space<semaphore_mem>>
          tpu.wait_indirect_dma semaphore(%dma_wait3A_572 : memref<!tpu.dma_semaphore, #tpu.memory_space<semaphore_mem>>) src(%dma_wait3A_564 : memref<128x64xf32, #tpu.memory_space<vmem>>) dst(%dma_wait3A_570 : memref<10512x64xf32, #tpu.memory_space<vmem_shared>>)
        } else {
        }
        %dma_start3A_544 = arith.constant 4 : i32
        %dma_start3A_545 = arith.constant 4 : i32
        %dma_start3A_546 = arith.constant 0 : i32
        %dma_start3A_547 = arith.constant 0 : i32
        %dma_start3A_548 = tpu.memref_slice %arg9[%dma_start3A_544, %dma_start3A_546, %dma_start3A_547] : memref<8x128x64xf32, #tpu.memory_space<vmem>> -> memref<1x128x64xf32, #tpu.memory_space<vmem>>
        %dma_start3A_549 = tpu.memref_squeeze %dma_start3A_548 : memref<1x128x64xf32, #tpu.memory_space<vmem>> -> memref<128x64xf32, #tpu.memory_space<vmem>>
        %dma_start3A_550 = arith.constant 0 : i32
        %dma_start3A_551 = tpu.memref_slice %arg7[%add3A_467, %dma_start3A_550] : memref<80x128xi32, #tpu.memory_space<vmem>> -> memref<1x128xi32, #tpu.memory_space<vmem>>
        %dma_start3A_552 = tpu.memref_squeeze %dma_start3A_551 : memref<1x128xi32, #tpu.memory_space<vmem>> -> memref<128xi32, #tpu.memory_space<vmem>>
        %dma_start3A_553 = arith.constant 0 : i32
        %dma_start3A_554 = arith.constant 0 : i32
        %dma_start3A_555 = tpu.memref_slice %arg2[%dma_start3A_553, %dma_start3A_554] : memref<10000x64xf32, #tpu.memory_space<hbm>> -> memref<10000x64xf32, #tpu.memory_space<hbm>>
        %dma_start3A_556 = tpu.memref_slice %arg11[%dma_start3A_545] : memref<8x!tpu.dma_semaphore, #tpu.memory_space<semaphore_mem>> -> memref<1x!tpu.dma_semaphore, #tpu.memory_space<semaphore_mem>>
        %dma_start3A_557 = tpu.memref_squeeze %dma_start3A_556 : memref<1x!tpu.dma_semaphore, #tpu.memory_space<semaphore_mem>> -> memref<!tpu.dma_semaphore, #tpu.memory_space<semaphore_mem>>
        tpu.enqueue_indirect_dma source(%dma_start3A_555 : memref<10000x64xf32, #tpu.memory_space<hbm>>) target(%dma_start3A_549 : memref<128x64xf32, #tpu.memory_space<vmem>>) offsets(%dma_start3A_552 : memref<128xi32, #tpu.memory_space<vmem>>) semaphore(%dma_start3A_557 : memref<!tpu.dma_semaphore, #tpu.memory_space<semaphore_mem>>)
      } else {
      }
      %dma_wait3A_473 = arith.constant 6 : i32
      %dma_wait3A_474 = arith.constant 6 : i32
      %dma_wait3A_475 = arith.constant 0 : i32
      %dma_wait3A_476 = arith.constant 0 : i32
      %dma_wait3A_477 = tpu.memref_slice %arg9[%dma_wait3A_473, %dma_wait3A_475, %dma_wait3A_476] : memref<8x128x64xf32, #tpu.memory_space<vmem>> -> memref<1x128x64xf32, #tpu.memory_space<vmem>>
      %dma_wait3A_478 = tpu.memref_squeeze %dma_wait3A_477 : memref<1x128x64xf32, #tpu.memory_space<vmem>> -> memref<128x64xf32, #tpu.memory_space<vmem>>
      %dma_wait3A_479 = arith.constant 0 : i32
      %dma_wait3A_480 = tpu.memref_slice %arg7[%add3A_465, %dma_wait3A_479] : memref<80x128xi32, #tpu.memory_space<vmem>> -> memref<1x128xi32, #tpu.memory_space<vmem>>
      %dma_wait3A_481 = tpu.memref_squeeze %dma_wait3A_480 : memref<1x128xi32, #tpu.memory_space<vmem>> -> memref<128xi32, #tpu.memory_space<vmem>>
      %dma_wait3A_482 = arith.constant 0 : i32
      %dma_wait3A_483 = arith.constant 0 : i32
      %dma_wait3A_484 = tpu.memref_slice %arg2[%dma_wait3A_482, %dma_wait3A_483] : memref<10000x64xf32, #tpu.memory_space<hbm>> -> memref<10000x64xf32, #tpu.memory_space<hbm>>
      %dma_wait3A_485 = tpu.memref_slice %arg11[%dma_wait3A_474] : memref<8x!tpu.dma_semaphore, #tpu.memory_space<semaphore_mem>> -> memref<1x!tpu.dma_semaphore, #tpu.memory_space<semaphore_mem>>
      %dma_wait3A_486 = tpu.memref_squeeze %dma_wait3A_485 : memref<1x!tpu.dma_semaphore, #tpu.memory_space<semaphore_mem>> -> memref<!tpu.dma_semaphore, #tpu.memory_space<semaphore_mem>>
      tpu.wait_indirect_dma semaphore(%dma_wait3A_486 : memref<!tpu.dma_semaphore, #tpu.memory_space<semaphore_mem>>) src(%dma_wait3A_484 : memref<10000x64xf32, #tpu.memory_space<hbm>>) dst(%dma_wait3A_478 : memref<128x64xf32, #tpu.memory_space<vmem>>)
      %dma_start3A_487 = arith.constant 6 : i32
      %dma_start3A_488 = arith.constant 6 : i32
      %dma_start3A_489 = arith.constant 0 : i32
      %dma_start3A_490 = arith.constant 0 : i32
      %dma_start3A_491 = tpu.memref_slice %arg9[%dma_start3A_487, %dma_start3A_489, %dma_start3A_490] : memref<8x128x64xf32, #tpu.memory_space<vmem>> -> memref<1x128x64xf32, #tpu.memory_space<vmem>>
      %dma_start3A_492 = tpu.memref_squeeze %dma_start3A_491 : memref<1x128x64xf32, #tpu.memory_space<vmem>> -> memref<128x64xf32, #tpu.memory_space<vmem>>
      %dma_start3A_493 = arith.constant 0 : i32
      %dma_start3A_494 = tpu.memref_slice %arg8[%add3A_465, %dma_start3A_493] : memref<80x128xi32, #tpu.memory_space<vmem>> -> memref<1x128xi32, #tpu.memory_space<vmem>>
      %dma_start3A_495 = tpu.memref_squeeze %dma_start3A_494 : memref<1x128xi32, #tpu.memory_space<vmem>> -> memref<128xi32, #tpu.memory_space<vmem>>
      %dma_start3A_496 = arith.constant 0 : i32
      %dma_start3A_497 = arith.constant 0 : i32
      %dma_start3A_498 = tpu.memref_slice %arg10[%dma_start3A_496, %dma_start3A_497] : memref<10512x64xf32, #tpu.memory_space<vmem_shared>> -> memref<10512x64xf32, #tpu.memory_space<vmem_shared>>
      %dma_start3A_499 = tpu.memref_slice %arg12[%dma_start3A_488] : memref<8x!tpu.dma_semaphore, #tpu.memory_space<semaphore_mem>> -> memref<1x!tpu.dma_semaphore, #tpu.memory_space<semaphore_mem>>
      %dma_start3A_500 = tpu.memref_squeeze %dma_start3A_499 : memref<1x!tpu.dma_semaphore, #tpu.memory_space<semaphore_mem>> -> memref<!tpu.dma_semaphore, #tpu.memory_space<semaphore_mem>>
      tpu.enqueue_indirect_dma source(%dma_start3A_492 : memref<128x64xf32, #tpu.memory_space<vmem>>) target(%dma_start3A_498 : memref<10512x64xf32, #tpu.memory_space<vmem_shared>>) offsets(%dma_start3A_495 : memref<128xi32, #tpu.memory_space<vmem>>) semaphore(%dma_start3A_500 : memref<!tpu.dma_semaphore, #tpu.memory_space<semaphore_mem>>) {add = true}
      %mul3A_501 = arith.constant 8 : i32
      %mul3A_502 = arith.muli %scan3A_228, %mul3A_501 : i32
      %add3A_503 = arith.constant 7 : i32
      %add3A_504 = arith.addi %mul3A_502, %add3A_503 : i32
      %add3A_505 = arith.constant 6 : i32
      %add3A_506 = arith.addi %add3A_504, %add3A_505 : i32
      %lt3A_507 = arith.constant 80 : i32
      %lt3A_508 = arith.cmpi slt, %add3A_506, %lt3A_507 : i32
      %convert_element_type3A_509 = arith.extui %lt3A_508 : i1 to i32
      %cond3A_510 = arith.constant 0 : i32
      %cond3A_511 = arith.cmpi ne, %convert_element_type3A_509, %cond3A_510 : i32
      scf.if %cond3A_511 {
        %ge3A = arith.constant 8 : i32
        %ge3A_540 = arith.cmpi sge, %add3A_506, %ge3A : i32
        %convert_element_type3A_541 = arith.extui %ge3A_540 : i1 to i32
        %cond3A_542 = arith.constant 0 : i32
        %cond3A_543 = arith.cmpi ne, %convert_element_type3A_541, %cond3A_542 : i32
        scf.if %cond3A_543 {
          %dma_wait3A_558 = arith.constant 5 : i32
          %dma_wait3A_559 = arith.constant 0 : i32
          %dma_wait3A_560 = arith.constant 5 : i32
          %dma_wait3A_561 = arith.constant 0 : i32
          %dma_wait3A_562 = arith.constant 0 : i32
          %dma_wait3A_563 = tpu.memref_slice %arg9[%dma_wait3A_558, %dma_wait3A_561, %dma_wait3A_562] : memref<8x128x64xf32, #tpu.memory_space<vmem>> -> memref<1x128x64xf32, #tpu.memory_space<vmem>>
          %dma_wait3A_564 = tpu.memref_squeeze %dma_wait3A_563 : memref<1x128x64xf32, #tpu.memory_space<vmem>> -> memref<128x64xf32, #tpu.memory_space<vmem>>
          %dma_wait3A_565 = arith.constant 0 : i32
          %dma_wait3A_566 = tpu.memref_slice %arg8[%dma_wait3A_559, %dma_wait3A_565] : memref<80x128xi32, #tpu.memory_space<vmem>> -> memref<1x128xi32, #tpu.memory_space<vmem>>
          %dma_wait3A_567 = tpu.memref_squeeze %dma_wait3A_566 : memref<1x128xi32, #tpu.memory_space<vmem>> -> memref<128xi32, #tpu.memory_space<vmem>>
          %dma_wait3A_568 = arith.constant 0 : i32
          %dma_wait3A_569 = arith.constant 0 : i32
          %dma_wait3A_570 = tpu.memref_slice %arg10[%dma_wait3A_568, %dma_wait3A_569] : memref<10512x64xf32, #tpu.memory_space<vmem_shared>> -> memref<10512x64xf32, #tpu.memory_space<vmem_shared>>
          %dma_wait3A_571 = tpu.memref_slice %arg12[%dma_wait3A_560] : memref<8x!tpu.dma_semaphore, #tpu.memory_space<semaphore_mem>> -> memref<1x!tpu.dma_semaphore, #tpu.memory_space<semaphore_mem>>
          %dma_wait3A_572 = tpu.memref_squeeze %dma_wait3A_571 : memref<1x!tpu.dma_semaphore, #tpu.memory_space<semaphore_mem>> -> memref<!tpu.dma_semaphore, #tpu.memory_space<semaphore_mem>>
          tpu.wait_indirect_dma semaphore(%dma_wait3A_572 : memref<!tpu.dma_semaphore, #tpu.memory_space<semaphore_mem>>) src(%dma_wait3A_564 : memref<128x64xf32, #tpu.memory_space<vmem>>) dst(%dma_wait3A_570 : memref<10512x64xf32, #tpu.memory_space<vmem_shared>>)
        } else {
        }
        %dma_start3A_544 = arith.constant 5 : i32
        %dma_start3A_545 = arith.constant 5 : i32
        %dma_start3A_546 = arith.constant 0 : i32
        %dma_start3A_547 = arith.constant 0 : i32
        %dma_start3A_548 = tpu.memref_slice %arg9[%dma_start3A_544, %dma_start3A_546, %dma_start3A_547] : memref<8x128x64xf32, #tpu.memory_space<vmem>> -> memref<1x128x64xf32, #tpu.memory_space<vmem>>
        %dma_start3A_549 = tpu.memref_squeeze %dma_start3A_548 : memref<1x128x64xf32, #tpu.memory_space<vmem>> -> memref<128x64xf32, #tpu.memory_space<vmem>>
        %dma_start3A_550 = arith.constant 0 : i32
        %dma_start3A_551 = tpu.memref_slice %arg7[%add3A_506, %dma_start3A_550] : memref<80x128xi32, #tpu.memory_space<vmem>> -> memref<1x128xi32, #tpu.memory_space<vmem>>
        %dma_start3A_552 = tpu.memref_squeeze %dma_start3A_551 : memref<1x128xi32, #tpu.memory_space<vmem>> -> memref<128xi32, #tpu.memory_space<vmem>>
        %dma_start3A_553 = arith.constant 0 : i32
        %dma_start3A_554 = arith.constant 0 : i32
        %dma_start3A_555 = tpu.memref_slice %arg2[%dma_start3A_553, %dma_start3A_554] : memref<10000x64xf32, #tpu.memory_space<hbm>> -> memref<10000x64xf32, #tpu.memory_space<hbm>>
        %dma_start3A_556 = tpu.memref_slice %arg11[%dma_start3A_545] : memref<8x!tpu.dma_semaphore, #tpu.memory_space<semaphore_mem>> -> memref<1x!tpu.dma_semaphore, #tpu.memory_space<semaphore_mem>>
        %dma_start3A_557 = tpu.memref_squeeze %dma_start3A_556 : memref<1x!tpu.dma_semaphore, #tpu.memory_space<semaphore_mem>> -> memref<!tpu.dma_semaphore, #tpu.memory_space<semaphore_mem>>
        tpu.enqueue_indirect_dma source(%dma_start3A_555 : memref<10000x64xf32, #tpu.memory_space<hbm>>) target(%dma_start3A_549 : memref<128x64xf32, #tpu.memory_space<vmem>>) offsets(%dma_start3A_552 : memref<128xi32, #tpu.memory_space<vmem>>) semaphore(%dma_start3A_557 : memref<!tpu.dma_semaphore, #tpu.memory_space<semaphore_mem>>)
      } else {
      }
      %dma_wait3A_512 = arith.constant 7 : i32
      %dma_wait3A_513 = arith.constant 7 : i32
      %dma_wait3A_514 = arith.constant 0 : i32
      %dma_wait3A_515 = arith.constant 0 : i32
      %dma_wait3A_516 = tpu.memref_slice %arg9[%dma_wait3A_512, %dma_wait3A_514, %dma_wait3A_515] : memref<8x128x64xf32, #tpu.memory_space<vmem>> -> memref<1x128x64xf32, #tpu.memory_space<vmem>>
      %dma_wait3A_517 = tpu.memref_squeeze %dma_wait3A_516 : memref<1x128x64xf32, #tpu.memory_space<vmem>> -> memref<128x64xf32, #tpu.memory_space<vmem>>
      %dma_wait3A_518 = arith.constant 0 : i32
      %dma_wait3A_519 = tpu.memref_slice %arg7[%add3A_504, %dma_wait3A_518] : memref<80x128xi32, #tpu.memory_space<vmem>> -> memref<1x128xi32, #tpu.memory_space<vmem>>
      %dma_wait3A_520 = tpu.memref_squeeze %dma_wait3A_519 : memref<1x128xi32, #tpu.memory_space<vmem>> -> memref<128xi32, #tpu.memory_space<vmem>>
      %dma_wait3A_521 = arith.constant 0 : i32
      %dma_wait3A_522 = arith.constant 0 : i32
      %dma_wait3A_523 = tpu.memref_slice %arg2[%dma_wait3A_521, %dma_wait3A_522] : memref<10000x64xf32, #tpu.memory_space<hbm>> -> memref<10000x64xf32, #tpu.memory_space<hbm>>
      %dma_wait3A_524 = tpu.memref_slice %arg11[%dma_wait3A_513] : memref<8x!tpu.dma_semaphore, #tpu.memory_space<semaphore_mem>> -> memref<1x!tpu.dma_semaphore, #tpu.memory_space<semaphore_mem>>
      %dma_wait3A_525 = tpu.memref_squeeze %dma_wait3A_524 : memref<1x!tpu.dma_semaphore, #tpu.memory_space<semaphore_mem>> -> memref<!tpu.dma_semaphore, #tpu.memory_space<semaphore_mem>>
      tpu.wait_indirect_dma semaphore(%dma_wait3A_525 : memref<!tpu.dma_semaphore, #tpu.memory_space<semaphore_mem>>) src(%dma_wait3A_523 : memref<10000x64xf32, #tpu.memory_space<hbm>>) dst(%dma_wait3A_517 : memref<128x64xf32, #tpu.memory_space<vmem>>)
      %dma_start3A_526 = arith.constant 7 : i32
      %dma_start3A_527 = arith.constant 7 : i32
      %dma_start3A_528 = arith.constant 0 : i32
      %dma_start3A_529 = arith.constant 0 : i32
      %dma_start3A_530 = tpu.memref_slice %arg9[%dma_start3A_526, %dma_start3A_528, %dma_start3A_529] : memref<8x128x64xf32, #tpu.memory_space<vmem>> -> memref<1x128x64xf32, #tpu.memory_space<vmem>>
      %dma_start3A_531 = tpu.memref_squeeze %dma_start3A_530 : memref<1x128x64xf32, #tpu.memory_space<vmem>> -> memref<128x64xf32, #tpu.memory_space<vmem>>
      %dma_start3A_532 = arith.constant 0 : i32
      %dma_start3A_533 = tpu.memref_slice %arg8[%add3A_504, %dma_start3A_532] : memref<80x128xi32, #tpu.memory_space<vmem>> -> memref<1x128xi32, #tpu.memory_space<vmem>>
      %dma_start3A_534 = tpu.memref_squeeze %dma_start3A_533 : memref<1x128xi32, #tpu.memory_space<vmem>> -> memref<128xi32, #tpu.memory_space<vmem>>
      %dma_start3A_535 = arith.constant 0 : i32
      %dma_start3A_536 = arith.constant 0 : i32
      %dma_start3A_537 = tpu.memref_slice %arg10[%dma_start3A_535, %dma_start3A_536] : memref<10512x64xf32, #tpu.memory_space<vmem_shared>> -> memref<10512x64xf32, #tpu.memory_space<vmem_shared>>
      %dma_start3A_538 = tpu.memref_slice %arg12[%dma_start3A_527] : memref<8x!tpu.dma_semaphore, #tpu.memory_space<semaphore_mem>> -> memref<1x!tpu.dma_semaphore, #tpu.memory_space<semaphore_mem>>
      %dma_start3A_539 = tpu.memref_squeeze %dma_start3A_538 : memref<1x!tpu.dma_semaphore, #tpu.memory_space<semaphore_mem>> -> memref<!tpu.dma_semaphore, #tpu.memory_space<semaphore_mem>>
      tpu.enqueue_indirect_dma source(%dma_start3A_531 : memref<128x64xf32, #tpu.memory_space<vmem>>) target(%dma_start3A_537 : memref<10512x64xf32, #tpu.memory_space<vmem_shared>>) offsets(%dma_start3A_534 : memref<128xi32, #tpu.memory_space<vmem>>) semaphore(%dma_start3A_539 : memref<!tpu.dma_semaphore, #tpu.memory_space<semaphore_mem>>) {add = true}
    }
    %scan3A_102 = arith.constant 10 : i32
    %dma_wait3A = arith.constant 0 : i32
    %dma_wait3A_103 = arith.constant 0 : i32
    %dma_wait3A_104 = arith.constant 0 : i32
    %dma_wait3A_105 = arith.constant 0 : i32
    %dma_wait3A_106 = arith.constant 0 : i32
    %dma_wait3A_107 = tpu.memref_slice %arg9[%dma_wait3A, %dma_wait3A_105, %dma_wait3A_106] : memref<8x128x64xf32, #tpu.memory_space<vmem>> -> memref<1x128x64xf32, #tpu.memory_space<vmem>>
    %dma_wait3A_108 = tpu.memref_squeeze %dma_wait3A_107 : memref<1x128x64xf32, #tpu.memory_space<vmem>> -> memref<128x64xf32, #tpu.memory_space<vmem>>
    %dma_wait3A_109 = arith.constant 0 : i32
    %dma_wait3A_110 = tpu.memref_slice %arg8[%dma_wait3A_103, %dma_wait3A_109] : memref<80x128xi32, #tpu.memory_space<vmem>> -> memref<1x128xi32, #tpu.memory_space<vmem>>
    %dma_wait3A_111 = tpu.memref_squeeze %dma_wait3A_110 : memref<1x128xi32, #tpu.memory_space<vmem>> -> memref<128xi32, #tpu.memory_space<vmem>>
    %dma_wait3A_112 = arith.constant 0 : i32
    %dma_wait3A_113 = arith.constant 0 : i32
    %dma_wait3A_114 = tpu.memref_slice %arg10[%dma_wait3A_112, %dma_wait3A_113] : memref<10512x64xf32, #tpu.memory_space<vmem_shared>> -> memref<10512x64xf32, #tpu.memory_space<vmem_shared>>
    %dma_wait3A_115 = tpu.memref_slice %arg12[%dma_wait3A_104] : memref<8x!tpu.dma_semaphore, #tpu.memory_space<semaphore_mem>> -> memref<1x!tpu.dma_semaphore, #tpu.memory_space<semaphore_mem>>
    %dma_wait3A_116 = tpu.memref_squeeze %dma_wait3A_115 : memref<1x!tpu.dma_semaphore, #tpu.memory_space<semaphore_mem>> -> memref<!tpu.dma_semaphore, #tpu.memory_space<semaphore_mem>>
    tpu.wait_indirect_dma semaphore(%dma_wait3A_116 : memref<!tpu.dma_semaphore, #tpu.memory_space<semaphore_mem>>) src(%dma_wait3A_108 : memref<128x64xf32, #tpu.memory_space<vmem>>) dst(%dma_wait3A_114 : memref<10512x64xf32, #tpu.memory_space<vmem_shared>>)
    %dma_wait3A_117 = arith.constant 1 : i32
    %dma_wait3A_118 = arith.constant 0 : i32
    %dma_wait3A_119 = arith.constant 1 : i32
    %dma_wait3A_120 = arith.constant 0 : i32
    %dma_wait3A_121 = arith.constant 0 : i32
    %dma_wait3A_122 = tpu.memref_slice %arg9[%dma_wait3A_117, %dma_wait3A_120, %dma_wait3A_121] : memref<8x128x64xf32, #tpu.memory_space<vmem>> -> memref<1x128x64xf32, #tpu.memory_space<vmem>>
    %dma_wait3A_123 = tpu.memref_squeeze %dma_wait3A_122 : memref<1x128x64xf32, #tpu.memory_space<vmem>> -> memref<128x64xf32, #tpu.memory_space<vmem>>
    %dma_wait3A_124 = arith.constant 0 : i32
    %dma_wait3A_125 = tpu.memref_slice %arg8[%dma_wait3A_118, %dma_wait3A_124] : memref<80x128xi32, #tpu.memory_space<vmem>> -> memref<1x128xi32, #tpu.memory_space<vmem>>
    %dma_wait3A_126 = tpu.memref_squeeze %dma_wait3A_125 : memref<1x128xi32, #tpu.memory_space<vmem>> -> memref<128xi32, #tpu.memory_space<vmem>>
    %dma_wait3A_127 = arith.constant 0 : i32
    %dma_wait3A_128 = arith.constant 0 : i32
    %dma_wait3A_129 = tpu.memref_slice %arg10[%dma_wait3A_127, %dma_wait3A_128] : memref<10512x64xf32, #tpu.memory_space<vmem_shared>> -> memref<10512x64xf32, #tpu.memory_space<vmem_shared>>
    %dma_wait3A_130 = tpu.memref_slice %arg12[%dma_wait3A_119] : memref<8x!tpu.dma_semaphore, #tpu.memory_space<semaphore_mem>> -> memref<1x!tpu.dma_semaphore, #tpu.memory_space<semaphore_mem>>
    %dma_wait3A_131 = tpu.memref_squeeze %dma_wait3A_130 : memref<1x!tpu.dma_semaphore, #tpu.memory_space<semaphore_mem>> -> memref<!tpu.dma_semaphore, #tpu.memory_space<semaphore_mem>>
    tpu.wait_indirect_dma semaphore(%dma_wait3A_131 : memref<!tpu.dma_semaphore, #tpu.memory_space<semaphore_mem>>) src(%dma_wait3A_123 : memref<128x64xf32, #tpu.memory_space<vmem>>) dst(%dma_wait3A_129 : memref<10512x64xf32, #tpu.memory_space<vmem_shared>>)
    %dma_wait3A_132 = arith.constant 2 : i32
    %dma_wait3A_133 = arith.constant 0 : i32
    %dma_wait3A_134 = arith.constant 2 : i32
    %dma_wait3A_135 = arith.constant 0 : i32
    %dma_wait3A_136 = arith.constant 0 : i32
    %dma_wait3A_137 = tpu.memref_slice %arg9[%dma_wait3A_132, %dma_wait3A_135, %dma_wait3A_136] : memref<8x128x64xf32, #tpu.memory_space<vmem>> -> memref<1x128x64xf32, #tpu.memory_space<vmem>>
    %dma_wait3A_138 = tpu.memref_squeeze %dma_wait3A_137 : memref<1x128x64xf32, #tpu.memory_space<vmem>> -> memref<128x64xf32, #tpu.memory_space<vmem>>
    %dma_wait3A_139 = arith.constant 0 : i32
    %dma_wait3A_140 = tpu.memref_slice %arg8[%dma_wait3A_133, %dma_wait3A_139] : memref<80x128xi32, #tpu.memory_space<vmem>> -> memref<1x128xi32, #tpu.memory_space<vmem>>
    %dma_wait3A_141 = tpu.memref_squeeze %dma_wait3A_140 : memref<1x128xi32, #tpu.memory_space<vmem>> -> memref<128xi32, #tpu.memory_space<vmem>>
    %dma_wait3A_142 = arith.constant 0 : i32
    %dma_wait3A_143 = arith.constant 0 : i32
    %dma_wait3A_144 = tpu.memref_slice %arg10[%dma_wait3A_142, %dma_wait3A_143] : memref<10512x64xf32, #tpu.memory_space<vmem_shared>> -> memref<10512x64xf32, #tpu.memory_space<vmem_shared>>
    %dma_wait3A_145 = tpu.memref_slice %arg12[%dma_wait3A_134] : memref<8x!tpu.dma_semaphore, #tpu.memory_space<semaphore_mem>> -> memref<1x!tpu.dma_semaphore, #tpu.memory_space<semaphore_mem>>
    %dma_wait3A_146 = tpu.memref_squeeze %dma_wait3A_145 : memref<1x!tpu.dma_semaphore, #tpu.memory_space<semaphore_mem>> -> memref<!tpu.dma_semaphore, #tpu.memory_space<semaphore_mem>>
    tpu.wait_indirect_dma semaphore(%dma_wait3A_146 : memref<!tpu.dma_semaphore, #tpu.memory_space<semaphore_mem>>) src(%dma_wait3A_138 : memref<128x64xf32, #tpu.memory_space<vmem>>) dst(%dma_wait3A_144 : memref<10512x64xf32, #tpu.memory_space<vmem_shared>>)
    %dma_wait3A_147 = arith.constant 3 : i32
    %dma_wait3A_148 = arith.constant 0 : i32
    %dma_wait3A_149 = arith.constant 3 : i32
    %dma_wait3A_150 = arith.constant 0 : i32
    %dma_wait3A_151 = arith.constant 0 : i32
    %dma_wait3A_152 = tpu.memref_slice %arg9[%dma_wait3A_147, %dma_wait3A_150, %dma_wait3A_151] : memref<8x128x64xf32, #tpu.memory_space<vmem>> -> memref<1x128x64xf32, #tpu.memory_space<vmem>>
    %dma_wait3A_153 = tpu.memref_squeeze %dma_wait3A_152 : memref<1x128x64xf32, #tpu.memory_space<vmem>> -> memref<128x64xf32, #tpu.memory_space<vmem>>
    %dma_wait3A_154 = arith.constant 0 : i32
    %dma_wait3A_155 = tpu.memref_slice %arg8[%dma_wait3A_148, %dma_wait3A_154] : memref<80x128xi32, #tpu.memory_space<vmem>> -> memref<1x128xi32, #tpu.memory_space<vmem>>
    %dma_wait3A_156 = tpu.memref_squeeze %dma_wait3A_155 : memref<1x128xi32, #tpu.memory_space<vmem>> -> memref<128xi32, #tpu.memory_space<vmem>>
    %dma_wait3A_157 = arith.constant 0 : i32
    %dma_wait3A_158 = arith.constant 0 : i32
    %dma_wait3A_159 = tpu.memref_slice %arg10[%dma_wait3A_157, %dma_wait3A_158] : memref<10512x64xf32, #tpu.memory_space<vmem_shared>> -> memref<10512x64xf32, #tpu.memory_space<vmem_shared>>
    %dma_wait3A_160 = tpu.memref_slice %arg12[%dma_wait3A_149] : memref<8x!tpu.dma_semaphore, #tpu.memory_space<semaphore_mem>> -> memref<1x!tpu.dma_semaphore, #tpu.memory_space<semaphore_mem>>
    %dma_wait3A_161 = tpu.memref_squeeze %dma_wait3A_160 : memref<1x!tpu.dma_semaphore, #tpu.memory_space<semaphore_mem>> -> memref<!tpu.dma_semaphore, #tpu.memory_space<semaphore_mem>>
    tpu.wait_indirect_dma semaphore(%dma_wait3A_161 : memref<!tpu.dma_semaphore, #tpu.memory_space<semaphore_mem>>) src(%dma_wait3A_153 : memref<128x64xf32, #tpu.memory_space<vmem>>) dst(%dma_wait3A_159 : memref<10512x64xf32, #tpu.memory_space<vmem_shared>>)
    %dma_wait3A_162 = arith.constant 4 : i32
    %dma_wait3A_163 = arith.constant 0 : i32
    %dma_wait3A_164 = arith.constant 4 : i32
    %dma_wait3A_165 = arith.constant 0 : i32
    %dma_wait3A_166 = arith.constant 0 : i32
    %dma_wait3A_167 = tpu.memref_slice %arg9[%dma_wait3A_162, %dma_wait3A_165, %dma_wait3A_166] : memref<8x128x64xf32, #tpu.memory_space<vmem>> -> memref<1x128x64xf32, #tpu.memory_space<vmem>>
    %dma_wait3A_168 = tpu.memref_squeeze %dma_wait3A_167 : memref<1x128x64xf32, #tpu.memory_space<vmem>> -> memref<128x64xf32, #tpu.memory_space<vmem>>
    %dma_wait3A_169 = arith.constant 0 : i32
    %dma_wait3A_170 = tpu.memref_slice %arg8[%dma_wait3A_163, %dma_wait3A_169] : memref<80x128xi32, #tpu.memory_space<vmem>> -> memref<1x128xi32, #tpu.memory_space<vmem>>
    %dma_wait3A_171 = tpu.memref_squeeze %dma_wait3A_170 : memref<1x128xi32, #tpu.memory_space<vmem>> -> memref<128xi32, #tpu.memory_space<vmem>>
    %dma_wait3A_172 = arith.constant 0 : i32
    %dma_wait3A_173 = arith.constant 0 : i32
    %dma_wait3A_174 = tpu.memref_slice %arg10[%dma_wait3A_172, %dma_wait3A_173] : memref<10512x64xf32, #tpu.memory_space<vmem_shared>> -> memref<10512x64xf32, #tpu.memory_space<vmem_shared>>
    %dma_wait3A_175 = tpu.memref_slice %arg12[%dma_wait3A_164] : memref<8x!tpu.dma_semaphore, #tpu.memory_space<semaphore_mem>> -> memref<1x!tpu.dma_semaphore, #tpu.memory_space<semaphore_mem>>
    %dma_wait3A_176 = tpu.memref_squeeze %dma_wait3A_175 : memref<1x!tpu.dma_semaphore, #tpu.memory_space<semaphore_mem>> -> memref<!tpu.dma_semaphore, #tpu.memory_space<semaphore_mem>>
    tpu.wait_indirect_dma semaphore(%dma_wait3A_176 : memref<!tpu.dma_semaphore, #tpu.memory_space<semaphore_mem>>) src(%dma_wait3A_168 : memref<128x64xf32, #tpu.memory_space<vmem>>) dst(%dma_wait3A_174 : memref<10512x64xf32, #tpu.memory_space<vmem_shared>>)
    %dma_wait3A_177 = arith.constant 5 : i32
    %dma_wait3A_178 = arith.constant 0 : i32
    %dma_wait3A_179 = arith.constant 5 : i32
    %dma_wait3A_180 = arith.constant 0 : i32
    %dma_wait3A_181 = arith.constant 0 : i32
    %dma_wait3A_182 = tpu.memref_slice %arg9[%dma_wait3A_177, %dma_wait3A_180, %dma_wait3A_181] : memref<8x128x64xf32, #tpu.memory_space<vmem>> -> memref<1x128x64xf32, #tpu.memory_space<vmem>>
    %dma_wait3A_183 = tpu.memref_squeeze %dma_wait3A_182 : memref<1x128x64xf32, #tpu.memory_space<vmem>> -> memref<128x64xf32, #tpu.memory_space<vmem>>
    %dma_wait3A_184 = arith.constant 0 : i32
    %dma_wait3A_185 = tpu.memref_slice %arg8[%dma_wait3A_178, %dma_wait3A_184] : memref<80x128xi32, #tpu.memory_space<vmem>> -> memref<1x128xi32, #tpu.memory_space<vmem>>
    %dma_wait3A_186 = tpu.memref_squeeze %dma_wait3A_185 : memref<1x128xi32, #tpu.memory_space<vmem>> -> memref<128xi32, #tpu.memory_space<vmem>>
    %dma_wait3A_187 = arith.constant 0 : i32
    %dma_wait3A_188 = arith.constant 0 : i32
    %dma_wait3A_189 = tpu.memref_slice %arg10[%dma_wait3A_187, %dma_wait3A_188] : memref<10512x64xf32, #tpu.memory_space<vmem_shared>> -> memref<10512x64xf32, #tpu.memory_space<vmem_shared>>
    %dma_wait3A_190 = tpu.memref_slice %arg12[%dma_wait3A_179] : memref<8x!tpu.dma_semaphore, #tpu.memory_space<semaphore_mem>> -> memref<1x!tpu.dma_semaphore, #tpu.memory_space<semaphore_mem>>
    %dma_wait3A_191 = tpu.memref_squeeze %dma_wait3A_190 : memref<1x!tpu.dma_semaphore, #tpu.memory_space<semaphore_mem>> -> memref<!tpu.dma_semaphore, #tpu.memory_space<semaphore_mem>>
    tpu.wait_indirect_dma semaphore(%dma_wait3A_191 : memref<!tpu.dma_semaphore, #tpu.memory_space<semaphore_mem>>) src(%dma_wait3A_183 : memref<128x64xf32, #tpu.memory_space<vmem>>) dst(%dma_wait3A_189 : memref<10512x64xf32, #tpu.memory_space<vmem_shared>>)
    %dma_wait3A_192 = arith.constant 6 : i32
    %dma_wait3A_193 = arith.constant 0 : i32
    %dma_wait3A_194 = arith.constant 6 : i32
    %dma_wait3A_195 = arith.constant 0 : i32
    %dma_wait3A_196 = arith.constant 0 : i32
    %dma_wait3A_197 = tpu.memref_slice %arg9[%dma_wait3A_192, %dma_wait3A_195, %dma_wait3A_196] : memref<8x128x64xf32, #tpu.memory_space<vmem>> -> memref<1x128x64xf32, #tpu.memory_space<vmem>>
    %dma_wait3A_198 = tpu.memref_squeeze %dma_wait3A_197 : memref<1x128x64xf32, #tpu.memory_space<vmem>> -> memref<128x64xf32, #tpu.memory_space<vmem>>
    %dma_wait3A_199 = arith.constant 0 : i32
    %dma_wait3A_200 = tpu.memref_slice %arg8[%dma_wait3A_193, %dma_wait3A_199] : memref<80x128xi32, #tpu.memory_space<vmem>> -> memref<1x128xi32, #tpu.memory_space<vmem>>
    %dma_wait3A_201 = tpu.memref_squeeze %dma_wait3A_200 : memref<1x128xi32, #tpu.memory_space<vmem>> -> memref<128xi32, #tpu.memory_space<vmem>>
    %dma_wait3A_202 = arith.constant 0 : i32
    %dma_wait3A_203 = arith.constant 0 : i32
    %dma_wait3A_204 = tpu.memref_slice %arg10[%dma_wait3A_202, %dma_wait3A_203] : memref<10512x64xf32, #tpu.memory_space<vmem_shared>> -> memref<10512x64xf32, #tpu.memory_space<vmem_shared>>
    %dma_wait3A_205 = tpu.memref_slice %arg12[%dma_wait3A_194] : memref<8x!tpu.dma_semaphore, #tpu.memory_space<semaphore_mem>> -> memref<1x!tpu.dma_semaphore, #tpu.memory_space<semaphore_mem>>
    %dma_wait3A_206 = tpu.memref_squeeze %dma_wait3A_205 : memref<1x!tpu.dma_semaphore, #tpu.memory_space<semaphore_mem>> -> memref<!tpu.dma_semaphore, #tpu.memory_space<semaphore_mem>>
    tpu.wait_indirect_dma semaphore(%dma_wait3A_206 : memref<!tpu.dma_semaphore, #tpu.memory_space<semaphore_mem>>) src(%dma_wait3A_198 : memref<128x64xf32, #tpu.memory_space<vmem>>) dst(%dma_wait3A_204 : memref<10512x64xf32, #tpu.memory_space<vmem_shared>>)
    %dma_wait3A_207 = arith.constant 7 : i32
    %dma_wait3A_208 = arith.constant 0 : i32
    %dma_wait3A_209 = arith.constant 7 : i32
    %dma_wait3A_210 = arith.constant 0 : i32
    %dma_wait3A_211 = arith.constant 0 : i32
    %dma_wait3A_212 = tpu.memref_slice %arg9[%dma_wait3A_207, %dma_wait3A_210, %dma_wait3A_211] : memref<8x128x64xf32, #tpu.memory_space<vmem>> -> memref<1x128x64xf32, #tpu.memory_space<vmem>>
    %dma_wait3A_213 = tpu.memref_squeeze %dma_wait3A_212 : memref<1x128x64xf32, #tpu.memory_space<vmem>> -> memref<128x64xf32, #tpu.memory_space<vmem>>
    %dma_wait3A_214 = arith.constant 0 : i32
    %dma_wait3A_215 = tpu.memref_slice %arg8[%dma_wait3A_208, %dma_wait3A_214] : memref<80x128xi32, #tpu.memory_space<vmem>> -> memref<1x128xi32, #tpu.memory_space<vmem>>
    %dma_wait3A_216 = tpu.memref_squeeze %dma_wait3A_215 : memref<1x128xi32, #tpu.memory_space<vmem>> -> memref<128xi32, #tpu.memory_space<vmem>>
    %dma_wait3A_217 = arith.constant 0 : i32
    %dma_wait3A_218 = arith.constant 0 : i32
    %dma_wait3A_219 = tpu.memref_slice %arg10[%dma_wait3A_217, %dma_wait3A_218] : memref<10512x64xf32, #tpu.memory_space<vmem_shared>> -> memref<10512x64xf32, #tpu.memory_space<vmem_shared>>
    %dma_wait3A_220 = tpu.memref_slice %arg12[%dma_wait3A_209] : memref<8x!tpu.dma_semaphore, #tpu.memory_space<semaphore_mem>> -> memref<1x!tpu.dma_semaphore, #tpu.memory_space<semaphore_mem>>
    %dma_wait3A_221 = tpu.memref_squeeze %dma_wait3A_220 : memref<1x!tpu.dma_semaphore, #tpu.memory_space<semaphore_mem>> -> memref<!tpu.dma_semaphore, #tpu.memory_space<semaphore_mem>>
    tpu.wait_indirect_dma semaphore(%dma_wait3A_221 : memref<!tpu.dma_semaphore, #tpu.memory_space<semaphore_mem>>) src(%dma_wait3A_213 : memref<128x64xf32, #tpu.memory_space<vmem>>) dst(%dma_wait3A_219 : memref<10512x64xf32, #tpu.memory_space<vmem_shared>>)
    %barrier3A_222 = arith.constant 0 : index
    tpu.barrier barrier_id(%barrier3A_222)
    "tpu.region"() ({
      %run_scoped3A = tpu.sem_alloc : memref<!tpu.dma_semaphore, #tpu.memory_space<semaphore_mem>>
      %dma_start3A_228 = arith.constant 0 : i32
      %dma_start3A_229 = tpu.memref_slice %arg6[%arg0, %mul3A_2, %dma_start3A_228] : memref<2x10000x64xf32, #tpu.memory_space<hbm>> -> memref<1x624x64xf32, #tpu.memory_space<hbm>>
      %dma_start3A_230 = tpu.memref_squeeze %dma_start3A_229 : memref<1x624x64xf32, #tpu.memory_space<hbm>> -> memref<624x64xf32, #tpu.memory_space<hbm>>
      %dma_start3A_231 = arith.constant 0 : i32
      %dma_start3A_232 = tpu.memref_slice %arg10[%mul3A_2, %dma_start3A_231] : memref<10512x64xf32, #tpu.memory_space<vmem_shared>> -> memref<624x64xf32, #tpu.memory_space<vmem_shared>>
      tpu.enqueue_dma source(%dma_start3A_232 : memref<624x64xf32, #tpu.memory_space<vmem_shared>>) target(%dma_start3A_230 : memref<624x64xf32, #tpu.memory_space<hbm>>) target_semaphore(%run_scoped3A : memref<!tpu.dma_semaphore, #tpu.memory_space<semaphore_mem>>)
      %dma_wait3A_233 = arith.constant 0 : i32
      %dma_wait3A_234 = tpu.memref_slice %arg6[%arg0, %mul3A_2, %dma_wait3A_233] : memref<2x10000x64xf32, #tpu.memory_space<hbm>> -> memref<1x624x64xf32, #tpu.memory_space<hbm>>
      %dma_wait3A_235 = tpu.memref_squeeze %dma_wait3A_234 : memref<1x624x64xf32, #tpu.memory_space<hbm>> -> memref<624x64xf32, #tpu.memory_space<hbm>>
      %dma_wait3A_236 = arith.constant 0 : i32
      %dma_wait3A_237 = tpu.memref_slice %arg10[%mul3A_2, %dma_wait3A_236] : memref<10512x64xf32, #tpu.memory_space<vmem_shared>> -> memref<624x64xf32, #tpu.memory_space<vmem_shared>>
      tpu.wait_dma2 semaphore(%run_scoped3A : memref<!tpu.dma_semaphore, #tpu.memory_space<semaphore_mem>>) src(%dma_wait3A_237 : memref<624x64xf32, #tpu.memory_space<vmem_shared>>) dst(%dma_wait3A_235 : memref<624x64xf32, #tpu.memory_space<hbm>>)
      tpu.yield
    }) : () -> ()
    %eq3A_223 = arith.constant 0 : i32
    %eq3A_224 = arith.cmpi eq, %arg1, %eq3A_223 : i32
    %convert_element_type3A_225 = arith.extui %eq3A_224 : i1 to i32
    %cond3A_226 = arith.constant 0 : i32
    %cond3A_227 = arith.cmpi ne, %convert_element_type3A_225, %cond3A_226 : i32
    scf.if %cond3A_227 {
      "tpu.region"() ({
        %run_scoped3A = tpu.sem_alloc : memref<!tpu.dma_semaphore, #tpu.memory_space<semaphore_mem>>
        %dma_start3A_228 = arith.constant 9984 : i32
        %dma_start3A_229 = arith.constant 0 : i32
        %dma_start3A_230 = tpu.memref_slice %arg6[%arg0, %dma_start3A_228, %dma_start3A_229] : memref<2x10000x64xf32, #tpu.memory_space<hbm>> -> memref<1x16x64xf32, #tpu.memory_space<hbm>>
        %dma_start3A_231 = tpu.memref_squeeze %dma_start3A_230 : memref<1x16x64xf32, #tpu.memory_space<hbm>> -> memref<16x64xf32, #tpu.memory_space<hbm>>
        %dma_start3A_232 = arith.constant 9984 : i32
        %dma_start3A_233 = arith.constant 0 : i32
        %dma_start3A_234 = tpu.memref_slice %arg10[%dma_start3A_232, %dma_start3A_233] : memref<10512x64xf32, #tpu.memory_space<vmem_shared>> -> memref<16x64xf32, #tpu.memory_space<vmem_shared>>
        tpu.enqueue_dma source(%dma_start3A_234 : memref<16x64xf32, #tpu.memory_space<vmem_shared>>) target(%dma_start3A_231 : memref<16x64xf32, #tpu.memory_space<hbm>>) target_semaphore(%run_scoped3A : memref<!tpu.dma_semaphore, #tpu.memory_space<semaphore_mem>>)
        %dma_wait3A_235 = arith.constant 9984 : i32
        %dma_wait3A_236 = arith.constant 0 : i32
        %dma_wait3A_237 = tpu.memref_slice %arg6[%arg0, %dma_wait3A_235, %dma_wait3A_236] : memref<2x10000x64xf32, #tpu.memory_space<hbm>> -> memref<1x16x64xf32, #tpu.memory_space<hbm>>
        %dma_wait3A_238 = tpu.memref_squeeze %dma_wait3A_237 : memref<1x16x64xf32, #tpu.memory_space<hbm>> -> memref<16x64xf32, #tpu.memory_space<hbm>>
        %dma_wait3A_239 = arith.constant 9984 : i32
        %dma_wait3A_240 = arith.constant 0 : i32
        %dma_wait3A_241 = tpu.memref_slice %arg10[%dma_wait3A_239, %dma_wait3A_240] : memref<10512x64xf32, #tpu.memory_space<vmem_shared>> -> memref<16x64xf32, #tpu.memory_space<vmem_shared>>
        tpu.wait_dma2 semaphore(%run_scoped3A : memref<!tpu.dma_semaphore, #tpu.memory_space<semaphore_mem>>) src(%dma_wait3A_241 : memref<16x64xf32, #tpu.memory_space<vmem_shared>>) dst(%dma_wait3A_238 : memref<16x64xf32, #tpu.memory_space<hbm>>)
        tpu.yield
      }) : () -> ()
    } else {
    }
    return
  }
}

#map = affine_map<(d0, d1) -> (0, 0, 0)>
#map1 = affine_map<(d0, d1) -> (0, 0)>
module attributes {stable_mosaic.version = 14 : i64} {
  func.func @_sc_deg_body(%arg0: i32, %arg1: i32, %arg2: memref<32x80x128xi32, #tpu.memory_space<hbm>>, %arg3: memref<128x16xf32, #tpu.memory_space<hbm>>, %arg4: memref<624x16xf32, #tpu.memory_space<hbm>>, %arg5: memref<2x10000x16xf32, #tpu.memory_space<hbm>>, %arg6: memref<80x128xi32, #tpu.memory_space<vmem>>, %arg7: memref<128x16xf32, #tpu.memory_space<vmem>>, %arg8: memref<10512x16xf32, #tpu.memory_space<vmem_shared>>, %arg9: memref<8x!tpu.dma_semaphore, #tpu.memory_space<semaphore_mem>>) attributes {dimension_semantics = [#tpu.dimension_semantics<core_parallel>, #tpu.dimension_semantics<subcore_parallel>], iteration_bounds = array<i64: 2, 16>, scalar_prefetch = 0 : i64, scratch_operands = 4 : i64, tpu.core_type = #tpu.core_type<sc_vector_subcore>, window_params = [{transform_indices = #map}, {transform_indices = #map1}, {transform_indices = #map1}, {transform_indices = #map}]} {
    %mul3A = arith.constant 16 : i32
    %mul3A_0 = arith.muli %arg0, %mul3A : i32
    %add3A = arith.addi %mul3A_0, %arg1 : i32
    %mul3A_1 = arith.constant 624 : i32
    %mul3A_2 = arith.muli %arg1, %mul3A_1 : i32
    "tpu.region"() ({
      %run_scoped3A = tpu.sem_alloc : memref<!tpu.dma_semaphore, #tpu.memory_space<semaphore_mem>>
      %dma_start3A = arith.constant 0 : i32
      %dma_start3A_99 = tpu.memref_slice %arg8[%mul3A_2, %dma_start3A] : memref<10512x16xf32, #tpu.memory_space<vmem_shared>> -> memref<624x16xf32, #tpu.memory_space<vmem_shared>>
      tpu.enqueue_dma source(%arg4 : memref<624x16xf32, #tpu.memory_space<hbm>>) target(%dma_start3A_99 : memref<624x16xf32, #tpu.memory_space<vmem_shared>>) target_semaphore(%run_scoped3A : memref<!tpu.dma_semaphore, #tpu.memory_space<semaphore_mem>>)
      %dma_wait3A_100 = arith.constant 0 : i32
      %dma_wait3A_101 = tpu.memref_slice %arg8[%mul3A_2, %dma_wait3A_100] : memref<10512x16xf32, #tpu.memory_space<vmem_shared>> -> memref<624x16xf32, #tpu.memory_space<vmem_shared>>
      tpu.wait_dma2 semaphore(%run_scoped3A : memref<!tpu.dma_semaphore, #tpu.memory_space<semaphore_mem>>) src(%arg4 : memref<624x16xf32, #tpu.memory_space<hbm>>) dst(%dma_wait3A_101 : memref<624x16xf32, #tpu.memory_space<vmem_shared>>)
      tpu.yield
    }) : () -> ()
    %mul3A_3 = arith.constant 32 : i32
    %mul3A_4 = arith.muli %arg1, %mul3A_3 : i32
    %add3A_5 = arith.constant 10000 : i32
    %add3A_6 = arith.addi %add3A_5, %mul3A_4 : i32
    "tpu.region"() ({
      %run_scoped3A = tpu.sem_alloc : memref<!tpu.dma_semaphore, #tpu.memory_space<semaphore_mem>>
      %dma_start3A = arith.constant 0 : i32
      %dma_start3A_99 = tpu.memref_slice %arg8[%add3A_6, %dma_start3A] : memref<10512x16xf32, #tpu.memory_space<vmem_shared>> -> memref<32x16xf32, #tpu.memory_space<vmem_shared>>
      %dma_start3A_100 = arith.constant 0 : i32
      %dma_start3A_101 = arith.constant 0 : i32
      %dma_start3A_102 = tpu.memref_slice %arg4[%dma_start3A_100, %dma_start3A_101] : memref<624x16xf32, #tpu.memory_space<hbm>> -> memref<32x16xf32, #tpu.memory_space<hbm>>
      tpu.enqueue_dma source(%dma_start3A_102 : memref<32x16xf32, #tpu.memory_space<hbm>>) target(%dma_start3A_99 : memref<32x16xf32, #tpu.memory_space<vmem_shared>>) target_semaphore(%run_scoped3A : memref<!tpu.dma_semaphore, #tpu.memory_space<semaphore_mem>>)
      %dma_wait3A_103 = arith.constant 0 : i32
      %dma_wait3A_104 = tpu.memref_slice %arg8[%add3A_6, %dma_wait3A_103] : memref<10512x16xf32, #tpu.memory_space<vmem_shared>> -> memref<32x16xf32, #tpu.memory_space<vmem_shared>>
      %dma_wait3A_105 = arith.constant 0 : i32
      %dma_wait3A_106 = arith.constant 0 : i32
      %dma_wait3A_107 = tpu.memref_slice %arg4[%dma_wait3A_105, %dma_wait3A_106] : memref<624x16xf32, #tpu.memory_space<hbm>> -> memref<32x16xf32, #tpu.memory_space<hbm>>
      tpu.wait_dma2 semaphore(%run_scoped3A : memref<!tpu.dma_semaphore, #tpu.memory_space<semaphore_mem>>) src(%dma_wait3A_107 : memref<32x16xf32, #tpu.memory_space<hbm>>) dst(%dma_wait3A_104 : memref<32x16xf32, #tpu.memory_space<vmem_shared>>)
      tpu.yield
    }) : () -> ()
    %eq3A = arith.constant 0 : i32
    %eq3A_7 = arith.cmpi eq, %arg1, %eq3A : i32
    %convert_element_type3A = arith.extui %eq3A_7 : i1 to i32
    %cond3A = arith.constant 0 : i32
    %cond3A_8 = arith.cmpi ne, %convert_element_type3A, %cond3A : i32
    scf.if %cond3A_8 {
      "tpu.region"() ({
        %run_scoped3A = tpu.sem_alloc : memref<!tpu.dma_semaphore, #tpu.memory_space<semaphore_mem>>
        %dma_start3A = arith.constant 9984 : i32
        %dma_start3A_99 = arith.constant 0 : i32
        %dma_start3A_100 = tpu.memref_slice %arg8[%dma_start3A, %dma_start3A_99] : memref<10512x16xf32, #tpu.memory_space<vmem_shared>> -> memref<16x16xf32, #tpu.memory_space<vmem_shared>>
        %dma_start3A_101 = arith.constant 0 : i32
        %dma_start3A_102 = arith.constant 0 : i32
        %dma_start3A_103 = tpu.memref_slice %arg4[%dma_start3A_101, %dma_start3A_102] : memref<624x16xf32, #tpu.memory_space<hbm>> -> memref<16x16xf32, #tpu.memory_space<hbm>>
        tpu.enqueue_dma source(%dma_start3A_103 : memref<16x16xf32, #tpu.memory_space<hbm>>) target(%dma_start3A_100 : memref<16x16xf32, #tpu.memory_space<vmem_shared>>) target_semaphore(%run_scoped3A : memref<!tpu.dma_semaphore, #tpu.memory_space<semaphore_mem>>)
        %dma_wait3A_104 = arith.constant 9984 : i32
        %dma_wait3A_105 = arith.constant 0 : i32
        %dma_wait3A_106 = tpu.memref_slice %arg8[%dma_wait3A_104, %dma_wait3A_105] : memref<10512x16xf32, #tpu.memory_space<vmem_shared>> -> memref<16x16xf32, #tpu.memory_space<vmem_shared>>
        %dma_wait3A_107 = arith.constant 0 : i32
        %dma_wait3A_108 = arith.constant 0 : i32
        %dma_wait3A_109 = tpu.memref_slice %arg4[%dma_wait3A_107, %dma_wait3A_108] : memref<624x16xf32, #tpu.memory_space<hbm>> -> memref<16x16xf32, #tpu.memory_space<hbm>>
        tpu.wait_dma2 semaphore(%run_scoped3A : memref<!tpu.dma_semaphore, #tpu.memory_space<semaphore_mem>>) src(%dma_wait3A_109 : memref<16x16xf32, #tpu.memory_space<hbm>>) dst(%dma_wait3A_106 : memref<16x16xf32, #tpu.memory_space<vmem_shared>>)
        tpu.yield
      }) : () -> ()
    } else {
    }
    "tpu.region"() ({
      %run_scoped3A = tpu.sem_alloc : memref<!tpu.dma_semaphore, #tpu.memory_space<semaphore_mem>>
      tpu.enqueue_dma source(%arg3 : memref<128x16xf32, #tpu.memory_space<hbm>>) target(%arg7 : memref<128x16xf32, #tpu.memory_space<vmem>>) target_semaphore(%run_scoped3A : memref<!tpu.dma_semaphore, #tpu.memory_space<semaphore_mem>>)
      tpu.wait_dma2 semaphore(%run_scoped3A : memref<!tpu.dma_semaphore, #tpu.memory_space<semaphore_mem>>) src(%arg3 : memref<128x16xf32, #tpu.memory_space<hbm>>) dst(%arg7 : memref<128x16xf32, #tpu.memory_space<vmem>>)
      tpu.yield
    }) : () -> ()
    "tpu.region"() ({
      %run_scoped3A = tpu.sem_alloc : memref<!tpu.dma_semaphore, #tpu.memory_space<semaphore_mem>>
      %dma_start3A = arith.constant 0 : i32
      %dma_start3A_99 = arith.constant 0 : i32
      %dma_start3A_100 = tpu.memref_slice %arg2[%add3A, %dma_start3A, %dma_start3A_99] : memref<32x80x128xi32, #tpu.memory_space<hbm>> -> memref<1x80x128xi32, #tpu.memory_space<hbm>>
      %dma_start3A_101 = tpu.memref_squeeze %dma_start3A_100 : memref<1x80x128xi32, #tpu.memory_space<hbm>> -> memref<80x128xi32, #tpu.memory_space<hbm>>
      %dma_start3A_102 = arith.constant 0 : i32
      %dma_start3A_103 = arith.constant 0 : i32
      %dma_start3A_104 = tpu.memref_slice %arg2[%add3A, %dma_start3A_102, %dma_start3A_103] : memref<32x80x128xi32, #tpu.memory_space<hbm>> -> memref<1x80x128xi32, #tpu.memory_space<hbm>>
      %dma_start3A_105 = tpu.memref_squeeze %dma_start3A_104 : memref<1x80x128xi32, #tpu.memory_space<hbm>> -> memref<80x128xi32, #tpu.memory_space<hbm>>
      tpu.enqueue_dma source(%dma_start3A_105 : memref<80x128xi32, #tpu.memory_space<hbm>>) target(%arg6 : memref<80x128xi32, #tpu.memory_space<vmem>>) target_semaphore(%run_scoped3A : memref<!tpu.dma_semaphore, #tpu.memory_space<semaphore_mem>>)
      %dma_wait3A_106 = arith.constant 0 : i32
      %dma_wait3A_107 = arith.constant 0 : i32
      %dma_wait3A_108 = tpu.memref_slice %arg2[%add3A, %dma_wait3A_106, %dma_wait3A_107] : memref<32x80x128xi32, #tpu.memory_space<hbm>> -> memref<1x80x128xi32, #tpu.memory_space<hbm>>
      %dma_wait3A_109 = tpu.memref_squeeze %dma_wait3A_108 : memref<1x80x128xi32, #tpu.memory_space<hbm>> -> memref<80x128xi32, #tpu.memory_space<hbm>>
      %dma_wait3A_110 = arith.constant 0 : i32
      %dma_wait3A_111 = arith.constant 0 : i32
      %dma_wait3A_112 = tpu.memref_slice %arg2[%add3A, %dma_wait3A_110, %dma_wait3A_111] : memref<32x80x128xi32, #tpu.memory_space<hbm>> -> memref<1x80x128xi32, #tpu.memory_space<hbm>>
      %dma_wait3A_113 = tpu.memref_squeeze %dma_wait3A_112 : memref<1x80x128xi32, #tpu.memory_space<hbm>> -> memref<80x128xi32, #tpu.memory_space<hbm>>
      tpu.wait_dma2 semaphore(%run_scoped3A : memref<!tpu.dma_semaphore, #tpu.memory_space<semaphore_mem>>) src(%dma_wait3A_113 : memref<80x128xi32, #tpu.memory_space<hbm>>) dst(%arg6 : memref<80x128xi32, #tpu.memory_space<vmem>>)
      tpu.yield
    }) : () -> ()
    %barrier3A = arith.constant 0 : index
    tpu.barrier barrier_id(%barrier3A)
    %scan3A = arith.constant 0 : i32
    %scan3A_9 = arith.constant 0 : i32
    %scan3A_10 = arith.constant 10 : i32
    %scan3A_11 = arith.addi %scan3A_9, %scan3A_10 : i32
    %scan3A_12 = arith.constant 1 : i32
    scf.for %scan3A_99 = %scan3A_9 to %scan3A_11 step %scan3A_12  : i32 {
      %mul3A_100 = arith.constant 8 : i32
      %mul3A_101 = arith.muli %scan3A_99, %mul3A_100 : i32
      %add3A_102 = arith.constant 0 : i32
      %add3A_103 = arith.addi %mul3A_101, %add3A_102 : i32
      %ge3A = arith.constant 8 : i32
      %ge3A_104 = arith.cmpi sge, %add3A_103, %ge3A : i32
      %convert_element_type3A_105 = arith.extui %ge3A_104 : i1 to i32
      %cond3A_106 = arith.constant 0 : i32
      %cond3A_107 = arith.cmpi ne, %convert_element_type3A_105, %cond3A_106 : i32
      scf.if %cond3A_107 {
        %dma_wait3A_242 = arith.constant 0 : i32
        %dma_wait3A_243 = arith.constant 0 : i32
        %dma_wait3A_244 = arith.constant 0 : i32
        %dma_wait3A_245 = tpu.memref_slice %arg6[%dma_wait3A_242, %dma_wait3A_244] : memref<80x128xi32, #tpu.memory_space<vmem>> -> memref<1x128xi32, #tpu.memory_space<vmem>>
        %dma_wait3A_246 = tpu.memref_squeeze %dma_wait3A_245 : memref<1x128xi32, #tpu.memory_space<vmem>> -> memref<128xi32, #tpu.memory_space<vmem>>
        %dma_wait3A_247 = arith.constant 0 : i32
        %dma_wait3A_248 = arith.constant 0 : i32
        %dma_wait3A_249 = tpu.memref_slice %arg8[%dma_wait3A_247, %dma_wait3A_248] : memref<10512x16xf32, #tpu.memory_space<vmem_shared>> -> memref<10512x16xf32, #tpu.memory_space<vmem_shared>>
        %dma_wait3A_250 = tpu.memref_slice %arg9[%dma_wait3A_243] : memref<8x!tpu.dma_semaphore, #tpu.memory_space<semaphore_mem>> -> memref<1x!tpu.dma_semaphore, #tpu.memory_space<semaphore_mem>>
        %dma_wait3A_251 = tpu.memref_squeeze %dma_wait3A_250 : memref<1x!tpu.dma_semaphore, #tpu.memory_space<semaphore_mem>> -> memref<!tpu.dma_semaphore, #tpu.memory_space<semaphore_mem>>
        tpu.wait_indirect_dma semaphore(%dma_wait3A_251 : memref<!tpu.dma_semaphore, #tpu.memory_space<semaphore_mem>>) src(%arg7 : memref<128x16xf32, #tpu.memory_space<vmem>>) dst(%dma_wait3A_249 : memref<10512x16xf32, #tpu.memory_space<vmem_shared>>)
      } else {
      }
      %dma_start3A = arith.constant 0 : i32
      %dma_start3A_108 = arith.constant 0 : i32
      %dma_start3A_109 = tpu.memref_slice %arg6[%add3A_103, %dma_start3A_108] : memref<80x128xi32, #tpu.memory_space<vmem>> -> memref<1x128xi32, #tpu.memory_space<vmem>>
      %dma_start3A_110 = tpu.memref_squeeze %dma_start3A_109 : memref<1x128xi32, #tpu.memory_space<vmem>> -> memref<128xi32, #tpu.memory_space<vmem>>
      %dma_start3A_111 = arith.constant 0 : i32
      %dma_start3A_112 = arith.constant 0 : i32
      %dma_start3A_113 = tpu.memref_slice %arg8[%dma_start3A_111, %dma_start3A_112] : memref<10512x16xf32, #tpu.memory_space<vmem_shared>> -> memref<10512x16xf32, #tpu.memory_space<vmem_shared>>
      %dma_start3A_114 = tpu.memref_slice %arg9[%dma_start3A] : memref<8x!tpu.dma_semaphore, #tpu.memory_space<semaphore_mem>> -> memref<1x!tpu.dma_semaphore, #tpu.memory_space<semaphore_mem>>
      %dma_start3A_115 = tpu.memref_squeeze %dma_start3A_114 : memref<1x!tpu.dma_semaphore, #tpu.memory_space<semaphore_mem>> -> memref<!tpu.dma_semaphore, #tpu.memory_space<semaphore_mem>>
      tpu.enqueue_indirect_dma source(%arg7 : memref<128x16xf32, #tpu.memory_space<vmem>>) target(%dma_start3A_113 : memref<10512x16xf32, #tpu.memory_space<vmem_shared>>) offsets(%dma_start3A_110 : memref<128xi32, #tpu.memory_space<vmem>>) semaphore(%dma_start3A_115 : memref<!tpu.dma_semaphore, #tpu.memory_space<semaphore_mem>>) {add = true}
      %mul3A_116 = arith.constant 8 : i32
      %mul3A_117 = arith.muli %scan3A_99, %mul3A_116 : i32
      %add3A_118 = arith.constant 1 : i32
      %add3A_119 = arith.addi %mul3A_117, %add3A_118 : i32
      %ge3A_120 = arith.constant 8 : i32
      %ge3A_121 = arith.cmpi sge, %add3A_119, %ge3A_120 : i32
      %convert_element_type3A_122 = arith.extui %ge3A_121 : i1 to i32
      %cond3A_123 = arith.constant 0 : i32
      %cond3A_124 = arith.cmpi ne, %convert_element_type3A_122, %cond3A_123 : i32
      scf.if %cond3A_124 {
        %dma_wait3A_242 = arith.constant 0 : i32
        %dma_wait3A_243 = arith.constant 1 : i32
        %dma_wait3A_244 = arith.constant 0 : i32
        %dma_wait3A_245 = tpu.memref_slice %arg6[%dma_wait3A_242, %dma_wait3A_244] : memref<80x128xi32, #tpu.memory_space<vmem>> -> memref<1x128xi32, #tpu.memory_space<vmem>>
        %dma_wait3A_246 = tpu.memref_squeeze %dma_wait3A_245 : memref<1x128xi32, #tpu.memory_space<vmem>> -> memref<128xi32, #tpu.memory_space<vmem>>
        %dma_wait3A_247 = arith.constant 0 : i32
        %dma_wait3A_248 = arith.constant 0 : i32
        %dma_wait3A_249 = tpu.memref_slice %arg8[%dma_wait3A_247, %dma_wait3A_248] : memref<10512x16xf32, #tpu.memory_space<vmem_shared>> -> memref<10512x16xf32, #tpu.memory_space<vmem_shared>>
        %dma_wait3A_250 = tpu.memref_slice %arg9[%dma_wait3A_243] : memref<8x!tpu.dma_semaphore, #tpu.memory_space<semaphore_mem>> -> memref<1x!tpu.dma_semaphore, #tpu.memory_space<semaphore_mem>>
        %dma_wait3A_251 = tpu.memref_squeeze %dma_wait3A_250 : memref<1x!tpu.dma_semaphore, #tpu.memory_space<semaphore_mem>> -> memref<!tpu.dma_semaphore, #tpu.memory_space<semaphore_mem>>
        tpu.wait_indirect_dma semaphore(%dma_wait3A_251 : memref<!tpu.dma_semaphore, #tpu.memory_space<semaphore_mem>>) src(%arg7 : memref<128x16xf32, #tpu.memory_space<vmem>>) dst(%dma_wait3A_249 : memref<10512x16xf32, #tpu.memory_space<vmem_shared>>)
      } else {
      }
      %dma_start3A_125 = arith.constant 1 : i32
      %dma_start3A_126 = arith.constant 0 : i32
      %dma_start3A_127 = tpu.memref_slice %arg6[%add3A_119, %dma_start3A_126] : memref<80x128xi32, #tpu.memory_space<vmem>> -> memref<1x128xi32, #tpu.memory_space<vmem>>
      %dma_start3A_128 = tpu.memref_squeeze %dma_start3A_127 : memref<1x128xi32, #tpu.memory_space<vmem>> -> memref<128xi32, #tpu.memory_space<vmem>>
      %dma_start3A_129 = arith.constant 0 : i32
      %dma_start3A_130 = arith.constant 0 : i32
      %dma_start3A_131 = tpu.memref_slice %arg8[%dma_start3A_129, %dma_start3A_130] : memref<10512x16xf32, #tpu.memory_space<vmem_shared>> -> memref<10512x16xf32, #tpu.memory_space<vmem_shared>>
      %dma_start3A_132 = tpu.memref_slice %arg9[%dma_start3A_125] : memref<8x!tpu.dma_semaphore, #tpu.memory_space<semaphore_mem>> -> memref<1x!tpu.dma_semaphore, #tpu.memory_space<semaphore_mem>>
      %dma_start3A_133 = tpu.memref_squeeze %dma_start3A_132 : memref<1x!tpu.dma_semaphore, #tpu.memory_space<semaphore_mem>> -> memref<!tpu.dma_semaphore, #tpu.memory_space<semaphore_mem>>
      tpu.enqueue_indirect_dma source(%arg7 : memref<128x16xf32, #tpu.memory_space<vmem>>) target(%dma_start3A_131 : memref<10512x16xf32, #tpu.memory_space<vmem_shared>>) offsets(%dma_start3A_128 : memref<128xi32, #tpu.memory_space<vmem>>) semaphore(%dma_start3A_133 : memref<!tpu.dma_semaphore, #tpu.memory_space<semaphore_mem>>) {add = true}
      %mul3A_134 = arith.constant 8 : i32
      %mul3A_135 = arith.muli %scan3A_99, %mul3A_134 : i32
      %add3A_136 = arith.constant 2 : i32
      %add3A_137 = arith.addi %mul3A_135, %add3A_136 : i32
      %ge3A_138 = arith.constant 8 : i32
      %ge3A_139 = arith.cmpi sge, %add3A_137, %ge3A_138 : i32
      %convert_element_type3A_140 = arith.extui %ge3A_139 : i1 to i32
      %cond3A_141 = arith.constant 0 : i32
      %cond3A_142 = arith.cmpi ne, %convert_element_type3A_140, %cond3A_141 : i32
      scf.if %cond3A_142 {
        %dma_wait3A_242 = arith.constant 0 : i32
        %dma_wait3A_243 = arith.constant 2 : i32
        %dma_wait3A_244 = arith.constant 0 : i32
        %dma_wait3A_245 = tpu.memref_slice %arg6[%dma_wait3A_242, %dma_wait3A_244] : memref<80x128xi32, #tpu.memory_space<vmem>> -> memref<1x128xi32, #tpu.memory_space<vmem>>
        %dma_wait3A_246 = tpu.memref_squeeze %dma_wait3A_245 : memref<1x128xi32, #tpu.memory_space<vmem>> -> memref<128xi32, #tpu.memory_space<vmem>>
        %dma_wait3A_247 = arith.constant 0 : i32
        %dma_wait3A_248 = arith.constant 0 : i32
        %dma_wait3A_249 = tpu.memref_slice %arg8[%dma_wait3A_247, %dma_wait3A_248] : memref<10512x16xf32, #tpu.memory_space<vmem_shared>> -> memref<10512x16xf32, #tpu.memory_space<vmem_shared>>
        %dma_wait3A_250 = tpu.memref_slice %arg9[%dma_wait3A_243] : memref<8x!tpu.dma_semaphore, #tpu.memory_space<semaphore_mem>> -> memref<1x!tpu.dma_semaphore, #tpu.memory_space<semaphore_mem>>
        %dma_wait3A_251 = tpu.memref_squeeze %dma_wait3A_250 : memref<1x!tpu.dma_semaphore, #tpu.memory_space<semaphore_mem>> -> memref<!tpu.dma_semaphore, #tpu.memory_space<semaphore_mem>>
        tpu.wait_indirect_dma semaphore(%dma_wait3A_251 : memref<!tpu.dma_semaphore, #tpu.memory_space<semaphore_mem>>) src(%arg7 : memref<128x16xf32, #tpu.memory_space<vmem>>) dst(%dma_wait3A_249 : memref<10512x16xf32, #tpu.memory_space<vmem_shared>>)
      } else {
      }
      %dma_start3A_143 = arith.constant 2 : i32
      %dma_start3A_144 = arith.constant 0 : i32
      %dma_start3A_145 = tpu.memref_slice %arg6[%add3A_137, %dma_start3A_144] : memref<80x128xi32, #tpu.memory_space<vmem>> -> memref<1x128xi32, #tpu.memory_space<vmem>>
      %dma_start3A_146 = tpu.memref_squeeze %dma_start3A_145 : memref<1x128xi32, #tpu.memory_space<vmem>> -> memref<128xi32, #tpu.memory_space<vmem>>
      %dma_start3A_147 = arith.constant 0 : i32
      %dma_start3A_148 = arith.constant 0 : i32
      %dma_start3A_149 = tpu.memref_slice %arg8[%dma_start3A_147, %dma_start3A_148] : memref<10512x16xf32, #tpu.memory_space<vmem_shared>> -> memref<10512x16xf32, #tpu.memory_space<vmem_shared>>
      %dma_start3A_150 = tpu.memref_slice %arg9[%dma_start3A_143] : memref<8x!tpu.dma_semaphore, #tpu.memory_space<semaphore_mem>> -> memref<1x!tpu.dma_semaphore, #tpu.memory_space<semaphore_mem>>
      %dma_start3A_151 = tpu.memref_squeeze %dma_start3A_150 : memref<1x!tpu.dma_semaphore, #tpu.memory_space<semaphore_mem>> -> memref<!tpu.dma_semaphore, #tpu.memory_space<semaphore_mem>>
      tpu.enqueue_indirect_dma source(%arg7 : memref<128x16xf32, #tpu.memory_space<vmem>>) target(%dma_start3A_149 : memref<10512x16xf32, #tpu.memory_space<vmem_shared>>) offsets(%dma_start3A_146 : memref<128xi32, #tpu.memory_space<vmem>>) semaphore(%dma_start3A_151 : memref<!tpu.dma_semaphore, #tpu.memory_space<semaphore_mem>>) {add = true}
      %mul3A_152 = arith.constant 8 : i32
      %mul3A_153 = arith.muli %scan3A_99, %mul3A_152 : i32
      %add3A_154 = arith.constant 3 : i32
      %add3A_155 = arith.addi %mul3A_153, %add3A_154 : i32
      %ge3A_156 = arith.constant 8 : i32
      %ge3A_157 = arith.cmpi sge, %add3A_155, %ge3A_156 : i32
      %convert_element_type3A_158 = arith.extui %ge3A_157 : i1 to i32
      %cond3A_159 = arith.constant 0 : i32
      %cond3A_160 = arith.cmpi ne, %convert_element_type3A_158, %cond3A_159 : i32
      scf.if %cond3A_160 {
        %dma_wait3A_242 = arith.constant 0 : i32
        %dma_wait3A_243 = arith.constant 3 : i32
        %dma_wait3A_244 = arith.constant 0 : i32
        %dma_wait3A_245 = tpu.memref_slice %arg6[%dma_wait3A_242, %dma_wait3A_244] : memref<80x128xi32, #tpu.memory_space<vmem>> -> memref<1x128xi32, #tpu.memory_space<vmem>>
        %dma_wait3A_246 = tpu.memref_squeeze %dma_wait3A_245 : memref<1x128xi32, #tpu.memory_space<vmem>> -> memref<128xi32, #tpu.memory_space<vmem>>
        %dma_wait3A_247 = arith.constant 0 : i32
        %dma_wait3A_248 = arith.constant 0 : i32
        %dma_wait3A_249 = tpu.memref_slice %arg8[%dma_wait3A_247, %dma_wait3A_248] : memref<10512x16xf32, #tpu.memory_space<vmem_shared>> -> memref<10512x16xf32, #tpu.memory_space<vmem_shared>>
        %dma_wait3A_250 = tpu.memref_slice %arg9[%dma_wait3A_243] : memref<8x!tpu.dma_semaphore, #tpu.memory_space<semaphore_mem>> -> memref<1x!tpu.dma_semaphore, #tpu.memory_space<semaphore_mem>>
        %dma_wait3A_251 = tpu.memref_squeeze %dma_wait3A_250 : memref<1x!tpu.dma_semaphore, #tpu.memory_space<semaphore_mem>> -> memref<!tpu.dma_semaphore, #tpu.memory_space<semaphore_mem>>
        tpu.wait_indirect_dma semaphore(%dma_wait3A_251 : memref<!tpu.dma_semaphore, #tpu.memory_space<semaphore_mem>>) src(%arg7 : memref<128x16xf32, #tpu.memory_space<vmem>>) dst(%dma_wait3A_249 : memref<10512x16xf32, #tpu.memory_space<vmem_shared>>)
      } else {
      }
      %dma_start3A_161 = arith.constant 3 : i32
      %dma_start3A_162 = arith.constant 0 : i32
      %dma_start3A_163 = tpu.memref_slice %arg6[%add3A_155, %dma_start3A_162] : memref<80x128xi32, #tpu.memory_space<vmem>> -> memref<1x128xi32, #tpu.memory_space<vmem>>
      %dma_start3A_164 = tpu.memref_squeeze %dma_start3A_163 : memref<1x128xi32, #tpu.memory_space<vmem>> -> memref<128xi32, #tpu.memory_space<vmem>>
      %dma_start3A_165 = arith.constant 0 : i32
      %dma_start3A_166 = arith.constant 0 : i32
      %dma_start3A_167 = tpu.memref_slice %arg8[%dma_start3A_165, %dma_start3A_166] : memref<10512x16xf32, #tpu.memory_space<vmem_shared>> -> memref<10512x16xf32, #tpu.memory_space<vmem_shared>>
      %dma_start3A_168 = tpu.memref_slice %arg9[%dma_start3A_161] : memref<8x!tpu.dma_semaphore, #tpu.memory_space<semaphore_mem>> -> memref<1x!tpu.dma_semaphore, #tpu.memory_space<semaphore_mem>>
      %dma_start3A_169 = tpu.memref_squeeze %dma_start3A_168 : memref<1x!tpu.dma_semaphore, #tpu.memory_space<semaphore_mem>> -> memref<!tpu.dma_semaphore, #tpu.memory_space<semaphore_mem>>
      tpu.enqueue_indirect_dma source(%arg7 : memref<128x16xf32, #tpu.memory_space<vmem>>) target(%dma_start3A_167 : memref<10512x16xf32, #tpu.memory_space<vmem_shared>>) offsets(%dma_start3A_164 : memref<128xi32, #tpu.memory_space<vmem>>) semaphore(%dma_start3A_169 : memref<!tpu.dma_semaphore, #tpu.memory_space<semaphore_mem>>) {add = true}
      %mul3A_170 = arith.constant 8 : i32
      %mul3A_171 = arith.muli %scan3A_99, %mul3A_170 : i32
      %add3A_172 = arith.constant 4 : i32
      %add3A_173 = arith.addi %mul3A_171, %add3A_172 : i32
      %ge3A_174 = arith.constant 8 : i32
      %ge3A_175 = arith.cmpi sge, %add3A_173, %ge3A_174 : i32
      %convert_element_type3A_176 = arith.extui %ge3A_175 : i1 to i32
      %cond3A_177 = arith.constant 0 : i32
      %cond3A_178 = arith.cmpi ne, %convert_element_type3A_176, %cond3A_177 : i32
      scf.if %cond3A_178 {
        %dma_wait3A_242 = arith.constant 0 : i32
        %dma_wait3A_243 = arith.constant 4 : i32
        %dma_wait3A_244 = arith.constant 0 : i32
        %dma_wait3A_245 = tpu.memref_slice %arg6[%dma_wait3A_242, %dma_wait3A_244] : memref<80x128xi32, #tpu.memory_space<vmem>> -> memref<1x128xi32, #tpu.memory_space<vmem>>
        %dma_wait3A_246 = tpu.memref_squeeze %dma_wait3A_245 : memref<1x128xi32, #tpu.memory_space<vmem>> -> memref<128xi32, #tpu.memory_space<vmem>>
        %dma_wait3A_247 = arith.constant 0 : i32
        %dma_wait3A_248 = arith.constant 0 : i32
        %dma_wait3A_249 = tpu.memref_slice %arg8[%dma_wait3A_247, %dma_wait3A_248] : memref<10512x16xf32, #tpu.memory_space<vmem_shared>> -> memref<10512x16xf32, #tpu.memory_space<vmem_shared>>
        %dma_wait3A_250 = tpu.memref_slice %arg9[%dma_wait3A_243] : memref<8x!tpu.dma_semaphore, #tpu.memory_space<semaphore_mem>> -> memref<1x!tpu.dma_semaphore, #tpu.memory_space<semaphore_mem>>
        %dma_wait3A_251 = tpu.memref_squeeze %dma_wait3A_250 : memref<1x!tpu.dma_semaphore, #tpu.memory_space<semaphore_mem>> -> memref<!tpu.dma_semaphore, #tpu.memory_space<semaphore_mem>>
        tpu.wait_indirect_dma semaphore(%dma_wait3A_251 : memref<!tpu.dma_semaphore, #tpu.memory_space<semaphore_mem>>) src(%arg7 : memref<128x16xf32, #tpu.memory_space<vmem>>) dst(%dma_wait3A_249 : memref<10512x16xf32, #tpu.memory_space<vmem_shared>>)
      } else {
      }
      %dma_start3A_179 = arith.constant 4 : i32
      %dma_start3A_180 = arith.constant 0 : i32
      %dma_start3A_181 = tpu.memref_slice %arg6[%add3A_173, %dma_start3A_180] : memref<80x128xi32, #tpu.memory_space<vmem>> -> memref<1x128xi32, #tpu.memory_space<vmem>>
      %dma_start3A_182 = tpu.memref_squeeze %dma_start3A_181 : memref<1x128xi32, #tpu.memory_space<vmem>> -> memref<128xi32, #tpu.memory_space<vmem>>
      %dma_start3A_183 = arith.constant 0 : i32
      %dma_start3A_184 = arith.constant 0 : i32
      %dma_start3A_185 = tpu.memref_slice %arg8[%dma_start3A_183, %dma_start3A_184] : memref<10512x16xf32, #tpu.memory_space<vmem_shared>> -> memref<10512x16xf32, #tpu.memory_space<vmem_shared>>
      %dma_start3A_186 = tpu.memref_slice %arg9[%dma_start3A_179] : memref<8x!tpu.dma_semaphore, #tpu.memory_space<semaphore_mem>> -> memref<1x!tpu.dma_semaphore, #tpu.memory_space<semaphore_mem>>
      %dma_start3A_187 = tpu.memref_squeeze %dma_start3A_186 : memref<1x!tpu.dma_semaphore, #tpu.memory_space<semaphore_mem>> -> memref<!tpu.dma_semaphore, #tpu.memory_space<semaphore_mem>>
      tpu.enqueue_indirect_dma source(%arg7 : memref<128x16xf32, #tpu.memory_space<vmem>>) target(%dma_start3A_185 : memref<10512x16xf32, #tpu.memory_space<vmem_shared>>) offsets(%dma_start3A_182 : memref<128xi32, #tpu.memory_space<vmem>>) semaphore(%dma_start3A_187 : memref<!tpu.dma_semaphore, #tpu.memory_space<semaphore_mem>>) {add = true}
      %mul3A_188 = arith.constant 8 : i32
      %mul3A_189 = arith.muli %scan3A_99, %mul3A_188 : i32
      %add3A_190 = arith.constant 5 : i32
      %add3A_191 = arith.addi %mul3A_189, %add3A_190 : i32
      %ge3A_192 = arith.constant 8 : i32
      %ge3A_193 = arith.cmpi sge, %add3A_191, %ge3A_192 : i32
      %convert_element_type3A_194 = arith.extui %ge3A_193 : i1 to i32
      %cond3A_195 = arith.constant 0 : i32
      %cond3A_196 = arith.cmpi ne, %convert_element_type3A_194, %cond3A_195 : i32
      scf.if %cond3A_196 {
        %dma_wait3A_242 = arith.constant 0 : i32
        %dma_wait3A_243 = arith.constant 5 : i32
        %dma_wait3A_244 = arith.constant 0 : i32
        %dma_wait3A_245 = tpu.memref_slice %arg6[%dma_wait3A_242, %dma_wait3A_244] : memref<80x128xi32, #tpu.memory_space<vmem>> -> memref<1x128xi32, #tpu.memory_space<vmem>>
        %dma_wait3A_246 = tpu.memref_squeeze %dma_wait3A_245 : memref<1x128xi32, #tpu.memory_space<vmem>> -> memref<128xi32, #tpu.memory_space<vmem>>
        %dma_wait3A_247 = arith.constant 0 : i32
        %dma_wait3A_248 = arith.constant 0 : i32
        %dma_wait3A_249 = tpu.memref_slice %arg8[%dma_wait3A_247, %dma_wait3A_248] : memref<10512x16xf32, #tpu.memory_space<vmem_shared>> -> memref<10512x16xf32, #tpu.memory_space<vmem_shared>>
        %dma_wait3A_250 = tpu.memref_slice %arg9[%dma_wait3A_243] : memref<8x!tpu.dma_semaphore, #tpu.memory_space<semaphore_mem>> -> memref<1x!tpu.dma_semaphore, #tpu.memory_space<semaphore_mem>>
        %dma_wait3A_251 = tpu.memref_squeeze %dma_wait3A_250 : memref<1x!tpu.dma_semaphore, #tpu.memory_space<semaphore_mem>> -> memref<!tpu.dma_semaphore, #tpu.memory_space<semaphore_mem>>
        tpu.wait_indirect_dma semaphore(%dma_wait3A_251 : memref<!tpu.dma_semaphore, #tpu.memory_space<semaphore_mem>>) src(%arg7 : memref<128x16xf32, #tpu.memory_space<vmem>>) dst(%dma_wait3A_249 : memref<10512x16xf32, #tpu.memory_space<vmem_shared>>)
      } else {
      }
      %dma_start3A_197 = arith.constant 5 : i32
      %dma_start3A_198 = arith.constant 0 : i32
      %dma_start3A_199 = tpu.memref_slice %arg6[%add3A_191, %dma_start3A_198] : memref<80x128xi32, #tpu.memory_space<vmem>> -> memref<1x128xi32, #tpu.memory_space<vmem>>
      %dma_start3A_200 = tpu.memref_squeeze %dma_start3A_199 : memref<1x128xi32, #tpu.memory_space<vmem>> -> memref<128xi32, #tpu.memory_space<vmem>>
      %dma_start3A_201 = arith.constant 0 : i32
      %dma_start3A_202 = arith.constant 0 : i32
      %dma_start3A_203 = tpu.memref_slice %arg8[%dma_start3A_201, %dma_start3A_202] : memref<10512x16xf32, #tpu.memory_space<vmem_shared>> -> memref<10512x16xf32, #tpu.memory_space<vmem_shared>>
      %dma_start3A_204 = tpu.memref_slice %arg9[%dma_start3A_197] : memref<8x!tpu.dma_semaphore, #tpu.memory_space<semaphore_mem>> -> memref<1x!tpu.dma_semaphore, #tpu.memory_space<semaphore_mem>>
      %dma_start3A_205 = tpu.memref_squeeze %dma_start3A_204 : memref<1x!tpu.dma_semaphore, #tpu.memory_space<semaphore_mem>> -> memref<!tpu.dma_semaphore, #tpu.memory_space<semaphore_mem>>
      tpu.enqueue_indirect_dma source(%arg7 : memref<128x16xf32, #tpu.memory_space<vmem>>) target(%dma_start3A_203 : memref<10512x16xf32, #tpu.memory_space<vmem_shared>>) offsets(%dma_start3A_200 : memref<128xi32, #tpu.memory_space<vmem>>) semaphore(%dma_start3A_205 : memref<!tpu.dma_semaphore, #tpu.memory_space<semaphore_mem>>) {add = true}
      %mul3A_206 = arith.constant 8 : i32
      %mul3A_207 = arith.muli %scan3A_99, %mul3A_206 : i32
      %add3A_208 = arith.constant 6 : i32
      %add3A_209 = arith.addi %mul3A_207, %add3A_208 : i32
      %ge3A_210 = arith.constant 8 : i32
      %ge3A_211 = arith.cmpi sge, %add3A_209, %ge3A_210 : i32
      %convert_element_type3A_212 = arith.extui %ge3A_211 : i1 to i32
      %cond3A_213 = arith.constant 0 : i32
      %cond3A_214 = arith.cmpi ne, %convert_element_type3A_212, %cond3A_213 : i32
      scf.if %cond3A_214 {
        %dma_wait3A_242 = arith.constant 0 : i32
        %dma_wait3A_243 = arith.constant 6 : i32
        %dma_wait3A_244 = arith.constant 0 : i32
        %dma_wait3A_245 = tpu.memref_slice %arg6[%dma_wait3A_242, %dma_wait3A_244] : memref<80x128xi32, #tpu.memory_space<vmem>> -> memref<1x128xi32, #tpu.memory_space<vmem>>
        %dma_wait3A_246 = tpu.memref_squeeze %dma_wait3A_245 : memref<1x128xi32, #tpu.memory_space<vmem>> -> memref<128xi32, #tpu.memory_space<vmem>>
        %dma_wait3A_247 = arith.constant 0 : i32
        %dma_wait3A_248 = arith.constant 0 : i32
        %dma_wait3A_249 = tpu.memref_slice %arg8[%dma_wait3A_247, %dma_wait3A_248] : memref<10512x16xf32, #tpu.memory_space<vmem_shared>> -> memref<10512x16xf32, #tpu.memory_space<vmem_shared>>
        %dma_wait3A_250 = tpu.memref_slice %arg9[%dma_wait3A_243] : memref<8x!tpu.dma_semaphore, #tpu.memory_space<semaphore_mem>> -> memref<1x!tpu.dma_semaphore, #tpu.memory_space<semaphore_mem>>
        %dma_wait3A_251 = tpu.memref_squeeze %dma_wait3A_250 : memref<1x!tpu.dma_semaphore, #tpu.memory_space<semaphore_mem>> -> memref<!tpu.dma_semaphore, #tpu.memory_space<semaphore_mem>>
        tpu.wait_indirect_dma semaphore(%dma_wait3A_251 : memref<!tpu.dma_semaphore, #tpu.memory_space<semaphore_mem>>) src(%arg7 : memref<128x16xf32, #tpu.memory_space<vmem>>) dst(%dma_wait3A_249 : memref<10512x16xf32, #tpu.memory_space<vmem_shared>>)
      } else {
      }
      %dma_start3A_215 = arith.constant 6 : i32
      %dma_start3A_216 = arith.constant 0 : i32
      %dma_start3A_217 = tpu.memref_slice %arg6[%add3A_209, %dma_start3A_216] : memref<80x128xi32, #tpu.memory_space<vmem>> -> memref<1x128xi32, #tpu.memory_space<vmem>>
      %dma_start3A_218 = tpu.memref_squeeze %dma_start3A_217 : memref<1x128xi32, #tpu.memory_space<vmem>> -> memref<128xi32, #tpu.memory_space<vmem>>
      %dma_start3A_219 = arith.constant 0 : i32
      %dma_start3A_220 = arith.constant 0 : i32
      %dma_start3A_221 = tpu.memref_slice %arg8[%dma_start3A_219, %dma_start3A_220] : memref<10512x16xf32, #tpu.memory_space<vmem_shared>> -> memref<10512x16xf32, #tpu.memory_space<vmem_shared>>
      %dma_start3A_222 = tpu.memref_slice %arg9[%dma_start3A_215] : memref<8x!tpu.dma_semaphore, #tpu.memory_space<semaphore_mem>> -> memref<1x!tpu.dma_semaphore, #tpu.memory_space<semaphore_mem>>
      %dma_start3A_223 = tpu.memref_squeeze %dma_start3A_222 : memref<1x!tpu.dma_semaphore, #tpu.memory_space<semaphore_mem>> -> memref<!tpu.dma_semaphore, #tpu.memory_space<semaphore_mem>>
      tpu.enqueue_indirect_dma source(%arg7 : memref<128x16xf32, #tpu.memory_space<vmem>>) target(%dma_start3A_221 : memref<10512x16xf32, #tpu.memory_space<vmem_shared>>) offsets(%dma_start3A_218 : memref<128xi32, #tpu.memory_space<vmem>>) semaphore(%dma_start3A_223 : memref<!tpu.dma_semaphore, #tpu.memory_space<semaphore_mem>>) {add = true}
      %mul3A_224 = arith.constant 8 : i32
      %mul3A_225 = arith.muli %scan3A_99, %mul3A_224 : i32
      %add3A_226 = arith.constant 7 : i32
      %add3A_227 = arith.addi %mul3A_225, %add3A_226 : i32
      %ge3A_228 = arith.constant 8 : i32
      %ge3A_229 = arith.cmpi sge, %add3A_227, %ge3A_228 : i32
      %convert_element_type3A_230 = arith.extui %ge3A_229 : i1 to i32
      %cond3A_231 = arith.constant 0 : i32
      %cond3A_232 = arith.cmpi ne, %convert_element_type3A_230, %cond3A_231 : i32
      scf.if %cond3A_232 {
        %dma_wait3A_242 = arith.constant 0 : i32
        %dma_wait3A_243 = arith.constant 7 : i32
        %dma_wait3A_244 = arith.constant 0 : i32
        %dma_wait3A_245 = tpu.memref_slice %arg6[%dma_wait3A_242, %dma_wait3A_244] : memref<80x128xi32, #tpu.memory_space<vmem>> -> memref<1x128xi32, #tpu.memory_space<vmem>>
        %dma_wait3A_246 = tpu.memref_squeeze %dma_wait3A_245 : memref<1x128xi32, #tpu.memory_space<vmem>> -> memref<128xi32, #tpu.memory_space<vmem>>
        %dma_wait3A_247 = arith.constant 0 : i32
        %dma_wait3A_248 = arith.constant 0 : i32
        %dma_wait3A_249 = tpu.memref_slice %arg8[%dma_wait3A_247, %dma_wait3A_248] : memref<10512x16xf32, #tpu.memory_space<vmem_shared>> -> memref<10512x16xf32, #tpu.memory_space<vmem_shared>>
        %dma_wait3A_250 = tpu.memref_slice %arg9[%dma_wait3A_243] : memref<8x!tpu.dma_semaphore, #tpu.memory_space<semaphore_mem>> -> memref<1x!tpu.dma_semaphore, #tpu.memory_space<semaphore_mem>>
        %dma_wait3A_251 = tpu.memref_squeeze %dma_wait3A_250 : memref<1x!tpu.dma_semaphore, #tpu.memory_space<semaphore_mem>> -> memref<!tpu.dma_semaphore, #tpu.memory_space<semaphore_mem>>
        tpu.wait_indirect_dma semaphore(%dma_wait3A_251 : memref<!tpu.dma_semaphore, #tpu.memory_space<semaphore_mem>>) src(%arg7 : memref<128x16xf32, #tpu.memory_space<vmem>>) dst(%dma_wait3A_249 : memref<10512x16xf32, #tpu.memory_space<vmem_shared>>)
      } else {
      }
      %dma_start3A_233 = arith.constant 7 : i32
      %dma_start3A_234 = arith.constant 0 : i32
      %dma_start3A_235 = tpu.memref_slice %arg6[%add3A_227, %dma_start3A_234] : memref<80x128xi32, #tpu.memory_space<vmem>> -> memref<1x128xi32, #tpu.memory_space<vmem>>
      %dma_start3A_236 = tpu.memref_squeeze %dma_start3A_235 : memref<1x128xi32, #tpu.memory_space<vmem>> -> memref<128xi32, #tpu.memory_space<vmem>>
      %dma_start3A_237 = arith.constant 0 : i32
      %dma_start3A_238 = arith.constant 0 : i32
      %dma_start3A_239 = tpu.memref_slice %arg8[%dma_start3A_237, %dma_start3A_238] : memref<10512x16xf32, #tpu.memory_space<vmem_shared>> -> memref<10512x16xf32, #tpu.memory_space<vmem_shared>>
      %dma_start3A_240 = tpu.memref_slice %arg9[%dma_start3A_233] : memref<8x!tpu.dma_semaphore, #tpu.memory_space<semaphore_mem>> -> memref<1x!tpu.dma_semaphore, #tpu.memory_space<semaphore_mem>>
      %dma_start3A_241 = tpu.memref_squeeze %dma_start3A_240 : memref<1x!tpu.dma_semaphore, #tpu.memory_space<semaphore_mem>> -> memref<!tpu.dma_semaphore, #tpu.memory_space<semaphore_mem>>
      tpu.enqueue_indirect_dma source(%arg7 : memref<128x16xf32, #tpu.memory_space<vmem>>) target(%dma_start3A_239 : memref<10512x16xf32, #tpu.memory_space<vmem_shared>>) offsets(%dma_start3A_236 : memref<128xi32, #tpu.memory_space<vmem>>) semaphore(%dma_start3A_241 : memref<!tpu.dma_semaphore, #tpu.memory_space<semaphore_mem>>) {add = true}
    }
    %scan3A_13 = arith.constant 10 : i32
    %dma_wait3A = arith.constant 0 : i32
    %dma_wait3A_14 = arith.constant 0 : i32
    %dma_wait3A_15 = arith.constant 0 : i32
    %dma_wait3A_16 = tpu.memref_slice %arg6[%dma_wait3A, %dma_wait3A_15] : memref<80x128xi32, #tpu.memory_space<vmem>> -> memref<1x128xi32, #tpu.memory_space<vmem>>
    %dma_wait3A_17 = tpu.memref_squeeze %dma_wait3A_16 : memref<1x128xi32, #tpu.memory_space<vmem>> -> memref<128xi32, #tpu.memory_space<vmem>>
    %dma_wait3A_18 = arith.constant 0 : i32
    %dma_wait3A_19 = arith.constant 0 : i32
    %dma_wait3A_20 = tpu.memref_slice %arg8[%dma_wait3A_18, %dma_wait3A_19] : memref<10512x16xf32, #tpu.memory_space<vmem_shared>> -> memref<10512x16xf32, #tpu.memory_space<vmem_shared>>
    %dma_wait3A_21 = tpu.memref_slice %arg9[%dma_wait3A_14] : memref<8x!tpu.dma_semaphore, #tpu.memory_space<semaphore_mem>> -> memref<1x!tpu.dma_semaphore, #tpu.memory_space<semaphore_mem>>
    %dma_wait3A_22 = tpu.memref_squeeze %dma_wait3A_21 : memref<1x!tpu.dma_semaphore, #tpu.memory_space<semaphore_mem>> -> memref<!tpu.dma_semaphore, #tpu.memory_space<semaphore_mem>>
    tpu.wait_indirect_dma semaphore(%dma_wait3A_22 : memref<!tpu.dma_semaphore, #tpu.memory_space<semaphore_mem>>) src(%arg7 : memref<128x16xf32, #tpu.memory_space<vmem>>) dst(%dma_wait3A_20 : memref<10512x16xf32, #tpu.memory_space<vmem_shared>>)
    %dma_wait3A_23 = arith.constant 0 : i32
    %dma_wait3A_24 = arith.constant 1 : i32
    %dma_wait3A_25 = arith.constant 0 : i32
    %dma_wait3A_26 = tpu.memref_slice %arg6[%dma_wait3A_23, %dma_wait3A_25] : memref<80x128xi32, #tpu.memory_space<vmem>> -> memref<1x128xi32, #tpu.memory_space<vmem>>
    %dma_wait3A_27 = tpu.memref_squeeze %dma_wait3A_26 : memref<1x128xi32, #tpu.memory_space<vmem>> -> memref<128xi32, #tpu.memory_space<vmem>>
    %dma_wait3A_28 = arith.constant 0 : i32
    %dma_wait3A_29 = arith.constant 0 : i32
    %dma_wait3A_30 = tpu.memref_slice %arg8[%dma_wait3A_28, %dma_wait3A_29] : memref<10512x16xf32, #tpu.memory_space<vmem_shared>> -> memref<10512x16xf32, #tpu.memory_space<vmem_shared>>
    %dma_wait3A_31 = tpu.memref_slice %arg9[%dma_wait3A_24] : memref<8x!tpu.dma_semaphore, #tpu.memory_space<semaphore_mem>> -> memref<1x!tpu.dma_semaphore, #tpu.memory_space<semaphore_mem>>
    %dma_wait3A_32 = tpu.memref_squeeze %dma_wait3A_31 : memref<1x!tpu.dma_semaphore, #tpu.memory_space<semaphore_mem>> -> memref<!tpu.dma_semaphore, #tpu.memory_space<semaphore_mem>>
    tpu.wait_indirect_dma semaphore(%dma_wait3A_32 : memref<!tpu.dma_semaphore, #tpu.memory_space<semaphore_mem>>) src(%arg7 : memref<128x16xf32, #tpu.memory_space<vmem>>) dst(%dma_wait3A_30 : memref<10512x16xf32, #tpu.memory_space<vmem_shared>>)
    %dma_wait3A_33 = arith.constant 0 : i32
    %dma_wait3A_34 = arith.constant 2 : i32
    %dma_wait3A_35 = arith.constant 0 : i32
    %dma_wait3A_36 = tpu.memref_slice %arg6[%dma_wait3A_33, %dma_wait3A_35] : memref<80x128xi32, #tpu.memory_space<vmem>> -> memref<1x128xi32, #tpu.memory_space<vmem>>
    %dma_wait3A_37 = tpu.memref_squeeze %dma_wait3A_36 : memref<1x128xi32, #tpu.memory_space<vmem>> -> memref<128xi32, #tpu.memory_space<vmem>>
    %dma_wait3A_38 = arith.constant 0 : i32
    %dma_wait3A_39 = arith.constant 0 : i32
    %dma_wait3A_40 = tpu.memref_slice %arg8[%dma_wait3A_38, %dma_wait3A_39] : memref<10512x16xf32, #tpu.memory_space<vmem_shared>> -> memref<10512x16xf32, #tpu.memory_space<vmem_shared>>
    %dma_wait3A_41 = tpu.memref_slice %arg9[%dma_wait3A_34] : memref<8x!tpu.dma_semaphore, #tpu.memory_space<semaphore_mem>> -> memref<1x!tpu.dma_semaphore, #tpu.memory_space<semaphore_mem>>
    %dma_wait3A_42 = tpu.memref_squeeze %dma_wait3A_41 : memref<1x!tpu.dma_semaphore, #tpu.memory_space<semaphore_mem>> -> memref<!tpu.dma_semaphore, #tpu.memory_space<semaphore_mem>>
    tpu.wait_indirect_dma semaphore(%dma_wait3A_42 : memref<!tpu.dma_semaphore, #tpu.memory_space<semaphore_mem>>) src(%arg7 : memref<128x16xf32, #tpu.memory_space<vmem>>) dst(%dma_wait3A_40 : memref<10512x16xf32, #tpu.memory_space<vmem_shared>>)
    %dma_wait3A_43 = arith.constant 0 : i32
    %dma_wait3A_44 = arith.constant 3 : i32
    %dma_wait3A_45 = arith.constant 0 : i32
    %dma_wait3A_46 = tpu.memref_slice %arg6[%dma_wait3A_43, %dma_wait3A_45] : memref<80x128xi32, #tpu.memory_space<vmem>> -> memref<1x128xi32, #tpu.memory_space<vmem>>
    %dma_wait3A_47 = tpu.memref_squeeze %dma_wait3A_46 : memref<1x128xi32, #tpu.memory_space<vmem>> -> memref<128xi32, #tpu.memory_space<vmem>>
    %dma_wait3A_48 = arith.constant 0 : i32
    %dma_wait3A_49 = arith.constant 0 : i32
    %dma_wait3A_50 = tpu.memref_slice %arg8[%dma_wait3A_48, %dma_wait3A_49] : memref<10512x16xf32, #tpu.memory_space<vmem_shared>> -> memref<10512x16xf32, #tpu.memory_space<vmem_shared>>
    %dma_wait3A_51 = tpu.memref_slice %arg9[%dma_wait3A_44] : memref<8x!tpu.dma_semaphore, #tpu.memory_space<semaphore_mem>> -> memref<1x!tpu.dma_semaphore, #tpu.memory_space<semaphore_mem>>
    %dma_wait3A_52 = tpu.memref_squeeze %dma_wait3A_51 : memref<1x!tpu.dma_semaphore, #tpu.memory_space<semaphore_mem>> -> memref<!tpu.dma_semaphore, #tpu.memory_space<semaphore_mem>>
    tpu.wait_indirect_dma semaphore(%dma_wait3A_52 : memref<!tpu.dma_semaphore, #tpu.memory_space<semaphore_mem>>) src(%arg7 : memref<128x16xf32, #tpu.memory_space<vmem>>) dst(%dma_wait3A_50 : memref<10512x16xf32, #tpu.memory_space<vmem_shared>>)
    %dma_wait3A_53 = arith.constant 0 : i32
    %dma_wait3A_54 = arith.constant 4 : i32
    %dma_wait3A_55 = arith.constant 0 : i32
    %dma_wait3A_56 = tpu.memref_slice %arg6[%dma_wait3A_53, %dma_wait3A_55] : memref<80x128xi32, #tpu.memory_space<vmem>> -> memref<1x128xi32, #tpu.memory_space<vmem>>
    %dma_wait3A_57 = tpu.memref_squeeze %dma_wait3A_56 : memref<1x128xi32, #tpu.memory_space<vmem>> -> memref<128xi32, #tpu.memory_space<vmem>>
    %dma_wait3A_58 = arith.constant 0 : i32
    %dma_wait3A_59 = arith.constant 0 : i32
    %dma_wait3A_60 = tpu.memref_slice %arg8[%dma_wait3A_58, %dma_wait3A_59] : memref<10512x16xf32, #tpu.memory_space<vmem_shared>> -> memref<10512x16xf32, #tpu.memory_space<vmem_shared>>
    %dma_wait3A_61 = tpu.memref_slice %arg9[%dma_wait3A_54] : memref<8x!tpu.dma_semaphore, #tpu.memory_space<semaphore_mem>> -> memref<1x!tpu.dma_semaphore, #tpu.memory_space<semaphore_mem>>
    %dma_wait3A_62 = tpu.memref_squeeze %dma_wait3A_61 : memref<1x!tpu.dma_semaphore, #tpu.memory_space<semaphore_mem>> -> memref<!tpu.dma_semaphore, #tpu.memory_space<semaphore_mem>>
    tpu.wait_indirect_dma semaphore(%dma_wait3A_62 : memref<!tpu.dma_semaphore, #tpu.memory_space<semaphore_mem>>) src(%arg7 : memref<128x16xf32, #tpu.memory_space<vmem>>) dst(%dma_wait3A_60 : memref<10512x16xf32, #tpu.memory_space<vmem_shared>>)
    %dma_wait3A_63 = arith.constant 0 : i32
    %dma_wait3A_64 = arith.constant 5 : i32
    %dma_wait3A_65 = arith.constant 0 : i32
    %dma_wait3A_66 = tpu.memref_slice %arg6[%dma_wait3A_63, %dma_wait3A_65] : memref<80x128xi32, #tpu.memory_space<vmem>> -> memref<1x128xi32, #tpu.memory_space<vmem>>
    %dma_wait3A_67 = tpu.memref_squeeze %dma_wait3A_66 : memref<1x128xi32, #tpu.memory_space<vmem>> -> memref<128xi32, #tpu.memory_space<vmem>>
    %dma_wait3A_68 = arith.constant 0 : i32
    %dma_wait3A_69 = arith.constant 0 : i32
    %dma_wait3A_70 = tpu.memref_slice %arg8[%dma_wait3A_68, %dma_wait3A_69] : memref<10512x16xf32, #tpu.memory_space<vmem_shared>> -> memref<10512x16xf32, #tpu.memory_space<vmem_shared>>
    %dma_wait3A_71 = tpu.memref_slice %arg9[%dma_wait3A_64] : memref<8x!tpu.dma_semaphore, #tpu.memory_space<semaphore_mem>> -> memref<1x!tpu.dma_semaphore, #tpu.memory_space<semaphore_mem>>
    %dma_wait3A_72 = tpu.memref_squeeze %dma_wait3A_71 : memref<1x!tpu.dma_semaphore, #tpu.memory_space<semaphore_mem>> -> memref<!tpu.dma_semaphore, #tpu.memory_space<semaphore_mem>>
    tpu.wait_indirect_dma semaphore(%dma_wait3A_72 : memref<!tpu.dma_semaphore, #tpu.memory_space<semaphore_mem>>) src(%arg7 : memref<128x16xf32, #tpu.memory_space<vmem>>) dst(%dma_wait3A_70 : memref<10512x16xf32, #tpu.memory_space<vmem_shared>>)
    %dma_wait3A_73 = arith.constant 0 : i32
    %dma_wait3A_74 = arith.constant 6 : i32
    %dma_wait3A_75 = arith.constant 0 : i32
    %dma_wait3A_76 = tpu.memref_slice %arg6[%dma_wait3A_73, %dma_wait3A_75] : memref<80x128xi32, #tpu.memory_space<vmem>> -> memref<1x128xi32, #tpu.memory_space<vmem>>
    %dma_wait3A_77 = tpu.memref_squeeze %dma_wait3A_76 : memref<1x128xi32, #tpu.memory_space<vmem>> -> memref<128xi32, #tpu.memory_space<vmem>>
    %dma_wait3A_78 = arith.constant 0 : i32
    %dma_wait3A_79 = arith.constant 0 : i32
    %dma_wait3A_80 = tpu.memref_slice %arg8[%dma_wait3A_78, %dma_wait3A_79] : memref<10512x16xf32, #tpu.memory_space<vmem_shared>> -> memref<10512x16xf32, #tpu.memory_space<vmem_shared>>
    %dma_wait3A_81 = tpu.memref_slice %arg9[%dma_wait3A_74] : memref<8x!tpu.dma_semaphore, #tpu.memory_space<semaphore_mem>> -> memref<1x!tpu.dma_semaphore, #tpu.memory_space<semaphore_mem>>
    %dma_wait3A_82 = tpu.memref_squeeze %dma_wait3A_81 : memref<1x!tpu.dma_semaphore, #tpu.memory_space<semaphore_mem>> -> memref<!tpu.dma_semaphore, #tpu.memory_space<semaphore_mem>>
    tpu.wait_indirect_dma semaphore(%dma_wait3A_82 : memref<!tpu.dma_semaphore, #tpu.memory_space<semaphore_mem>>) src(%arg7 : memref<128x16xf32, #tpu.memory_space<vmem>>) dst(%dma_wait3A_80 : memref<10512x16xf32, #tpu.memory_space<vmem_shared>>)
    %dma_wait3A_83 = arith.constant 0 : i32
    %dma_wait3A_84 = arith.constant 7 : i32
    %dma_wait3A_85 = arith.constant 0 : i32
    %dma_wait3A_86 = tpu.memref_slice %arg6[%dma_wait3A_83, %dma_wait3A_85] : memref<80x128xi32, #tpu.memory_space<vmem>> -> memref<1x128xi32, #tpu.memory_space<vmem>>
    %dma_wait3A_87 = tpu.memref_squeeze %dma_wait3A_86 : memref<1x128xi32, #tpu.memory_space<vmem>> -> memref<128xi32, #tpu.memory_space<vmem>>
    %dma_wait3A_88 = arith.constant 0 : i32
    %dma_wait3A_89 = arith.constant 0 : i32
    %dma_wait3A_90 = tpu.memref_slice %arg8[%dma_wait3A_88, %dma_wait3A_89] : memref<10512x16xf32, #tpu.memory_space<vmem_shared>> -> memref<10512x16xf32, #tpu.memory_space<vmem_shared>>
    %dma_wait3A_91 = tpu.memref_slice %arg9[%dma_wait3A_84] : memref<8x!tpu.dma_semaphore, #tpu.memory_space<semaphore_mem>> -> memref<1x!tpu.dma_semaphore, #tpu.memory_space<semaphore_mem>>
    %dma_wait3A_92 = tpu.memref_squeeze %dma_wait3A_91 : memref<1x!tpu.dma_semaphore, #tpu.memory_space<semaphore_mem>> -> memref<!tpu.dma_semaphore, #tpu.memory_space<semaphore_mem>>
    tpu.wait_indirect_dma semaphore(%dma_wait3A_92 : memref<!tpu.dma_semaphore, #tpu.memory_space<semaphore_mem>>) src(%arg7 : memref<128x16xf32, #tpu.memory_space<vmem>>) dst(%dma_wait3A_90 : memref<10512x16xf32, #tpu.memory_space<vmem_shared>>)
    %barrier3A_93 = arith.constant 0 : index
    tpu.barrier barrier_id(%barrier3A_93)
    "tpu.region"() ({
      %run_scoped3A = tpu.sem_alloc : memref<!tpu.dma_semaphore, #tpu.memory_space<semaphore_mem>>
      %dma_start3A = arith.constant 0 : i32
      %dma_start3A_99 = tpu.memref_slice %arg5[%arg0, %mul3A_2, %dma_start3A] : memref<2x10000x16xf32, #tpu.memory_space<hbm>> -> memref<1x624x16xf32, #tpu.memory_space<hbm>>
      %dma_start3A_100 = tpu.memref_squeeze %dma_start3A_99 : memref<1x624x16xf32, #tpu.memory_space<hbm>> -> memref<624x16xf32, #tpu.memory_space<hbm>>
      %dma_start3A_101 = arith.constant 0 : i32
      %dma_start3A_102 = tpu.memref_slice %arg8[%mul3A_2, %dma_start3A_101] : memref<10512x16xf32, #tpu.memory_space<vmem_shared>> -> memref<624x16xf32, #tpu.memory_space<vmem_shared>>
      tpu.enqueue_dma source(%dma_start3A_102 : memref<624x16xf32, #tpu.memory_space<vmem_shared>>) target(%dma_start3A_100 : memref<624x16xf32, #tpu.memory_space<hbm>>) target_semaphore(%run_scoped3A : memref<!tpu.dma_semaphore, #tpu.memory_space<semaphore_mem>>)
      %dma_wait3A_103 = arith.constant 0 : i32
      %dma_wait3A_104 = tpu.memref_slice %arg5[%arg0, %mul3A_2, %dma_wait3A_103] : memref<2x10000x16xf32, #tpu.memory_space<hbm>> -> memref<1x624x16xf32, #tpu.memory_space<hbm>>
      %dma_wait3A_105 = tpu.memref_squeeze %dma_wait3A_104 : memref<1x624x16xf32, #tpu.memory_space<hbm>> -> memref<624x16xf32, #tpu.memory_space<hbm>>
      %dma_wait3A_106 = arith.constant 0 : i32
      %dma_wait3A_107 = tpu.memref_slice %arg8[%mul3A_2, %dma_wait3A_106] : memref<10512x16xf32, #tpu.memory_space<vmem_shared>> -> memref<624x16xf32, #tpu.memory_space<vmem_shared>>
      tpu.wait_dma2 semaphore(%run_scoped3A : memref<!tpu.dma_semaphore, #tpu.memory_space<semaphore_mem>>) src(%dma_wait3A_107 : memref<624x16xf32, #tpu.memory_space<vmem_shared>>) dst(%dma_wait3A_105 : memref<624x16xf32, #tpu.memory_space<hbm>>)
      tpu.yield
    }) : () -> ()
    %eq3A_94 = arith.constant 0 : i32
    %eq3A_95 = arith.cmpi eq, %arg1, %eq3A_94 : i32
    %convert_element_type3A_96 = arith.extui %eq3A_95 : i1 to i32
    %cond3A_97 = arith.constant 0 : i32
    %cond3A_98 = arith.cmpi ne, %convert_element_type3A_96, %cond3A_97 : i32
    scf.if %cond3A_98 {
      "tpu.region"() ({
        %run_scoped3A = tpu.sem_alloc : memref<!tpu.dma_semaphore, #tpu.memory_space<semaphore_mem>>
        %dma_start3A = arith.constant 9984 : i32
        %dma_start3A_99 = arith.constant 0 : i32
        %dma_start3A_100 = tpu.memref_slice %arg5[%arg0, %dma_start3A, %dma_start3A_99] : memref<2x10000x16xf32, #tpu.memory_space<hbm>> -> memref<1x16x16xf32, #tpu.memory_space<hbm>>
        %dma_start3A_101 = tpu.memref_squeeze %dma_start3A_100 : memref<1x16x16xf32, #tpu.memory_space<hbm>> -> memref<16x16xf32, #tpu.memory_space<hbm>>
        %dma_start3A_102 = arith.constant 9984 : i32
        %dma_start3A_103 = arith.constant 0 : i32
        %dma_start3A_104 = tpu.memref_slice %arg8[%dma_start3A_102, %dma_start3A_103] : memref<10512x16xf32, #tpu.memory_space<vmem_shared>> -> memref<16x16xf32, #tpu.memory_space<vmem_shared>>
        tpu.enqueue_dma source(%dma_start3A_104 : memref<16x16xf32, #tpu.memory_space<vmem_shared>>) target(%dma_start3A_101 : memref<16x16xf32, #tpu.memory_space<hbm>>) target_semaphore(%run_scoped3A : memref<!tpu.dma_semaphore, #tpu.memory_space<semaphore_mem>>)
        %dma_wait3A_105 = arith.constant 9984 : i32
        %dma_wait3A_106 = arith.constant 0 : i32
        %dma_wait3A_107 = tpu.memref_slice %arg5[%arg0, %dma_wait3A_105, %dma_wait3A_106] : memref<2x10000x16xf32, #tpu.memory_space<hbm>> -> memref<1x16x16xf32, #tpu.memory_space<hbm>>
        %dma_wait3A_108 = tpu.memref_squeeze %dma_wait3A_107 : memref<1x16x16xf32, #tpu.memory_space<hbm>> -> memref<16x16xf32, #tpu.memory_space<hbm>>
        %dma_wait3A_109 = arith.constant 9984 : i32
        %dma_wait3A_110 = arith.constant 0 : i32
        %dma_wait3A_111 = tpu.memref_slice %arg8[%dma_wait3A_109, %dma_wait3A_110] : memref<10512x16xf32, #tpu.memory_space<vmem_shared>> -> memref<16x16xf32, #tpu.memory_space<vmem_shared>>
        tpu.wait_dma2 semaphore(%run_scoped3A : memref<!tpu.dma_semaphore, #tpu.memory_space<semaphore_mem>>) src(%dma_wait3A_111 : memref<16x16xf32, #tpu.memory_space<vmem_shared>>) dst(%dma_wait3A_108 : memref<16x16xf32, #tpu.memory_space<hbm>>)
        tpu.yield
      }) : () -> ()
    } else {
    }
    return
  }
}

#map = affine_map<(d0, d1) -> (0, 0)>
#map1 = affine_map<(d0, d1) -> (0, 0, 0)>
module attributes {stable_mosaic.version = 14 : i64} {
  func.func @_sc_agg_body(%arg0: i32, %arg1: i32, %arg2: memref<10000x64xf32, #tpu.memory_space<hbm>>, %arg3: memref<32x80x128xi32, #tpu.memory_space<hbm>>, %arg4: memref<32x80x128xi32, #tpu.memory_space<hbm>>, %arg5: memref<624x64xf32, #tpu.memory_space<hbm>>, %arg6: memref<2x10000x64xf32, #tpu.memory_space<hbm>>, %arg7: memref<80x128xi32, #tpu.memory_space<vmem>>, %arg8: memref<80x128xi32, #tpu.memory_space<vmem>>, %arg9: memref<8x128x64xf32, #tpu.memory_space<vmem>>, %arg10: memref<10512x64xf32, #tpu.memory_space<vmem_shared>>, %arg11: memref<8x!tpu.dma_semaphore, #tpu.memory_space<semaphore_mem>>, %arg12: memref<8x!tpu.dma_semaphore, #tpu.memory_space<semaphore_mem>>) attributes {dimension_semantics = [#tpu.dimension_semantics<core_parallel>, #tpu.dimension_semantics<subcore_parallel>], iteration_bounds = array<i64: 2, 16>, scalar_prefetch = 0 : i64, scratch_operands = 6 : i64, tpu.core_type = #tpu.core_type<sc_vector_subcore>, window_params = [{transform_indices = #map}, {transform_indices = #map1}, {transform_indices = #map1}, {transform_indices = #map}, {transform_indices = #map1}]} {
    %mul3A = arith.constant 16 : i32
    %mul3A_0 = arith.muli %arg0, %mul3A : i32
    %add3A = arith.addi %mul3A_0, %arg1 : i32
    %mul3A_1 = arith.constant 624 : i32
    %mul3A_2 = arith.muli %arg1, %mul3A_1 : i32
    "tpu.region"() ({
      %run_scoped3A = tpu.sem_alloc : memref<!tpu.dma_semaphore, #tpu.memory_space<semaphore_mem>>
      %dma_start3A_228 = arith.constant 0 : i32
      %dma_start3A_229 = tpu.memref_slice %arg10[%mul3A_2, %dma_start3A_228] : memref<10512x64xf32, #tpu.memory_space<vmem_shared>> -> memref<624x64xf32, #tpu.memory_space<vmem_shared>>
      tpu.enqueue_dma source(%arg5 : memref<624x64xf32, #tpu.memory_space<hbm>>) target(%dma_start3A_229 : memref<624x64xf32, #tpu.memory_space<vmem_shared>>) target_semaphore(%run_scoped3A : memref<!tpu.dma_semaphore, #tpu.memory_space<semaphore_mem>>)
      %dma_wait3A_230 = arith.constant 0 : i32
      %dma_wait3A_231 = tpu.memref_slice %arg10[%mul3A_2, %dma_wait3A_230] : memref<10512x64xf32, #tpu.memory_space<vmem_shared>> -> memref<624x64xf32, #tpu.memory_space<vmem_shared>>
      tpu.wait_dma2 semaphore(%run_scoped3A : memref<!tpu.dma_semaphore, #tpu.memory_space<semaphore_mem>>) src(%arg5 : memref<624x64xf32, #tpu.memory_space<hbm>>) dst(%dma_wait3A_231 : memref<624x64xf32, #tpu.memory_space<vmem_shared>>)
      tpu.yield
    }) : () -> ()
    %mul3A_3 = arith.constant 32 : i32
    %mul3A_4 = arith.muli %arg1, %mul3A_3 : i32
    %add3A_5 = arith.constant 10000 : i32
    %add3A_6 = arith.addi %add3A_5, %mul3A_4 : i32
    "tpu.region"() ({
      %run_scoped3A = tpu.sem_alloc : memref<!tpu.dma_semaphore, #tpu.memory_space<semaphore_mem>>
      %dma_start3A_228 = arith.constant 0 : i32
      %dma_start3A_229 = tpu.memref_slice %arg10[%add3A_6, %dma_start3A_228] : memref<10512x64xf32, #tpu.memory_space<vmem_shared>> -> memref<32x64xf32, #tpu.memory_space<vmem_shared>>
      %dma_start3A_230 = arith.constant 0 : i32
      %dma_start3A_231 = arith.constant 0 : i32
      %dma_start3A_232 = tpu.memref_slice %arg5[%dma_start3A_230, %dma_start3A_231] : memref<624x64xf32, #tpu.memory_space<hbm>> -> memref<32x64xf32, #tpu.memory_space<hbm>>
      tpu.enqueue_dma source(%dma_start3A_232 : memref<32x64xf32, #tpu.memory_space<hbm>>) target(%dma_start3A_229 : memref<32x64xf32, #tpu.memory_space<vmem_shared>>) target_semaphore(%run_scoped3A : memref<!tpu.dma_semaphore, #tpu.memory_space<semaphore_mem>>)
      %dma_wait3A_233 = arith.constant 0 : i32
      %dma_wait3A_234 = tpu.memref_slice %arg10[%add3A_6, %dma_wait3A_233] : memref<10512x64xf32, #tpu.memory_space<vmem_shared>> -> memref<32x64xf32, #tpu.memory_space<vmem_shared>>
      %dma_wait3A_235 = arith.constant 0 : i32
      %dma_wait3A_236 = arith.constant 0 : i32
      %dma_wait3A_237 = tpu.memref_slice %arg5[%dma_wait3A_235, %dma_wait3A_236] : memref<624x64xf32, #tpu.memory_space<hbm>> -> memref<32x64xf32, #tpu.memory_space<hbm>>
      tpu.wait_dma2 semaphore(%run_scoped3A : memref<!tpu.dma_semaphore, #tpu.memory_space<semaphore_mem>>) src(%dma_wait3A_237 : memref<32x64xf32, #tpu.memory_space<hbm>>) dst(%dma_wait3A_234 : memref<32x64xf32, #tpu.memory_space<vmem_shared>>)
      tpu.yield
    }) : () -> ()
    %eq3A = arith.constant 0 : i32
    %eq3A_7 = arith.cmpi eq, %arg1, %eq3A : i32
    %convert_element_type3A = arith.extui %eq3A_7 : i1 to i32
    %cond3A = arith.constant 0 : i32
    %cond3A_8 = arith.cmpi ne, %convert_element_type3A, %cond3A : i32
    scf.if %cond3A_8 {
      "tpu.region"() ({
        %run_scoped3A = tpu.sem_alloc : memref<!tpu.dma_semaphore, #tpu.memory_space<semaphore_mem>>
        %dma_start3A_228 = arith.constant 9984 : i32
        %dma_start3A_229 = arith.constant 0 : i32
        %dma_start3A_230 = tpu.memref_slice %arg10[%dma_start3A_228, %dma_start3A_229] : memref<10512x64xf32, #tpu.memory_space<vmem_shared>> -> memref<16x64xf32, #tpu.memory_space<vmem_shared>>
        %dma_start3A_231 = arith.constant 0 : i32
        %dma_start3A_232 = arith.constant 0 : i32
        %dma_start3A_233 = tpu.memref_slice %arg5[%dma_start3A_231, %dma_start3A_232] : memref<624x64xf32, #tpu.memory_space<hbm>> -> memref<16x64xf32, #tpu.memory_space<hbm>>
        tpu.enqueue_dma source(%dma_start3A_233 : memref<16x64xf32, #tpu.memory_space<hbm>>) target(%dma_start3A_230 : memref<16x64xf32, #tpu.memory_space<vmem_shared>>) target_semaphore(%run_scoped3A : memref<!tpu.dma_semaphore, #tpu.memory_space<semaphore_mem>>)
        %dma_wait3A_234 = arith.constant 9984 : i32
        %dma_wait3A_235 = arith.constant 0 : i32
        %dma_wait3A_236 = tpu.memref_slice %arg10[%dma_wait3A_234, %dma_wait3A_235] : memref<10512x64xf32, #tpu.memory_space<vmem_shared>> -> memref<16x64xf32, #tpu.memory_space<vmem_shared>>
        %dma_wait3A_237 = arith.constant 0 : i32
        %dma_wait3A_238 = arith.constant 0 : i32
        %dma_wait3A_239 = tpu.memref_slice %arg5[%dma_wait3A_237, %dma_wait3A_238] : memref<624x64xf32, #tpu.memory_space<hbm>> -> memref<16x64xf32, #tpu.memory_space<hbm>>
        tpu.wait_dma2 semaphore(%run_scoped3A : memref<!tpu.dma_semaphore, #tpu.memory_space<semaphore_mem>>) src(%dma_wait3A_239 : memref<16x64xf32, #tpu.memory_space<hbm>>) dst(%dma_wait3A_236 : memref<16x64xf32, #tpu.memory_space<vmem_shared>>)
        tpu.yield
      }) : () -> ()
    } else {
    }
    "tpu.region"() ({
      %run_scoped3A = tpu.sem_alloc : memref<!tpu.dma_semaphore, #tpu.memory_space<semaphore_mem>>
      %dma_start3A_228 = arith.constant 0 : i32
      %dma_start3A_229 = arith.constant 0 : i32
      %dma_start3A_230 = tpu.memref_slice %arg3[%add3A, %dma_start3A_228, %dma_start3A_229] : memref<32x80x128xi32, #tpu.memory_space<hbm>> -> memref<1x80x128xi32, #tpu.memory_space<hbm>>
      %dma_start3A_231 = tpu.memref_squeeze %dma_start3A_230 : memref<1x80x128xi32, #tpu.memory_space<hbm>> -> memref<80x128xi32, #tpu.memory_space<hbm>>
      %dma_start3A_232 = arith.constant 0 : i32
      %dma_start3A_233 = arith.constant 0 : i32
      %dma_start3A_234 = tpu.memref_slice %arg3[%add3A, %dma_start3A_232, %dma_start3A_233] : memref<32x80x128xi32, #tpu.memory_space<hbm>> -> memref<1x80x128xi32, #tpu.memory_space<hbm>>
      %dma_start3A_235 = tpu.memref_squeeze %dma_start3A_234 : memref<1x80x128xi32, #tpu.memory_space<hbm>> -> memref<80x128xi32, #tpu.memory_space<hbm>>
      tpu.enqueue_dma source(%dma_start3A_235 : memref<80x128xi32, #tpu.memory_space<hbm>>) target(%arg7 : memref<80x128xi32, #tpu.memory_space<vmem>>) target_semaphore(%run_scoped3A : memref<!tpu.dma_semaphore, #tpu.memory_space<semaphore_mem>>)
      %dma_wait3A_236 = arith.constant 0 : i32
      %dma_wait3A_237 = arith.constant 0 : i32
      %dma_wait3A_238 = tpu.memref_slice %arg3[%add3A, %dma_wait3A_236, %dma_wait3A_237] : memref<32x80x128xi32, #tpu.memory_space<hbm>> -> memref<1x80x128xi32, #tpu.memory_space<hbm>>
      %dma_wait3A_239 = tpu.memref_squeeze %dma_wait3A_238 : memref<1x80x128xi32, #tpu.memory_space<hbm>> -> memref<80x128xi32, #tpu.memory_space<hbm>>
      %dma_wait3A_240 = arith.constant 0 : i32
      %dma_wait3A_241 = arith.constant 0 : i32
      %dma_wait3A_242 = tpu.memref_slice %arg3[%add3A, %dma_wait3A_240, %dma_wait3A_241] : memref<32x80x128xi32, #tpu.memory_space<hbm>> -> memref<1x80x128xi32, #tpu.memory_space<hbm>>
      %dma_wait3A_243 = tpu.memref_squeeze %dma_wait3A_242 : memref<1x80x128xi32, #tpu.memory_space<hbm>> -> memref<80x128xi32, #tpu.memory_space<hbm>>
      tpu.wait_dma2 semaphore(%run_scoped3A : memref<!tpu.dma_semaphore, #tpu.memory_space<semaphore_mem>>) src(%dma_wait3A_243 : memref<80x128xi32, #tpu.memory_space<hbm>>) dst(%arg7 : memref<80x128xi32, #tpu.memory_space<vmem>>)
      tpu.yield
    }) : () -> ()
    "tpu.region"() ({
      %run_scoped3A = tpu.sem_alloc : memref<!tpu.dma_semaphore, #tpu.memory_space<semaphore_mem>>
      %dma_start3A_228 = arith.constant 0 : i32
      %dma_start3A_229 = arith.constant 0 : i32
      %dma_start3A_230 = tpu.memref_slice %arg4[%add3A, %dma_start3A_228, %dma_start3A_229] : memref<32x80x128xi32, #tpu.memory_space<hbm>> -> memref<1x80x128xi32, #tpu.memory_space<hbm>>
      %dma_start3A_231 = tpu.memref_squeeze %dma_start3A_230 : memref<1x80x128xi32, #tpu.memory_space<hbm>> -> memref<80x128xi32, #tpu.memory_space<hbm>>
      %dma_start3A_232 = arith.constant 0 : i32
      %dma_start3A_233 = arith.constant 0 : i32
      %dma_start3A_234 = tpu.memref_slice %arg4[%add3A, %dma_start3A_232, %dma_start3A_233] : memref<32x80x128xi32, #tpu.memory_space<hbm>> -> memref<1x80x128xi32, #tpu.memory_space<hbm>>
      %dma_start3A_235 = tpu.memref_squeeze %dma_start3A_234 : memref<1x80x128xi32, #tpu.memory_space<hbm>> -> memref<80x128xi32, #tpu.memory_space<hbm>>
      tpu.enqueue_dma source(%dma_start3A_235 : memref<80x128xi32, #tpu.memory_space<hbm>>) target(%arg8 : memref<80x128xi32, #tpu.memory_space<vmem>>) target_semaphore(%run_scoped3A : memref<!tpu.dma_semaphore, #tpu.memory_space<semaphore_mem>>)
      %dma_wait3A_236 = arith.constant 0 : i32
      %dma_wait3A_237 = arith.constant 0 : i32
      %dma_wait3A_238 = tpu.memref_slice %arg4[%add3A, %dma_wait3A_236, %dma_wait3A_237] : memref<32x80x128xi32, #tpu.memory_space<hbm>> -> memref<1x80x128xi32, #tpu.memory_space<hbm>>
      %dma_wait3A_239 = tpu.memref_squeeze %dma_wait3A_238 : memref<1x80x128xi32, #tpu.memory_space<hbm>> -> memref<80x128xi32, #tpu.memory_space<hbm>>
      %dma_wait3A_240 = arith.constant 0 : i32
      %dma_wait3A_241 = arith.constant 0 : i32
      %dma_wait3A_242 = tpu.memref_slice %arg4[%add3A, %dma_wait3A_240, %dma_wait3A_241] : memref<32x80x128xi32, #tpu.memory_space<hbm>> -> memref<1x80x128xi32, #tpu.memory_space<hbm>>
      %dma_wait3A_243 = tpu.memref_squeeze %dma_wait3A_242 : memref<1x80x128xi32, #tpu.memory_space<hbm>> -> memref<80x128xi32, #tpu.memory_space<hbm>>
      tpu.wait_dma2 semaphore(%run_scoped3A : memref<!tpu.dma_semaphore, #tpu.memory_space<semaphore_mem>>) src(%dma_wait3A_243 : memref<80x128xi32, #tpu.memory_space<hbm>>) dst(%arg8 : memref<80x128xi32, #tpu.memory_space<vmem>>)
      tpu.yield
    }) : () -> ()
    %barrier3A = arith.constant 0 : index
    tpu.barrier barrier_id(%barrier3A)
    %dma_start3A = arith.constant 0 : i32
    %dma_start3A_9 = arith.constant 0 : i32
    %dma_start3A_10 = arith.constant 0 : i32
    %dma_start3A_11 = arith.constant 0 : i32
    %dma_start3A_12 = arith.constant 0 : i32
    %dma_start3A_13 = tpu.memref_slice %arg9[%dma_start3A_9, %dma_start3A_11, %dma_start3A_12] : memref<8x128x64xf32, #tpu.memory_space<vmem>> -> memref<1x128x64xf32, #tpu.memory_space<vmem>>
    %dma_start3A_14 = tpu.memref_squeeze %dma_start3A_13 : memref<1x128x64xf32, #tpu.memory_space<vmem>> -> memref<128x64xf32, #tpu.memory_space<vmem>>
    %dma_start3A_15 = arith.constant 0 : i32
    %dma_start3A_16 = tpu.memref_slice %arg7[%dma_start3A, %dma_start3A_15] : memref<80x128xi32, #tpu.memory_space<vmem>> -> memref<1x128xi32, #tpu.memory_space<vmem>>
    %dma_start3A_17 = tpu.memref_squeeze %dma_start3A_16 : memref<1x128xi32, #tpu.memory_space<vmem>> -> memref<128xi32, #tpu.memory_space<vmem>>
    %dma_start3A_18 = arith.constant 0 : i32
    %dma_start3A_19 = arith.constant 0 : i32
    %dma_start3A_20 = tpu.memref_slice %arg2[%dma_start3A_18, %dma_start3A_19] : memref<10000x64xf32, #tpu.memory_space<hbm>> -> memref<10000x64xf32, #tpu.memory_space<hbm>>
    %dma_start3A_21 = tpu.memref_slice %arg11[%dma_start3A_10] : memref<8x!tpu.dma_semaphore, #tpu.memory_space<semaphore_mem>> -> memref<1x!tpu.dma_semaphore, #tpu.memory_space<semaphore_mem>>
    %dma_start3A_22 = tpu.memref_squeeze %dma_start3A_21 : memref<1x!tpu.dma_semaphore, #tpu.memory_space<semaphore_mem>> -> memref<!tpu.dma_semaphore, #tpu.memory_space<semaphore_mem>>
    tpu.enqueue_indirect_dma source(%dma_start3A_20 : memref<10000x64xf32, #tpu.memory_space<hbm>>) target(%dma_start3A_14 : memref<128x64xf32, #tpu.memory_space<vmem>>) offsets(%dma_start3A_17 : memref<128xi32, #tpu.memory_space<vmem>>) semaphore(%dma_start3A_22 : memref<!tpu.dma_semaphore, #tpu.memory_space<semaphore_mem>>)
    %dma_start3A_23 = arith.constant 1 : i32
    %dma_start3A_24 = arith.constant 1 : i32
    %dma_start3A_25 = arith.constant 1 : i32
    %dma_start3A_26 = arith.constant 0 : i32
    %dma_start3A_27 = arith.constant 0 : i32
    %dma_start3A_28 = tpu.memref_slice %arg9[%dma_start3A_24, %dma_start3A_26, %dma_start3A_27] : memref<8x128x64xf32, #tpu.memory_space<vmem>> -> memref<1x128x64xf32, #tpu.memory_space<vmem>>
    %dma_start3A_29 = tpu.memref_squeeze %dma_start3A_28 : memref<1x128x64xf32, #tpu.memory_space<vmem>> -> memref<128x64xf32, #tpu.memory_space<vmem>>
    %dma_start3A_30 = arith.constant 0 : i32
    %dma_start3A_31 = tpu.memref_slice %arg7[%dma_start3A_23, %dma_start3A_30] : memref<80x128xi32, #tpu.memory_space<vmem>> -> memref<1x128xi32, #tpu.memory_space<vmem>>
    %dma_start3A_32 = tpu.memref_squeeze %dma_start3A_31 : memref<1x128xi32, #tpu.memory_space<vmem>> -> memref<128xi32, #tpu.memory_space<vmem>>
    %dma_start3A_33 = arith.constant 0 : i32
    %dma_start3A_34 = arith.constant 0 : i32
    %dma_start3A_35 = tpu.memref_slice %arg2[%dma_start3A_33, %dma_start3A_34] : memref<10000x64xf32, #tpu.memory_space<hbm>> -> memref<10000x64xf32, #tpu.memory_space<hbm>>
    %dma_start3A_36 = tpu.memref_slice %arg11[%dma_start3A_25] : memref<8x!tpu.dma_semaphore, #tpu.memory_space<semaphore_mem>> -> memref<1x!tpu.dma_semaphore, #tpu.memory_space<semaphore_mem>>
    %dma_start3A_37 = tpu.memref_squeeze %dma_start3A_36 : memref<1x!tpu.dma_semaphore, #tpu.memory_space<semaphore_mem>> -> memref<!tpu.dma_semaphore, #tpu.memory_space<semaphore_mem>>
    tpu.enqueue_indirect_dma source(%dma_start3A_35 : memref<10000x64xf32, #tpu.memory_space<hbm>>) target(%dma_start3A_29 : memref<128x64xf32, #tpu.memory_space<vmem>>) offsets(%dma_start3A_32 : memref<128xi32, #tpu.memory_space<vmem>>) semaphore(%dma_start3A_37 : memref<!tpu.dma_semaphore, #tpu.memory_space<semaphore_mem>>)
    %dma_start3A_38 = arith.constant 2 : i32
    %dma_start3A_39 = arith.constant 2 : i32
    %dma_start3A_40 = arith.constant 2 : i32
    %dma_start3A_41 = arith.constant 0 : i32
    %dma_start3A_42 = arith.constant 0 : i32
    %dma_start3A_43 = tpu.memref_slice %arg9[%dma_start3A_39, %dma_start3A_41, %dma_start3A_42] : memref<8x128x64xf32, #tpu.memory_space<vmem>> -> memref<1x128x64xf32, #tpu.memory_space<vmem>>
    %dma_start3A_44 = tpu.memref_squeeze %dma_start3A_43 : memref<1x128x64xf32, #tpu.memory_space<vmem>> -> memref<128x64xf32, #tpu.memory_space<vmem>>
    %dma_start3A_45 = arith.constant 0 : i32
    %dma_start3A_46 = tpu.memref_slice %arg7[%dma_start3A_38, %dma_start3A_45] : memref<80x128xi32, #tpu.memory_space<vmem>> -> memref<1x128xi32, #tpu.memory_space<vmem>>
    %dma_start3A_47 = tpu.memref_squeeze %dma_start3A_46 : memref<1x128xi32, #tpu.memory_space<vmem>> -> memref<128xi32, #tpu.memory_space<vmem>>
    %dma_start3A_48 = arith.constant 0 : i32
    %dma_start3A_49 = arith.constant 0 : i32
    %dma_start3A_50 = tpu.memref_slice %arg2[%dma_start3A_48, %dma_start3A_49] : memref<10000x64xf32, #tpu.memory_space<hbm>> -> memref<10000x64xf32, #tpu.memory_space<hbm>>
    %dma_start3A_51 = tpu.memref_slice %arg11[%dma_start3A_40] : memref<8x!tpu.dma_semaphore, #tpu.memory_space<semaphore_mem>> -> memref<1x!tpu.dma_semaphore, #tpu.memory_space<semaphore_mem>>
    %dma_start3A_52 = tpu.memref_squeeze %dma_start3A_51 : memref<1x!tpu.dma_semaphore, #tpu.memory_space<semaphore_mem>> -> memref<!tpu.dma_semaphore, #tpu.memory_space<semaphore_mem>>
    tpu.enqueue_indirect_dma source(%dma_start3A_50 : memref<10000x64xf32, #tpu.memory_space<hbm>>) target(%dma_start3A_44 : memref<128x64xf32, #tpu.memory_space<vmem>>) offsets(%dma_start3A_47 : memref<128xi32, #tpu.memory_space<vmem>>) semaphore(%dma_start3A_52 : memref<!tpu.dma_semaphore, #tpu.memory_space<semaphore_mem>>)
    %dma_start3A_53 = arith.constant 3 : i32
    %dma_start3A_54 = arith.constant 3 : i32
    %dma_start3A_55 = arith.constant 3 : i32
    %dma_start3A_56 = arith.constant 0 : i32
    %dma_start3A_57 = arith.constant 0 : i32
    %dma_start3A_58 = tpu.memref_slice %arg9[%dma_start3A_54, %dma_start3A_56, %dma_start3A_57] : memref<8x128x64xf32, #tpu.memory_space<vmem>> -> memref<1x128x64xf32, #tpu.memory_space<vmem>>
    %dma_start3A_59 = tpu.memref_squeeze %dma_start3A_58 : memref<1x128x64xf32, #tpu.memory_space<vmem>> -> memref<128x64xf32, #tpu.memory_space<vmem>>
    %dma_start3A_60 = arith.constant 0 : i32
    %dma_start3A_61 = tpu.memref_slice %arg7[%dma_start3A_53, %dma_start3A_60] : memref<80x128xi32, #tpu.memory_space<vmem>> -> memref<1x128xi32, #tpu.memory_space<vmem>>
    %dma_start3A_62 = tpu.memref_squeeze %dma_start3A_61 : memref<1x128xi32, #tpu.memory_space<vmem>> -> memref<128xi32, #tpu.memory_space<vmem>>
    %dma_start3A_63 = arith.constant 0 : i32
    %dma_start3A_64 = arith.constant 0 : i32
    %dma_start3A_65 = tpu.memref_slice %arg2[%dma_start3A_63, %dma_start3A_64] : memref<10000x64xf32, #tpu.memory_space<hbm>> -> memref<10000x64xf32, #tpu.memory_space<hbm>>
    %dma_start3A_66 = tpu.memref_slice %arg11[%dma_start3A_55] : memref<8x!tpu.dma_semaphore, #tpu.memory_space<semaphore_mem>> -> memref<1x!tpu.dma_semaphore, #tpu.memory_space<semaphore_mem>>
    %dma_start3A_67 = tpu.memref_squeeze %dma_start3A_66 : memref<1x!tpu.dma_semaphore, #tpu.memory_space<semaphore_mem>> -> memref<!tpu.dma_semaphore, #tpu.memory_space<semaphore_mem>>
    tpu.enqueue_indirect_dma source(%dma_start3A_65 : memref<10000x64xf32, #tpu.memory_space<hbm>>) target(%dma_start3A_59 : memref<128x64xf32, #tpu.memory_space<vmem>>) offsets(%dma_start3A_62 : memref<128xi32, #tpu.memory_space<vmem>>) semaphore(%dma_start3A_67 : memref<!tpu.dma_semaphore, #tpu.memory_space<semaphore_mem>>)
    %dma_start3A_68 = arith.constant 4 : i32
    %dma_start3A_69 = arith.constant 4 : i32
    %dma_start3A_70 = arith.constant 4 : i32
    %dma_start3A_71 = arith.constant 0 : i32
    %dma_start3A_72 = arith.constant 0 : i32
    %dma_start3A_73 = tpu.memref_slice %arg9[%dma_start3A_69, %dma_start3A_71, %dma_start3A_72] : memref<8x128x64xf32, #tpu.memory_space<vmem>> -> memref<1x128x64xf32, #tpu.memory_space<vmem>>
    %dma_start3A_74 = tpu.memref_squeeze %dma_start3A_73 : memref<1x128x64xf32, #tpu.memory_space<vmem>> -> memref<128x64xf32, #tpu.memory_space<vmem>>
    %dma_start3A_75 = arith.constant 0 : i32
    %dma_start3A_76 = tpu.memref_slice %arg7[%dma_start3A_68, %dma_start3A_75] : memref<80x128xi32, #tpu.memory_space<vmem>> -> memref<1x128xi32, #tpu.memory_space<vmem>>
    %dma_start3A_77 = tpu.memref_squeeze %dma_start3A_76 : memref<1x128xi32, #tpu.memory_space<vmem>> -> memref<128xi32, #tpu.memory_space<vmem>>
    %dma_start3A_78 = arith.constant 0 : i32
    %dma_start3A_79 = arith.constant 0 : i32
    %dma_start3A_80 = tpu.memref_slice %arg2[%dma_start3A_78, %dma_start3A_79] : memref<10000x64xf32, #tpu.memory_space<hbm>> -> memref<10000x64xf32, #tpu.memory_space<hbm>>
    %dma_start3A_81 = tpu.memref_slice %arg11[%dma_start3A_70] : memref<8x!tpu.dma_semaphore, #tpu.memory_space<semaphore_mem>> -> memref<1x!tpu.dma_semaphore, #tpu.memory_space<semaphore_mem>>
    %dma_start3A_82 = tpu.memref_squeeze %dma_start3A_81 : memref<1x!tpu.dma_semaphore, #tpu.memory_space<semaphore_mem>> -> memref<!tpu.dma_semaphore, #tpu.memory_space<semaphore_mem>>
    tpu.enqueue_indirect_dma source(%dma_start3A_80 : memref<10000x64xf32, #tpu.memory_space<hbm>>) target(%dma_start3A_74 : memref<128x64xf32, #tpu.memory_space<vmem>>) offsets(%dma_start3A_77 : memref<128xi32, #tpu.memory_space<vmem>>) semaphore(%dma_start3A_82 : memref<!tpu.dma_semaphore, #tpu.memory_space<semaphore_mem>>)
    %dma_start3A_83 = arith.constant 5 : i32
    %dma_start3A_84 = arith.constant 5 : i32
    %dma_start3A_85 = arith.constant 5 : i32
    %dma_start3A_86 = arith.constant 0 : i32
    %dma_start3A_87 = arith.constant 0 : i32
    %dma_start3A_88 = tpu.memref_slice %arg9[%dma_start3A_84, %dma_start3A_86, %dma_start3A_87] : memref<8x128x64xf32, #tpu.memory_space<vmem>> -> memref<1x128x64xf32, #tpu.memory_space<vmem>>
    %dma_start3A_89 = tpu.memref_squeeze %dma_start3A_88 : memref<1x128x64xf32, #tpu.memory_space<vmem>> -> memref<128x64xf32, #tpu.memory_space<vmem>>
    %dma_start3A_90 = arith.constant 0 : i32
    %dma_start3A_91 = tpu.memref_slice %arg7[%dma_start3A_83, %dma_start3A_90] : memref<80x128xi32, #tpu.memory_space<vmem>> -> memref<1x128xi32, #tpu.memory_space<vmem>>
    %dma_start3A_92 = tpu.memref_squeeze %dma_start3A_91 : memref<1x128xi32, #tpu.memory_space<vmem>> -> memref<128xi32, #tpu.memory_space<vmem>>
    %dma_start3A_93 = arith.constant 0 : i32
    %dma_start3A_94 = arith.constant 0 : i32
    %dma_start3A_95 = tpu.memref_slice %arg2[%dma_start3A_93, %dma_start3A_94] : memref<10000x64xf32, #tpu.memory_space<hbm>> -> memref<10000x64xf32, #tpu.memory_space<hbm>>
    %dma_start3A_96 = tpu.memref_slice %arg11[%dma_start3A_85] : memref<8x!tpu.dma_semaphore, #tpu.memory_space<semaphore_mem>> -> memref<1x!tpu.dma_semaphore, #tpu.memory_space<semaphore_mem>>
    %dma_start3A_97 = tpu.memref_squeeze %dma_start3A_96 : memref<1x!tpu.dma_semaphore, #tpu.memory_space<semaphore_mem>> -> memref<!tpu.dma_semaphore, #tpu.memory_space<semaphore_mem>>
    tpu.enqueue_indirect_dma source(%dma_start3A_95 : memref<10000x64xf32, #tpu.memory_space<hbm>>) target(%dma_start3A_89 : memref<128x64xf32, #tpu.memory_space<vmem>>) offsets(%dma_start3A_92 : memref<128xi32, #tpu.memory_space<vmem>>) semaphore(%dma_start3A_97 : memref<!tpu.dma_semaphore, #tpu.memory_space<semaphore_mem>>)
    %scan3A = arith.constant 0 : i32
    %scan3A_98 = arith.constant 0 : i32
    %scan3A_99 = arith.constant 10 : i32
    %scan3A_100 = arith.addi %scan3A_98, %scan3A_99 : i32
    %scan3A_101 = arith.constant 1 : i32
    scf.for %scan3A_228 = %scan3A_98 to %scan3A_100 step %scan3A_101  : i32 {
      %mul3A_229 = arith.constant 8 : i32
      %mul3A_230 = arith.muli %scan3A_228, %mul3A_229 : i32
      %add3A_231 = arith.constant 0 : i32
      %add3A_232 = arith.addi %mul3A_230, %add3A_231 : i32
      %add3A_233 = arith.constant 6 : i32
      %add3A_234 = arith.addi %add3A_232, %add3A_233 : i32
      %lt3A = arith.constant 80 : i32
      %lt3A_235 = arith.cmpi slt, %add3A_234, %lt3A : i32
      %convert_element_type3A_236 = arith.extui %lt3A_235 : i1 to i32
      %cond3A_237 = arith.constant 0 : i32
      %cond3A_238 = arith.cmpi ne, %convert_element_type3A_236, %cond3A_237 : i32
      scf.if %cond3A_238 {
        %ge3A = arith.constant 8 : i32
        %ge3A_540 = arith.cmpi sge, %add3A_234, %ge3A : i32
        %convert_element_type3A_541 = arith.extui %ge3A_540 : i1 to i32
        %cond3A_542 = arith.constant 0 : i32
        %cond3A_543 = arith.cmpi ne, %convert_element_type3A_541, %cond3A_542 : i32
        scf.if %cond3A_543 {
          %dma_wait3A_558 = arith.constant 6 : i32
          %dma_wait3A_559 = arith.constant 0 : i32
          %dma_wait3A_560 = arith.constant 6 : i32
          %dma_wait3A_561 = arith.constant 0 : i32
          %dma_wait3A_562 = arith.constant 0 : i32
          %dma_wait3A_563 = tpu.memref_slice %arg9[%dma_wait3A_558, %dma_wait3A_561, %dma_wait3A_562] : memref<8x128x64xf32, #tpu.memory_space<vmem>> -> memref<1x128x64xf32, #tpu.memory_space<vmem>>
          %dma_wait3A_564 = tpu.memref_squeeze %dma_wait3A_563 : memref<1x128x64xf32, #tpu.memory_space<vmem>> -> memref<128x64xf32, #tpu.memory_space<vmem>>
          %dma_wait3A_565 = arith.constant 0 : i32
          %dma_wait3A_566 = tpu.memref_slice %arg8[%dma_wait3A_559, %dma_wait3A_565] : memref<80x128xi32, #tpu.memory_space<vmem>> -> memref<1x128xi32, #tpu.memory_space<vmem>>
          %dma_wait3A_567 = tpu.memref_squeeze %dma_wait3A_566 : memref<1x128xi32, #tpu.memory_space<vmem>> -> memref<128xi32, #tpu.memory_space<vmem>>
          %dma_wait3A_568 = arith.constant 0 : i32
          %dma_wait3A_569 = arith.constant 0 : i32
          %dma_wait3A_570 = tpu.memref_slice %arg10[%dma_wait3A_568, %dma_wait3A_569] : memref<10512x64xf32, #tpu.memory_space<vmem_shared>> -> memref<10512x64xf32, #tpu.memory_space<vmem_shared>>
          %dma_wait3A_571 = tpu.memref_slice %arg12[%dma_wait3A_560] : memref<8x!tpu.dma_semaphore, #tpu.memory_space<semaphore_mem>> -> memref<1x!tpu.dma_semaphore, #tpu.memory_space<semaphore_mem>>
          %dma_wait3A_572 = tpu.memref_squeeze %dma_wait3A_571 : memref<1x!tpu.dma_semaphore, #tpu.memory_space<semaphore_mem>> -> memref<!tpu.dma_semaphore, #tpu.memory_space<semaphore_mem>>
          tpu.wait_indirect_dma semaphore(%dma_wait3A_572 : memref<!tpu.dma_semaphore, #tpu.memory_space<semaphore_mem>>) src(%dma_wait3A_564 : memref<128x64xf32, #tpu.memory_space<vmem>>) dst(%dma_wait3A_570 : memref<10512x64xf32, #tpu.memory_space<vmem_shared>>)
        } else {
        }
        %dma_start3A_544 = arith.constant 6 : i32
        %dma_start3A_545 = arith.constant 6 : i32
        %dma_start3A_546 = arith.constant 0 : i32
        %dma_start3A_547 = arith.constant 0 : i32
        %dma_start3A_548 = tpu.memref_slice %arg9[%dma_start3A_544, %dma_start3A_546, %dma_start3A_547] : memref<8x128x64xf32, #tpu.memory_space<vmem>> -> memref<1x128x64xf32, #tpu.memory_space<vmem>>
        %dma_start3A_549 = tpu.memref_squeeze %dma_start3A_548 : memref<1x128x64xf32, #tpu.memory_space<vmem>> -> memref<128x64xf32, #tpu.memory_space<vmem>>
        %dma_start3A_550 = arith.constant 0 : i32
        %dma_start3A_551 = tpu.memref_slice %arg7[%add3A_234, %dma_start3A_550] : memref<80x128xi32, #tpu.memory_space<vmem>> -> memref<1x128xi32, #tpu.memory_space<vmem>>
        %dma_start3A_552 = tpu.memref_squeeze %dma_start3A_551 : memref<1x128xi32, #tpu.memory_space<vmem>> -> memref<128xi32, #tpu.memory_space<vmem>>
        %dma_start3A_553 = arith.constant 0 : i32
        %dma_start3A_554 = arith.constant 0 : i32
        %dma_start3A_555 = tpu.memref_slice %arg2[%dma_start3A_553, %dma_start3A_554] : memref<10000x64xf32, #tpu.memory_space<hbm>> -> memref<10000x64xf32, #tpu.memory_space<hbm>>
        %dma_start3A_556 = tpu.memref_slice %arg11[%dma_start3A_545] : memref<8x!tpu.dma_semaphore, #tpu.memory_space<semaphore_mem>> -> memref<1x!tpu.dma_semaphore, #tpu.memory_space<semaphore_mem>>
        %dma_start3A_557 = tpu.memref_squeeze %dma_start3A_556 : memref<1x!tpu.dma_semaphore, #tpu.memory_space<semaphore_mem>> -> memref<!tpu.dma_semaphore, #tpu.memory_space<semaphore_mem>>
        tpu.enqueue_indirect_dma source(%dma_start3A_555 : memref<10000x64xf32, #tpu.memory_space<hbm>>) target(%dma_start3A_549 : memref<128x64xf32, #tpu.memory_space<vmem>>) offsets(%dma_start3A_552 : memref<128xi32, #tpu.memory_space<vmem>>) semaphore(%dma_start3A_557 : memref<!tpu.dma_semaphore, #tpu.memory_space<semaphore_mem>>)
      } else {
      }
      %dma_wait3A_239 = arith.constant 0 : i32
      %dma_wait3A_240 = arith.constant 0 : i32
      %dma_wait3A_241 = arith.constant 0 : i32
      %dma_wait3A_242 = arith.constant 0 : i32
      %dma_wait3A_243 = tpu.memref_slice %arg9[%dma_wait3A_239, %dma_wait3A_241, %dma_wait3A_242] : memref<8x128x64xf32, #tpu.memory_space<vmem>> -> memref<1x128x64xf32, #tpu.memory_space<vmem>>
      %dma_wait3A_244 = tpu.memref_squeeze %dma_wait3A_243 : memref<1x128x64xf32, #tpu.memory_space<vmem>> -> memref<128x64xf32, #tpu.memory_space<vmem>>
      %dma_wait3A_245 = arith.constant 0 : i32
      %dma_wait3A_246 = tpu.memref_slice %arg7[%add3A_232, %dma_wait3A_245] : memref<80x128xi32, #tpu.memory_space<vmem>> -> memref<1x128xi32, #tpu.memory_space<vmem>>
      %dma_wait3A_247 = tpu.memref_squeeze %dma_wait3A_246 : memref<1x128xi32, #tpu.memory_space<vmem>> -> memref<128xi32, #tpu.memory_space<vmem>>
      %dma_wait3A_248 = arith.constant 0 : i32
      %dma_wait3A_249 = arith.constant 0 : i32
      %dma_wait3A_250 = tpu.memref_slice %arg2[%dma_wait3A_248, %dma_wait3A_249] : memref<10000x64xf32, #tpu.memory_space<hbm>> -> memref<10000x64xf32, #tpu.memory_space<hbm>>
      %dma_wait3A_251 = tpu.memref_slice %arg11[%dma_wait3A_240] : memref<8x!tpu.dma_semaphore, #tpu.memory_space<semaphore_mem>> -> memref<1x!tpu.dma_semaphore, #tpu.memory_space<semaphore_mem>>
      %dma_wait3A_252 = tpu.memref_squeeze %dma_wait3A_251 : memref<1x!tpu.dma_semaphore, #tpu.memory_space<semaphore_mem>> -> memref<!tpu.dma_semaphore, #tpu.memory_space<semaphore_mem>>
      tpu.wait_indirect_dma semaphore(%dma_wait3A_252 : memref<!tpu.dma_semaphore, #tpu.memory_space<semaphore_mem>>) src(%dma_wait3A_250 : memref<10000x64xf32, #tpu.memory_space<hbm>>) dst(%dma_wait3A_244 : memref<128x64xf32, #tpu.memory_space<vmem>>)
      %dma_start3A_253 = arith.constant 0 : i32
      %dma_start3A_254 = arith.constant 0 : i32
      %dma_start3A_255 = arith.constant 0 : i32
      %dma_start3A_256 = arith.constant 0 : i32
      %dma_start3A_257 = tpu.memref_slice %arg9[%dma_start3A_253, %dma_start3A_255, %dma_start3A_256] : memref<8x128x64xf32, #tpu.memory_space<vmem>> -> memref<1x128x64xf32, #tpu.memory_space<vmem>>
      %dma_start3A_258 = tpu.memref_squeeze %dma_start3A_257 : memref<1x128x64xf32, #tpu.memory_space<vmem>> -> memref<128x64xf32, #tpu.memory_space<vmem>>
      %dma_start3A_259 = arith.constant 0 : i32
      %dma_start3A_260 = tpu.memref_slice %arg8[%add3A_232, %dma_start3A_259] : memref<80x128xi32, #tpu.memory_space<vmem>> -> memref<1x128xi32, #tpu.memory_space<vmem>>
      %dma_start3A_261 = tpu.memref_squeeze %dma_start3A_260 : memref<1x128xi32, #tpu.memory_space<vmem>> -> memref<128xi32, #tpu.memory_space<vmem>>
      %dma_start3A_262 = arith.constant 0 : i32
      %dma_start3A_263 = arith.constant 0 : i32
      %dma_start3A_264 = tpu.memref_slice %arg10[%dma_start3A_262, %dma_start3A_263] : memref<10512x64xf32, #tpu.memory_space<vmem_shared>> -> memref<10512x64xf32, #tpu.memory_space<vmem_shared>>
      %dma_start3A_265 = tpu.memref_slice %arg12[%dma_start3A_254] : memref<8x!tpu.dma_semaphore, #tpu.memory_space<semaphore_mem>> -> memref<1x!tpu.dma_semaphore, #tpu.memory_space<semaphore_mem>>
      %dma_start3A_266 = tpu.memref_squeeze %dma_start3A_265 : memref<1x!tpu.dma_semaphore, #tpu.memory_space<semaphore_mem>> -> memref<!tpu.dma_semaphore, #tpu.memory_space<semaphore_mem>>
      tpu.enqueue_indirect_dma source(%dma_start3A_258 : memref<128x64xf32, #tpu.memory_space<vmem>>) target(%dma_start3A_264 : memref<10512x64xf32, #tpu.memory_space<vmem_shared>>) offsets(%dma_start3A_261 : memref<128xi32, #tpu.memory_space<vmem>>) semaphore(%dma_start3A_266 : memref<!tpu.dma_semaphore, #tpu.memory_space<semaphore_mem>>) {add = true}
      %mul3A_267 = arith.constant 8 : i32
      %mul3A_268 = arith.muli %scan3A_228, %mul3A_267 : i32
      %add3A_269 = arith.constant 1 : i32
      %add3A_270 = arith.addi %mul3A_268, %add3A_269 : i32
      %add3A_271 = arith.constant 6 : i32
      %add3A_272 = arith.addi %add3A_270, %add3A_271 : i32
      %lt3A_273 = arith.constant 80 : i32
      %lt3A_274 = arith.cmpi slt, %add3A_272, %lt3A_273 : i32
      %convert_element_type3A_275 = arith.extui %lt3A_274 : i1 to i32
      %cond3A_276 = arith.constant 0 : i32
      %cond3A_277 = arith.cmpi ne, %convert_element_type3A_275, %cond3A_276 : i32
      scf.if %cond3A_277 {
        %ge3A = arith.constant 8 : i32
        %ge3A_540 = arith.cmpi sge, %add3A_272, %ge3A : i32
        %convert_element_type3A_541 = arith.extui %ge3A_540 : i1 to i32
        %cond3A_542 = arith.constant 0 : i32
        %cond3A_543 = arith.cmpi ne, %convert_element_type3A_541, %cond3A_542 : i32
        scf.if %cond3A_543 {
          %dma_wait3A_558 = arith.constant 7 : i32
          %dma_wait3A_559 = arith.constant 0 : i32
          %dma_wait3A_560 = arith.constant 7 : i32
          %dma_wait3A_561 = arith.constant 0 : i32
          %dma_wait3A_562 = arith.constant 0 : i32
          %dma_wait3A_563 = tpu.memref_slice %arg9[%dma_wait3A_558, %dma_wait3A_561, %dma_wait3A_562] : memref<8x128x64xf32, #tpu.memory_space<vmem>> -> memref<1x128x64xf32, #tpu.memory_space<vmem>>
          %dma_wait3A_564 = tpu.memref_squeeze %dma_wait3A_563 : memref<1x128x64xf32, #tpu.memory_space<vmem>> -> memref<128x64xf32, #tpu.memory_space<vmem>>
          %dma_wait3A_565 = arith.constant 0 : i32
          %dma_wait3A_566 = tpu.memref_slice %arg8[%dma_wait3A_559, %dma_wait3A_565] : memref<80x128xi32, #tpu.memory_space<vmem>> -> memref<1x128xi32, #tpu.memory_space<vmem>>
          %dma_wait3A_567 = tpu.memref_squeeze %dma_wait3A_566 : memref<1x128xi32, #tpu.memory_space<vmem>> -> memref<128xi32, #tpu.memory_space<vmem>>
          %dma_wait3A_568 = arith.constant 0 : i32
          %dma_wait3A_569 = arith.constant 0 : i32
          %dma_wait3A_570 = tpu.memref_slice %arg10[%dma_wait3A_568, %dma_wait3A_569] : memref<10512x64xf32, #tpu.memory_space<vmem_shared>> -> memref<10512x64xf32, #tpu.memory_space<vmem_shared>>
          %dma_wait3A_571 = tpu.memref_slice %arg12[%dma_wait3A_560] : memref<8x!tpu.dma_semaphore, #tpu.memory_space<semaphore_mem>> -> memref<1x!tpu.dma_semaphore, #tpu.memory_space<semaphore_mem>>
          %dma_wait3A_572 = tpu.memref_squeeze %dma_wait3A_571 : memref<1x!tpu.dma_semaphore, #tpu.memory_space<semaphore_mem>> -> memref<!tpu.dma_semaphore, #tpu.memory_space<semaphore_mem>>
          tpu.wait_indirect_dma semaphore(%dma_wait3A_572 : memref<!tpu.dma_semaphore, #tpu.memory_space<semaphore_mem>>) src(%dma_wait3A_564 : memref<128x64xf32, #tpu.memory_space<vmem>>) dst(%dma_wait3A_570 : memref<10512x64xf32, #tpu.memory_space<vmem_shared>>)
        } else {
        }
        %dma_start3A_544 = arith.constant 7 : i32
        %dma_start3A_545 = arith.constant 7 : i32
        %dma_start3A_546 = arith.constant 0 : i32
        %dma_start3A_547 = arith.constant 0 : i32
        %dma_start3A_548 = tpu.memref_slice %arg9[%dma_start3A_544, %dma_start3A_546, %dma_start3A_547] : memref<8x128x64xf32, #tpu.memory_space<vmem>> -> memref<1x128x64xf32, #tpu.memory_space<vmem>>
        %dma_start3A_549 = tpu.memref_squeeze %dma_start3A_548 : memref<1x128x64xf32, #tpu.memory_space<vmem>> -> memref<128x64xf32, #tpu.memory_space<vmem>>
        %dma_start3A_550 = arith.constant 0 : i32
        %dma_start3A_551 = tpu.memref_slice %arg7[%add3A_272, %dma_start3A_550] : memref<80x128xi32, #tpu.memory_space<vmem>> -> memref<1x128xi32, #tpu.memory_space<vmem>>
        %dma_start3A_552 = tpu.memref_squeeze %dma_start3A_551 : memref<1x128xi32, #tpu.memory_space<vmem>> -> memref<128xi32, #tpu.memory_space<vmem>>
        %dma_start3A_553 = arith.constant 0 : i32
        %dma_start3A_554 = arith.constant 0 : i32
        %dma_start3A_555 = tpu.memref_slice %arg2[%dma_start3A_553, %dma_start3A_554] : memref<10000x64xf32, #tpu.memory_space<hbm>> -> memref<10000x64xf32, #tpu.memory_space<hbm>>
        %dma_start3A_556 = tpu.memref_slice %arg11[%dma_start3A_545] : memref<8x!tpu.dma_semaphore, #tpu.memory_space<semaphore_mem>> -> memref<1x!tpu.dma_semaphore, #tpu.memory_space<semaphore_mem>>
        %dma_start3A_557 = tpu.memref_squeeze %dma_start3A_556 : memref<1x!tpu.dma_semaphore, #tpu.memory_space<semaphore_mem>> -> memref<!tpu.dma_semaphore, #tpu.memory_space<semaphore_mem>>
        tpu.enqueue_indirect_dma source(%dma_start3A_555 : memref<10000x64xf32, #tpu.memory_space<hbm>>) target(%dma_start3A_549 : memref<128x64xf32, #tpu.memory_space<vmem>>) offsets(%dma_start3A_552 : memref<128xi32, #tpu.memory_space<vmem>>) semaphore(%dma_start3A_557 : memref<!tpu.dma_semaphore, #tpu.memory_space<semaphore_mem>>)
      } else {
      }
      %dma_wait3A_278 = arith.constant 1 : i32
      %dma_wait3A_279 = arith.constant 1 : i32
      %dma_wait3A_280 = arith.constant 0 : i32
      %dma_wait3A_281 = arith.constant 0 : i32
      %dma_wait3A_282 = tpu.memref_slice %arg9[%dma_wait3A_278, %dma_wait3A_280, %dma_wait3A_281] : memref<8x128x64xf32, #tpu.memory_space<vmem>> -> memref<1x128x64xf32, #tpu.memory_space<vmem>>
      %dma_wait3A_283 = tpu.memref_squeeze %dma_wait3A_282 : memref<1x128x64xf32, #tpu.memory_space<vmem>> -> memref<128x64xf32, #tpu.memory_space<vmem>>
      %dma_wait3A_284 = arith.constant 0 : i32
      %dma_wait3A_285 = tpu.memref_slice %arg7[%add3A_270, %dma_wait3A_284] : memref<80x128xi32, #tpu.memory_space<vmem>> -> memref<1x128xi32, #tpu.memory_space<vmem>>
      %dma_wait3A_286 = tpu.memref_squeeze %dma_wait3A_285 : memref<1x128xi32, #tpu.memory_space<vmem>> -> memref<128xi32, #tpu.memory_space<vmem>>
      %dma_wait3A_287 = arith.constant 0 : i32
      %dma_wait3A_288 = arith.constant 0 : i32
      %dma_wait3A_289 = tpu.memref_slice %arg2[%dma_wait3A_287, %dma_wait3A_288] : memref<10000x64xf32, #tpu.memory_space<hbm>> -> memref<10000x64xf32, #tpu.memory_space<hbm>>
      %dma_wait3A_290 = tpu.memref_slice %arg11[%dma_wait3A_279] : memref<8x!tpu.dma_semaphore, #tpu.memory_space<semaphore_mem>> -> memref<1x!tpu.dma_semaphore, #tpu.memory_space<semaphore_mem>>
      %dma_wait3A_291 = tpu.memref_squeeze %dma_wait3A_290 : memref<1x!tpu.dma_semaphore, #tpu.memory_space<semaphore_mem>> -> memref<!tpu.dma_semaphore, #tpu.memory_space<semaphore_mem>>
      tpu.wait_indirect_dma semaphore(%dma_wait3A_291 : memref<!tpu.dma_semaphore, #tpu.memory_space<semaphore_mem>>) src(%dma_wait3A_289 : memref<10000x64xf32, #tpu.memory_space<hbm>>) dst(%dma_wait3A_283 : memref<128x64xf32, #tpu.memory_space<vmem>>)
      %dma_start3A_292 = arith.constant 1 : i32
      %dma_start3A_293 = arith.constant 1 : i32
      %dma_start3A_294 = arith.constant 0 : i32
      %dma_start3A_295 = arith.constant 0 : i32
      %dma_start3A_296 = tpu.memref_slice %arg9[%dma_start3A_292, %dma_start3A_294, %dma_start3A_295] : memref<8x128x64xf32, #tpu.memory_space<vmem>> -> memref<1x128x64xf32, #tpu.memory_space<vmem>>
      %dma_start3A_297 = tpu.memref_squeeze %dma_start3A_296 : memref<1x128x64xf32, #tpu.memory_space<vmem>> -> memref<128x64xf32, #tpu.memory_space<vmem>>
      %dma_start3A_298 = arith.constant 0 : i32
      %dma_start3A_299 = tpu.memref_slice %arg8[%add3A_270, %dma_start3A_298] : memref<80x128xi32, #tpu.memory_space<vmem>> -> memref<1x128xi32, #tpu.memory_space<vmem>>
      %dma_start3A_300 = tpu.memref_squeeze %dma_start3A_299 : memref<1x128xi32, #tpu.memory_space<vmem>> -> memref<128xi32, #tpu.memory_space<vmem>>
      %dma_start3A_301 = arith.constant 0 : i32
      %dma_start3A_302 = arith.constant 0 : i32
      %dma_start3A_303 = tpu.memref_slice %arg10[%dma_start3A_301, %dma_start3A_302] : memref<10512x64xf32, #tpu.memory_space<vmem_shared>> -> memref<10512x64xf32, #tpu.memory_space<vmem_shared>>
      %dma_start3A_304 = tpu.memref_slice %arg12[%dma_start3A_293] : memref<8x!tpu.dma_semaphore, #tpu.memory_space<semaphore_mem>> -> memref<1x!tpu.dma_semaphore, #tpu.memory_space<semaphore_mem>>
      %dma_start3A_305 = tpu.memref_squeeze %dma_start3A_304 : memref<1x!tpu.dma_semaphore, #tpu.memory_space<semaphore_mem>> -> memref<!tpu.dma_semaphore, #tpu.memory_space<semaphore_mem>>
      tpu.enqueue_indirect_dma source(%dma_start3A_297 : memref<128x64xf32, #tpu.memory_space<vmem>>) target(%dma_start3A_303 : memref<10512x64xf32, #tpu.memory_space<vmem_shared>>) offsets(%dma_start3A_300 : memref<128xi32, #tpu.memory_space<vmem>>) semaphore(%dma_start3A_305 : memref<!tpu.dma_semaphore, #tpu.memory_space<semaphore_mem>>) {add = true}
      %mul3A_306 = arith.constant 8 : i32
      %mul3A_307 = arith.muli %scan3A_228, %mul3A_306 : i32
      %add3A_308 = arith.constant 2 : i32
      %add3A_309 = arith.addi %mul3A_307, %add3A_308 : i32
      %add3A_310 = arith.constant 6 : i32
      %add3A_311 = arith.addi %add3A_309, %add3A_310 : i32
      %lt3A_312 = arith.constant 80 : i32
      %lt3A_313 = arith.cmpi slt, %add3A_311, %lt3A_312 : i32
      %convert_element_type3A_314 = arith.extui %lt3A_313 : i1 to i32
      %cond3A_315 = arith.constant 0 : i32
      %cond3A_316 = arith.cmpi ne, %convert_element_type3A_314, %cond3A_315 : i32
      scf.if %cond3A_316 {
        %ge3A = arith.constant 8 : i32
        %ge3A_540 = arith.cmpi sge, %add3A_311, %ge3A : i32
        %convert_element_type3A_541 = arith.extui %ge3A_540 : i1 to i32
        %cond3A_542 = arith.constant 0 : i32
        %cond3A_543 = arith.cmpi ne, %convert_element_type3A_541, %cond3A_542 : i32
        scf.if %cond3A_543 {
          %dma_wait3A_558 = arith.constant 0 : i32
          %dma_wait3A_559 = arith.constant 0 : i32
          %dma_wait3A_560 = arith.constant 0 : i32
          %dma_wait3A_561 = arith.constant 0 : i32
          %dma_wait3A_562 = arith.constant 0 : i32
          %dma_wait3A_563 = tpu.memref_slice %arg9[%dma_wait3A_558, %dma_wait3A_561, %dma_wait3A_562] : memref<8x128x64xf32, #tpu.memory_space<vmem>> -> memref<1x128x64xf32, #tpu.memory_space<vmem>>
          %dma_wait3A_564 = tpu.memref_squeeze %dma_wait3A_563 : memref<1x128x64xf32, #tpu.memory_space<vmem>> -> memref<128x64xf32, #tpu.memory_space<vmem>>
          %dma_wait3A_565 = arith.constant 0 : i32
          %dma_wait3A_566 = tpu.memref_slice %arg8[%dma_wait3A_559, %dma_wait3A_565] : memref<80x128xi32, #tpu.memory_space<vmem>> -> memref<1x128xi32, #tpu.memory_space<vmem>>
          %dma_wait3A_567 = tpu.memref_squeeze %dma_wait3A_566 : memref<1x128xi32, #tpu.memory_space<vmem>> -> memref<128xi32, #tpu.memory_space<vmem>>
          %dma_wait3A_568 = arith.constant 0 : i32
          %dma_wait3A_569 = arith.constant 0 : i32
          %dma_wait3A_570 = tpu.memref_slice %arg10[%dma_wait3A_568, %dma_wait3A_569] : memref<10512x64xf32, #tpu.memory_space<vmem_shared>> -> memref<10512x64xf32, #tpu.memory_space<vmem_shared>>
          %dma_wait3A_571 = tpu.memref_slice %arg12[%dma_wait3A_560] : memref<8x!tpu.dma_semaphore, #tpu.memory_space<semaphore_mem>> -> memref<1x!tpu.dma_semaphore, #tpu.memory_space<semaphore_mem>>
          %dma_wait3A_572 = tpu.memref_squeeze %dma_wait3A_571 : memref<1x!tpu.dma_semaphore, #tpu.memory_space<semaphore_mem>> -> memref<!tpu.dma_semaphore, #tpu.memory_space<semaphore_mem>>
          tpu.wait_indirect_dma semaphore(%dma_wait3A_572 : memref<!tpu.dma_semaphore, #tpu.memory_space<semaphore_mem>>) src(%dma_wait3A_564 : memref<128x64xf32, #tpu.memory_space<vmem>>) dst(%dma_wait3A_570 : memref<10512x64xf32, #tpu.memory_space<vmem_shared>>)
        } else {
        }
        %dma_start3A_544 = arith.constant 0 : i32
        %dma_start3A_545 = arith.constant 0 : i32
        %dma_start3A_546 = arith.constant 0 : i32
        %dma_start3A_547 = arith.constant 0 : i32
        %dma_start3A_548 = tpu.memref_slice %arg9[%dma_start3A_544, %dma_start3A_546, %dma_start3A_547] : memref<8x128x64xf32, #tpu.memory_space<vmem>> -> memref<1x128x64xf32, #tpu.memory_space<vmem>>
        %dma_start3A_549 = tpu.memref_squeeze %dma_start3A_548 : memref<1x128x64xf32, #tpu.memory_space<vmem>> -> memref<128x64xf32, #tpu.memory_space<vmem>>
        %dma_start3A_550 = arith.constant 0 : i32
        %dma_start3A_551 = tpu.memref_slice %arg7[%add3A_311, %dma_start3A_550] : memref<80x128xi32, #tpu.memory_space<vmem>> -> memref<1x128xi32, #tpu.memory_space<vmem>>
        %dma_start3A_552 = tpu.memref_squeeze %dma_start3A_551 : memref<1x128xi32, #tpu.memory_space<vmem>> -> memref<128xi32, #tpu.memory_space<vmem>>
        %dma_start3A_553 = arith.constant 0 : i32
        %dma_start3A_554 = arith.constant 0 : i32
        %dma_start3A_555 = tpu.memref_slice %arg2[%dma_start3A_553, %dma_start3A_554] : memref<10000x64xf32, #tpu.memory_space<hbm>> -> memref<10000x64xf32, #tpu.memory_space<hbm>>
        %dma_start3A_556 = tpu.memref_slice %arg11[%dma_start3A_545] : memref<8x!tpu.dma_semaphore, #tpu.memory_space<semaphore_mem>> -> memref<1x!tpu.dma_semaphore, #tpu.memory_space<semaphore_mem>>
        %dma_start3A_557 = tpu.memref_squeeze %dma_start3A_556 : memref<1x!tpu.dma_semaphore, #tpu.memory_space<semaphore_mem>> -> memref<!tpu.dma_semaphore, #tpu.memory_space<semaphore_mem>>
        tpu.enqueue_indirect_dma source(%dma_start3A_555 : memref<10000x64xf32, #tpu.memory_space<hbm>>) target(%dma_start3A_549 : memref<128x64xf32, #tpu.memory_space<vmem>>) offsets(%dma_start3A_552 : memref<128xi32, #tpu.memory_space<vmem>>) semaphore(%dma_start3A_557 : memref<!tpu.dma_semaphore, #tpu.memory_space<semaphore_mem>>)
      } else {
      }
      %dma_wait3A_317 = arith.constant 2 : i32
      %dma_wait3A_318 = arith.constant 2 : i32
      %dma_wait3A_319 = arith.constant 0 : i32
      %dma_wait3A_320 = arith.constant 0 : i32
      %dma_wait3A_321 = tpu.memref_slice %arg9[%dma_wait3A_317, %dma_wait3A_319, %dma_wait3A_320] : memref<8x128x64xf32, #tpu.memory_space<vmem>> -> memref<1x128x64xf32, #tpu.memory_space<vmem>>
      %dma_wait3A_322 = tpu.memref_squeeze %dma_wait3A_321 : memref<1x128x64xf32, #tpu.memory_space<vmem>> -> memref<128x64xf32, #tpu.memory_space<vmem>>
      %dma_wait3A_323 = arith.constant 0 : i32
      %dma_wait3A_324 = tpu.memref_slice %arg7[%add3A_309, %dma_wait3A_323] : memref<80x128xi32, #tpu.memory_space<vmem>> -> memref<1x128xi32, #tpu.memory_space<vmem>>
      %dma_wait3A_325 = tpu.memref_squeeze %dma_wait3A_324 : memref<1x128xi32, #tpu.memory_space<vmem>> -> memref<128xi32, #tpu.memory_space<vmem>>
      %dma_wait3A_326 = arith.constant 0 : i32
      %dma_wait3A_327 = arith.constant 0 : i32
      %dma_wait3A_328 = tpu.memref_slice %arg2[%dma_wait3A_326, %dma_wait3A_327] : memref<10000x64xf32, #tpu.memory_space<hbm>> -> memref<10000x64xf32, #tpu.memory_space<hbm>>
      %dma_wait3A_329 = tpu.memref_slice %arg11[%dma_wait3A_318] : memref<8x!tpu.dma_semaphore, #tpu.memory_space<semaphore_mem>> -> memref<1x!tpu.dma_semaphore, #tpu.memory_space<semaphore_mem>>
      %dma_wait3A_330 = tpu.memref_squeeze %dma_wait3A_329 : memref<1x!tpu.dma_semaphore, #tpu.memory_space<semaphore_mem>> -> memref<!tpu.dma_semaphore, #tpu.memory_space<semaphore_mem>>
      tpu.wait_indirect_dma semaphore(%dma_wait3A_330 : memref<!tpu.dma_semaphore, #tpu.memory_space<semaphore_mem>>) src(%dma_wait3A_328 : memref<10000x64xf32, #tpu.memory_space<hbm>>) dst(%dma_wait3A_322 : memref<128x64xf32, #tpu.memory_space<vmem>>)
      %dma_start3A_331 = arith.constant 2 : i32
      %dma_start3A_332 = arith.constant 2 : i32
      %dma_start3A_333 = arith.constant 0 : i32
      %dma_start3A_334 = arith.constant 0 : i32
      %dma_start3A_335 = tpu.memref_slice %arg9[%dma_start3A_331, %dma_start3A_333, %dma_start3A_334] : memref<8x128x64xf32, #tpu.memory_space<vmem>> -> memref<1x128x64xf32, #tpu.memory_space<vmem>>
      %dma_start3A_336 = tpu.memref_squeeze %dma_start3A_335 : memref<1x128x64xf32, #tpu.memory_space<vmem>> -> memref<128x64xf32, #tpu.memory_space<vmem>>
      %dma_start3A_337 = arith.constant 0 : i32
      %dma_start3A_338 = tpu.memref_slice %arg8[%add3A_309, %dma_start3A_337] : memref<80x128xi32, #tpu.memory_space<vmem>> -> memref<1x128xi32, #tpu.memory_space<vmem>>
      %dma_start3A_339 = tpu.memref_squeeze %dma_start3A_338 : memref<1x128xi32, #tpu.memory_space<vmem>> -> memref<128xi32, #tpu.memory_space<vmem>>
      %dma_start3A_340 = arith.constant 0 : i32
      %dma_start3A_341 = arith.constant 0 : i32
      %dma_start3A_342 = tpu.memref_slice %arg10[%dma_start3A_340, %dma_start3A_341] : memref<10512x64xf32, #tpu.memory_space<vmem_shared>> -> memref<10512x64xf32, #tpu.memory_space<vmem_shared>>
      %dma_start3A_343 = tpu.memref_slice %arg12[%dma_start3A_332] : memref<8x!tpu.dma_semaphore, #tpu.memory_space<semaphore_mem>> -> memref<1x!tpu.dma_semaphore, #tpu.memory_space<semaphore_mem>>
      %dma_start3A_344 = tpu.memref_squeeze %dma_start3A_343 : memref<1x!tpu.dma_semaphore, #tpu.memory_space<semaphore_mem>> -> memref<!tpu.dma_semaphore, #tpu.memory_space<semaphore_mem>>
      tpu.enqueue_indirect_dma source(%dma_start3A_336 : memref<128x64xf32, #tpu.memory_space<vmem>>) target(%dma_start3A_342 : memref<10512x64xf32, #tpu.memory_space<vmem_shared>>) offsets(%dma_start3A_339 : memref<128xi32, #tpu.memory_space<vmem>>) semaphore(%dma_start3A_344 : memref<!tpu.dma_semaphore, #tpu.memory_space<semaphore_mem>>) {add = true}
      %mul3A_345 = arith.constant 8 : i32
      %mul3A_346 = arith.muli %scan3A_228, %mul3A_345 : i32
      %add3A_347 = arith.constant 3 : i32
      %add3A_348 = arith.addi %mul3A_346, %add3A_347 : i32
      %add3A_349 = arith.constant 6 : i32
      %add3A_350 = arith.addi %add3A_348, %add3A_349 : i32
      %lt3A_351 = arith.constant 80 : i32
      %lt3A_352 = arith.cmpi slt, %add3A_350, %lt3A_351 : i32
      %convert_element_type3A_353 = arith.extui %lt3A_352 : i1 to i32
      %cond3A_354 = arith.constant 0 : i32
      %cond3A_355 = arith.cmpi ne, %convert_element_type3A_353, %cond3A_354 : i32
      scf.if %cond3A_355 {
        %ge3A = arith.constant 8 : i32
        %ge3A_540 = arith.cmpi sge, %add3A_350, %ge3A : i32
        %convert_element_type3A_541 = arith.extui %ge3A_540 : i1 to i32
        %cond3A_542 = arith.constant 0 : i32
        %cond3A_543 = arith.cmpi ne, %convert_element_type3A_541, %cond3A_542 : i32
        scf.if %cond3A_543 {
          %dma_wait3A_558 = arith.constant 1 : i32
          %dma_wait3A_559 = arith.constant 0 : i32
          %dma_wait3A_560 = arith.constant 1 : i32
          %dma_wait3A_561 = arith.constant 0 : i32
          %dma_wait3A_562 = arith.constant 0 : i32
          %dma_wait3A_563 = tpu.memref_slice %arg9[%dma_wait3A_558, %dma_wait3A_561, %dma_wait3A_562] : memref<8x128x64xf32, #tpu.memory_space<vmem>> -> memref<1x128x64xf32, #tpu.memory_space<vmem>>
          %dma_wait3A_564 = tpu.memref_squeeze %dma_wait3A_563 : memref<1x128x64xf32, #tpu.memory_space<vmem>> -> memref<128x64xf32, #tpu.memory_space<vmem>>
          %dma_wait3A_565 = arith.constant 0 : i32
          %dma_wait3A_566 = tpu.memref_slice %arg8[%dma_wait3A_559, %dma_wait3A_565] : memref<80x128xi32, #tpu.memory_space<vmem>> -> memref<1x128xi32, #tpu.memory_space<vmem>>
          %dma_wait3A_567 = tpu.memref_squeeze %dma_wait3A_566 : memref<1x128xi32, #tpu.memory_space<vmem>> -> memref<128xi32, #tpu.memory_space<vmem>>
          %dma_wait3A_568 = arith.constant 0 : i32
          %dma_wait3A_569 = arith.constant 0 : i32
          %dma_wait3A_570 = tpu.memref_slice %arg10[%dma_wait3A_568, %dma_wait3A_569] : memref<10512x64xf32, #tpu.memory_space<vmem_shared>> -> memref<10512x64xf32, #tpu.memory_space<vmem_shared>>
          %dma_wait3A_571 = tpu.memref_slice %arg12[%dma_wait3A_560] : memref<8x!tpu.dma_semaphore, #tpu.memory_space<semaphore_mem>> -> memref<1x!tpu.dma_semaphore, #tpu.memory_space<semaphore_mem>>
          %dma_wait3A_572 = tpu.memref_squeeze %dma_wait3A_571 : memref<1x!tpu.dma_semaphore, #tpu.memory_space<semaphore_mem>> -> memref<!tpu.dma_semaphore, #tpu.memory_space<semaphore_mem>>
          tpu.wait_indirect_dma semaphore(%dma_wait3A_572 : memref<!tpu.dma_semaphore, #tpu.memory_space<semaphore_mem>>) src(%dma_wait3A_564 : memref<128x64xf32, #tpu.memory_space<vmem>>) dst(%dma_wait3A_570 : memref<10512x64xf32, #tpu.memory_space<vmem_shared>>)
        } else {
        }
        %dma_start3A_544 = arith.constant 1 : i32
        %dma_start3A_545 = arith.constant 1 : i32
        %dma_start3A_546 = arith.constant 0 : i32
        %dma_start3A_547 = arith.constant 0 : i32
        %dma_start3A_548 = tpu.memref_slice %arg9[%dma_start3A_544, %dma_start3A_546, %dma_start3A_547] : memref<8x128x64xf32, #tpu.memory_space<vmem>> -> memref<1x128x64xf32, #tpu.memory_space<vmem>>
        %dma_start3A_549 = tpu.memref_squeeze %dma_start3A_548 : memref<1x128x64xf32, #tpu.memory_space<vmem>> -> memref<128x64xf32, #tpu.memory_space<vmem>>
        %dma_start3A_550 = arith.constant 0 : i32
        %dma_start3A_551 = tpu.memref_slice %arg7[%add3A_350, %dma_start3A_550] : memref<80x128xi32, #tpu.memory_space<vmem>> -> memref<1x128xi32, #tpu.memory_space<vmem>>
        %dma_start3A_552 = tpu.memref_squeeze %dma_start3A_551 : memref<1x128xi32, #tpu.memory_space<vmem>> -> memref<128xi32, #tpu.memory_space<vmem>>
        %dma_start3A_553 = arith.constant 0 : i32
        %dma_start3A_554 = arith.constant 0 : i32
        %dma_start3A_555 = tpu.memref_slice %arg2[%dma_start3A_553, %dma_start3A_554] : memref<10000x64xf32, #tpu.memory_space<hbm>> -> memref<10000x64xf32, #tpu.memory_space<hbm>>
        %dma_start3A_556 = tpu.memref_slice %arg11[%dma_start3A_545] : memref<8x!tpu.dma_semaphore, #tpu.memory_space<semaphore_mem>> -> memref<1x!tpu.dma_semaphore, #tpu.memory_space<semaphore_mem>>
        %dma_start3A_557 = tpu.memref_squeeze %dma_start3A_556 : memref<1x!tpu.dma_semaphore, #tpu.memory_space<semaphore_mem>> -> memref<!tpu.dma_semaphore, #tpu.memory_space<semaphore_mem>>
        tpu.enqueue_indirect_dma source(%dma_start3A_555 : memref<10000x64xf32, #tpu.memory_space<hbm>>) target(%dma_start3A_549 : memref<128x64xf32, #tpu.memory_space<vmem>>) offsets(%dma_start3A_552 : memref<128xi32, #tpu.memory_space<vmem>>) semaphore(%dma_start3A_557 : memref<!tpu.dma_semaphore, #tpu.memory_space<semaphore_mem>>)
      } else {
      }
      %dma_wait3A_356 = arith.constant 3 : i32
      %dma_wait3A_357 = arith.constant 3 : i32
      %dma_wait3A_358 = arith.constant 0 : i32
      %dma_wait3A_359 = arith.constant 0 : i32
      %dma_wait3A_360 = tpu.memref_slice %arg9[%dma_wait3A_356, %dma_wait3A_358, %dma_wait3A_359] : memref<8x128x64xf32, #tpu.memory_space<vmem>> -> memref<1x128x64xf32, #tpu.memory_space<vmem>>
      %dma_wait3A_361 = tpu.memref_squeeze %dma_wait3A_360 : memref<1x128x64xf32, #tpu.memory_space<vmem>> -> memref<128x64xf32, #tpu.memory_space<vmem>>
      %dma_wait3A_362 = arith.constant 0 : i32
      %dma_wait3A_363 = tpu.memref_slice %arg7[%add3A_348, %dma_wait3A_362] : memref<80x128xi32, #tpu.memory_space<vmem>> -> memref<1x128xi32, #tpu.memory_space<vmem>>
      %dma_wait3A_364 = tpu.memref_squeeze %dma_wait3A_363 : memref<1x128xi32, #tpu.memory_space<vmem>> -> memref<128xi32, #tpu.memory_space<vmem>>
      %dma_wait3A_365 = arith.constant 0 : i32
      %dma_wait3A_366 = arith.constant 0 : i32
      %dma_wait3A_367 = tpu.memref_slice %arg2[%dma_wait3A_365, %dma_wait3A_366] : memref<10000x64xf32, #tpu.memory_space<hbm>> -> memref<10000x64xf32, #tpu.memory_space<hbm>>
      %dma_wait3A_368 = tpu.memref_slice %arg11[%dma_wait3A_357] : memref<8x!tpu.dma_semaphore, #tpu.memory_space<semaphore_mem>> -> memref<1x!tpu.dma_semaphore, #tpu.memory_space<semaphore_mem>>
      %dma_wait3A_369 = tpu.memref_squeeze %dma_wait3A_368 : memref<1x!tpu.dma_semaphore, #tpu.memory_space<semaphore_mem>> -> memref<!tpu.dma_semaphore, #tpu.memory_space<semaphore_mem>>
      tpu.wait_indirect_dma semaphore(%dma_wait3A_369 : memref<!tpu.dma_semaphore, #tpu.memory_space<semaphore_mem>>) src(%dma_wait3A_367 : memref<10000x64xf32, #tpu.memory_space<hbm>>) dst(%dma_wait3A_361 : memref<128x64xf32, #tpu.memory_space<vmem>>)
      %dma_start3A_370 = arith.constant 3 : i32
      %dma_start3A_371 = arith.constant 3 : i32
      %dma_start3A_372 = arith.constant 0 : i32
      %dma_start3A_373 = arith.constant 0 : i32
      %dma_start3A_374 = tpu.memref_slice %arg9[%dma_start3A_370, %dma_start3A_372, %dma_start3A_373] : memref<8x128x64xf32, #tpu.memory_space<vmem>> -> memref<1x128x64xf32, #tpu.memory_space<vmem>>
      %dma_start3A_375 = tpu.memref_squeeze %dma_start3A_374 : memref<1x128x64xf32, #tpu.memory_space<vmem>> -> memref<128x64xf32, #tpu.memory_space<vmem>>
      %dma_start3A_376 = arith.constant 0 : i32
      %dma_start3A_377 = tpu.memref_slice %arg8[%add3A_348, %dma_start3A_376] : memref<80x128xi32, #tpu.memory_space<vmem>> -> memref<1x128xi32, #tpu.memory_space<vmem>>
      %dma_start3A_378 = tpu.memref_squeeze %dma_start3A_377 : memref<1x128xi32, #tpu.memory_space<vmem>> -> memref<128xi32, #tpu.memory_space<vmem>>
      %dma_start3A_379 = arith.constant 0 : i32
      %dma_start3A_380 = arith.constant 0 : i32
      %dma_start3A_381 = tpu.memref_slice %arg10[%dma_start3A_379, %dma_start3A_380] : memref<10512x64xf32, #tpu.memory_space<vmem_shared>> -> memref<10512x64xf32, #tpu.memory_space<vmem_shared>>
      %dma_start3A_382 = tpu.memref_slice %arg12[%dma_start3A_371] : memref<8x!tpu.dma_semaphore, #tpu.memory_space<semaphore_mem>> -> memref<1x!tpu.dma_semaphore, #tpu.memory_space<semaphore_mem>>
      %dma_start3A_383 = tpu.memref_squeeze %dma_start3A_382 : memref<1x!tpu.dma_semaphore, #tpu.memory_space<semaphore_mem>> -> memref<!tpu.dma_semaphore, #tpu.memory_space<semaphore_mem>>
      tpu.enqueue_indirect_dma source(%dma_start3A_375 : memref<128x64xf32, #tpu.memory_space<vmem>>) target(%dma_start3A_381 : memref<10512x64xf32, #tpu.memory_space<vmem_shared>>) offsets(%dma_start3A_378 : memref<128xi32, #tpu.memory_space<vmem>>) semaphore(%dma_start3A_383 : memref<!tpu.dma_semaphore, #tpu.memory_space<semaphore_mem>>) {add = true}
      %mul3A_384 = arith.constant 8 : i32
      %mul3A_385 = arith.muli %scan3A_228, %mul3A_384 : i32
      %add3A_386 = arith.constant 4 : i32
      %add3A_387 = arith.addi %mul3A_385, %add3A_386 : i32
      %add3A_388 = arith.constant 6 : i32
      %add3A_389 = arith.addi %add3A_387, %add3A_388 : i32
      %lt3A_390 = arith.constant 80 : i32
      %lt3A_391 = arith.cmpi slt, %add3A_389, %lt3A_390 : i32
      %convert_element_type3A_392 = arith.extui %lt3A_391 : i1 to i32
      %cond3A_393 = arith.constant 0 : i32
      %cond3A_394 = arith.cmpi ne, %convert_element_type3A_392, %cond3A_393 : i32
      scf.if %cond3A_394 {
        %ge3A = arith.constant 8 : i32
        %ge3A_540 = arith.cmpi sge, %add3A_389, %ge3A : i32
        %convert_element_type3A_541 = arith.extui %ge3A_540 : i1 to i32
        %cond3A_542 = arith.constant 0 : i32
        %cond3A_543 = arith.cmpi ne, %convert_element_type3A_541, %cond3A_542 : i32
        scf.if %cond3A_543 {
          %dma_wait3A_558 = arith.constant 2 : i32
          %dma_wait3A_559 = arith.constant 0 : i32
          %dma_wait3A_560 = arith.constant 2 : i32
          %dma_wait3A_561 = arith.constant 0 : i32
          %dma_wait3A_562 = arith.constant 0 : i32
          %dma_wait3A_563 = tpu.memref_slice %arg9[%dma_wait3A_558, %dma_wait3A_561, %dma_wait3A_562] : memref<8x128x64xf32, #tpu.memory_space<vmem>> -> memref<1x128x64xf32, #tpu.memory_space<vmem>>
          %dma_wait3A_564 = tpu.memref_squeeze %dma_wait3A_563 : memref<1x128x64xf32, #tpu.memory_space<vmem>> -> memref<128x64xf32, #tpu.memory_space<vmem>>
          %dma_wait3A_565 = arith.constant 0 : i32
          %dma_wait3A_566 = tpu.memref_slice %arg8[%dma_wait3A_559, %dma_wait3A_565] : memref<80x128xi32, #tpu.memory_space<vmem>> -> memref<1x128xi32, #tpu.memory_space<vmem>>
          %dma_wait3A_567 = tpu.memref_squeeze %dma_wait3A_566 : memref<1x128xi32, #tpu.memory_space<vmem>> -> memref<128xi32, #tpu.memory_space<vmem>>
          %dma_wait3A_568 = arith.constant 0 : i32
          %dma_wait3A_569 = arith.constant 0 : i32
          %dma_wait3A_570 = tpu.memref_slice %arg10[%dma_wait3A_568, %dma_wait3A_569] : memref<10512x64xf32, #tpu.memory_space<vmem_shared>> -> memref<10512x64xf32, #tpu.memory_space<vmem_shared>>
          %dma_wait3A_571 = tpu.memref_slice %arg12[%dma_wait3A_560] : memref<8x!tpu.dma_semaphore, #tpu.memory_space<semaphore_mem>> -> memref<1x!tpu.dma_semaphore, #tpu.memory_space<semaphore_mem>>
          %dma_wait3A_572 = tpu.memref_squeeze %dma_wait3A_571 : memref<1x!tpu.dma_semaphore, #tpu.memory_space<semaphore_mem>> -> memref<!tpu.dma_semaphore, #tpu.memory_space<semaphore_mem>>
          tpu.wait_indirect_dma semaphore(%dma_wait3A_572 : memref<!tpu.dma_semaphore, #tpu.memory_space<semaphore_mem>>) src(%dma_wait3A_564 : memref<128x64xf32, #tpu.memory_space<vmem>>) dst(%dma_wait3A_570 : memref<10512x64xf32, #tpu.memory_space<vmem_shared>>)
        } else {
        }
        %dma_start3A_544 = arith.constant 2 : i32
        %dma_start3A_545 = arith.constant 2 : i32
        %dma_start3A_546 = arith.constant 0 : i32
        %dma_start3A_547 = arith.constant 0 : i32
        %dma_start3A_548 = tpu.memref_slice %arg9[%dma_start3A_544, %dma_start3A_546, %dma_start3A_547] : memref<8x128x64xf32, #tpu.memory_space<vmem>> -> memref<1x128x64xf32, #tpu.memory_space<vmem>>
        %dma_start3A_549 = tpu.memref_squeeze %dma_start3A_548 : memref<1x128x64xf32, #tpu.memory_space<vmem>> -> memref<128x64xf32, #tpu.memory_space<vmem>>
        %dma_start3A_550 = arith.constant 0 : i32
        %dma_start3A_551 = tpu.memref_slice %arg7[%add3A_389, %dma_start3A_550] : memref<80x128xi32, #tpu.memory_space<vmem>> -> memref<1x128xi32, #tpu.memory_space<vmem>>
        %dma_start3A_552 = tpu.memref_squeeze %dma_start3A_551 : memref<1x128xi32, #tpu.memory_space<vmem>> -> memref<128xi32, #tpu.memory_space<vmem>>
        %dma_start3A_553 = arith.constant 0 : i32
        %dma_start3A_554 = arith.constant 0 : i32
        %dma_start3A_555 = tpu.memref_slice %arg2[%dma_start3A_553, %dma_start3A_554] : memref<10000x64xf32, #tpu.memory_space<hbm>> -> memref<10000x64xf32, #tpu.memory_space<hbm>>
        %dma_start3A_556 = tpu.memref_slice %arg11[%dma_start3A_545] : memref<8x!tpu.dma_semaphore, #tpu.memory_space<semaphore_mem>> -> memref<1x!tpu.dma_semaphore, #tpu.memory_space<semaphore_mem>>
        %dma_start3A_557 = tpu.memref_squeeze %dma_start3A_556 : memref<1x!tpu.dma_semaphore, #tpu.memory_space<semaphore_mem>> -> memref<!tpu.dma_semaphore, #tpu.memory_space<semaphore_mem>>
        tpu.enqueue_indirect_dma source(%dma_start3A_555 : memref<10000x64xf32, #tpu.memory_space<hbm>>) target(%dma_start3A_549 : memref<128x64xf32, #tpu.memory_space<vmem>>) offsets(%dma_start3A_552 : memref<128xi32, #tpu.memory_space<vmem>>) semaphore(%dma_start3A_557 : memref<!tpu.dma_semaphore, #tpu.memory_space<semaphore_mem>>)
      } else {
      }
      %dma_wait3A_395 = arith.constant 4 : i32
      %dma_wait3A_396 = arith.constant 4 : i32
      %dma_wait3A_397 = arith.constant 0 : i32
      %dma_wait3A_398 = arith.constant 0 : i32
      %dma_wait3A_399 = tpu.memref_slice %arg9[%dma_wait3A_395, %dma_wait3A_397, %dma_wait3A_398] : memref<8x128x64xf32, #tpu.memory_space<vmem>> -> memref<1x128x64xf32, #tpu.memory_space<vmem>>
      %dma_wait3A_400 = tpu.memref_squeeze %dma_wait3A_399 : memref<1x128x64xf32, #tpu.memory_space<vmem>> -> memref<128x64xf32, #tpu.memory_space<vmem>>
      %dma_wait3A_401 = arith.constant 0 : i32
      %dma_wait3A_402 = tpu.memref_slice %arg7[%add3A_387, %dma_wait3A_401] : memref<80x128xi32, #tpu.memory_space<vmem>> -> memref<1x128xi32, #tpu.memory_space<vmem>>
      %dma_wait3A_403 = tpu.memref_squeeze %dma_wait3A_402 : memref<1x128xi32, #tpu.memory_space<vmem>> -> memref<128xi32, #tpu.memory_space<vmem>>
      %dma_wait3A_404 = arith.constant 0 : i32
      %dma_wait3A_405 = arith.constant 0 : i32
      %dma_wait3A_406 = tpu.memref_slice %arg2[%dma_wait3A_404, %dma_wait3A_405] : memref<10000x64xf32, #tpu.memory_space<hbm>> -> memref<10000x64xf32, #tpu.memory_space<hbm>>
      %dma_wait3A_407 = tpu.memref_slice %arg11[%dma_wait3A_396] : memref<8x!tpu.dma_semaphore, #tpu.memory_space<semaphore_mem>> -> memref<1x!tpu.dma_semaphore, #tpu.memory_space<semaphore_mem>>
      %dma_wait3A_408 = tpu.memref_squeeze %dma_wait3A_407 : memref<1x!tpu.dma_semaphore, #tpu.memory_space<semaphore_mem>> -> memref<!tpu.dma_semaphore, #tpu.memory_space<semaphore_mem>>
      tpu.wait_indirect_dma semaphore(%dma_wait3A_408 : memref<!tpu.dma_semaphore, #tpu.memory_space<semaphore_mem>>) src(%dma_wait3A_406 : memref<10000x64xf32, #tpu.memory_space<hbm>>) dst(%dma_wait3A_400 : memref<128x64xf32, #tpu.memory_space<vmem>>)
      %dma_start3A_409 = arith.constant 4 : i32
      %dma_start3A_410 = arith.constant 4 : i32
      %dma_start3A_411 = arith.constant 0 : i32
      %dma_start3A_412 = arith.constant 0 : i32
      %dma_start3A_413 = tpu.memref_slice %arg9[%dma_start3A_409, %dma_start3A_411, %dma_start3A_412] : memref<8x128x64xf32, #tpu.memory_space<vmem>> -> memref<1x128x64xf32, #tpu.memory_space<vmem>>
      %dma_start3A_414 = tpu.memref_squeeze %dma_start3A_413 : memref<1x128x64xf32, #tpu.memory_space<vmem>> -> memref<128x64xf32, #tpu.memory_space<vmem>>
      %dma_start3A_415 = arith.constant 0 : i32
      %dma_start3A_416 = tpu.memref_slice %arg8[%add3A_387, %dma_start3A_415] : memref<80x128xi32, #tpu.memory_space<vmem>> -> memref<1x128xi32, #tpu.memory_space<vmem>>
      %dma_start3A_417 = tpu.memref_squeeze %dma_start3A_416 : memref<1x128xi32, #tpu.memory_space<vmem>> -> memref<128xi32, #tpu.memory_space<vmem>>
      %dma_start3A_418 = arith.constant 0 : i32
      %dma_start3A_419 = arith.constant 0 : i32
      %dma_start3A_420 = tpu.memref_slice %arg10[%dma_start3A_418, %dma_start3A_419] : memref<10512x64xf32, #tpu.memory_space<vmem_shared>> -> memref<10512x64xf32, #tpu.memory_space<vmem_shared>>
      %dma_start3A_421 = tpu.memref_slice %arg12[%dma_start3A_410] : memref<8x!tpu.dma_semaphore, #tpu.memory_space<semaphore_mem>> -> memref<1x!tpu.dma_semaphore, #tpu.memory_space<semaphore_mem>>
      %dma_start3A_422 = tpu.memref_squeeze %dma_start3A_421 : memref<1x!tpu.dma_semaphore, #tpu.memory_space<semaphore_mem>> -> memref<!tpu.dma_semaphore, #tpu.memory_space<semaphore_mem>>
      tpu.enqueue_indirect_dma source(%dma_start3A_414 : memref<128x64xf32, #tpu.memory_space<vmem>>) target(%dma_start3A_420 : memref<10512x64xf32, #tpu.memory_space<vmem_shared>>) offsets(%dma_start3A_417 : memref<128xi32, #tpu.memory_space<vmem>>) semaphore(%dma_start3A_422 : memref<!tpu.dma_semaphore, #tpu.memory_space<semaphore_mem>>) {add = true}
      %mul3A_423 = arith.constant 8 : i32
      %mul3A_424 = arith.muli %scan3A_228, %mul3A_423 : i32
      %add3A_425 = arith.constant 5 : i32
      %add3A_426 = arith.addi %mul3A_424, %add3A_425 : i32
      %add3A_427 = arith.constant 6 : i32
      %add3A_428 = arith.addi %add3A_426, %add3A_427 : i32
      %lt3A_429 = arith.constant 80 : i32
      %lt3A_430 = arith.cmpi slt, %add3A_428, %lt3A_429 : i32
      %convert_element_type3A_431 = arith.extui %lt3A_430 : i1 to i32
      %cond3A_432 = arith.constant 0 : i32
      %cond3A_433 = arith.cmpi ne, %convert_element_type3A_431, %cond3A_432 : i32
      scf.if %cond3A_433 {
        %ge3A = arith.constant 8 : i32
        %ge3A_540 = arith.cmpi sge, %add3A_428, %ge3A : i32
        %convert_element_type3A_541 = arith.extui %ge3A_540 : i1 to i32
        %cond3A_542 = arith.constant 0 : i32
        %cond3A_543 = arith.cmpi ne, %convert_element_type3A_541, %cond3A_542 : i32
        scf.if %cond3A_543 {
          %dma_wait3A_558 = arith.constant 3 : i32
          %dma_wait3A_559 = arith.constant 0 : i32
          %dma_wait3A_560 = arith.constant 3 : i32
          %dma_wait3A_561 = arith.constant 0 : i32
          %dma_wait3A_562 = arith.constant 0 : i32
          %dma_wait3A_563 = tpu.memref_slice %arg9[%dma_wait3A_558, %dma_wait3A_561, %dma_wait3A_562] : memref<8x128x64xf32, #tpu.memory_space<vmem>> -> memref<1x128x64xf32, #tpu.memory_space<vmem>>
          %dma_wait3A_564 = tpu.memref_squeeze %dma_wait3A_563 : memref<1x128x64xf32, #tpu.memory_space<vmem>> -> memref<128x64xf32, #tpu.memory_space<vmem>>
          %dma_wait3A_565 = arith.constant 0 : i32
          %dma_wait3A_566 = tpu.memref_slice %arg8[%dma_wait3A_559, %dma_wait3A_565] : memref<80x128xi32, #tpu.memory_space<vmem>> -> memref<1x128xi32, #tpu.memory_space<vmem>>
          %dma_wait3A_567 = tpu.memref_squeeze %dma_wait3A_566 : memref<1x128xi32, #tpu.memory_space<vmem>> -> memref<128xi32, #tpu.memory_space<vmem>>
          %dma_wait3A_568 = arith.constant 0 : i32
          %dma_wait3A_569 = arith.constant 0 : i32
          %dma_wait3A_570 = tpu.memref_slice %arg10[%dma_wait3A_568, %dma_wait3A_569] : memref<10512x64xf32, #tpu.memory_space<vmem_shared>> -> memref<10512x64xf32, #tpu.memory_space<vmem_shared>>
          %dma_wait3A_571 = tpu.memref_slice %arg12[%dma_wait3A_560] : memref<8x!tpu.dma_semaphore, #tpu.memory_space<semaphore_mem>> -> memref<1x!tpu.dma_semaphore, #tpu.memory_space<semaphore_mem>>
          %dma_wait3A_572 = tpu.memref_squeeze %dma_wait3A_571 : memref<1x!tpu.dma_semaphore, #tpu.memory_space<semaphore_mem>> -> memref<!tpu.dma_semaphore, #tpu.memory_space<semaphore_mem>>
          tpu.wait_indirect_dma semaphore(%dma_wait3A_572 : memref<!tpu.dma_semaphore, #tpu.memory_space<semaphore_mem>>) src(%dma_wait3A_564 : memref<128x64xf32, #tpu.memory_space<vmem>>) dst(%dma_wait3A_570 : memref<10512x64xf32, #tpu.memory_space<vmem_shared>>)
        } else {
        }
        %dma_start3A_544 = arith.constant 3 : i32
        %dma_start3A_545 = arith.constant 3 : i32
        %dma_start3A_546 = arith.constant 0 : i32
        %dma_start3A_547 = arith.constant 0 : i32
        %dma_start3A_548 = tpu.memref_slice %arg9[%dma_start3A_544, %dma_start3A_546, %dma_start3A_547] : memref<8x128x64xf32, #tpu.memory_space<vmem>> -> memref<1x128x64xf32, #tpu.memory_space<vmem>>
        %dma_start3A_549 = tpu.memref_squeeze %dma_start3A_548 : memref<1x128x64xf32, #tpu.memory_space<vmem>> -> memref<128x64xf32, #tpu.memory_space<vmem>>
        %dma_start3A_550 = arith.constant 0 : i32
        %dma_start3A_551 = tpu.memref_slice %arg7[%add3A_428, %dma_start3A_550] : memref<80x128xi32, #tpu.memory_space<vmem>> -> memref<1x128xi32, #tpu.memory_space<vmem>>
        %dma_start3A_552 = tpu.memref_squeeze %dma_start3A_551 : memref<1x128xi32, #tpu.memory_space<vmem>> -> memref<128xi32, #tpu.memory_space<vmem>>
        %dma_start3A_553 = arith.constant 0 : i32
        %dma_start3A_554 = arith.constant 0 : i32
        %dma_start3A_555 = tpu.memref_slice %arg2[%dma_start3A_553, %dma_start3A_554] : memref<10000x64xf32, #tpu.memory_space<hbm>> -> memref<10000x64xf32, #tpu.memory_space<hbm>>
        %dma_start3A_556 = tpu.memref_slice %arg11[%dma_start3A_545] : memref<8x!tpu.dma_semaphore, #tpu.memory_space<semaphore_mem>> -> memref<1x!tpu.dma_semaphore, #tpu.memory_space<semaphore_mem>>
        %dma_start3A_557 = tpu.memref_squeeze %dma_start3A_556 : memref<1x!tpu.dma_semaphore, #tpu.memory_space<semaphore_mem>> -> memref<!tpu.dma_semaphore, #tpu.memory_space<semaphore_mem>>
        tpu.enqueue_indirect_dma source(%dma_start3A_555 : memref<10000x64xf32, #tpu.memory_space<hbm>>) target(%dma_start3A_549 : memref<128x64xf32, #tpu.memory_space<vmem>>) offsets(%dma_start3A_552 : memref<128xi32, #tpu.memory_space<vmem>>) semaphore(%dma_start3A_557 : memref<!tpu.dma_semaphore, #tpu.memory_space<semaphore_mem>>)
      } else {
      }
      %dma_wait3A_434 = arith.constant 5 : i32
      %dma_wait3A_435 = arith.constant 5 : i32
      %dma_wait3A_436 = arith.constant 0 : i32
      %dma_wait3A_437 = arith.constant 0 : i32
      %dma_wait3A_438 = tpu.memref_slice %arg9[%dma_wait3A_434, %dma_wait3A_436, %dma_wait3A_437] : memref<8x128x64xf32, #tpu.memory_space<vmem>> -> memref<1x128x64xf32, #tpu.memory_space<vmem>>
      %dma_wait3A_439 = tpu.memref_squeeze %dma_wait3A_438 : memref<1x128x64xf32, #tpu.memory_space<vmem>> -> memref<128x64xf32, #tpu.memory_space<vmem>>
      %dma_wait3A_440 = arith.constant 0 : i32
      %dma_wait3A_441 = tpu.memref_slice %arg7[%add3A_426, %dma_wait3A_440] : memref<80x128xi32, #tpu.memory_space<vmem>> -> memref<1x128xi32, #tpu.memory_space<vmem>>
      %dma_wait3A_442 = tpu.memref_squeeze %dma_wait3A_441 : memref<1x128xi32, #tpu.memory_space<vmem>> -> memref<128xi32, #tpu.memory_space<vmem>>
      %dma_wait3A_443 = arith.constant 0 : i32
      %dma_wait3A_444 = arith.constant 0 : i32
      %dma_wait3A_445 = tpu.memref_slice %arg2[%dma_wait3A_443, %dma_wait3A_444] : memref<10000x64xf32, #tpu.memory_space<hbm>> -> memref<10000x64xf32, #tpu.memory_space<hbm>>
      %dma_wait3A_446 = tpu.memref_slice %arg11[%dma_wait3A_435] : memref<8x!tpu.dma_semaphore, #tpu.memory_space<semaphore_mem>> -> memref<1x!tpu.dma_semaphore, #tpu.memory_space<semaphore_mem>>
      %dma_wait3A_447 = tpu.memref_squeeze %dma_wait3A_446 : memref<1x!tpu.dma_semaphore, #tpu.memory_space<semaphore_mem>> -> memref<!tpu.dma_semaphore, #tpu.memory_space<semaphore_mem>>
      tpu.wait_indirect_dma semaphore(%dma_wait3A_447 : memref<!tpu.dma_semaphore, #tpu.memory_space<semaphore_mem>>) src(%dma_wait3A_445 : memref<10000x64xf32, #tpu.memory_space<hbm>>) dst(%dma_wait3A_439 : memref<128x64xf32, #tpu.memory_space<vmem>>)
      %dma_start3A_448 = arith.constant 5 : i32
      %dma_start3A_449 = arith.constant 5 : i32
      %dma_start3A_450 = arith.constant 0 : i32
      %dma_start3A_451 = arith.constant 0 : i32
      %dma_start3A_452 = tpu.memref_slice %arg9[%dma_start3A_448, %dma_start3A_450, %dma_start3A_451] : memref<8x128x64xf32, #tpu.memory_space<vmem>> -> memref<1x128x64xf32, #tpu.memory_space<vmem>>
      %dma_start3A_453 = tpu.memref_squeeze %dma_start3A_452 : memref<1x128x64xf32, #tpu.memory_space<vmem>> -> memref<128x64xf32, #tpu.memory_space<vmem>>
      %dma_start3A_454 = arith.constant 0 : i32
      %dma_start3A_455 = tpu.memref_slice %arg8[%add3A_426, %dma_start3A_454] : memref<80x128xi32, #tpu.memory_space<vmem>> -> memref<1x128xi32, #tpu.memory_space<vmem>>
      %dma_start3A_456 = tpu.memref_squeeze %dma_start3A_455 : memref<1x128xi32, #tpu.memory_space<vmem>> -> memref<128xi32, #tpu.memory_space<vmem>>
      %dma_start3A_457 = arith.constant 0 : i32
      %dma_start3A_458 = arith.constant 0 : i32
      %dma_start3A_459 = tpu.memref_slice %arg10[%dma_start3A_457, %dma_start3A_458] : memref<10512x64xf32, #tpu.memory_space<vmem_shared>> -> memref<10512x64xf32, #tpu.memory_space<vmem_shared>>
      %dma_start3A_460 = tpu.memref_slice %arg12[%dma_start3A_449] : memref<8x!tpu.dma_semaphore, #tpu.memory_space<semaphore_mem>> -> memref<1x!tpu.dma_semaphore, #tpu.memory_space<semaphore_mem>>
      %dma_start3A_461 = tpu.memref_squeeze %dma_start3A_460 : memref<1x!tpu.dma_semaphore, #tpu.memory_space<semaphore_mem>> -> memref<!tpu.dma_semaphore, #tpu.memory_space<semaphore_mem>>
      tpu.enqueue_indirect_dma source(%dma_start3A_453 : memref<128x64xf32, #tpu.memory_space<vmem>>) target(%dma_start3A_459 : memref<10512x64xf32, #tpu.memory_space<vmem_shared>>) offsets(%dma_start3A_456 : memref<128xi32, #tpu.memory_space<vmem>>) semaphore(%dma_start3A_461 : memref<!tpu.dma_semaphore, #tpu.memory_space<semaphore_mem>>) {add = true}
      %mul3A_462 = arith.constant 8 : i32
      %mul3A_463 = arith.muli %scan3A_228, %mul3A_462 : i32
      %add3A_464 = arith.constant 6 : i32
      %add3A_465 = arith.addi %mul3A_463, %add3A_464 : i32
      %add3A_466 = arith.constant 6 : i32
      %add3A_467 = arith.addi %add3A_465, %add3A_466 : i32
      %lt3A_468 = arith.constant 80 : i32
      %lt3A_469 = arith.cmpi slt, %add3A_467, %lt3A_468 : i32
      %convert_element_type3A_470 = arith.extui %lt3A_469 : i1 to i32
      %cond3A_471 = arith.constant 0 : i32
      %cond3A_472 = arith.cmpi ne, %convert_element_type3A_470, %cond3A_471 : i32
      scf.if %cond3A_472 {
        %ge3A = arith.constant 8 : i32
        %ge3A_540 = arith.cmpi sge, %add3A_467, %ge3A : i32
        %convert_element_type3A_541 = arith.extui %ge3A_540 : i1 to i32
        %cond3A_542 = arith.constant 0 : i32
        %cond3A_543 = arith.cmpi ne, %convert_element_type3A_541, %cond3A_542 : i32
        scf.if %cond3A_543 {
          %dma_wait3A_558 = arith.constant 4 : i32
          %dma_wait3A_559 = arith.constant 0 : i32
          %dma_wait3A_560 = arith.constant 4 : i32
          %dma_wait3A_561 = arith.constant 0 : i32
          %dma_wait3A_562 = arith.constant 0 : i32
          %dma_wait3A_563 = tpu.memref_slice %arg9[%dma_wait3A_558, %dma_wait3A_561, %dma_wait3A_562] : memref<8x128x64xf32, #tpu.memory_space<vmem>> -> memref<1x128x64xf32, #tpu.memory_space<vmem>>
          %dma_wait3A_564 = tpu.memref_squeeze %dma_wait3A_563 : memref<1x128x64xf32, #tpu.memory_space<vmem>> -> memref<128x64xf32, #tpu.memory_space<vmem>>
          %dma_wait3A_565 = arith.constant 0 : i32
          %dma_wait3A_566 = tpu.memref_slice %arg8[%dma_wait3A_559, %dma_wait3A_565] : memref<80x128xi32, #tpu.memory_space<vmem>> -> memref<1x128xi32, #tpu.memory_space<vmem>>
          %dma_wait3A_567 = tpu.memref_squeeze %dma_wait3A_566 : memref<1x128xi32, #tpu.memory_space<vmem>> -> memref<128xi32, #tpu.memory_space<vmem>>
          %dma_wait3A_568 = arith.constant 0 : i32
          %dma_wait3A_569 = arith.constant 0 : i32
          %dma_wait3A_570 = tpu.memref_slice %arg10[%dma_wait3A_568, %dma_wait3A_569] : memref<10512x64xf32, #tpu.memory_space<vmem_shared>> -> memref<10512x64xf32, #tpu.memory_space<vmem_shared>>
          %dma_wait3A_571 = tpu.memref_slice %arg12[%dma_wait3A_560] : memref<8x!tpu.dma_semaphore, #tpu.memory_space<semaphore_mem>> -> memref<1x!tpu.dma_semaphore, #tpu.memory_space<semaphore_mem>>
          %dma_wait3A_572 = tpu.memref_squeeze %dma_wait3A_571 : memref<1x!tpu.dma_semaphore, #tpu.memory_space<semaphore_mem>> -> memref<!tpu.dma_semaphore, #tpu.memory_space<semaphore_mem>>
          tpu.wait_indirect_dma semaphore(%dma_wait3A_572 : memref<!tpu.dma_semaphore, #tpu.memory_space<semaphore_mem>>) src(%dma_wait3A_564 : memref<128x64xf32, #tpu.memory_space<vmem>>) dst(%dma_wait3A_570 : memref<10512x64xf32, #tpu.memory_space<vmem_shared>>)
        } else {
        }
        %dma_start3A_544 = arith.constant 4 : i32
        %dma_start3A_545 = arith.constant 4 : i32
        %dma_start3A_546 = arith.constant 0 : i32
        %dma_start3A_547 = arith.constant 0 : i32
        %dma_start3A_548 = tpu.memref_slice %arg9[%dma_start3A_544, %dma_start3A_546, %dma_start3A_547] : memref<8x128x64xf32, #tpu.memory_space<vmem>> -> memref<1x128x64xf32, #tpu.memory_space<vmem>>
        %dma_start3A_549 = tpu.memref_squeeze %dma_start3A_548 : memref<1x128x64xf32, #tpu.memory_space<vmem>> -> memref<128x64xf32, #tpu.memory_space<vmem>>
        %dma_start3A_550 = arith.constant 0 : i32
        %dma_start3A_551 = tpu.memref_slice %arg7[%add3A_467, %dma_start3A_550] : memref<80x128xi32, #tpu.memory_space<vmem>> -> memref<1x128xi32, #tpu.memory_space<vmem>>
        %dma_start3A_552 = tpu.memref_squeeze %dma_start3A_551 : memref<1x128xi32, #tpu.memory_space<vmem>> -> memref<128xi32, #tpu.memory_space<vmem>>
        %dma_start3A_553 = arith.constant 0 : i32
        %dma_start3A_554 = arith.constant 0 : i32
        %dma_start3A_555 = tpu.memref_slice %arg2[%dma_start3A_553, %dma_start3A_554] : memref<10000x64xf32, #tpu.memory_space<hbm>> -> memref<10000x64xf32, #tpu.memory_space<hbm>>
        %dma_start3A_556 = tpu.memref_slice %arg11[%dma_start3A_545] : memref<8x!tpu.dma_semaphore, #tpu.memory_space<semaphore_mem>> -> memref<1x!tpu.dma_semaphore, #tpu.memory_space<semaphore_mem>>
        %dma_start3A_557 = tpu.memref_squeeze %dma_start3A_556 : memref<1x!tpu.dma_semaphore, #tpu.memory_space<semaphore_mem>> -> memref<!tpu.dma_semaphore, #tpu.memory_space<semaphore_mem>>
        tpu.enqueue_indirect_dma source(%dma_start3A_555 : memref<10000x64xf32, #tpu.memory_space<hbm>>) target(%dma_start3A_549 : memref<128x64xf32, #tpu.memory_space<vmem>>) offsets(%dma_start3A_552 : memref<128xi32, #tpu.memory_space<vmem>>) semaphore(%dma_start3A_557 : memref<!tpu.dma_semaphore, #tpu.memory_space<semaphore_mem>>)
      } else {
      }
      %dma_wait3A_473 = arith.constant 6 : i32
      %dma_wait3A_474 = arith.constant 6 : i32
      %dma_wait3A_475 = arith.constant 0 : i32
      %dma_wait3A_476 = arith.constant 0 : i32
      %dma_wait3A_477 = tpu.memref_slice %arg9[%dma_wait3A_473, %dma_wait3A_475, %dma_wait3A_476] : memref<8x128x64xf32, #tpu.memory_space<vmem>> -> memref<1x128x64xf32, #tpu.memory_space<vmem>>
      %dma_wait3A_478 = tpu.memref_squeeze %dma_wait3A_477 : memref<1x128x64xf32, #tpu.memory_space<vmem>> -> memref<128x64xf32, #tpu.memory_space<vmem>>
      %dma_wait3A_479 = arith.constant 0 : i32
      %dma_wait3A_480 = tpu.memref_slice %arg7[%add3A_465, %dma_wait3A_479] : memref<80x128xi32, #tpu.memory_space<vmem>> -> memref<1x128xi32, #tpu.memory_space<vmem>>
      %dma_wait3A_481 = tpu.memref_squeeze %dma_wait3A_480 : memref<1x128xi32, #tpu.memory_space<vmem>> -> memref<128xi32, #tpu.memory_space<vmem>>
      %dma_wait3A_482 = arith.constant 0 : i32
      %dma_wait3A_483 = arith.constant 0 : i32
      %dma_wait3A_484 = tpu.memref_slice %arg2[%dma_wait3A_482, %dma_wait3A_483] : memref<10000x64xf32, #tpu.memory_space<hbm>> -> memref<10000x64xf32, #tpu.memory_space<hbm>>
      %dma_wait3A_485 = tpu.memref_slice %arg11[%dma_wait3A_474] : memref<8x!tpu.dma_semaphore, #tpu.memory_space<semaphore_mem>> -> memref<1x!tpu.dma_semaphore, #tpu.memory_space<semaphore_mem>>
      %dma_wait3A_486 = tpu.memref_squeeze %dma_wait3A_485 : memref<1x!tpu.dma_semaphore, #tpu.memory_space<semaphore_mem>> -> memref<!tpu.dma_semaphore, #tpu.memory_space<semaphore_mem>>
      tpu.wait_indirect_dma semaphore(%dma_wait3A_486 : memref<!tpu.dma_semaphore, #tpu.memory_space<semaphore_mem>>) src(%dma_wait3A_484 : memref<10000x64xf32, #tpu.memory_space<hbm>>) dst(%dma_wait3A_478 : memref<128x64xf32, #tpu.memory_space<vmem>>)
      %dma_start3A_487 = arith.constant 6 : i32
      %dma_start3A_488 = arith.constant 6 : i32
      %dma_start3A_489 = arith.constant 0 : i32
      %dma_start3A_490 = arith.constant 0 : i32
      %dma_start3A_491 = tpu.memref_slice %arg9[%dma_start3A_487, %dma_start3A_489, %dma_start3A_490] : memref<8x128x64xf32, #tpu.memory_space<vmem>> -> memref<1x128x64xf32, #tpu.memory_space<vmem>>
      %dma_start3A_492 = tpu.memref_squeeze %dma_start3A_491 : memref<1x128x64xf32, #tpu.memory_space<vmem>> -> memref<128x64xf32, #tpu.memory_space<vmem>>
      %dma_start3A_493 = arith.constant 0 : i32
      %dma_start3A_494 = tpu.memref_slice %arg8[%add3A_465, %dma_start3A_493] : memref<80x128xi32, #tpu.memory_space<vmem>> -> memref<1x128xi32, #tpu.memory_space<vmem>>
      %dma_start3A_495 = tpu.memref_squeeze %dma_start3A_494 : memref<1x128xi32, #tpu.memory_space<vmem>> -> memref<128xi32, #tpu.memory_space<vmem>>
      %dma_start3A_496 = arith.constant 0 : i32
      %dma_start3A_497 = arith.constant 0 : i32
      %dma_start3A_498 = tpu.memref_slice %arg10[%dma_start3A_496, %dma_start3A_497] : memref<10512x64xf32, #tpu.memory_space<vmem_shared>> -> memref<10512x64xf32, #tpu.memory_space<vmem_shared>>
      %dma_start3A_499 = tpu.memref_slice %arg12[%dma_start3A_488] : memref<8x!tpu.dma_semaphore, #tpu.memory_space<semaphore_mem>> -> memref<1x!tpu.dma_semaphore, #tpu.memory_space<semaphore_mem>>
      %dma_start3A_500 = tpu.memref_squeeze %dma_start3A_499 : memref<1x!tpu.dma_semaphore, #tpu.memory_space<semaphore_mem>> -> memref<!tpu.dma_semaphore, #tpu.memory_space<semaphore_mem>>
      tpu.enqueue_indirect_dma source(%dma_start3A_492 : memref<128x64xf32, #tpu.memory_space<vmem>>) target(%dma_start3A_498 : memref<10512x64xf32, #tpu.memory_space<vmem_shared>>) offsets(%dma_start3A_495 : memref<128xi32, #tpu.memory_space<vmem>>) semaphore(%dma_start3A_500 : memref<!tpu.dma_semaphore, #tpu.memory_space<semaphore_mem>>) {add = true}
      %mul3A_501 = arith.constant 8 : i32
      %mul3A_502 = arith.muli %scan3A_228, %mul3A_501 : i32
      %add3A_503 = arith.constant 7 : i32
      %add3A_504 = arith.addi %mul3A_502, %add3A_503 : i32
      %add3A_505 = arith.constant 6 : i32
      %add3A_506 = arith.addi %add3A_504, %add3A_505 : i32
      %lt3A_507 = arith.constant 80 : i32
      %lt3A_508 = arith.cmpi slt, %add3A_506, %lt3A_507 : i32
      %convert_element_type3A_509 = arith.extui %lt3A_508 : i1 to i32
      %cond3A_510 = arith.constant 0 : i32
      %cond3A_511 = arith.cmpi ne, %convert_element_type3A_509, %cond3A_510 : i32
      scf.if %cond3A_511 {
        %ge3A = arith.constant 8 : i32
        %ge3A_540 = arith.cmpi sge, %add3A_506, %ge3A : i32
        %convert_element_type3A_541 = arith.extui %ge3A_540 : i1 to i32
        %cond3A_542 = arith.constant 0 : i32
        %cond3A_543 = arith.cmpi ne, %convert_element_type3A_541, %cond3A_542 : i32
        scf.if %cond3A_543 {
          %dma_wait3A_558 = arith.constant 5 : i32
          %dma_wait3A_559 = arith.constant 0 : i32
          %dma_wait3A_560 = arith.constant 5 : i32
          %dma_wait3A_561 = arith.constant 0 : i32
          %dma_wait3A_562 = arith.constant 0 : i32
          %dma_wait3A_563 = tpu.memref_slice %arg9[%dma_wait3A_558, %dma_wait3A_561, %dma_wait3A_562] : memref<8x128x64xf32, #tpu.memory_space<vmem>> -> memref<1x128x64xf32, #tpu.memory_space<vmem>>
          %dma_wait3A_564 = tpu.memref_squeeze %dma_wait3A_563 : memref<1x128x64xf32, #tpu.memory_space<vmem>> -> memref<128x64xf32, #tpu.memory_space<vmem>>
          %dma_wait3A_565 = arith.constant 0 : i32
          %dma_wait3A_566 = tpu.memref_slice %arg8[%dma_wait3A_559, %dma_wait3A_565] : memref<80x128xi32, #tpu.memory_space<vmem>> -> memref<1x128xi32, #tpu.memory_space<vmem>>
          %dma_wait3A_567 = tpu.memref_squeeze %dma_wait3A_566 : memref<1x128xi32, #tpu.memory_space<vmem>> -> memref<128xi32, #tpu.memory_space<vmem>>
          %dma_wait3A_568 = arith.constant 0 : i32
          %dma_wait3A_569 = arith.constant 0 : i32
          %dma_wait3A_570 = tpu.memref_slice %arg10[%dma_wait3A_568, %dma_wait3A_569] : memref<10512x64xf32, #tpu.memory_space<vmem_shared>> -> memref<10512x64xf32, #tpu.memory_space<vmem_shared>>
          %dma_wait3A_571 = tpu.memref_slice %arg12[%dma_wait3A_560] : memref<8x!tpu.dma_semaphore, #tpu.memory_space<semaphore_mem>> -> memref<1x!tpu.dma_semaphore, #tpu.memory_space<semaphore_mem>>
          %dma_wait3A_572 = tpu.memref_squeeze %dma_wait3A_571 : memref<1x!tpu.dma_semaphore, #tpu.memory_space<semaphore_mem>> -> memref<!tpu.dma_semaphore, #tpu.memory_space<semaphore_mem>>
          tpu.wait_indirect_dma semaphore(%dma_wait3A_572 : memref<!tpu.dma_semaphore, #tpu.memory_space<semaphore_mem>>) src(%dma_wait3A_564 : memref<128x64xf32, #tpu.memory_space<vmem>>) dst(%dma_wait3A_570 : memref<10512x64xf32, #tpu.memory_space<vmem_shared>>)
        } else {
        }
        %dma_start3A_544 = arith.constant 5 : i32
        %dma_start3A_545 = arith.constant 5 : i32
        %dma_start3A_546 = arith.constant 0 : i32
        %dma_start3A_547 = arith.constant 0 : i32
        %dma_start3A_548 = tpu.memref_slice %arg9[%dma_start3A_544, %dma_start3A_546, %dma_start3A_547] : memref<8x128x64xf32, #tpu.memory_space<vmem>> -> memref<1x128x64xf32, #tpu.memory_space<vmem>>
        %dma_start3A_549 = tpu.memref_squeeze %dma_start3A_548 : memref<1x128x64xf32, #tpu.memory_space<vmem>> -> memref<128x64xf32, #tpu.memory_space<vmem>>
        %dma_start3A_550 = arith.constant 0 : i32
        %dma_start3A_551 = tpu.memref_slice %arg7[%add3A_506, %dma_start3A_550] : memref<80x128xi32, #tpu.memory_space<vmem>> -> memref<1x128xi32, #tpu.memory_space<vmem>>
        %dma_start3A_552 = tpu.memref_squeeze %dma_start3A_551 : memref<1x128xi32, #tpu.memory_space<vmem>> -> memref<128xi32, #tpu.memory_space<vmem>>
        %dma_start3A_553 = arith.constant 0 : i32
        %dma_start3A_554 = arith.constant 0 : i32
        %dma_start3A_555 = tpu.memref_slice %arg2[%dma_start3A_553, %dma_start3A_554] : memref<10000x64xf32, #tpu.memory_space<hbm>> -> memref<10000x64xf32, #tpu.memory_space<hbm>>
        %dma_start3A_556 = tpu.memref_slice %arg11[%dma_start3A_545] : memref<8x!tpu.dma_semaphore, #tpu.memory_space<semaphore_mem>> -> memref<1x!tpu.dma_semaphore, #tpu.memory_space<semaphore_mem>>
        %dma_start3A_557 = tpu.memref_squeeze %dma_start3A_556 : memref<1x!tpu.dma_semaphore, #tpu.memory_space<semaphore_mem>> -> memref<!tpu.dma_semaphore, #tpu.memory_space<semaphore_mem>>
        tpu.enqueue_indirect_dma source(%dma_start3A_555 : memref<10000x64xf32, #tpu.memory_space<hbm>>) target(%dma_start3A_549 : memref<128x64xf32, #tpu.memory_space<vmem>>) offsets(%dma_start3A_552 : memref<128xi32, #tpu.memory_space<vmem>>) semaphore(%dma_start3A_557 : memref<!tpu.dma_semaphore, #tpu.memory_space<semaphore_mem>>)
      } else {
      }
      %dma_wait3A_512 = arith.constant 7 : i32
      %dma_wait3A_513 = arith.constant 7 : i32
      %dma_wait3A_514 = arith.constant 0 : i32
      %dma_wait3A_515 = arith.constant 0 : i32
      %dma_wait3A_516 = tpu.memref_slice %arg9[%dma_wait3A_512, %dma_wait3A_514, %dma_wait3A_515] : memref<8x128x64xf32, #tpu.memory_space<vmem>> -> memref<1x128x64xf32, #tpu.memory_space<vmem>>
      %dma_wait3A_517 = tpu.memref_squeeze %dma_wait3A_516 : memref<1x128x64xf32, #tpu.memory_space<vmem>> -> memref<128x64xf32, #tpu.memory_space<vmem>>
      %dma_wait3A_518 = arith.constant 0 : i32
      %dma_wait3A_519 = tpu.memref_slice %arg7[%add3A_504, %dma_wait3A_518] : memref<80x128xi32, #tpu.memory_space<vmem>> -> memref<1x128xi32, #tpu.memory_space<vmem>>
      %dma_wait3A_520 = tpu.memref_squeeze %dma_wait3A_519 : memref<1x128xi32, #tpu.memory_space<vmem>> -> memref<128xi32, #tpu.memory_space<vmem>>
      %dma_wait3A_521 = arith.constant 0 : i32
      %dma_wait3A_522 = arith.constant 0 : i32
      %dma_wait3A_523 = tpu.memref_slice %arg2[%dma_wait3A_521, %dma_wait3A_522] : memref<10000x64xf32, #tpu.memory_space<hbm>> -> memref<10000x64xf32, #tpu.memory_space<hbm>>
      %dma_wait3A_524 = tpu.memref_slice %arg11[%dma_wait3A_513] : memref<8x!tpu.dma_semaphore, #tpu.memory_space<semaphore_mem>> -> memref<1x!tpu.dma_semaphore, #tpu.memory_space<semaphore_mem>>
      %dma_wait3A_525 = tpu.memref_squeeze %dma_wait3A_524 : memref<1x!tpu.dma_semaphore, #tpu.memory_space<semaphore_mem>> -> memref<!tpu.dma_semaphore, #tpu.memory_space<semaphore_mem>>
      tpu.wait_indirect_dma semaphore(%dma_wait3A_525 : memref<!tpu.dma_semaphore, #tpu.memory_space<semaphore_mem>>) src(%dma_wait3A_523 : memref<10000x64xf32, #tpu.memory_space<hbm>>) dst(%dma_wait3A_517 : memref<128x64xf32, #tpu.memory_space<vmem>>)
      %dma_start3A_526 = arith.constant 7 : i32
      %dma_start3A_527 = arith.constant 7 : i32
      %dma_start3A_528 = arith.constant 0 : i32
      %dma_start3A_529 = arith.constant 0 : i32
      %dma_start3A_530 = tpu.memref_slice %arg9[%dma_start3A_526, %dma_start3A_528, %dma_start3A_529] : memref<8x128x64xf32, #tpu.memory_space<vmem>> -> memref<1x128x64xf32, #tpu.memory_space<vmem>>
      %dma_start3A_531 = tpu.memref_squeeze %dma_start3A_530 : memref<1x128x64xf32, #tpu.memory_space<vmem>> -> memref<128x64xf32, #tpu.memory_space<vmem>>
      %dma_start3A_532 = arith.constant 0 : i32
      %dma_start3A_533 = tpu.memref_slice %arg8[%add3A_504, %dma_start3A_532] : memref<80x128xi32, #tpu.memory_space<vmem>> -> memref<1x128xi32, #tpu.memory_space<vmem>>
      %dma_start3A_534 = tpu.memref_squeeze %dma_start3A_533 : memref<1x128xi32, #tpu.memory_space<vmem>> -> memref<128xi32, #tpu.memory_space<vmem>>
      %dma_start3A_535 = arith.constant 0 : i32
      %dma_start3A_536 = arith.constant 0 : i32
      %dma_start3A_537 = tpu.memref_slice %arg10[%dma_start3A_535, %dma_start3A_536] : memref<10512x64xf32, #tpu.memory_space<vmem_shared>> -> memref<10512x64xf32, #tpu.memory_space<vmem_shared>>
      %dma_start3A_538 = tpu.memref_slice %arg12[%dma_start3A_527] : memref<8x!tpu.dma_semaphore, #tpu.memory_space<semaphore_mem>> -> memref<1x!tpu.dma_semaphore, #tpu.memory_space<semaphore_mem>>
      %dma_start3A_539 = tpu.memref_squeeze %dma_start3A_538 : memref<1x!tpu.dma_semaphore, #tpu.memory_space<semaphore_mem>> -> memref<!tpu.dma_semaphore, #tpu.memory_space<semaphore_mem>>
      tpu.enqueue_indirect_dma source(%dma_start3A_531 : memref<128x64xf32, #tpu.memory_space<vmem>>) target(%dma_start3A_537 : memref<10512x64xf32, #tpu.memory_space<vmem_shared>>) offsets(%dma_start3A_534 : memref<128xi32, #tpu.memory_space<vmem>>) semaphore(%dma_start3A_539 : memref<!tpu.dma_semaphore, #tpu.memory_space<semaphore_mem>>) {add = true}
    }
    %scan3A_102 = arith.constant 10 : i32
    %dma_wait3A = arith.constant 0 : i32
    %dma_wait3A_103 = arith.constant 0 : i32
    %dma_wait3A_104 = arith.constant 0 : i32
    %dma_wait3A_105 = arith.constant 0 : i32
    %dma_wait3A_106 = arith.constant 0 : i32
    %dma_wait3A_107 = tpu.memref_slice %arg9[%dma_wait3A, %dma_wait3A_105, %dma_wait3A_106] : memref<8x128x64xf32, #tpu.memory_space<vmem>> -> memref<1x128x64xf32, #tpu.memory_space<vmem>>
    %dma_wait3A_108 = tpu.memref_squeeze %dma_wait3A_107 : memref<1x128x64xf32, #tpu.memory_space<vmem>> -> memref<128x64xf32, #tpu.memory_space<vmem>>
    %dma_wait3A_109 = arith.constant 0 : i32
    %dma_wait3A_110 = tpu.memref_slice %arg8[%dma_wait3A_103, %dma_wait3A_109] : memref<80x128xi32, #tpu.memory_space<vmem>> -> memref<1x128xi32, #tpu.memory_space<vmem>>
    %dma_wait3A_111 = tpu.memref_squeeze %dma_wait3A_110 : memref<1x128xi32, #tpu.memory_space<vmem>> -> memref<128xi32, #tpu.memory_space<vmem>>
    %dma_wait3A_112 = arith.constant 0 : i32
    %dma_wait3A_113 = arith.constant 0 : i32
    %dma_wait3A_114 = tpu.memref_slice %arg10[%dma_wait3A_112, %dma_wait3A_113] : memref<10512x64xf32, #tpu.memory_space<vmem_shared>> -> memref<10512x64xf32, #tpu.memory_space<vmem_shared>>
    %dma_wait3A_115 = tpu.memref_slice %arg12[%dma_wait3A_104] : memref<8x!tpu.dma_semaphore, #tpu.memory_space<semaphore_mem>> -> memref<1x!tpu.dma_semaphore, #tpu.memory_space<semaphore_mem>>
    %dma_wait3A_116 = tpu.memref_squeeze %dma_wait3A_115 : memref<1x!tpu.dma_semaphore, #tpu.memory_space<semaphore_mem>> -> memref<!tpu.dma_semaphore, #tpu.memory_space<semaphore_mem>>
    tpu.wait_indirect_dma semaphore(%dma_wait3A_116 : memref<!tpu.dma_semaphore, #tpu.memory_space<semaphore_mem>>) src(%dma_wait3A_108 : memref<128x64xf32, #tpu.memory_space<vmem>>) dst(%dma_wait3A_114 : memref<10512x64xf32, #tpu.memory_space<vmem_shared>>)
    %dma_wait3A_117 = arith.constant 1 : i32
    %dma_wait3A_118 = arith.constant 0 : i32
    %dma_wait3A_119 = arith.constant 1 : i32
    %dma_wait3A_120 = arith.constant 0 : i32
    %dma_wait3A_121 = arith.constant 0 : i32
    %dma_wait3A_122 = tpu.memref_slice %arg9[%dma_wait3A_117, %dma_wait3A_120, %dma_wait3A_121] : memref<8x128x64xf32, #tpu.memory_space<vmem>> -> memref<1x128x64xf32, #tpu.memory_space<vmem>>
    %dma_wait3A_123 = tpu.memref_squeeze %dma_wait3A_122 : memref<1x128x64xf32, #tpu.memory_space<vmem>> -> memref<128x64xf32, #tpu.memory_space<vmem>>
    %dma_wait3A_124 = arith.constant 0 : i32
    %dma_wait3A_125 = tpu.memref_slice %arg8[%dma_wait3A_118, %dma_wait3A_124] : memref<80x128xi32, #tpu.memory_space<vmem>> -> memref<1x128xi32, #tpu.memory_space<vmem>>
    %dma_wait3A_126 = tpu.memref_squeeze %dma_wait3A_125 : memref<1x128xi32, #tpu.memory_space<vmem>> -> memref<128xi32, #tpu.memory_space<vmem>>
    %dma_wait3A_127 = arith.constant 0 : i32
    %dma_wait3A_128 = arith.constant 0 : i32
    %dma_wait3A_129 = tpu.memref_slice %arg10[%dma_wait3A_127, %dma_wait3A_128] : memref<10512x64xf32, #tpu.memory_space<vmem_shared>> -> memref<10512x64xf32, #tpu.memory_space<vmem_shared>>
    %dma_wait3A_130 = tpu.memref_slice %arg12[%dma_wait3A_119] : memref<8x!tpu.dma_semaphore, #tpu.memory_space<semaphore_mem>> -> memref<1x!tpu.dma_semaphore, #tpu.memory_space<semaphore_mem>>
    %dma_wait3A_131 = tpu.memref_squeeze %dma_wait3A_130 : memref<1x!tpu.dma_semaphore, #tpu.memory_space<semaphore_mem>> -> memref<!tpu.dma_semaphore, #tpu.memory_space<semaphore_mem>>
    tpu.wait_indirect_dma semaphore(%dma_wait3A_131 : memref<!tpu.dma_semaphore, #tpu.memory_space<semaphore_mem>>) src(%dma_wait3A_123 : memref<128x64xf32, #tpu.memory_space<vmem>>) dst(%dma_wait3A_129 : memref<10512x64xf32, #tpu.memory_space<vmem_shared>>)
    %dma_wait3A_132 = arith.constant 2 : i32
    %dma_wait3A_133 = arith.constant 0 : i32
    %dma_wait3A_134 = arith.constant 2 : i32
    %dma_wait3A_135 = arith.constant 0 : i32
    %dma_wait3A_136 = arith.constant 0 : i32
    %dma_wait3A_137 = tpu.memref_slice %arg9[%dma_wait3A_132, %dma_wait3A_135, %dma_wait3A_136] : memref<8x128x64xf32, #tpu.memory_space<vmem>> -> memref<1x128x64xf32, #tpu.memory_space<vmem>>
    %dma_wait3A_138 = tpu.memref_squeeze %dma_wait3A_137 : memref<1x128x64xf32, #tpu.memory_space<vmem>> -> memref<128x64xf32, #tpu.memory_space<vmem>>
    %dma_wait3A_139 = arith.constant 0 : i32
    %dma_wait3A_140 = tpu.memref_slice %arg8[%dma_wait3A_133, %dma_wait3A_139] : memref<80x128xi32, #tpu.memory_space<vmem>> -> memref<1x128xi32, #tpu.memory_space<vmem>>
    %dma_wait3A_141 = tpu.memref_squeeze %dma_wait3A_140 : memref<1x128xi32, #tpu.memory_space<vmem>> -> memref<128xi32, #tpu.memory_space<vmem>>
    %dma_wait3A_142 = arith.constant 0 : i32
    %dma_wait3A_143 = arith.constant 0 : i32
    %dma_wait3A_144 = tpu.memref_slice %arg10[%dma_wait3A_142, %dma_wait3A_143] : memref<10512x64xf32, #tpu.memory_space<vmem_shared>> -> memref<10512x64xf32, #tpu.memory_space<vmem_shared>>
    %dma_wait3A_145 = tpu.memref_slice %arg12[%dma_wait3A_134] : memref<8x!tpu.dma_semaphore, #tpu.memory_space<semaphore_mem>> -> memref<1x!tpu.dma_semaphore, #tpu.memory_space<semaphore_mem>>
    %dma_wait3A_146 = tpu.memref_squeeze %dma_wait3A_145 : memref<1x!tpu.dma_semaphore, #tpu.memory_space<semaphore_mem>> -> memref<!tpu.dma_semaphore, #tpu.memory_space<semaphore_mem>>
    tpu.wait_indirect_dma semaphore(%dma_wait3A_146 : memref<!tpu.dma_semaphore, #tpu.memory_space<semaphore_mem>>) src(%dma_wait3A_138 : memref<128x64xf32, #tpu.memory_space<vmem>>) dst(%dma_wait3A_144 : memref<10512x64xf32, #tpu.memory_space<vmem_shared>>)
    %dma_wait3A_147 = arith.constant 3 : i32
    %dma_wait3A_148 = arith.constant 0 : i32
    %dma_wait3A_149 = arith.constant 3 : i32
    %dma_wait3A_150 = arith.constant 0 : i32
    %dma_wait3A_151 = arith.constant 0 : i32
    %dma_wait3A_152 = tpu.memref_slice %arg9[%dma_wait3A_147, %dma_wait3A_150, %dma_wait3A_151] : memref<8x128x64xf32, #tpu.memory_space<vmem>> -> memref<1x128x64xf32, #tpu.memory_space<vmem>>
    %dma_wait3A_153 = tpu.memref_squeeze %dma_wait3A_152 : memref<1x128x64xf32, #tpu.memory_space<vmem>> -> memref<128x64xf32, #tpu.memory_space<vmem>>
    %dma_wait3A_154 = arith.constant 0 : i32
    %dma_wait3A_155 = tpu.memref_slice %arg8[%dma_wait3A_148, %dma_wait3A_154] : memref<80x128xi32, #tpu.memory_space<vmem>> -> memref<1x128xi32, #tpu.memory_space<vmem>>
    %dma_wait3A_156 = tpu.memref_squeeze %dma_wait3A_155 : memref<1x128xi32, #tpu.memory_space<vmem>> -> memref<128xi32, #tpu.memory_space<vmem>>
    %dma_wait3A_157 = arith.constant 0 : i32
    %dma_wait3A_158 = arith.constant 0 : i32
    %dma_wait3A_159 = tpu.memref_slice %arg10[%dma_wait3A_157, %dma_wait3A_158] : memref<10512x64xf32, #tpu.memory_space<vmem_shared>> -> memref<10512x64xf32, #tpu.memory_space<vmem_shared>>
    %dma_wait3A_160 = tpu.memref_slice %arg12[%dma_wait3A_149] : memref<8x!tpu.dma_semaphore, #tpu.memory_space<semaphore_mem>> -> memref<1x!tpu.dma_semaphore, #tpu.memory_space<semaphore_mem>>
    %dma_wait3A_161 = tpu.memref_squeeze %dma_wait3A_160 : memref<1x!tpu.dma_semaphore, #tpu.memory_space<semaphore_mem>> -> memref<!tpu.dma_semaphore, #tpu.memory_space<semaphore_mem>>
    tpu.wait_indirect_dma semaphore(%dma_wait3A_161 : memref<!tpu.dma_semaphore, #tpu.memory_space<semaphore_mem>>) src(%dma_wait3A_153 : memref<128x64xf32, #tpu.memory_space<vmem>>) dst(%dma_wait3A_159 : memref<10512x64xf32, #tpu.memory_space<vmem_shared>>)
    %dma_wait3A_162 = arith.constant 4 : i32
    %dma_wait3A_163 = arith.constant 0 : i32
    %dma_wait3A_164 = arith.constant 4 : i32
    %dma_wait3A_165 = arith.constant 0 : i32
    %dma_wait3A_166 = arith.constant 0 : i32
    %dma_wait3A_167 = tpu.memref_slice %arg9[%dma_wait3A_162, %dma_wait3A_165, %dma_wait3A_166] : memref<8x128x64xf32, #tpu.memory_space<vmem>> -> memref<1x128x64xf32, #tpu.memory_space<vmem>>
    %dma_wait3A_168 = tpu.memref_squeeze %dma_wait3A_167 : memref<1x128x64xf32, #tpu.memory_space<vmem>> -> memref<128x64xf32, #tpu.memory_space<vmem>>
    %dma_wait3A_169 = arith.constant 0 : i32
    %dma_wait3A_170 = tpu.memref_slice %arg8[%dma_wait3A_163, %dma_wait3A_169] : memref<80x128xi32, #tpu.memory_space<vmem>> -> memref<1x128xi32, #tpu.memory_space<vmem>>
    %dma_wait3A_171 = tpu.memref_squeeze %dma_wait3A_170 : memref<1x128xi32, #tpu.memory_space<vmem>> -> memref<128xi32, #tpu.memory_space<vmem>>
    %dma_wait3A_172 = arith.constant 0 : i32
    %dma_wait3A_173 = arith.constant 0 : i32
    %dma_wait3A_174 = tpu.memref_slice %arg10[%dma_wait3A_172, %dma_wait3A_173] : memref<10512x64xf32, #tpu.memory_space<vmem_shared>> -> memref<10512x64xf32, #tpu.memory_space<vmem_shared>>
    %dma_wait3A_175 = tpu.memref_slice %arg12[%dma_wait3A_164] : memref<8x!tpu.dma_semaphore, #tpu.memory_space<semaphore_mem>> -> memref<1x!tpu.dma_semaphore, #tpu.memory_space<semaphore_mem>>
    %dma_wait3A_176 = tpu.memref_squeeze %dma_wait3A_175 : memref<1x!tpu.dma_semaphore, #tpu.memory_space<semaphore_mem>> -> memref<!tpu.dma_semaphore, #tpu.memory_space<semaphore_mem>>
    tpu.wait_indirect_dma semaphore(%dma_wait3A_176 : memref<!tpu.dma_semaphore, #tpu.memory_space<semaphore_mem>>) src(%dma_wait3A_168 : memref<128x64xf32, #tpu.memory_space<vmem>>) dst(%dma_wait3A_174 : memref<10512x64xf32, #tpu.memory_space<vmem_shared>>)
    %dma_wait3A_177 = arith.constant 5 : i32
    %dma_wait3A_178 = arith.constant 0 : i32
    %dma_wait3A_179 = arith.constant 5 : i32
    %dma_wait3A_180 = arith.constant 0 : i32
    %dma_wait3A_181 = arith.constant 0 : i32
    %dma_wait3A_182 = tpu.memref_slice %arg9[%dma_wait3A_177, %dma_wait3A_180, %dma_wait3A_181] : memref<8x128x64xf32, #tpu.memory_space<vmem>> -> memref<1x128x64xf32, #tpu.memory_space<vmem>>
    %dma_wait3A_183 = tpu.memref_squeeze %dma_wait3A_182 : memref<1x128x64xf32, #tpu.memory_space<vmem>> -> memref<128x64xf32, #tpu.memory_space<vmem>>
    %dma_wait3A_184 = arith.constant 0 : i32
    %dma_wait3A_185 = tpu.memref_slice %arg8[%dma_wait3A_178, %dma_wait3A_184] : memref<80x128xi32, #tpu.memory_space<vmem>> -> memref<1x128xi32, #tpu.memory_space<vmem>>
    %dma_wait3A_186 = tpu.memref_squeeze %dma_wait3A_185 : memref<1x128xi32, #tpu.memory_space<vmem>> -> memref<128xi32, #tpu.memory_space<vmem>>
    %dma_wait3A_187 = arith.constant 0 : i32
    %dma_wait3A_188 = arith.constant 0 : i32
    %dma_wait3A_189 = tpu.memref_slice %arg10[%dma_wait3A_187, %dma_wait3A_188] : memref<10512x64xf32, #tpu.memory_space<vmem_shared>> -> memref<10512x64xf32, #tpu.memory_space<vmem_shared>>
    %dma_wait3A_190 = tpu.memref_slice %arg12[%dma_wait3A_179] : memref<8x!tpu.dma_semaphore, #tpu.memory_space<semaphore_mem>> -> memref<1x!tpu.dma_semaphore, #tpu.memory_space<semaphore_mem>>
    %dma_wait3A_191 = tpu.memref_squeeze %dma_wait3A_190 : memref<1x!tpu.dma_semaphore, #tpu.memory_space<semaphore_mem>> -> memref<!tpu.dma_semaphore, #tpu.memory_space<semaphore_mem>>
    tpu.wait_indirect_dma semaphore(%dma_wait3A_191 : memref<!tpu.dma_semaphore, #tpu.memory_space<semaphore_mem>>) src(%dma_wait3A_183 : memref<128x64xf32, #tpu.memory_space<vmem>>) dst(%dma_wait3A_189 : memref<10512x64xf32, #tpu.memory_space<vmem_shared>>)
    %dma_wait3A_192 = arith.constant 6 : i32
    %dma_wait3A_193 = arith.constant 0 : i32
    %dma_wait3A_194 = arith.constant 6 : i32
    %dma_wait3A_195 = arith.constant 0 : i32
    %dma_wait3A_196 = arith.constant 0 : i32
    %dma_wait3A_197 = tpu.memref_slice %arg9[%dma_wait3A_192, %dma_wait3A_195, %dma_wait3A_196] : memref<8x128x64xf32, #tpu.memory_space<vmem>> -> memref<1x128x64xf32, #tpu.memory_space<vmem>>
    %dma_wait3A_198 = tpu.memref_squeeze %dma_wait3A_197 : memref<1x128x64xf32, #tpu.memory_space<vmem>> -> memref<128x64xf32, #tpu.memory_space<vmem>>
    %dma_wait3A_199 = arith.constant 0 : i32
    %dma_wait3A_200 = tpu.memref_slice %arg8[%dma_wait3A_193, %dma_wait3A_199] : memref<80x128xi32, #tpu.memory_space<vmem>> -> memref<1x128xi32, #tpu.memory_space<vmem>>
    %dma_wait3A_201 = tpu.memref_squeeze %dma_wait3A_200 : memref<1x128xi32, #tpu.memory_space<vmem>> -> memref<128xi32, #tpu.memory_space<vmem>>
    %dma_wait3A_202 = arith.constant 0 : i32
    %dma_wait3A_203 = arith.constant 0 : i32
    %dma_wait3A_204 = tpu.memref_slice %arg10[%dma_wait3A_202, %dma_wait3A_203] : memref<10512x64xf32, #tpu.memory_space<vmem_shared>> -> memref<10512x64xf32, #tpu.memory_space<vmem_shared>>
    %dma_wait3A_205 = tpu.memref_slice %arg12[%dma_wait3A_194] : memref<8x!tpu.dma_semaphore, #tpu.memory_space<semaphore_mem>> -> memref<1x!tpu.dma_semaphore, #tpu.memory_space<semaphore_mem>>
    %dma_wait3A_206 = tpu.memref_squeeze %dma_wait3A_205 : memref<1x!tpu.dma_semaphore, #tpu.memory_space<semaphore_mem>> -> memref<!tpu.dma_semaphore, #tpu.memory_space<semaphore_mem>>
    tpu.wait_indirect_dma semaphore(%dma_wait3A_206 : memref<!tpu.dma_semaphore, #tpu.memory_space<semaphore_mem>>) src(%dma_wait3A_198 : memref<128x64xf32, #tpu.memory_space<vmem>>) dst(%dma_wait3A_204 : memref<10512x64xf32, #tpu.memory_space<vmem_shared>>)
    %dma_wait3A_207 = arith.constant 7 : i32
    %dma_wait3A_208 = arith.constant 0 : i32
    %dma_wait3A_209 = arith.constant 7 : i32
    %dma_wait3A_210 = arith.constant 0 : i32
    %dma_wait3A_211 = arith.constant 0 : i32
    %dma_wait3A_212 = tpu.memref_slice %arg9[%dma_wait3A_207, %dma_wait3A_210, %dma_wait3A_211] : memref<8x128x64xf32, #tpu.memory_space<vmem>> -> memref<1x128x64xf32, #tpu.memory_space<vmem>>
    %dma_wait3A_213 = tpu.memref_squeeze %dma_wait3A_212 : memref<1x128x64xf32, #tpu.memory_space<vmem>> -> memref<128x64xf32, #tpu.memory_space<vmem>>
    %dma_wait3A_214 = arith.constant 0 : i32
    %dma_wait3A_215 = tpu.memref_slice %arg8[%dma_wait3A_208, %dma_wait3A_214] : memref<80x128xi32, #tpu.memory_space<vmem>> -> memref<1x128xi32, #tpu.memory_space<vmem>>
    %dma_wait3A_216 = tpu.memref_squeeze %dma_wait3A_215 : memref<1x128xi32, #tpu.memory_space<vmem>> -> memref<128xi32, #tpu.memory_space<vmem>>
    %dma_wait3A_217 = arith.constant 0 : i32
    %dma_wait3A_218 = arith.constant 0 : i32
    %dma_wait3A_219 = tpu.memref_slice %arg10[%dma_wait3A_217, %dma_wait3A_218] : memref<10512x64xf32, #tpu.memory_space<vmem_shared>> -> memref<10512x64xf32, #tpu.memory_space<vmem_shared>>
    %dma_wait3A_220 = tpu.memref_slice %arg12[%dma_wait3A_209] : memref<8x!tpu.dma_semaphore, #tpu.memory_space<semaphore_mem>> -> memref<1x!tpu.dma_semaphore, #tpu.memory_space<semaphore_mem>>
    %dma_wait3A_221 = tpu.memref_squeeze %dma_wait3A_220 : memref<1x!tpu.dma_semaphore, #tpu.memory_space<semaphore_mem>> -> memref<!tpu.dma_semaphore, #tpu.memory_space<semaphore_mem>>
    tpu.wait_indirect_dma semaphore(%dma_wait3A_221 : memref<!tpu.dma_semaphore, #tpu.memory_space<semaphore_mem>>) src(%dma_wait3A_213 : memref<128x64xf32, #tpu.memory_space<vmem>>) dst(%dma_wait3A_219 : memref<10512x64xf32, #tpu.memory_space<vmem_shared>>)
    %barrier3A_222 = arith.constant 0 : index
    tpu.barrier barrier_id(%barrier3A_222)
    "tpu.region"() ({
      %run_scoped3A = tpu.sem_alloc : memref<!tpu.dma_semaphore, #tpu.memory_space<semaphore_mem>>
      %dma_start3A_228 = arith.constant 0 : i32
      %dma_start3A_229 = tpu.memref_slice %arg6[%arg0, %mul3A_2, %dma_start3A_228] : memref<2x10000x64xf32, #tpu.memory_space<hbm>> -> memref<1x624x64xf32, #tpu.memory_space<hbm>>
      %dma_start3A_230 = tpu.memref_squeeze %dma_start3A_229 : memref<1x624x64xf32, #tpu.memory_space<hbm>> -> memref<624x64xf32, #tpu.memory_space<hbm>>
      %dma_start3A_231 = arith.constant 0 : i32
      %dma_start3A_232 = tpu.memref_slice %arg10[%mul3A_2, %dma_start3A_231] : memref<10512x64xf32, #tpu.memory_space<vmem_shared>> -> memref<624x64xf32, #tpu.memory_space<vmem_shared>>
      tpu.enqueue_dma source(%dma_start3A_232 : memref<624x64xf32, #tpu.memory_space<vmem_shared>>) target(%dma_start3A_230 : memref<624x64xf32, #tpu.memory_space<hbm>>) target_semaphore(%run_scoped3A : memref<!tpu.dma_semaphore, #tpu.memory_space<semaphore_mem>>)
      %dma_wait3A_233 = arith.constant 0 : i32
      %dma_wait3A_234 = tpu.memref_slice %arg6[%arg0, %mul3A_2, %dma_wait3A_233] : memref<2x10000x64xf32, #tpu.memory_space<hbm>> -> memref<1x624x64xf32, #tpu.memory_space<hbm>>
      %dma_wait3A_235 = tpu.memref_squeeze %dma_wait3A_234 : memref<1x624x64xf32, #tpu.memory_space<hbm>> -> memref<624x64xf32, #tpu.memory_space<hbm>>
      %dma_wait3A_236 = arith.constant 0 : i32
      %dma_wait3A_237 = tpu.memref_slice %arg10[%mul3A_2, %dma_wait3A_236] : memref<10512x64xf32, #tpu.memory_space<vmem_shared>> -> memref<624x64xf32, #tpu.memory_space<vmem_shared>>
      tpu.wait_dma2 semaphore(%run_scoped3A : memref<!tpu.dma_semaphore, #tpu.memory_space<semaphore_mem>>) src(%dma_wait3A_237 : memref<624x64xf32, #tpu.memory_space<vmem_shared>>) dst(%dma_wait3A_235 : memref<624x64xf32, #tpu.memory_space<hbm>>)
      tpu.yield
    }) : () -> ()
    %eq3A_223 = arith.constant 0 : i32
    %eq3A_224 = arith.cmpi eq, %arg1, %eq3A_223 : i32
    %convert_element_type3A_225 = arith.extui %eq3A_224 : i1 to i32
    %cond3A_226 = arith.constant 0 : i32
    %cond3A_227 = arith.cmpi ne, %convert_element_type3A_225, %cond3A_226 : i32
    scf.if %cond3A_227 {
      "tpu.region"() ({
        %run_scoped3A = tpu.sem_alloc : memref<!tpu.dma_semaphore, #tpu.memory_space<semaphore_mem>>
        %dma_start3A_228 = arith.constant 9984 : i32
        %dma_start3A_229 = arith.constant 0 : i32
        %dma_start3A_230 = tpu.memref_slice %arg6[%arg0, %dma_start3A_228, %dma_start3A_229] : memref<2x10000x64xf32, #tpu.memory_space<hbm>> -> memref<1x16x64xf32, #tpu.memory_space<hbm>>
        %dma_start3A_231 = tpu.memref_squeeze %dma_start3A_230 : memref<1x16x64xf32, #tpu.memory_space<hbm>> -> memref<16x64xf32, #tpu.memory_space<hbm>>
        %dma_start3A_232 = arith.constant 9984 : i32
        %dma_start3A_233 = arith.constant 0 : i32
        %dma_start3A_234 = tpu.memref_slice %arg10[%dma_start3A_232, %dma_start3A_233] : memref<10512x64xf32, #tpu.memory_space<vmem_shared>> -> memref<16x64xf32, #tpu.memory_space<vmem_shared>>
        tpu.enqueue_dma source(%dma_start3A_234 : memref<16x64xf32, #tpu.memory_space<vmem_shared>>) target(%dma_start3A_231 : memref<16x64xf32, #tpu.memory_space<hbm>>) target_semaphore(%run_scoped3A : memref<!tpu.dma_semaphore, #tpu.memory_space<semaphore_mem>>)
        %dma_wait3A_235 = arith.constant 9984 : i32
        %dma_wait3A_236 = arith.constant 0 : i32
        %dma_wait3A_237 = tpu.memref_slice %arg6[%arg0, %dma_wait3A_235, %dma_wait3A_236] : memref<2x10000x64xf32, #tpu.memory_space<hbm>> -> memref<1x16x64xf32, #tpu.memory_space<hbm>>
        %dma_wait3A_238 = tpu.memref_squeeze %dma_wait3A_237 : memref<1x16x64xf32, #tpu.memory_space<hbm>> -> memref<16x64xf32, #tpu.memory_space<hbm>>
        %dma_wait3A_239 = arith.constant 9984 : i32
        %dma_wait3A_240 = arith.constant 0 : i32
        %dma_wait3A_241 = tpu.memref_slice %arg10[%dma_wait3A_239, %dma_wait3A_240] : memref<10512x64xf32, #tpu.memory_space<vmem_shared>> -> memref<16x64xf32, #tpu.memory_space<vmem_shared>>
        tpu.wait_dma2 semaphore(%run_scoped3A : memref<!tpu.dma_semaphore, #tpu.memory_space<semaphore_mem>>) src(%dma_wait3A_241 : memref<16x64xf32, #tpu.memory_space<vmem_shared>>) dst(%dma_wait3A_238 : memref<16x64xf32, #tpu.memory_space<hbm>>)
        tpu.yield
      }) : () -> ()
    } else {
    }
    return
  }
}

module attributes {stable_mosaic.version = 14 : i64} {
  func.func @_tc1_body(%arg0: i32, %arg1: memref<2000x128xf32, #tpu.memory_space<vmem>>, %arg2: memref<128x64xf32, #tpu.memory_space<vmem>>, %arg3: memref<2x2000x16xf32, #tpu.memory_space<vmem>>, %arg4: memref<2000x64xf32, #tpu.memory_space<vmem>>, %arg5: memref<2000x1xf32, #tpu.memory_space<vmem>>) attributes {dimension_semantics = [#tpu.dimension_semantics<arbitrary>], iteration_bounds = array<i64: 5>, scalar_prefetch = 0 : i64, scratch_operands = 0 : i64, tpu.core_type = #tpu.core_type<tc>, window_params = [{transform_indices = @transform_0, window_bounds = array<i64: 2000, 128>}, {pipeline_mode = #tpu.pipeline_mode<synchronous>, transform_indices = @transform_1, window_bounds = array<i64: 128, 64>}, {transform_indices = @transform_2, window_bounds = array<i64: 2, 2000, 16>}, {transform_indices = @transform_3, window_bounds = array<i64: 2000, 64>}, {transform_indices = @transform_4, window_bounds = array<i64: 2000, 1>}]} {
    %get3A = arith.constant 0 : index
    %get3A_0 = arith.constant 0 : index
    %get3A_1 = arith.constant 0 : index
    %get3A_2 = vector.load %arg3[%get3A, %get3A_0, %get3A_1] : memref<2x2000x16xf32, #tpu.memory_space<vmem>>, vector<1x2000x1xf32>
    %get3A_3 = vector.shape_cast %get3A_2 : vector<1x2000x1xf32> to vector<2000x1xf32>
    %get3A_4 = arith.constant 1 : index
    %get3A_5 = arith.constant 0 : index
    %get3A_6 = arith.constant 0 : index
    %get3A_7 = vector.load %arg3[%get3A_4, %get3A_5, %get3A_6] : memref<2x2000x16xf32, #tpu.memory_space<vmem>>, vector<1x2000x1xf32>
    %get3A_8 = vector.shape_cast %get3A_7 : vector<1x2000x1xf32> to vector<2000x1xf32>
    %add3A = arith.addf %get3A_3, %get3A_8 : vector<2000x1xf32>
    %add3A_9 = arith.constant 1.000000e+00 : f32
    %add3A_10 = vector.broadcast %add3A_9 : f32 to vector<2000x1xf32>
    %add3A_11 = arith.addf %add3A, %add3A_10 : vector<2000x1xf32>
    %rsqrt3A = math.rsqrt %add3A_11 : vector<2000x1xf32>
    %get3A_12 = arith.constant 0 : index
    %get3A_13 = arith.constant 0 : index
    %get3A_14 = vector.load %arg1[%get3A_12, %get3A_13] : memref<2000x128xf32, #tpu.memory_space<vmem>>, vector<2000x128xf32>
    %get3A_15 = arith.constant 0 : index
    %get3A_16 = arith.constant 0 : index
    %get3A_17 = vector.load %arg2[%get3A_15, %get3A_16] : memref<128x64xf32, #tpu.memory_space<vmem>>, vector<128x64xf32>
    %dot_general3A = arith.constant dense<0.000000e+00> : vector<2000x64xf32>
    %dot_general3A_18 = tpu.matmul %get3A_14, %get3A_17, %dot_general3A {dimension_numbers = #tpu.dot_dimension_numbers<[1], [0], [0], [1], [0, 0, 1, 1], [], []>, transpose_lhs_hint = false} : vector<2000x128xf32>, vector<128x64xf32>, vector<2000x64xf32> -> vector<2000x64xf32>
    %mul3A = vector.broadcast %rsqrt3A : vector<2000x1xf32> to vector<2000x64xf32>
    %mul3A_19 = arith.mulf %dot_general3A_18, %mul3A : vector<2000x64xf32>
    %swap3A = arith.constant 0 : index
    %swap3A_20 = arith.constant 0 : index
    %swap3A_21 = vector.load %arg4[%swap3A, %swap3A_20] : memref<2000x64xf32, #tpu.memory_space<vmem>>, vector<2000x64xf32>
    tpu.vector_store %arg4[%swap3A, %swap3A_20], %mul3A_19 {strides = array<i32>} : memref<2000x64xf32, #tpu.memory_space<vmem>>, vector<2000x64xf32>,
    %swap3A_22 = arith.constant 0 : index
    %swap3A_23 = arith.constant 0 : index
    %swap3A_24 = vector.load %arg5[%swap3A_22, %swap3A_23] : memref<2000x1xf32, #tpu.memory_space<vmem>>, vector<2000x1xf32>
    tpu.vector_store %arg5[%swap3A_22, %swap3A_23], %rsqrt3A {strides = array<i32>} : memref<2000x1xf32, #tpu.memory_space<vmem>>, vector<2000x1xf32>,
    return
  }
  func.func @transform_0(%arg0: i32) -> (i32, i32) {
    %c0_i32 = arith.constant 0 : i32
    %c0_i32_0 = arith.constant 0 : i32
    return %arg0, %c0_i32 : i32, i32
  }
  func.func @transform_1(%arg0: i32) -> (i32, i32) {
    %c0_i32 = arith.constant 0 : i32
    %c0_i32_0 = arith.constant 0 : i32
    %c0_i32_1 = arith.constant 0 : i32
    return %c0_i32, %c0_i32_0 : i32, i32
  }
  func.func @transform_2(%arg0: i32) -> (i32, i32, i32) {
    %c0_i32 = arith.constant 0 : i32
    %c0_i32_0 = arith.constant 0 : i32
    %c0_i32_1 = arith.constant 0 : i32
    return %c0_i32, %arg0, %c0_i32_0 : i32, i32, i32
  }
  func.func @transform_3(%arg0: i32) -> (i32, i32) {
    %c0_i32 = arith.constant 0 : i32
    %c0_i32_0 = arith.constant 0 : i32
    return %arg0, %c0_i32 : i32, i32
  }
  func.func @transform_4(%arg0: i32) -> (i32, i32) {
    %c0_i32 = arith.constant 0 : i32
    %c0_i32_0 = arith.constant 0 : i32
    return %arg0, %c0_i32 : i32, i32
  }
}

module attributes {stable_mosaic.version = 14 : i64} {
  func.func @_tc2_body(%arg0: i32, %arg1: memref<2x2000x64xf32, #tpu.memory_space<vmem>>, %arg2: memref<2000x64xf32, #tpu.memory_space<vmem>>, %arg3: memref<2000x1xf32, #tpu.memory_space<vmem>>, %arg4: memref<1x64xf32, #tpu.memory_space<vmem>>, %arg5: memref<64x64xf32, #tpu.memory_space<vmem>>, %arg6: memref<2000x64xf32, #tpu.memory_space<vmem>>) attributes {dimension_semantics = [#tpu.dimension_semantics<arbitrary>], iteration_bounds = array<i64: 5>, scalar_prefetch = 0 : i64, scratch_operands = 0 : i64, tpu.core_type = #tpu.core_type<tc>, window_params = [{transform_indices = @transform_0, window_bounds = array<i64: 2, 2000, 64>}, {transform_indices = @transform_1, window_bounds = array<i64: 2000, 64>}, {transform_indices = @transform_2, window_bounds = array<i64: 2000, 1>}, {pipeline_mode = #tpu.pipeline_mode<synchronous>, transform_indices = @transform_3, window_bounds = array<i64: 1, 64>}, {pipeline_mode = #tpu.pipeline_mode<synchronous>, transform_indices = @transform_4, window_bounds = array<i64: 64, 64>}, {transform_indices = @transform_5, window_bounds = array<i64: 2000, 64>}]} {
    %get3A = arith.constant 0 : index
    %get3A_0 = arith.constant 0 : index
    %get3A_1 = vector.load %arg3[%get3A, %get3A_0] : memref<2000x1xf32, #tpu.memory_space<vmem>>, vector<2000x1xf32>
    %get3A_2 = arith.constant 0 : index
    %get3A_3 = arith.constant 0 : index
    %get3A_4 = arith.constant 0 : index
    %get3A_5 = vector.load %arg1[%get3A_2, %get3A_3, %get3A_4] : memref<2x2000x64xf32, #tpu.memory_space<vmem>>, vector<1x2000x64xf32>
    %get3A_6 = vector.shape_cast %get3A_5 : vector<1x2000x64xf32> to vector<2000x64xf32>
    %get3A_7 = arith.constant 1 : index
    %get3A_8 = arith.constant 0 : index
    %get3A_9 = arith.constant 0 : index
    %get3A_10 = vector.load %arg1[%get3A_7, %get3A_8, %get3A_9] : memref<2x2000x64xf32, #tpu.memory_space<vmem>>, vector<1x2000x64xf32>
    %get3A_11 = vector.shape_cast %get3A_10 : vector<1x2000x64xf32> to vector<2000x64xf32>
    %add3A = arith.addf %get3A_6, %get3A_11 : vector<2000x64xf32>
    %get3A_12 = arith.constant 0 : index
    %get3A_13 = arith.constant 0 : index
    %get3A_14 = vector.load %arg2[%get3A_12, %get3A_13] : memref<2000x64xf32, #tpu.memory_space<vmem>>, vector<2000x64xf32>
    %add3A_15 = arith.addf %add3A, %get3A_14 : vector<2000x64xf32>
    %mul3A = vector.broadcast %get3A_1 : vector<2000x1xf32> to vector<2000x64xf32>
    %mul3A_16 = arith.mulf %mul3A, %add3A_15 : vector<2000x64xf32>
    %get3A_17 = arith.constant 0 : index
    %get3A_18 = arith.constant 0 : index
    %get3A_19 = vector.load %arg4[%get3A_17, %get3A_18] : memref<1x64xf32, #tpu.memory_space<vmem>>, vector<1x64xf32>
    %add3A_20 = vector.broadcast %get3A_19 : vector<1x64xf32> to vector<2000x64xf32>
    %add3A_21 = arith.addf %mul3A_16, %add3A_20 : vector<2000x64xf32>
    %max3A = arith.constant 0.000000e+00 : f32
    %max3A_22 = vector.broadcast %max3A : f32 to vector<2000x64xf32>
    %max3A_23 = arith.maximumf %add3A_21, %max3A_22 : vector<2000x64xf32>
    %get3A_24 = arith.constant 0 : index
    %get3A_25 = arith.constant 0 : index
    %get3A_26 = vector.load %arg5[%get3A_24, %get3A_25] : memref<64x64xf32, #tpu.memory_space<vmem>>, vector<64x64xf32>
    %dot_general3A = arith.constant dense<0.000000e+00> : vector<2000x64xf32>
    %dot_general3A_27 = tpu.matmul %max3A_23, %get3A_26, %dot_general3A {dimension_numbers = #tpu.dot_dimension_numbers<[1], [0], [0], [1], [0, 0, 1, 1], [], []>, transpose_lhs_hint = false} : vector<2000x64xf32>, vector<64x64xf32>, vector<2000x64xf32> -> vector<2000x64xf32>
    %mul3A_28 = vector.broadcast %get3A_1 : vector<2000x1xf32> to vector<2000x64xf32>
    %mul3A_29 = arith.mulf %mul3A_28, %dot_general3A_27 : vector<2000x64xf32>
    %swap3A = arith.constant 0 : index
    %swap3A_30 = arith.constant 0 : index
    %swap3A_31 = vector.load %arg6[%swap3A, %swap3A_30] : memref<2000x64xf32, #tpu.memory_space<vmem>>, vector<2000x64xf32>
    tpu.vector_store %arg6[%swap3A, %swap3A_30], %mul3A_29 {strides = array<i32>} : memref<2000x64xf32, #tpu.memory_space<vmem>>, vector<2000x64xf32>,
    return
  }
  func.func @transform_0(%arg0: i32) -> (i32, i32, i32) {
    %c0_i32 = arith.constant 0 : i32
    %c0_i32_0 = arith.constant 0 : i32
    %c0_i32_1 = arith.constant 0 : i32
    return %c0_i32, %arg0, %c0_i32_0 : i32, i32, i32
  }
  func.func @transform_1(%arg0: i32) -> (i32, i32) {
    %c0_i32 = arith.constant 0 : i32
    %c0_i32_0 = arith.constant 0 : i32
    return %arg0, %c0_i32 : i32, i32
  }
  func.func @transform_2(%arg0: i32) -> (i32, i32) {
    %c0_i32 = arith.constant 0 : i32
    %c0_i32_0 = arith.constant 0 : i32
    return %arg0, %c0_i32 : i32, i32
  }
  func.func @transform_3(%arg0: i32) -> (i32, i32) {
    %c0_i32 = arith.constant 0 : i32
    %c0_i32_0 = arith.constant 0 : i32
    %c0_i32_1 = arith.constant 0 : i32
    return %c0_i32, %c0_i32_0 : i32, i32
  }
  func.func @transform_4(%arg0: i32) -> (i32, i32) {
    %c0_i32 = arith.constant 0 : i32
    %c0_i32_0 = arith.constant 0 : i32
    %c0_i32_1 = arith.constant 0 : i32
    return %c0_i32, %c0_i32_0 : i32, i32
  }
  func.func @transform_5(%arg0: i32) -> (i32, i32) {
    %c0_i32 = arith.constant 0 : i32
    %c0_i32_0 = arith.constant 0 : i32
    return %arg0, %c0_i32 : i32, i32
  }
}

module attributes {stable_mosaic.version = 14 : i64} {
  func.func @_tc3_body(%arg0: i32, %arg1: memref<2x2000x64xf32, #tpu.memory_space<vmem>>, %arg2: memref<2000x64xf32, #tpu.memory_space<vmem>>, %arg3: memref<2000x1xf32, #tpu.memory_space<vmem>>, %arg4: memref<1x64xf32, #tpu.memory_space<vmem>>, %arg5: memref<2000x1xi32, #tpu.memory_space<vmem>>, %arg6: memref<64x1xf32, #tpu.memory_space<vmem>>, %arg7: memref<1x1xf32, #tpu.memory_space<vmem>>, %arg8: memref<64x1xf32, #tpu.memory_space<vmem>>, %arg9: memref<64x64xf32, #tpu.memory_space<vmem>>) attributes {dimension_semantics = [#tpu.dimension_semantics<arbitrary>], iteration_bounds = array<i64: 5>, scalar_prefetch = 0 : i64, scratch_operands = 1 : i64, tpu.core_type = #tpu.core_type<tc>, window_params = [{transform_indices = @transform_0, window_bounds = array<i64: 2, 2000, 64>}, {transform_indices = @transform_1, window_bounds = array<i64: 2000, 64>}, {transform_indices = @transform_2, window_bounds = array<i64: 2000, 1>}, {pipeline_mode = #tpu.pipeline_mode<synchronous>, transform_indices = @transform_3, window_bounds = array<i64: 1, 64>}, {transform_indices = @transform_4, window_bounds = array<i64: 2000, 1>}, {pipeline_mode = #tpu.pipeline_mode<synchronous>, transform_indices = @transform_5, window_bounds = array<i64: 64, 1>}, {pipeline_mode = #tpu.pipeline_mode<synchronous>, transform_indices = @transform_6, window_bounds = array<i64: 1, 1>}, {pipeline_mode = #tpu.pipeline_mode<synchronous>, transform_indices = @transform_7, window_bounds = array<i64: 64, 1>}]} {
    %eq3A = arith.constant 0 : i32
    %eq3A_0 = arith.cmpi eq, %arg0, %eq3A : i32
    %convert_element_type3A = arith.extui %eq3A_0 : i1 to i32
    %cond3A = arith.constant 0 : i32
    %cond3A_1 = arith.cmpi ne, %convert_element_type3A, %cond3A : i32
    scf.if %cond3A_1 {
      %broadcast_in_dim3A = arith.constant 0xFF800000 : f32
      %broadcast_in_dim3A_46 = vector.broadcast %broadcast_in_dim3A : f32 to vector<64x64xf32>
      %swap3A = arith.constant 0 : index
      %swap3A_47 = arith.constant 0 : index
      %swap3A_48 = vector.load %arg9[%swap3A, %swap3A_47] : memref<64x64xf32, #tpu.memory_space<vmem>>, vector<64x64xf32>
      tpu.vector_store %arg9[%swap3A, %swap3A_47], %broadcast_in_dim3A_46 {strides = array<i32>} : memref<64x64xf32, #tpu.memory_space<vmem>>, vector<64x64xf32>,
    } else {
    }
    %get3A = arith.constant 0 : index
    %get3A_2 = arith.constant 0 : index
    %get3A_3 = vector.load %arg3[%get3A, %get3A_2] : memref<2000x1xf32, #tpu.memory_space<vmem>>, vector<2000x1xf32>
    %get3A_4 = arith.constant 0 : index
    %get3A_5 = arith.constant 0 : index
    %get3A_6 = arith.constant 0 : index
    %get3A_7 = vector.load %arg1[%get3A_4, %get3A_5, %get3A_6] : memref<2x2000x64xf32, #tpu.memory_space<vmem>>, vector<1x2000x64xf32>
    %get3A_8 = vector.shape_cast %get3A_7 : vector<1x2000x64xf32> to vector<2000x64xf32>
    %get3A_9 = arith.constant 1 : index
    %get3A_10 = arith.constant 0 : index
    %get3A_11 = arith.constant 0 : index
    %get3A_12 = vector.load %arg1[%get3A_9, %get3A_10, %get3A_11] : memref<2x2000x64xf32, #tpu.memory_space<vmem>>, vector<1x2000x64xf32>
    %get3A_13 = vector.shape_cast %get3A_12 : vector<1x2000x64xf32> to vector<2000x64xf32>
    %add3A = arith.addf %get3A_8, %get3A_13 : vector<2000x64xf32>
    %get3A_14 = arith.constant 0 : index
    %get3A_15 = arith.constant 0 : index
    %get3A_16 = vector.load %arg2[%get3A_14, %get3A_15] : memref<2000x64xf32, #tpu.memory_space<vmem>>, vector<2000x64xf32>
    %add3A_17 = arith.addf %add3A, %get3A_16 : vector<2000x64xf32>
    %mul3A = vector.broadcast %get3A_3 : vector<2000x1xf32> to vector<2000x64xf32>
    %mul3A_18 = arith.mulf %mul3A, %add3A_17 : vector<2000x64xf32>
    %get3A_19 = arith.constant 0 : index
    %get3A_20 = arith.constant 0 : index
    %get3A_21 = vector.load %arg4[%get3A_19, %get3A_20] : memref<1x64xf32, #tpu.memory_space<vmem>>, vector<1x64xf32>
    %add3A_22 = vector.broadcast %get3A_21 : vector<1x64xf32> to vector<2000x64xf32>
    %add3A_23 = arith.addf %mul3A_18, %add3A_22 : vector<2000x64xf32>
    %max3A = arith.constant 0.000000e+00 : f32
    %max3A_24 = vector.broadcast %max3A : f32 to vector<2000x64xf32>
    %max3A_25 = arith.maximumf %add3A_23, %max3A_24 : vector<2000x64xf32>
    %get3A_26 = arith.constant 0 : index
    %get3A_27 = arith.constant 0 : index
    %get3A_28 = vector.load %arg5[%get3A_26, %get3A_27] : memref<2000x1xi32, #tpu.memory_space<vmem>>, vector<2000x1xi32>
    %slice3A = vector.extract_strided_slice %get3A_28 {offsets = [0, 0], sizes = [1, 1], strides = [1, 1]} : vector<2000x1xi32> to vector<1x1xi32>
    %squeeze3A = vector.extract %slice3A[0, 0] : i32 from vector<1x1xi32>
    %slice3A_29 = vector.extract_strided_slice %get3A_28 {offsets = [1999, 0], sizes = [1, 1], strides = [1, 1]} : vector<2000x1xi32> to vector<1x1xi32>
    %squeeze3A_30 = vector.extract %slice3A_29[0, 0] : i32 from vector<1x1xi32>
    %add3A_31 = arith.constant 1 : i32
    %add3A_32 = arith.addi %squeeze3A_30, %add3A_31 : i32
    %while3A = arith.constant 0 : i32
    %while3A_33 = arith.subi %add3A_32, %squeeze3A : i32
    %while3A_34 = arith.addi %squeeze3A, %while3A_33 : i32
    %while3A_35 = arith.constant 1 : i32
    %while3A_36 = arith.divsi %while3A_33, %while3A_35 : i32
    %while3A_37 = arith.muli %while3A_36, %while3A_35 : i32
    %while3A_38 = arith.addi %squeeze3A, %while3A_37 : i32
    %while3A_39 = arith.constant 1 : i32
    scf.for %while3A_46 = %squeeze3A to %while3A_38 step %while3A_39  : i32 {
      %eq3A_47 = vector.broadcast %while3A_46 : i32 to vector<2000x1xi32>
      %eq3A_48 = arith.cmpi eq, %get3A_28, %eq3A_47 : vector<2000x1xi32>
      %jit3A = arith.constant 0xFF800000 : f32
      %broadcast_in_dim3A = vector.shape_cast %eq3A_48 : vector<2000x1xi1> to vector<2000x1xi1>
      %broadcast_in_dim3A_49 = vector.broadcast %broadcast_in_dim3A : vector<2000x1xi1> to vector<2000x64xi1>
      %broadcast_in_dim3A_50 = vector.broadcast %jit3A : f32 to vector<2000x64xf32>
      %select_n3A = arith.select %broadcast_in_dim3A_49, %max3A_25, %broadcast_in_dim3A_50 : vector<2000x64xi1>, vector<2000x64xf32>
      %reduce_max3A = arith.constant dense<0xFF800000> : vector<64xf32>
      %reduce_max3A_51 = vector.multi_reduction <maximumf>, %select_n3A, %reduce_max3A [0] : vector<2000x64xf32> to vector<64xf32>
      %broadcast_in_dim3A_52 = vector.shape_cast %reduce_max3A_51 : vector<64xf32> to vector<1x64xf32>
      %get3A_53 = arith.index_cast %while3A_46 : i32 to index
      %get3A_54 = arith.constant 0 : index
      %get3A_55 = vector.load %arg9[%get3A_53, %get3A_54] : memref<64x64xf32, #tpu.memory_space<vmem>>, vector<1x64xf32>
      %max3A_56 = arith.maximumf %get3A_55, %broadcast_in_dim3A_52 : vector<1x64xf32>
      %swap3A = arith.index_cast %while3A_46 : i32 to index
      %swap3A_57 = arith.constant 0 : index
      %swap3A_58 = vector.load %arg9[%swap3A, %swap3A_57] : memref<64x64xf32, #tpu.memory_space<vmem>>, vector<1x64xf32>
      tpu.vector_store %arg9[%swap3A, %swap3A_57], %max3A_56 {strides = array<i32>} : memref<64x64xf32, #tpu.memory_space<vmem>>, vector<1x64xf32>,
    }
    %while3A_40 = arith.constant 1 : i32
    scf.for %while3A_46 = %while3A_38 to %while3A_34 step %while3A_40  : i32 {
      %eq3A_47 = vector.broadcast %while3A_46 : i32 to vector<2000x1xi32>
      %eq3A_48 = arith.cmpi eq, %get3A_28, %eq3A_47 : vector<2000x1xi32>
      %jit3A = arith.constant 0xFF800000 : f32
      %broadcast_in_dim3A = vector.shape_cast %eq3A_48 : vector<2000x1xi1> to vector<2000x1xi1>
      %broadcast_in_dim3A_49 = vector.broadcast %broadcast_in_dim3A : vector<2000x1xi1> to vector<2000x64xi1>
      %broadcast_in_dim3A_50 = vector.broadcast %jit3A : f32 to vector<2000x64xf32>
      %select_n3A = arith.select %broadcast_in_dim3A_49, %max3A_25, %broadcast_in_dim3A_50 : vector<2000x64xi1>, vector<2000x64xf32>
      %reduce_max3A = arith.constant dense<0xFF800000> : vector<64xf32>
      %reduce_max3A_51 = vector.multi_reduction <maximumf>, %select_n3A, %reduce_max3A [0] : vector<2000x64xf32> to vector<64xf32>
      %broadcast_in_dim3A_52 = vector.shape_cast %reduce_max3A_51 : vector<64xf32> to vector<1x64xf32>
      %get3A_53 = arith.index_cast %while3A_46 : i32 to index
      %get3A_54 = arith.constant 0 : index
      %get3A_55 = vector.load %arg9[%get3A_53, %get3A_54] : memref<64x64xf32, #tpu.memory_space<vmem>>, vector<1x64xf32>
      %max3A_56 = arith.maximumf %get3A_55, %broadcast_in_dim3A_52 : vector<1x64xf32>
      %swap3A = arith.index_cast %while3A_46 : i32 to index
      %swap3A_57 = arith.constant 0 : index
      %swap3A_58 = vector.load %arg9[%swap3A, %swap3A_57] : memref<64x64xf32, #tpu.memory_space<vmem>>, vector<1x64xf32>
      tpu.vector_store %arg9[%swap3A, %swap3A_57], %max3A_56 {strides = array<i32>} : memref<64x64xf32, #tpu.memory_space<vmem>>, vector<1x64xf32>,
    }
    %eq3A_41 = arith.constant 4 : i32
    %eq3A_42 = arith.cmpi eq, %arg0, %eq3A_41 : i32
    %convert_element_type3A_43 = arith.extui %eq3A_42 : i1 to i32
    %cond3A_44 = arith.constant 0 : i32
    %cond3A_45 = arith.cmpi ne, %convert_element_type3A_43, %cond3A_44 : i32
    scf.if %cond3A_45 {
      %get3A_46 = arith.constant 0 : index
      %get3A_47 = arith.constant 0 : index
      %get3A_48 = vector.load %arg9[%get3A_46, %get3A_47] : memref<64x64xf32, #tpu.memory_space<vmem>>, vector<64x64xf32>
      %get3A_49 = arith.constant 0 : index
      %get3A_50 = arith.constant 0 : index
      %get3A_51 = vector.load %arg6[%get3A_49, %get3A_50] : memref<64x1xf32, #tpu.memory_space<vmem>>, vector<64x1xf32>
      %dot_general3A = arith.constant dense<0.000000e+00> : vector<64x1xf32>
      %dot_general3A_52 = tpu.matmul %get3A_48, %get3A_51, %dot_general3A {dimension_numbers = #tpu.dot_dimension_numbers<[1], [0], [0], [1], [0, 0, 1, 1], [], []>, transpose_lhs_hint = false} : vector<64x64xf32>, vector<64x1xf32>, vector<64x1xf32> -> vector<64x1xf32>
      %get3A_53 = arith.constant 0 : index
      %get3A_54 = arith.constant 0 : index
      %get3A_55 = vector.load %arg7[%get3A_53, %get3A_54] : memref<1x1xf32, #tpu.memory_space<vmem>>, vector<1x1xf32>
      %add3A_56 = vector.broadcast %get3A_55 : vector<1x1xf32> to vector<64x1xf32>
      %add3A_57 = arith.addf %dot_general3A_52, %add3A_56 : vector<64x1xf32>
      %swap3A = arith.constant 0 : index
      %swap3A_58 = arith.constant 0 : index
      %swap3A_59 = vector.load %arg8[%swap3A, %swap3A_58] : memref<64x1xf32, #tpu.memory_space<vmem>>, vector<64x1xf32>
      tpu.vector_store %arg8[%swap3A, %swap3A_58], %add3A_57 {strides = array<i32>} : memref<64x1xf32, #tpu.memory_space<vmem>>, vector<64x1xf32>,
    } else {
    }
    return
  }
  func.func @transform_0(%arg0: i32) -> (i32, i32, i32) {
    %c0_i32 = arith.constant 0 : i32
    %c0_i32_0 = arith.constant 0 : i32
    %c0_i32_1 = arith.constant 0 : i32
    return %c0_i32, %arg0, %c0_i32_0 : i32, i32, i32
  }
  func.func @transform_1(%arg0: i32) -> (i32, i32) {
    %c0_i32 = arith.constant 0 : i32
    %c0_i32_0 = arith.constant 0 : i32
    return %arg0, %c0_i32 : i32, i32
  }
  func.func @transform_2(%arg0: i32) -> (i32, i32) {
    %c0_i32 = arith.constant 0 : i32
    %c0_i32_0 = arith.constant 0 : i32
    return %arg0, %c0_i32 : i32, i32
  }
  func.func @transform_3(%arg0: i32) -> (i32, i32) {
    %c0_i32 = arith.constant 0 : i32
    %c0_i32_0 = arith.constant 0 : i32
    %c0_i32_1 = arith.constant 0 : i32
    return %c0_i32, %c0_i32_0 : i32, i32
  }
  func.func @transform_4(%arg0: i32) -> (i32, i32) {
    %c0_i32 = arith.constant 0 : i32
    %c0_i32_0 = arith.constant 0 : i32
    return %arg0, %c0_i32 : i32, i32
  }
  func.func @transform_5(%arg0: i32) -> (i32, i32) {
    %c0_i32 = arith.constant 0 : i32
    %c0_i32_0 = arith.constant 0 : i32
    %c0_i32_1 = arith.constant 0 : i32
    return %c0_i32, %c0_i32_0 : i32, i32
  }
  func.func @transform_6(%arg0: i32) -> (i32, i32) {
    %c0_i32 = arith.constant 0 : i32
    %c0_i32_0 = arith.constant 0 : i32
    %c0_i32_1 = arith.constant 0 : i32
    return %c0_i32, %c0_i32_0 : i32, i32
  }
  func.func @transform_7(%arg0: i32) -> (i32, i32) {
    %c0_i32 = arith.constant 0 : i32
    %c0_i32_0 = arith.constant 0 : i32
    %c0_i32_1 = arith.constant 0 : i32
    return %c0_i32, %c0_i32_0 : i32, i32
  }
}

</mosaic_0001>

<sc_bundles>
// kernel: kernel.11.cloned.1.call-start
scs
__scs_entry_jumppad:
0x0: {  	(pc) =	sbr.rel $0x88, $3  }
0x1: {  	(tag) =	ssettag $0x0;
	lr =	simm.s32 $0x1  }
0x2: {  	[smem:$0x3F98] =	sst lr;
	_ =	strace $0xD0000000  }
0x3: {  	_ = 	snop  }
0x4: {  	_ = 	snop  }
0x5: {  	_ = 	snop  }
0x6: {  	_ = 	snop  }
0x7: {  	_ = 	snop  }
__scs_overlays_trampoline_lowered:
0x8: {  	[smem:$0x3FA7] =	sst s0  }
0x9: {  	[smem:$0x3FA8] =	sst s1  }
0xa: {  	[smem:$0x3FA9] =	sst s2  }
0xb: {  	[smem:$0x3FAA] =	sst s3  }
0xc: {  	[smem:$0x3FAB] =	sst s4  }
0xd: {  	[smem:$0x3FAC] =	sst s5  }
0xe: {  	[smem:$0x3FAD] =	sst s6  }
0xf: {  	[smem:$0x3FAE] =	sst s7  }
0x10: {  	[smem:$0x3FAF] =	sst s8  }
0x11: {  	[smem:$0x3FB0] =	sst s9;
	s0 =	simm.s32 @!p0 $0x0  }
0x12: {  	s1 =	sld [smem:$0x3F96];
	s0 =	simm.s32 @p0 $0x1  }
0x13: {  	[smem:$0x3FB1] =	sst s0;
	s0 =	simm.s32 @!p1 $0x0  }
0x14: {  	s2 =	sld [smem:$0x3F95];
	s0 =	simm.s32 @p1 $0x1  }
0x15: {  	[smem:$0x3FB2] =	sst s0;
	s0 =	simm.s32 @!p2 $0x0  }
0x16: {  	s3 =	sld [smem:$0x3FDB];
	s0 =	simm.s32 @p2 $0x1  }
0x17: {  	s4 =	simm.s32 $0x1BF5;
	[smem:$0x3FB4] =	sst s0  }
0x18: {  	s0 =	sld [smem:$0x3F97];
	_ =	swait.ge [sflag:s4], $0x0  }
0x19: {  	s7 =	sld [smem:$0x3F98]  }
0x1a: {  	s8 =	sadd.s32 $0xFFFFE003, lr  }
0x1b: {  	s9 =	sadd.s32 $0xFFFFFEF7, lr;
	s5 =	simm.s32 $0xFFFFFFFF;
	p2 =	slt.u32 s8, $0xFFFFF086  }
0x1c: {  	p1 =	slt.u32 s9, $0xF7A;
	s5 =	simm.s32 @!p2 $0x0  }
0x1d: {  	s5 =	simm.s32 @p1 $0x1;
	p0 =	seq.s32 s7, s2  }
0x1e: {  	s7 =	smul.u32 @!p0 $0xF7A, s2;
	p2 =	seq.s32 @!p0 s5, $0x0  }
0x1f: {  	s9 =	smul.u32 $0xF7A, s1;
	s8 =	simm.s32 @!p0 $0x1BF5;
	p2 =	por !p2, p0  }
0x20: {  	[sflag:s8] =	ssyncset.s32 @!p0 $0xFFFFF086;
	s6 =	sadd.s32 @!p0 s3, s7;
	s7 =	simm.s32 @!p0 $0x108  }
0x21: {  	s3 =	sadd.s32 s3, s9;
	s6 =	sadd.s32 @!p0 $0x88, s6;
	s7 =	simm.s32 @p2 $0x1082  }
0x22: {  	[simem:s7], [sflag:s8] =	dma.local @!p0 [hbm:s6], $0xF7A  }
0x23: {  	s9 =	sor.u32 $0xD0000000, s2;
	s6 =	simm.s32 $0x108;
	_ =	swait.ge @!p0 [sflag:s8], $0x0  }
0x24: {  	s3 =	sadd.s32 $0x88, s3;
	s6 =	simm.s32 @!p1 $0x1082;
	[sflag:s4] =	ssyncset.s32 $0xFFFFF086  }
0x25: {  	[simem:s6], [sflag:s4] =	dma.local [hbm:s3], $0xF7A  }
0x26: {  	[smem:$0x3F98] =	sst s1;
	(tag) =	ssettag s2;
	_ =	strace s9  }
0x27: {  	s1 =	sld [smem:$0x3FA8]  }
0x28: {  	s2 =	sld [smem:$0x3FA9]  }
0x29: {  	s4 =	sld [smem:$0x3FAB]  }
0x2a: {  	p0 =	seq.s32 s5, $0x0;
	s5 =	sld [smem:$0x3FAC]  }
0x2b: {  	s6 =	sld [smem:$0x3FAD]  }
0x2c: {  	s7 =	sld [smem:$0x3FAE]  }
0x2d: {  	s3 =	simm.s32 $0x108;
	s8 =	sld [smem:$0x3FAF]  }
0x2e: {  	s3 =	simm.s32 @!p0 $0x1082;
	s9 =	sld [smem:$0x3FB0]  }
0x2f: {  	lr =	sadd.s32 s0, s3;
	s0 =	sld [smem:$0x3FA7]  }
0x30: {  	s3 =	sld [smem:$0x3FAA]  }
0x31: {  	[smem:$0x3FB3] =	sst s10  }
0x32: {  	s10 =	sld [smem:$0x3FB1];
	_ =	sdelay $0x3  }
0x33: {  	p0 =	seq.s32 s10, $0x1;
	s10 =	sld [smem:$0x3FB3];
	_ =	sdelay $0x3  }
0x34: {  	[smem:$0x3FB3] =	sst s10  }
0x35: {  	s10 =	sld [smem:$0x3FB2];
	_ =	sdelay $0x3  }
0x36: {  	p1 =	seq.s32 s10, $0x1;
	s10 =	sld [smem:$0x3FB3];
	_ =	sdelay $0x3  }
0x37: {  	[smem:$0x3FB3] =	sst s10  }
0x38: {  	s10 =	sld [smem:$0x3FB4]  }
0x39: {  	_ = 	snop;
	(pc) =	sbr.ind lr, $3  }
0x3a: {  	_ = 	snop  }
0x3b: {  	_ = 	snop  }
0x3c: {  	p2 =	seq.s32 s10, $0x1;
	s10 =	sld [smem:$0x3FB3]  }
0x3d: {  	_ =	shalt  }
0x3e: {  	_ =	shalt  }
0x3f: {  	_ =	shalt  }
0x40: {  	_ =	shalt  }
0x41: {  	_ =	shalt  }
0x42: {  	_ =	shalt  }
0x43: {  	_ =	shalt  }
0x44: {  	_ =	shalt  }
0x45: {  	_ =	shalt  }
0x46: {  	_ =	shalt  }
0x47: {  	_ =	shalt  }
0x48: {  	_ =	shalt  }
0x49: {  	_ =	shalt  }
0x4a: {  	_ =	shalt  }
0x4b: {  	_ =	shalt  }
0x4c: {  	_ =	shalt  }
0x4d: {  	_ =	shalt  }
0x4e: {  	_ =	shalt  }
0x4f: {  	_ =	shalt  }
0x50: {  	_ =	shalt  }
0x51: {  	_ =	shalt  }
0x52: {  	_ =	shalt  }
0x53: {  	_ =	shalt  }
0x54: {  	_ =	shalt  }
0x55: {  	_ =	shalt  }
0x56: {  	_ =	shalt  }
0x57: {  	_ =	shalt  }
0x58: {  	_ =	shalt  }
0x59: {  	_ =	shalt  }
0x5a: {  	_ =	shalt  }
0x5b: {  	_ =	shalt  }
0x5c: {  	_ =	shalt  }
0x5d: {  	_ =	shalt  }
0x5e: {  	_ =	shalt  }
0x5f: {  	_ =	shalt  }
0x60: {  	_ =	shalt  }
0x61: {  	_ =	shalt  }
0x62: {  	_ =	shalt  }
0x63: {  	_ =	shalt  }
0x64: {  	_ =	shalt  }
0x65: {  	_ =	shalt  }
0x66: {  	_ =	shalt  }
0x67: {  	_ =	shalt  }
0x68: {  	_ =	shalt  }
0x69: {  	_ =	shalt  }
0x6a: {  	_ =	shalt  }
0x6b: {  	_ =	shalt  }
0x6c: {  	_ =	shalt  }
0x6d: {  	_ =	shalt  }
0x6e: {  	_ =	shalt  }
0x6f: {  	_ =	shalt  }
0x70: {  	_ =	shalt  }
0x71: {  	_ =	shalt  }
0x72: {  	_ =	shalt  }
0x73: {  	_ =	shalt  }
0x74: {  	_ =	shalt  }
0x75: {  	_ =	shalt  }
0x76: {  	_ =	shalt  }
0x77: {  	_ =	shalt  }
0x78: {  	_ =	shalt  }
0x79: {  	_ =	shalt  }
0x7a: {  	_ =	shalt  }
0x7b: {  	_ =	shalt  }
0x7c: {  	_ =	shalt  }
0x7d: {  	_ =	shalt  }
0x7e: {  	_ =	shalt  }
0x7f: {  	_ =	shalt  }
0x80: {  	_ =	shalt  }
0x81: {  	_ =	shalt  }
0x82: {  	_ =	shalt  }
0x83: {  	_ =	shalt  }
0x84: {  	_ =	shalt  }
0x85: {  	_ =	shalt  }
0x86: {  	_ =	shalt  }
0x87: {  	_ =	shalt  }
.Lfunc_end0:
.L_simem_size_0:
called_computation.1_lowered:
.L_overlay_start_0:
0x88: {  	s2 =	sld [smem:$0x3FD9]  }
0x89: {  	s3 =	sld [smem:$0x3FFE];
	_ =	sdelay $0x1  }
0x8a: {  	s1 =	srdreg.scid  }
0x8b: {  	s0 =	sand.u32 $0x1, s1  }
0x8c: {  	s16 =	sshll.u32 s0, $0xA;
	s2 =	sadd.s32 s3, s2  }
0x8d: {  	s2 =	sadd.s32 s2, s16  }
0x8e: {  	[smem:$0x3FBF] =	sst s2  }
0x8f: {  	_ = 	snop  }
0x90: {  	(tm) =	ssettm $0x1  }
0x91: {  	s17 =	sld [smem:$0x3FFB];
	_ =	sdelay $0x3  }
0x92: {  	_ =	strace s17  }
0x93: {  	s2 =	sld [smem:$0x3FFC];
	_ =	sdelay $0x3  }
0x94: {  	_ =	strace s2  }
0x95: {  	s2 =	sld [smem:$0x3FFD];
	_ =	sdelay $0x3  }
0x96: {  	_ =	strace s2  }
0x97: {  	_ =	strace $0x8FFFFFFF  }
0x98: {  	s18 =	sld [smem:$0x3FDB];
	_ =	sdelay $0x1  }
0x99: {  	s19 =	simm.s32 $_scs_section_size  }
0x9a: {  	s4 =	simm.s32 $_size__tile_overlayer_lowered;
	s5 =	simm.s32 $_tile_overlayer_lowered  }
0x9b: {  	s22 =	simm.s32 $0x1BFF;
	s21 =	sshll.u32 s5, $0x1;
	s2 =	sadd.s32 s19, s18  }
0x9c: {  	s6 =	simm.s32 $0x0;
	s20 =	sshll.u32 s4, $0x1;
	s4 =	sadd.s32 s21, s2  }
0x9d: {  	[timem:s6], [sflag:s22] =	dma.local [hbm:s4], s20  }
0x9e: {  	_ =	swait.ge [sflag:s22], s20  }
0x9f: {  	s3 =	ssub.s32 $0x0, s20;
	[sflag:s22] =	ssyncset.done $0x0  }
0xa0: {  	[sflag:s22] =	ssyncadd.s32 s3;
	_ =	sdelay $0x1  }
0xa1: {  	s23 =	simm.s32 $0x1B8B  }
0xa2: {  	_ =	swait.ge [sflag:s23], $0x1  }
0xa3: {  	[sflag:s23] =	ssyncset.done $0x0  }
0xa4: {  	s25 =	simm.s32 $0x1B8E;
	s24 =	sld [smem:$0x3FFE];
	[sflag:s23] =	ssyncadd.s32 $0xFFFFFFFF  }
0xa5: {  	s26 =	simm.s32 $execute0_lowered;
	[smem:$0x3FD2] =	sst s25  }
0xa6: {  	s4 =	sshll.u32 s26, $0x1;
	_ =	strace $0x80000049;
	[dreg:$0x1] =	wrdreg $0xFFFFFFFF  }
0xa7: {  	s28 =	simm.s32 $_size_execute0_lowered;
	s2 =	sadd.s32 s2, s4;
	[dreg:$0x0] =	wrdreg $0x0  }
0xa8: {  	s4 =	sshll.u32 s28, $0x1;
	[dreg:$0x2] =	wrdreg s2  }
0xa9: {  	[dreg:$0x3] =	wrdreg s4  }
0xaa: {  	[dreg:$0x4] =	wrdreg $0xC0  }
0xab: {  	_ =	task [dreg:s6], $0x5FFFF  }
0xac: {  	[dreg:$0x1] =	wrdreg $0xFFFFFFFF  }
0xad: {  	[dreg:$0x0] =	wrdreg $0x60  }
0xae: {  	[dreg:$0x2] =	wrdreg s24  }
0xaf: {  	[dreg:$0x3] =	wrdreg $0x150000  }
0xb0: {  	[dreg:$0x4] =	wrdreg $0x9  }
0xb1: {  	_ =	task.clear_ibuf [dreg:s6], $0x5FFFF;
	_ =	strace $0x90000049  }
0xb2: {  	s29 =	simm.s32 $0x9;
	_ =	strace $0x8000004B  }
0xb3: {  	_ =	swait.ge [sflag:s29], $0x1  }
0xb4: {  	[sflag:s29] =	ssyncadd.s32 $0xFFFFFFFF  }
0xb5: {  	_ =	strace $0x9000004B  }
0xb6: {  	_ =	sfence  }
0xb7: {  	s30 =	sld [smem:$0x0];
	_ =	sdelay $0x2  }
0xb8: {  	s31 =	sshll.u32 s1, $0xD;
	s1 =	sshrl.u32 s1, $0x2  }
0xb9: {  	s3 =	sand.u32 $0x4000, s31;
	s1 =	sadd.s32 s1, s30  }
0xba: {  	s0 =	sor.u32 s3, s0;
	s1 =	sshll.u32 s1, $0x11  }
0xbb: {  	s0 =	sor.u32 s1, s0  }
0xbc: {  	s0 =	sadd.s32 $0x8F2B, s0  }
0xbd: {  	[sflag:s0] =	ssyncadd.remote.s32 $0x1  }
0xbe: {  	_ =	sfence.sel $0xFFFF  }
0xbf: {  	[dreg:$0x0] =	wrdreg $0xFFFFFFFF;
	(pc) =	sbr.abs _section_cstart, $3  }
0xc0: {  	[dreg:$0x1] =	wrdreg $0xFFFFFFFF  }
0xc1: {  	_ =	task.clear_ibuf [dreg:s6], $0x2FFFF;
	_ =	strace $0x9FFFFFFF  }
0xc2: {  	(tm) =	ssettm $0x7FFFFFFF  }
0xc3: {  	_ =	shalt  }
tec
execute0_lowered:
.L_overlay_start_1:
0x0: {  	(tag) =	ssettag $0x1  }
0x1: {  	s0 =	srdreg.scid;
	s2 =	rddreg [dreg:$0x0]  }
0x2: {  	s1 =	rddreg [dreg:$0x1];
	s4 =	stileid.u32;
	s5 =	simm.s32 $0x0  }
0x3: {  	s16 =	simm.s32 $0x80;
	s17 =	simm.s32 $0x5000;
	s18 =	simm.s32 $0x7000  }
0x4: {  	s20 =	simm.s32 $0x9000;
	s28 =	simm.s32 $0x11000;
	s29 =	simm.s32 $0x1  }
0x5: {  	s30 =	simm.s32 $0x13000;
	s31 =	simm.s32 $0x2;
	s15 =	simm.s32 $0x4  }
0x6: {  	s19 =	simm.s32 $0x5;
	s21 =	simm.s32 $0x6;
	s13 =	simm.s32 $0xE  }
0x7: {  	s0 =	sand.u32 $0x1, s0;
	[smem:$0x7FF] =	sst s5;
	s7 =	smul.u32 $0x9C00, s4  }
0x8: {  	s8 =	sadd.s32 $0x29600, s2;
	s25 =	sshll.u32 s4, $0xB;
	s10 =	sshll.u32 s4, $0x6  }
0x9: {  	p0 =	sne.s32 s4, $0x0;
	s3 =	sshll.u32 s0, $0x4;
	_ =	strace $0x8000004A  }
0xa: {  	s23 =	ssub.s32 $0x2, s0;
	[dreg:$0x3] =	wrdreg s8;
	s11 =	sadd.s32 s25, s1  }
0xb: {  	s0 =	smul.u32 $0x9C400, s0;
	s5 =	sor.u32 $0x1C11, s10;
	s25 =	simm.s32 $0x8  }
0xc: {  	s3 =	sor.u32 s4, s3;
	s24 =	sshrl.u32 s23, $0x1;
	s9 =	sadd.s32 s7, s1  }
0xd: {  	s26 =	sadd.s32 $0x9C400, s11;
	s11 =	sadd.s32 $0x9C000, s1;
	[dreg:$0x4] =	wrdreg s5  }
0xe: {  	s22 =	smul.u32 $0x500, s3;
	s3 =	sadd.s32 $0x15C00, s2;
	s8 =	ssub.s32 s23, s24  }
0xf: {  	s7 =	sadd.s32 s7, s0;
	s0 =	sshrl.u32 s0, $0x3;
	s14 =	sshrl.u32 s9, $0x3  }
0x10: {  	s10 =	sshrl.u32 s26, $0x3;
	s24 =	simm.s32 $0xD000;
	s26 =	simm.s32 $0xF000  }
0x11: {  	s23 =	simm.s32 $0x7;
	s9 =	simm.s32 $0xC;
	s7 =	sshrl.u32 s7, $0x3  }
0x12: {  	s8 =	smax.u32 s8, $0x1;
	[dreg:$0xb] =	wrdreg s10;
	s10 =	simm.s32 $0xD  }
0x13: {  	[dreg:$0xa] =	wrdreg s14;
	s6 =	sadd.s32 s22, s2;
	s2 =	sadd.s32 $0x2AA00, s2  }
0x14: {  	[dreg:$0x9] =	wrdreg s8;
	s22 =	simm.s32 $0xB000;
	s12 =	sadd.s32 $0xBC00, s6  }
0x15: {  	s6 =	sadd.s32 $0x1C00, s6;
	s0 =	sadd.s32 s2, s0;
	[dreg:$0x5] =	wrdreg s12  }
.Ltmp0:
0x16: {  	s2 =	sadd.s32 s2, s7;
	[dreg:$0x6] =	wrdreg s6;
	(pc) =	sbr.rel .LBB2_1-.Ltmp0, $4  }
0x17: {  	s8 =	simm.s32 $0xB;
	[dreg:$0x7] =	wrdreg s2;
	s0 =	sadd.s32 $0x13800, s0  }
0x18: {  	s12 =	sshrl.u32 @!p0 s11, $0x3;
	s11 =	simm.s32 $0x0;
	[dreg:$0x8] =	wrdreg s0  }
0x19: {  	s7 =	simm.s32 $0xA;
	s2 =	simm.s32 $0x11;
	[dreg:$0xd] =	wrdreg s11  }
0x1a: {  	s6 =	simm.s32 $0x9;
	s0 =	simm.s32 $0x3;
	[dreg:$0xc] =	wrdreg s12  }
.LBB2_6:
0x1b: {  	_ =	swait.ge [sflag:s6], $0x2000  }
0x1c: {  	[sflag:s6] =	ssyncset.done $0x0  }
0x1d: {  	[sflag:s6] =	ssyncadd.s32 $0xFFFFE000  }
0x1e: {  	_ =	swait.ge [sflag:s7], $0x2000  }
0x1f: {  	[sflag:s7] =	ssyncset.done $0x0  }
0x20: {  	[sflag:s7] =	ssyncadd.s32 $0xFFFFE000  }
0x21: {  	_ =	swait.ge [sflag:s8], $0x2000  }
0x22: {  	[sflag:s8] =	ssyncset.done $0x0  }
0x23: {  	[sflag:s8] =	ssyncadd.s32 $0xFFFFE000  }
0x24: {  	_ =	swait.ge [sflag:s9], $0x2000  }
0x25: {  	[sflag:s9] =	ssyncset.done $0x0  }
0x26: {  	[sflag:s9] =	ssyncadd.s32 $0xFFFFE000  }
0x27: {  	_ =	swait.ge [sflag:s10], $0x2000  }
0x28: {  	[sflag:s10] =	ssyncset.done $0x0  }
0x29: {  	[sflag:s10] =	ssyncadd.s32 $0xFFFFE000  }
0x2a: {  	_ =	swait.ge [sflag:s13], $0x2000  }
0x2b: {  	[sflag:s13] =	ssyncset.done $0x0  }
0x2c: {  	s2 =	simm.s32 $0xF;
	[sflag:s13] =	ssyncadd.s32 $0xFFFFE000  }
0x2d: {  	_ =	swait.ge [sflag:s2], $0x2000  }
0x2e: {  	[sflag:s2] =	ssyncset.done $0x0  }
0x2f: {  	s11 =	simm.s32 $0x10;
	[sflag:s2] =	ssyncadd.s32 $0xFFFFE000  }
0x30: {  	_ =	swait.ge [sflag:s11], $0x2000  }
0x31: {  	[sflag:s11] =	ssyncset.done $0x0  }
0x32: {  	[sflag:s11] =	ssyncadd.s32 $0xFFFFE000  }
0x33: {  	[bflag:$0x0] =	sbarrier.arrive $0xFFFF  }
0x34: {  	s5 =	rddreg [dreg:$0x4]  }
0x35: {  	s4 =	rddreg [dreg:$0x7]  }
0x36: {  	s14 =	rddreg [dreg:$0xa]  }
0x37: {  	[hbm:s4], [sflag:s5] =	dma.local [spmem:s14], $0x1380  }
0x38: {  	_ =	swait.ge [sflag:s12], $0x1380  }
0x39: {  	[sflag:s12] =	ssyncset.done $0x0;
	s4 =	rddreg [dreg:$0x8]  }
0x3a: {  	s14 =	rddreg [dreg:$0xc];
	[sflag:s12] =	ssyncadd.s32 $0xFFFFEC80  }
0x3b: {  	[hbm:s4], [sflag:s5] =	dma.local @!p0 [spmem:s14], $0x80  }
0x3c: {  	s4 =	simm.s32 @!p0 $0x11  }
0x3d: {  	_ =	swait.ge @!p0 [sflag:s4], $0x80  }
0x3e: {  	s11 =	rddreg [dreg:$0xd]  }
0x3f: {  	s12 =	sadd.s32 $0x1, s11;
	s11 =	rddreg [dreg:$0x9]  }
0x40: {  	p1 =	sne.s32 s12, s11  }
.Ltmp1:
0x41: {  	_ = 	snop;
	(pc) =	sbr.rel @!p1 .LBB2_7-.Ltmp1, $3  }
0x42: {  	_ =	sdelay $0x1  }
0x43: {  	s2 =	simm.s32 $0x11;
	[sflag:s4] =	ssyncset.done @!p0 $0x0;
	[dreg:$0xd] =	wrdreg s12  }
0x44: {  	[sflag:s4] =	ssyncadd.s32 @!p0 $0xFFFFFF80;
	s12 =	smov.u32 s14;
	s14 =	rddreg [dreg:$0xa]  }
.LBB2_1:
0x45: {  	s4 =	rddreg [dreg:$0x3]  }
0x46: {  	[spmem:s14], [sflag:s5] =	dma.local [hbm:s4], $0x1380  }
0x47: {  	_ =	swait.ge [sflag:s2], $0x1380  }
0x48: {  	[sflag:s2] =	ssyncset.done $0x0  }
0x49: {  	s11 =	rddreg [dreg:$0xb];
	[sflag:s2] =	ssyncadd.s32 $0xFFFFEC80  }
0x4a: {  	[spmem:s11], [sflag:s5] =	dma.local [hbm:s4], $0x100  }
0x4b: {  	_ =	swait.ge [sflag:s2], $0x100  }
0x4c: {  	[sflag:s2] =	ssyncset.done $0x0  }
0x4d: {  	[sflag:s2] =	ssyncadd.s32 $0xFFFFFF00  }
0x4e: {  	[spmem:s12], [sflag:s5] =	dma.local @!p0 [hbm:s4], $0x80  }
0x4f: {  	s4 =	simm.s32 @!p0 $0x11  }
0x50: {  	_ =	swait.ge @!p0 [sflag:s4], $0x80  }
0x51: {  	[sflag:s4] =	ssyncset.done @!p0 $0x0  }
0x52: {  	s11 =	rddreg [dreg:$0x5];
	[sflag:s4] =	ssyncadd.s32 @!p0 $0xFFFFFF80;
	s4 =	simm.s32 $0x0  }
0x53: {  	[tilespmem:s4], [sflag:$0x11] =	stream.linear.gather [hbm4b:s11+s4], $0x2800, $0x38;
	[tilespmem:$0x1F440] =	vst v63  }
0x54: {  	_ =	swait.ge [sflag:s2], $0x2800  }
0x55: {  	[sflag:s2] =	ssyncset.done $0x0  }
0x56: {  	s14 =	simm.s32 $0x2800;
	s12 =	rddreg [dreg:$0x6];
	[sflag:s2] =	ssyncadd.s32 $0xFFFFD800  }
0x57: {  	[tilespmem:s14], [sflag:$0x11] =	stream.linear.gather [hbm4b:s12+s4], $0x2800, $0x38;
	[tilespmem:$0x1F440] =	vst v63  }
0x58: {  	_ =	swait.ge [sflag:s2], $0x2800  }
0x59: {  	[sflag:s2] =	ssyncset.done $0x0  }
0x5a: {  	[sflag:s2] =	ssyncadd.s32 $0xFFFFD800  }
0x5b: {  	[bflag:$0x0] =	sbarrier.arrive $0xFFFF  }
0x5c: {  	[tilespmem:s17], [sflag:$0x1] =	stream.indirect.gather [hbm4b:s3+s16], $0x40, s4, s16, $0xb8;
	[tilespmem:$0x1F440] =	vst v63  }
0x5d: {  	_ = 	snop  }
0x5e: {  	[tilespmem:s18], [sflag:$0x2] =	stream.indirect.gather [hbm4b:s3+s16], $0x40, s16, s16, $0xb8;
	[tilespmem:$0x1F440] =	vst v63  }
0x5f: {  	s5 =	simm.s32 $0x100  }
0x60: {  	[tilespmem:s20], [sflag:$0x3] =	stream.indirect.gather [hbm4b:s3+s16], $0x40, s5, s16, $0xb8;
	[tilespmem:$0x1F440] =	vst v63  }
0x61: {  	s11 =	simm.s32 $0x180  }
0x62: {  	[tilespmem:s22], [sflag:$0x4] =	stream.indirect.gather [hbm4b:s3+s16], $0x40, s11, s16, $0xb8;
	[tilespmem:$0x1F440] =	vst v63  }
.Ltmp2:
0x63: {  	_ = 	snop;
	(pc) =	sbr.rel .LBB2_2-.Ltmp2, $4  }
0x64: {  	s12 =	simm.s32 $0x200  }
0x65: {  	[tilespmem:s24], [sflag:$0x5] =	stream.indirect.gather [hbm4b:s3+s16], $0x40, s12, s16, $0xb8;
	[tilespmem:$0x1F440] =	vst v63  }
0x66: {  	s14 =	simm.s32 $0x280;
	s11 =	simm.s32 $0x0;
	s12 =	simm.s32 $0x11  }
0x67: {  	[tilespmem:s26], [sflag:$0x6] =	stream.indirect.gather [hbm4b:s3+s16], $0x40, s14, s16, $0xb8;
	[tilespmem:$0x1F440] =	vst v63  }
.LBB2_4:
0x68: {  	_ =	swait.ge [sflag:s0], $0x2000  }
0x69: {  	[sflag:s0] =	ssyncset.done $0x0  }
0x6a: {  	[sflag:s0] =	ssyncadd.s32 $0xFFFFE000  }
0x6b: {  	[spmem:s1] =	stream.indirect.scatter.add.f32 [tilespmem:s20], [sflag:$0xB], $0x40, s4, s16, $0xb8;
	[tilespmem:$0x1F440] =	vst v63  }
0x6c: {  	_ =	swait.ge [sflag:s15], $0x2000  }
0x6d: {  	[sflag:s15] =	ssyncset.done $0x0  }
0x6e: {  	s2 =	sadd.s32 $0x2980, s14;
	[sflag:s15] =	ssyncadd.s32 $0xFFFFE000  }
0x6f: {  	[spmem:s1] =	stream.indirect.scatter.add.f32 [tilespmem:s22], [sflag:$0xC], $0x40, s2, s16, $0xb8;
	[tilespmem:$0x1F440] =	vst v63  }
0x70: {  	_ =	swait.ge [sflag:s19], $0x2000  }
0x71: {  	[sflag:s19] =	ssyncset.done $0x0  }
0x72: {  	s5 =	sadd.s32 $0x2A00, s14;
	[sflag:s19] =	ssyncadd.s32 $0xFFFFE000  }
0x73: {  	[spmem:s1] =	stream.indirect.scatter.add.f32 [tilespmem:s24], [sflag:$0xD], $0x40, s5, s16, $0xb8;
	[tilespmem:$0x1F440] =	vst v63  }
0x74: {  	_ =	swait.ge [sflag:s21], $0x2000  }
0x75: {  	[sflag:s21] =	ssyncset.done $0x0  }
0x76: {  	s2 =	sadd.s32 $0x2A80, s14;
	[sflag:s21] =	ssyncadd.s32 $0xFFFFE000  }
0x77: {  	[spmem:s1] =	stream.indirect.scatter.add.f32 [tilespmem:s26], [sflag:$0xE], $0x40, s2, s16, $0xb8;
	[tilespmem:$0x1F440] =	vst v63  }
0x78: {  	_ =	swait.ge [sflag:s23], $0x2000  }
0x79: {  	[sflag:s23] =	ssyncset.done $0x0  }
0x7a: {  	s5 =	sadd.s32 $0x2B00, s14;
	[sflag:s23] =	ssyncadd.s32 $0xFFFFE000  }
0x7b: {  	[spmem:s1] =	stream.indirect.scatter.add.f32 [tilespmem:s28], [sflag:$0xF], $0x40, s5, s16, $0xb8;
	[tilespmem:$0x1F440] =	vst v63  }
.LBB2_5:
0x7c: {  	s11 =	sadd.s32 $0x1000, s11  }
0x7d: {  	p1 =	sne.s32 s11, $0xA000  }
.Ltmp3:
0x7e: {  	_ = 	snop;
	(pc) =	sbr.rel @!p1 .LBB2_6-.Ltmp3, $4  }
0x7f: {  	_ =	swait.ge [sflag:s25], $0x2000  }
0x80: {  	[sflag:s25] =	ssyncset.done $0x0  }
0x81: {  	s4 =	sadd.s32 $0x2B80, s14;
	[sflag:s25] =	ssyncadd.s32 $0xFFFFE000  }
0x82: {  	[spmem:s1] =	stream.indirect.scatter.add.f32 [tilespmem:s30], [sflag:$0x10], $0x40, s4, s16, $0xb8;
	[tilespmem:$0x1F440] =	vst v63  }
.LBB2_2:
0x83: {  	p1 =	seq.s32 s11, $0x0  }
0x84: {  	s4 =	simm.s32 @!p1 $0xF  }
0x85: {  	_ =	swait.ge @!p1 [sflag:s4], $0x2000  }
0x86: {  	s14 =	sshra.s32 s11, $0x2;
	[sflag:s4] =	ssyncset.done @!p1 $0x0  }
0x87: {  	s2 =	sadd.s32 $0x300, s14;
	[sflag:s4] =	ssyncadd.s32 @!p1 $0xFFFFE000  }
0x88: {  	[tilespmem:s28], [sflag:$0x7] =	stream.indirect.gather [hbm4b:s3+s16], $0x40, s2, s16, $0xb8;
	[tilespmem:$0x1F440] =	vst v63  }
0x89: {  	_ =	swait.ge [sflag:s29], $0x2000  }
0x8a: {  	[sflag:s29] =	ssyncset.done $0x0  }
0x8b: {  	s5 =	sadd.s32 $0x2800, s14;
	s4 =	simm.s32 @!p1 $0x10;
	[sflag:s29] =	ssyncadd.s32 $0xFFFFE000  }
0x8c: {  	[spmem:s1] =	stream.indirect.scatter.add.f32 [tilespmem:s17], [sflag:$0x9], $0x40, s5, s16, $0xb8;
	[tilespmem:$0x1F440] =	vst v63  }
0x8d: {  	_ =	swait.ge @!p1 [sflag:s4], $0x2000  }
0x8e: {  	[sflag:s4] =	ssyncset.done @!p1 $0x0  }
0x8f: {  	s2 =	sadd.s32 $0x380, s14;
	[sflag:s4] =	ssyncadd.s32 @!p1 $0xFFFFE000;
	p1 =	seq.s32 s11, $0x9000  }
0x90: {  	[tilespmem:s30], [sflag:$0x8] =	stream.indirect.gather [hbm4b:s3+s16], $0x40, s2, s16, $0xb8;
	[tilespmem:$0x1F440] =	vst v63  }
.Ltmp4:
0x91: {  	_ = 	snop;
	(pc) =	sbr.rel @p1 .LBB2_4-.Ltmp4, $4  }
0x92: {  	_ =	swait.ge [sflag:s31], $0x2000  }
0x93: {  	[sflag:s31] =	ssyncset.done $0x0  }
0x94: {  	s5 =	sadd.s32 $0x2880, s14;
	s4 =	sadd.s32 $0x2900, s14;
	[sflag:s31] =	ssyncadd.s32 $0xFFFFE000  }
0x95: {  	[spmem:s1] =	stream.indirect.scatter.add.f32 [tilespmem:s18], [sflag:$0xA], $0x40, s5, s16, $0xb8;
	[tilespmem:$0x1F440] =	vst v63  }
0x96: {  	_ =	swait.ge [sflag:s6], $0x2000  }
0x97: {  	[sflag:s6] =	ssyncset.done $0x0  }
0x98: {  	s5 =	sadd.s32 $0x400, s14;
	[sflag:s6] =	ssyncadd.s32 $0xFFFFE000  }
0x99: {  	[tilespmem:s17], [sflag:$0x1] =	stream.indirect.gather [hbm4b:s3+s16], $0x40, s5, s16, $0xb8;
	[tilespmem:$0x1F440] =	vst v63  }
0x9a: {  	_ =	swait.ge [sflag:s0], $0x2000  }
0x9b: {  	[sflag:s0] =	ssyncset.done $0x0  }
0x9c: {  	[sflag:s0] =	ssyncadd.s32 $0xFFFFE000  }
0x9d: {  	[spmem:s1] =	stream.indirect.scatter.add.f32 [tilespmem:s20], [sflag:$0xB], $0x40, s4, s16, $0xb8;
	[tilespmem:$0x1F440] =	vst v63  }
0x9e: {  	_ =	swait.ge [sflag:s7], $0x2000  }
0x9f: {  	[sflag:s7] =	ssyncset.done $0x0  }
0xa0: {  	s5 =	sadd.s32 $0x480, s14;
	[sflag:s7] =	ssyncadd.s32 $0xFFFFE000  }
0xa1: {  	[tilespmem:s18], [sflag:$0x2] =	stream.indirect.gather [hbm4b:s3+s16], $0x40, s5, s16, $0xb8;
	[tilespmem:$0x1F440] =	vst v63  }
0xa2: {  	_ =	swait.ge [sflag:s15], $0x2000  }
0xa3: {  	[sflag:s15] =	ssyncset.done $0x0  }
0xa4: {  	s2 =	sadd.s32 $0x2980, s14;
	[sflag:s15] =	ssyncadd.s32 $0xFFFFE000  }
0xa5: {  	[spmem:s1] =	stream.indirect.scatter.add.f32 [tilespmem:s22], [sflag:$0xC], $0x40, s2, s16, $0xb8;
	[tilespmem:$0x1F440] =	vst v63  }
0xa6: {  	_ =	swait.ge [sflag:s8], $0x2000  }
0xa7: {  	[sflag:s8] =	ssyncset.done $0x0  }
0xa8: {  	s5 =	sadd.s32 $0x500, s14;
	[sflag:s8] =	ssyncadd.s32 $0xFFFFE000  }
0xa9: {  	[tilespmem:s20], [sflag:$0x3] =	stream.indirect.gather [hbm4b:s3+s16], $0x40, s5, s16, $0xb8;
	[tilespmem:$0x1F440] =	vst v63  }
0xaa: {  	_ =	swait.ge [sflag:s19], $0x2000  }
0xab: {  	[sflag:s19] =	ssyncset.done $0x0  }
0xac: {  	s2 =	sadd.s32 $0x2A00, s14;
	[sflag:s19] =	ssyncadd.s32 $0xFFFFE000  }
0xad: {  	[spmem:s1] =	stream.indirect.scatter.add.f32 [tilespmem:s24], [sflag:$0xD], $0x40, s2, s16, $0xb8;
	[tilespmem:$0x1F440] =	vst v63  }
0xae: {  	_ =	swait.ge [sflag:s9], $0x2000  }
0xaf: {  	[sflag:s9] =	ssyncset.done $0x0  }
0xb0: {  	s5 =	sadd.s32 $0x580, s14;
	[sflag:s9] =	ssyncadd.s32 $0xFFFFE000  }
0xb1: {  	[tilespmem:s22], [sflag:$0x4] =	stream.indirect.gather [hbm4b:s3+s16], $0x40, s5, s16, $0xb8;
	[tilespmem:$0x1F440] =	vst v63  }
0xb2: {  	_ =	swait.ge [sflag:s21], $0x2000  }
0xb3: {  	[sflag:s21] =	ssyncset.done $0x0  }
0xb4: {  	s2 =	sadd.s32 $0x2A80, s14;
	[sflag:s21] =	ssyncadd.s32 $0xFFFFE000  }
0xb5: {  	[spmem:s1] =	stream.indirect.scatter.add.f32 [tilespmem:s26], [sflag:$0xE], $0x40, s2, s16, $0xb8;
	[tilespmem:$0x1F440] =	vst v63  }
0xb6: {  	_ =	swait.ge [sflag:s10], $0x2000  }
0xb7: {  	[sflag:s10] =	ssyncset.done $0x0  }
0xb8: {  	s5 =	sadd.s32 $0x600, s14;
	[sflag:s10] =	ssyncadd.s32 $0xFFFFE000  }
0xb9: {  	[tilespmem:s24], [sflag:$0x5] =	stream.indirect.gather [hbm4b:s3+s16], $0x40, s5, s16, $0xb8;
	[tilespmem:$0x1F440] =	vst v63  }
0xba: {  	_ =	swait.ge [sflag:s23], $0x2000  }
0xbb: {  	[sflag:s23] =	ssyncset.done $0x0  }
0xbc: {  	s2 =	sadd.s32 $0x2B00, s14;
	[sflag:s23] =	ssyncadd.s32 $0xFFFFE000  }
0xbd: {  	[spmem:s1] =	stream.indirect.scatter.add.f32 [tilespmem:s28], [sflag:$0xF], $0x40, s2, s16, $0xb8;
	[tilespmem:$0x1F440] =	vst v63  }
.Ltmp5:
0xbe: {  	_ = 	snop;
	(pc) =	sbr.rel .LBB2_5-.Ltmp5, $4  }
0xbf: {  	_ =	swait.ge [sflag:s13], $0x2000  }
0xc0: {  	[sflag:s13] =	ssyncset.done $0x0  }
0xc1: {  	s5 =	sadd.s32 $0x680, s14;
	[sflag:s13] =	ssyncadd.s32 $0xFFFFE000  }
0xc2: {  	[tilespmem:s26], [sflag:$0x6] =	stream.indirect.gather [hbm4b:s3+s16], $0x40, s5, s16, $0xb8;
	[tilespmem:$0x1F440] =	vst v63  }
.LBB2_7:
0xc3: {  	_ =	sfence.sel $0x180000  }
0xc4: {  	[bflag:$0x0] =	sbarrier.arrive $0xFFFF  }
0xc5: {  	_ =	strace $0x9000004A  }
0xc6: {  	[bflag:$0x2] =	sbarrier.arrive $0xFFFF  }
0xc7: {  	s0 =	rddreg [dreg:$0x2]  }
0xc8: {  	s0 =	sadd.s32 @!p0 $0x100000, s0  }
0xc9: {  	[sflag:s0] =	ssyncadd.tile.s32 @!p0 $0x1;
	_ =	shalt  }
.Lfunc_end2:
_tile_overlayer_lowered:
.L_overlay_start_2:
0xca: {  	(tag) =	ssettag $0x2  }
0xcb: {  	s0 =	rddreg [dreg:$0x0];
	s2 =	stileid.u32  }
0xcc: {  	s1 =	rddreg [dreg:$0x1];
	p0 =	sne.s32 s2, $0x0  }
0xcd: {  	s3 =	rddreg [dreg:$0x2];
	[bflag:$0x3] =	sbarrier.arrive $0xFFFF;
	s2 =	simm.s32 @!p0 $0x1C11  }
0xce: {  	[timem:s3], [sflag:s2] =	dma.local @!p0 [hbm:s0], s1  }
0xcf: {  	s0 =	simm.s32 @!p0 $0x11  }
0xd0: {  	_ =	swait.ge @!p0 [sflag:s0], s1  }
0xd1: {  	s1 =	ssub.s32 @!p0 $0x0, s1;
	[sflag:s0] =	ssyncset.done @!p0 $0x0  }
0xd2: {  	[sflag:s0] =	ssyncadd.s32 @!p0 s1  }
0xd3: {  	[bflag:$0x3] =	sbarrier.arrive $0xFFFF  }
0xd4: {  	_ =	shalt  }

// kernel: kernel.14.cloned.1.call-start
scs
__scs_entry_jumppad:
0x0: {  	(pc) =	sbr.rel $0x88, $3  }
0x1: {  	(tag) =	ssettag $0x0;
	lr =	simm.s32 $0x1  }
0x2: {  	[smem:$0x3F98] =	sst lr;
	_ =	strace $0xD0000000  }
0x3: {  	_ = 	snop  }
0x4: {  	_ = 	snop  }
0x5: {  	_ = 	snop  }
0x6: {  	_ = 	snop  }
0x7: {  	_ = 	snop  }
__scs_overlays_trampoline_lowered:
0x8: {  	[smem:$0x3FA7] =	sst s0  }
0x9: {  	[smem:$0x3FA8] =	sst s1  }
0xa: {  	[smem:$0x3FA9] =	sst s2  }
0xb: {  	[smem:$0x3FAA] =	sst s3  }
0xc: {  	[smem:$0x3FAB] =	sst s4  }
0xd: {  	[smem:$0x3FAC] =	sst s5  }
0xe: {  	[smem:$0x3FAD] =	sst s6  }
0xf: {  	[smem:$0x3FAE] =	sst s7  }
0x10: {  	[smem:$0x3FAF] =	sst s8  }
0x11: {  	[smem:$0x3FB0] =	sst s9;
	s0 =	simm.s32 @!p0 $0x0  }
0x12: {  	s1 =	sld [smem:$0x3F96];
	s0 =	simm.s32 @p0 $0x1  }
0x13: {  	[smem:$0x3FB1] =	sst s0;
	s0 =	simm.s32 @!p1 $0x0  }
0x14: {  	s2 =	sld [smem:$0x3F95];
	s0 =	simm.s32 @p1 $0x1  }
0x15: {  	[smem:$0x3FB2] =	sst s0;
	s0 =	simm.s32 @!p2 $0x0  }
0x16: {  	s3 =	sld [smem:$0x3FDB];
	s0 =	simm.s32 @p2 $0x1  }
0x17: {  	s4 =	simm.s32 $0x1BF5;
	[smem:$0x3FB4] =	sst s0  }
0x18: {  	s0 =	sld [smem:$0x3F97];
	_ =	swait.ge [sflag:s4], $0x0  }
0x19: {  	s7 =	sld [smem:$0x3F98]  }
0x1a: {  	s8 =	sadd.s32 $0xFFFFE003, lr  }
0x1b: {  	s9 =	sadd.s32 $0xFFFFFEF7, lr;
	s5 =	simm.s32 $0xFFFFFFFF;
	p2 =	slt.u32 s8, $0xFFFFF086  }
0x1c: {  	p1 =	slt.u32 s9, $0xF7A;
	s5 =	simm.s32 @!p2 $0x0  }
0x1d: {  	s5 =	simm.s32 @p1 $0x1;
	p0 =	seq.s32 s7, s2  }
0x1e: {  	s7 =	smul.u32 @!p0 $0xF7A, s2;
	p2 =	seq.s32 @!p0 s5, $0x0  }
0x1f: {  	s9 =	smul.u32 $0xF7A, s1;
	s8 =	simm.s32 @!p0 $0x1BF5;
	p2 =	por !p2, p0  }
0x20: {  	[sflag:s8] =	ssyncset.s32 @!p0 $0xFFFFF086;
	s6 =	sadd.s32 @!p0 s3, s7;
	s7 =	simm.s32 @!p0 $0x108  }
0x21: {  	s3 =	sadd.s32 s3, s9;
	s6 =	sadd.s32 @!p0 $0x88, s6;
	s7 =	simm.s32 @p2 $0x1082  }
0x22: {  	[simem:s7], [sflag:s8] =	dma.local @!p0 [hbm:s6], $0xF7A  }
0x23: {  	s9 =	sor.u32 $0xD0000000, s2;
	s6 =	simm.s32 $0x108;
	_ =	swait.ge @!p0 [sflag:s8], $0x0  }
0x24: {  	s3 =	sadd.s32 $0x88, s3;
	s6 =	simm.s32 @!p1 $0x1082;
	[sflag:s4] =	ssyncset.s32 $0xFFFFF086  }
0x25: {  	[simem:s6], [sflag:s4] =	dma.local [hbm:s3], $0xF7A  }
0x26: {  	[smem:$0x3F98] =	sst s1;
	(tag) =	ssettag s2;
	_ =	strace s9  }
0x27: {  	s1 =	sld [smem:$0x3FA8]  }
0x28: {  	s2 =	sld [smem:$0x3FA9]  }
0x29: {  	s4 =	sld [smem:$0x3FAB]  }
0x2a: {  	p0 =	seq.s32 s5, $0x0;
	s5 =	sld [smem:$0x3FAC]  }
0x2b: {  	s6 =	sld [smem:$0x3FAD]  }
0x2c: {  	s7 =	sld [smem:$0x3FAE]  }
0x2d: {  	s3 =	simm.s32 $0x108;
	s8 =	sld [smem:$0x3FAF]  }
0x2e: {  	s3 =	simm.s32 @!p0 $0x1082;
	s9 =	sld [smem:$0x3FB0]  }
0x2f: {  	lr =	sadd.s32 s0, s3;
	s0 =	sld [smem:$0x3FA7]  }
0x30: {  	s3 =	sld [smem:$0x3FAA]  }
0x31: {  	[smem:$0x3FB3] =	sst s10  }
0x32: {  	s10 =	sld [smem:$0x3FB1];
	_ =	sdelay $0x3  }
0x33: {  	p0 =	seq.s32 s10, $0x1;
	s10 =	sld [smem:$0x3FB3];
	_ =	sdelay $0x3  }
0x34: {  	[smem:$0x3FB3] =	sst s10  }
0x35: {  	s10 =	sld [smem:$0x3FB2];
	_ =	sdelay $0x3  }
0x36: {  	p1 =	seq.s32 s10, $0x1;
	s10 =	sld [smem:$0x3FB3];
	_ =	sdelay $0x3  }
0x37: {  	[smem:$0x3FB3] =	sst s10  }
0x38: {  	s10 =	sld [smem:$0x3FB4]  }
0x39: {  	_ = 	snop;
	(pc) =	sbr.ind lr, $3  }
0x3a: {  	_ = 	snop  }
0x3b: {  	_ = 	snop  }
0x3c: {  	p2 =	seq.s32 s10, $0x1;
	s10 =	sld [smem:$0x3FB3]  }
0x3d: {  	_ =	shalt  }
0x3e: {  	_ =	shalt  }
0x3f: {  	_ =	shalt  }
0x40: {  	_ =	shalt  }
0x41: {  	_ =	shalt  }
0x42: {  	_ =	shalt  }
0x43: {  	_ =	shalt  }
0x44: {  	_ =	shalt  }
0x45: {  	_ =	shalt  }
0x46: {  	_ =	shalt  }
0x47: {  	_ =	shalt  }
0x48: {  	_ =	shalt  }
0x49: {  	_ =	shalt  }
0x4a: {  	_ =	shalt  }
0x4b: {  	_ =	shalt  }
0x4c: {  	_ =	shalt  }
0x4d: {  	_ =	shalt  }
0x4e: {  	_ =	shalt  }
0x4f: {  	_ =	shalt  }
0x50: {  	_ =	shalt  }
0x51: {  	_ =	shalt  }
0x52: {  	_ =	shalt  }
0x53: {  	_ =	shalt  }
0x54: {  	_ =	shalt  }
0x55: {  	_ =	shalt  }
0x56: {  	_ =	shalt  }
0x57: {  	_ =	shalt  }
0x58: {  	_ =	shalt  }
0x59: {  	_ =	shalt  }
0x5a: {  	_ =	shalt  }
0x5b: {  	_ =	shalt  }
0x5c: {  	_ =	shalt  }
0x5d: {  	_ =	shalt  }
0x5e: {  	_ =	shalt  }
0x5f: {  	_ =	shalt  }
0x60: {  	_ =	shalt  }
0x61: {  	_ =	shalt  }
0x62: {  	_ =	shalt  }
0x63: {  	_ =	shalt  }
0x64: {  	_ =	shalt  }
0x65: {  	_ =	shalt  }
0x66: {  	_ =	shalt  }
0x67: {  	_ =	shalt  }
0x68: {  	_ =	shalt  }
0x69: {  	_ =	shalt  }
0x6a: {  	_ =	shalt  }
0x6b: {  	_ =	shalt  }
0x6c: {  	_ =	shalt  }
0x6d: {  	_ =	shalt  }
0x6e: {  	_ =	shalt  }
0x6f: {  	_ =	shalt  }
0x70: {  	_ =	shalt  }
0x71: {  	_ =	shalt  }
0x72: {  	_ =	shalt  }
0x73: {  	_ =	shalt  }
0x74: {  	_ =	shalt  }
0x75: {  	_ =	shalt  }
0x76: {  	_ =	shalt  }
0x77: {  	_ =	shalt  }
0x78: {  	_ =	shalt  }
0x79: {  	_ =	shalt  }
0x7a: {  	_ =	shalt  }
0x7b: {  	_ =	shalt  }
0x7c: {  	_ =	shalt  }
0x7d: {  	_ =	shalt  }
0x7e: {  	_ =	shalt  }
0x7f: {  	_ =	shalt  }
0x80: {  	_ =	shalt  }
0x81: {  	_ =	shalt  }
0x82: {  	_ =	shalt  }
0x83: {  	_ =	shalt  }
0x84: {  	_ =	shalt  }
0x85: {  	_ =	shalt  }
0x86: {  	_ =	shalt  }
0x87: {  	_ =	shalt  }
.Lfunc_end0:
.L_simem_size_0:
called_computation.2_lowered:
.L_overlay_start_0:
0x88: {  	s2 =	sld [smem:$0x3FD9]  }
0x89: {  	s3 =	sld [smem:$0x3FFE];
	_ =	sdelay $0x1  }
0x8a: {  	s1 =	srdreg.scid  }
0x8b: {  	s0 =	sand.u32 $0x1, s1  }
0x8c: {  	s16 =	sshll.u32 s0, $0xA;
	s2 =	sadd.s32 s3, s2  }
0x8d: {  	s2 =	sadd.s32 s2, s16  }
0x8e: {  	[smem:$0x3FBF] =	sst s2  }
0x8f: {  	_ = 	snop  }
0x90: {  	(tm) =	ssettm $0x1  }
0x91: {  	s17 =	sld [smem:$0x3FFB];
	_ =	sdelay $0x3  }
0x92: {  	_ =	strace s17  }
0x93: {  	s2 =	sld [smem:$0x3FFC];
	_ =	sdelay $0x3  }
0x94: {  	_ =	strace s2  }
0x95: {  	s2 =	sld [smem:$0x3FFD];
	_ =	sdelay $0x3  }
0x96: {  	_ =	strace s2  }
0x97: {  	_ =	strace $0x8FFFFFFF  }
0x98: {  	s18 =	sld [smem:$0x3FDB];
	_ =	sdelay $0x1  }
0x99: {  	s19 =	simm.s32 $_scs_section_size  }
0x9a: {  	s4 =	simm.s32 $_size__tile_overlayer_lowered;
	s5 =	simm.s32 $_tile_overlayer_lowered  }
0x9b: {  	s22 =	simm.s32 $0x1BFF;
	s21 =	sshll.u32 s5, $0x1;
	s2 =	sadd.s32 s19, s18  }
0x9c: {  	s6 =	simm.s32 $0x0;
	s20 =	sshll.u32 s4, $0x1;
	s4 =	sadd.s32 s21, s2  }
0x9d: {  	[timem:s6], [sflag:s22] =	dma.local [hbm:s4], s20  }
0x9e: {  	_ =	swait.ge [sflag:s22], s20  }
0x9f: {  	s3 =	ssub.s32 $0x0, s20;
	[sflag:s22] =	ssyncset.done $0x0  }
0xa0: {  	[sflag:s22] =	ssyncadd.s32 s3;
	_ =	sdelay $0x1  }
0xa1: {  	s23 =	simm.s32 $0x1B8B  }
0xa2: {  	_ =	swait.ge [sflag:s23], $0x1  }
0xa3: {  	[sflag:s23] =	ssyncset.done $0x0  }
0xa4: {  	s25 =	simm.s32 $0x1B8E;
	s24 =	sld [smem:$0x3FFE];
	[sflag:s23] =	ssyncadd.s32 $0xFFFFFFFF  }
0xa5: {  	s26 =	simm.s32 $execute0_lowered;
	[smem:$0x3FD2] =	sst s25  }
0xa6: {  	s4 =	sshll.u32 s26, $0x1;
	_ =	strace $0x8000004C;
	[dreg:$0x1] =	wrdreg $0xFFFFFFFF  }
0xa7: {  	s28 =	simm.s32 $_size_execute0_lowered;
	s2 =	sadd.s32 s2, s4;
	[dreg:$0x0] =	wrdreg $0x0  }
0xa8: {  	s4 =	sshll.u32 s28, $0x1;
	[dreg:$0x2] =	wrdreg s2  }
0xa9: {  	[dreg:$0x3] =	wrdreg s4  }
0xaa: {  	[dreg:$0x4] =	wrdreg $0xC0  }
0xab: {  	_ =	task [dreg:s6], $0x5FFFF  }
0xac: {  	[dreg:$0x1] =	wrdreg $0xFFFFFFFF  }
0xad: {  	[dreg:$0x0] =	wrdreg $0x60  }
0xae: {  	[dreg:$0x2] =	wrdreg s24  }
0xaf: {  	[dreg:$0x3] =	wrdreg $0x150000  }
0xb0: {  	[dreg:$0x4] =	wrdreg $0x9  }
0xb1: {  	_ =	task.clear_ibuf [dreg:s6], $0x5FFFF;
	_ =	strace $0x9000004C  }
0xb2: {  	s29 =	simm.s32 $0x9;
	_ =	strace $0x8000004E  }
0xb3: {  	_ =	swait.ge [sflag:s29], $0x1  }
0xb4: {  	[sflag:s29] =	ssyncadd.s32 $0xFFFFFFFF  }
0xb5: {  	_ =	strace $0x9000004E  }
0xb6: {  	_ =	sfence  }
0xb7: {  	s30 =	sld [smem:$0x0];
	_ =	sdelay $0x2  }
0xb8: {  	s31 =	sshll.u32 s1, $0xD;
	s1 =	sshrl.u32 s1, $0x2  }
0xb9: {  	s3 =	sand.u32 $0x4000, s31;
	s1 =	sadd.s32 s1, s30  }
0xba: {  	s0 =	sor.u32 s3, s0;
	s1 =	sshll.u32 s1, $0x11  }
0xbb: {  	s0 =	sor.u32 s1, s0  }
0xbc: {  	s0 =	sadd.s32 $0x8F2B, s0  }
0xbd: {  	[sflag:s0] =	ssyncadd.remote.s32 $0x1  }
0xbe: {  	_ =	sfence.sel $0xFFFF  }
0xbf: {  	[dreg:$0x0] =	wrdreg $0xFFFFFFFF;
	(pc) =	sbr.abs _section_cstart, $3  }
0xc0: {  	[dreg:$0x1] =	wrdreg $0xFFFFFFFF  }
0xc1: {  	_ =	task.clear_ibuf [dreg:s6], $0x2FFFF;
	_ =	strace $0x9FFFFFFF  }
0xc2: {  	(tm) =	ssettm $0x7FFFFFFF  }
0xc3: {  	_ =	shalt  }
tec
execute0_lowered:
.L_overlay_start_1:
0x0: {  	(tag) =	ssettag $0x1  }
0x1: {  	s0 =	srdreg.scid;
	s2 =	rddreg [dreg:$0x0]  }
0x2: {  	s1 =	rddreg [dreg:$0x1];
	s4 =	stileid.u32;
	s5 =	simm.s32 $0x0  }
0x3: {  	s16 =	simm.s32 $0x80;
	s17 =	simm.s32 $0x5000;
	s18 =	simm.s32 $0x7000  }
0x4: {  	s20 =	simm.s32 $0x9000;
	s28 =	simm.s32 $0x11000;
	s29 =	simm.s32 $0x1  }
0x5: {  	s30 =	simm.s32 $0x13000;
	s31 =	simm.s32 $0x2;
	s15 =	simm.s32 $0x4  }
0x6: {  	s19 =	simm.s32 $0x5;
	s21 =	simm.s32 $0x6;
	s13 =	simm.s32 $0xE  }
0x7: {  	s0 =	sand.u32 $0x1, s0;
	[smem:$0x7FF] =	sst s5;
	s7 =	smul.u32 $0x9C00, s4  }
0x8: {  	s8 =	sadd.s32 $0x29600, s2;
	s25 =	sshll.u32 s4, $0xB;
	s10 =	sshll.u32 s4, $0x6  }
0x9: {  	p0 =	sne.s32 s4, $0x0;
	s3 =	sshll.u32 s0, $0x4;
	_ =	strace $0x8000004D  }
0xa: {  	s23 =	ssub.s32 $0x2, s0;
	[dreg:$0x3] =	wrdreg s8;
	s11 =	sadd.s32 s25, s1  }
0xb: {  	s0 =	smul.u32 $0x9C400, s0;
	s5 =	sor.u32 $0x1C11, s10;
	s25 =	simm.s32 $0x8  }
0xc: {  	s3 =	sor.u32 s4, s3;
	s24 =	sshrl.u32 s23, $0x1;
	s9 =	sadd.s32 s7, s1  }
0xd: {  	s26 =	sadd.s32 $0x9C400, s11;
	s11 =	sadd.s32 $0x9C000, s1;
	[dreg:$0x4] =	wrdreg s5  }
0xe: {  	s22 =	smul.u32 $0x500, s3;
	s3 =	sadd.s32 $0x15C00, s2;
	s8 =	ssub.s32 s23, s24  }
0xf: {  	s7 =	sadd.s32 s7, s0;
	s0 =	sshrl.u32 s0, $0x3;
	s14 =	sshrl.u32 s9, $0x3  }
0x10: {  	s10 =	sshrl.u32 s26, $0x3;
	s24 =	simm.s32 $0xD000;
	s26 =	simm.s32 $0xF000  }
0x11: {  	s23 =	simm.s32 $0x7;
	s9 =	simm.s32 $0xC;
	s7 =	sshrl.u32 s7, $0x3  }
0x12: {  	s8 =	smax.u32 s8, $0x1;
	[dreg:$0xb] =	wrdreg s10;
	s10 =	simm.s32 $0xD  }
0x13: {  	[dreg:$0xa] =	wrdreg s14;
	s6 =	sadd.s32 s22, s2;
	s2 =	sadd.s32 $0x2AA00, s2  }
0x14: {  	[dreg:$0x9] =	wrdreg s8;
	s22 =	simm.s32 $0xB000;
	s12 =	sadd.s32 $0xBC00, s6  }
0x15: {  	s6 =	sadd.s32 $0x1C00, s6;
	s0 =	sadd.s32 s2, s0;
	[dreg:$0x5] =	wrdreg s12  }
.Ltmp0:
0x16: {  	s2 =	sadd.s32 s2, s7;
	[dreg:$0x6] =	wrdreg s6;
	(pc) =	sbr.rel .LBB2_1-.Ltmp0, $4  }
0x17: {  	s8 =	simm.s32 $0xB;
	[dreg:$0x7] =	wrdreg s2;
	s0 =	sadd.s32 $0x13800, s0  }
0x18: {  	s12 =	sshrl.u32 @!p0 s11, $0x3;
	s11 =	simm.s32 $0x0;
	[dreg:$0x8] =	wrdreg s0  }
0x19: {  	s7 =	simm.s32 $0xA;
	s2 =	simm.s32 $0x11;
	[dreg:$0xd] =	wrdreg s11  }
0x1a: {  	s6 =	simm.s32 $0x9;
	s0 =	simm.s32 $0x3;
	[dreg:$0xc] =	wrdreg s12  }
.LBB2_6:
0x1b: {  	_ =	swait.ge [sflag:s6], $0x2000  }
0x1c: {  	[sflag:s6] =	ssyncset.done $0x0  }
0x1d: {  	[sflag:s6] =	ssyncadd.s32 $0xFFFFE000  }
0x1e: {  	_ =	swait.ge [sflag:s7], $0x2000  }
0x1f: {  	[sflag:s7] =	ssyncset.done $0x0  }
0x20: {  	[sflag:s7] =	ssyncadd.s32 $0xFFFFE000  }
0x21: {  	_ =	swait.ge [sflag:s8], $0x2000  }
0x22: {  	[sflag:s8] =	ssyncset.done $0x0  }
0x23: {  	[sflag:s8] =	ssyncadd.s32 $0xFFFFE000  }
0x24: {  	_ =	swait.ge [sflag:s9], $0x2000  }
0x25: {  	[sflag:s9] =	ssyncset.done $0x0  }
0x26: {  	[sflag:s9] =	ssyncadd.s32 $0xFFFFE000  }
0x27: {  	_ =	swait.ge [sflag:s10], $0x2000  }
0x28: {  	[sflag:s10] =	ssyncset.done $0x0  }
0x29: {  	[sflag:s10] =	ssyncadd.s32 $0xFFFFE000  }
0x2a: {  	_ =	swait.ge [sflag:s13], $0x2000  }
0x2b: {  	[sflag:s13] =	ssyncset.done $0x0  }
0x2c: {  	s2 =	simm.s32 $0xF;
	[sflag:s13] =	ssyncadd.s32 $0xFFFFE000  }
0x2d: {  	_ =	swait.ge [sflag:s2], $0x2000  }
0x2e: {  	[sflag:s2] =	ssyncset.done $0x0  }
0x2f: {  	s11 =	simm.s32 $0x10;
	[sflag:s2] =	ssyncadd.s32 $0xFFFFE000  }
0x30: {  	_ =	swait.ge [sflag:s11], $0x2000  }
0x31: {  	[sflag:s11] =	ssyncset.done $0x0  }
0x32: {  	[sflag:s11] =	ssyncadd.s32 $0xFFFFE000  }
0x33: {  	[bflag:$0x0] =	sbarrier.arrive $0xFFFF  }
0x34: {  	s5 =	rddreg [dreg:$0x4]  }
0x35: {  	s4 =	rddreg [dreg:$0x7]  }
0x36: {  	s14 =	rddreg [dreg:$0xa]  }
0x37: {  	[hbm:s4], [sflag:s5] =	dma.local [spmem:s14], $0x1380  }
0x38: {  	_ =	swait.ge [sflag:s12], $0x1380  }
0x39: {  	[sflag:s12] =	ssyncset.done $0x0;
	s4 =	rddreg [dreg:$0x8]  }
0x3a: {  	s14 =	rddreg [dreg:$0xc];
	[sflag:s12] =	ssyncadd.s32 $0xFFFFEC80  }
0x3b: {  	[hbm:s4], [sflag:s5] =	dma.local @!p0 [spmem:s14], $0x80  }
0x3c: {  	s4 =	simm.s32 @!p0 $0x11  }
0x3d: {  	_ =	swait.ge @!p0 [sflag:s4], $0x80  }
0x3e: {  	s11 =	rddreg [dreg:$0xd]  }
0x3f: {  	s12 =	sadd.s32 $0x1, s11;
	s11 =	rddreg [dreg:$0x9]  }
0x40: {  	p1 =	sne.s32 s12, s11  }
.Ltmp1:
0x41: {  	_ = 	snop;
	(pc) =	sbr.rel @!p1 .LBB2_7-.Ltmp1, $3  }
0x42: {  	_ =	sdelay $0x1  }
0x43: {  	s2 =	simm.s32 $0x11;
	[sflag:s4] =	ssyncset.done @!p0 $0x0;
	[dreg:$0xd] =	wrdreg s12  }
0x44: {  	[sflag:s4] =	ssyncadd.s32 @!p0 $0xFFFFFF80;
	s12 =	smov.u32 s14;
	s14 =	rddreg [dreg:$0xa]  }
.LBB2_1:
0x45: {  	s4 =	rddreg [dreg:$0x3]  }
0x46: {  	[spmem:s14], [sflag:s5] =	dma.local [hbm:s4], $0x1380  }
0x47: {  	_ =	swait.ge [sflag:s2], $0x1380  }
0x48: {  	[sflag:s2] =	ssyncset.done $0x0  }
0x49: {  	s11 =	rddreg [dreg:$0xb];
	[sflag:s2] =	ssyncadd.s32 $0xFFFFEC80  }
0x4a: {  	[spmem:s11], [sflag:s5] =	dma.local [hbm:s4], $0x100  }
0x4b: {  	_ =	swait.ge [sflag:s2], $0x100  }
0x4c: {  	[sflag:s2] =	ssyncset.done $0x0  }
0x4d: {  	[sflag:s2] =	ssyncadd.s32 $0xFFFFFF00  }
0x4e: {  	[spmem:s12], [sflag:s5] =	dma.local @!p0 [hbm:s4], $0x80  }
0x4f: {  	s4 =	simm.s32 @!p0 $0x11  }
0x50: {  	_ =	swait.ge @!p0 [sflag:s4], $0x80  }
0x51: {  	[sflag:s4] =	ssyncset.done @!p0 $0x0  }
0x52: {  	s11 =	rddreg [dreg:$0x5];
	[sflag:s4] =	ssyncadd.s32 @!p0 $0xFFFFFF80;
	s4 =	simm.s32 $0x0  }
0x53: {  	[tilespmem:s4], [sflag:$0x11] =	stream.linear.gather [hbm4b:s11+s4], $0x2800, $0x38;
	[tilespmem:$0x1F440] =	vst v63  }
0x54: {  	_ =	swait.ge [sflag:s2], $0x2800  }
0x55: {  	[sflag:s2] =	ssyncset.done $0x0  }
0x56: {  	s14 =	simm.s32 $0x2800;
	s12 =	rddreg [dreg:$0x6];
	[sflag:s2] =	ssyncadd.s32 $0xFFFFD800  }
0x57: {  	[tilespmem:s14], [sflag:$0x11] =	stream.linear.gather [hbm4b:s12+s4], $0x2800, $0x38;
	[tilespmem:$0x1F440] =	vst v63  }
0x58: {  	_ =	swait.ge [sflag:s2], $0x2800  }
0x59: {  	[sflag:s2] =	ssyncset.done $0x0  }
0x5a: {  	[sflag:s2] =	ssyncadd.s32 $0xFFFFD800  }
0x5b: {  	[bflag:$0x0] =	sbarrier.arrive $0xFFFF  }
0x5c: {  	[tilespmem:s17], [sflag:$0x1] =	stream.indirect.gather [hbm4b:s3+s16], $0x40, s4, s16, $0xb8;
	[tilespmem:$0x1F440] =	vst v63  }
0x5d: {  	_ = 	snop  }
0x5e: {  	[tilespmem:s18], [sflag:$0x2] =	stream.indirect.gather [hbm4b:s3+s16], $0x40, s16, s16, $0xb8;
	[tilespmem:$0x1F440] =	vst v63  }
0x5f: {  	s5 =	simm.s32 $0x100  }
0x60: {  	[tilespmem:s20], [sflag:$0x3] =	stream.indirect.gather [hbm4b:s3+s16], $0x40, s5, s16, $0xb8;
	[tilespmem:$0x1F440] =	vst v63  }
0x61: {  	s11 =	simm.s32 $0x180  }
0x62: {  	[tilespmem:s22], [sflag:$0x4] =	stream.indirect.gather [hbm4b:s3+s16], $0x40, s11, s16, $0xb8;
	[tilespmem:$0x1F440] =	vst v63  }
.Ltmp2:
0x63: {  	_ = 	snop;
	(pc) =	sbr.rel .LBB2_2-.Ltmp2, $4  }
0x64: {  	s12 =	simm.s32 $0x200  }
0x65: {  	[tilespmem:s24], [sflag:$0x5] =	stream.indirect.gather [hbm4b:s3+s16], $0x40, s12, s16, $0xb8;
	[tilespmem:$0x1F440] =	vst v63  }
0x66: {  	s14 =	simm.s32 $0x280;
	s11 =	simm.s32 $0x0;
	s12 =	simm.s32 $0x11  }
0x67: {  	[tilespmem:s26], [sflag:$0x6] =	stream.indirect.gather [hbm4b:s3+s16], $0x40, s14, s16, $0xb8;
	[tilespmem:$0x1F440] =	vst v63  }
.LBB2_4:
0x68: {  	_ =	swait.ge [sflag:s0], $0x2000  }
0x69: {  	[sflag:s0] =	ssyncset.done $0x0  }
0x6a: {  	[sflag:s0] =	ssyncadd.s32 $0xFFFFE000  }
0x6b: {  	[spmem:s1] =	stream.indirect.scatter.add.f32 [tilespmem:s20], [sflag:$0xB], $0x40, s4, s16, $0xb8;
	[tilespmem:$0x1F440] =	vst v63  }
0x6c: {  	_ =	swait.ge [sflag:s15], $0x2000  }
0x6d: {  	[sflag:s15] =	ssyncset.done $0x0  }
0x6e: {  	s2 =	sadd.s32 $0x2980, s14;
	[sflag:s15] =	ssyncadd.s32 $0xFFFFE000  }
0x6f: {  	[spmem:s1] =	stream.indirect.scatter.add.f32 [tilespmem:s22], [sflag:$0xC], $0x40, s2, s16, $0xb8;
	[tilespmem:$0x1F440] =	vst v63  }
0x70: {  	_ =	swait.ge [sflag:s19], $0x2000  }
0x71: {  	[sflag:s19] =	ssyncset.done $0x0  }
0x72: {  	s5 =	sadd.s32 $0x2A00, s14;
	[sflag:s19] =	ssyncadd.s32 $0xFFFFE000  }
0x73: {  	[spmem:s1] =	stream.indirect.scatter.add.f32 [tilespmem:s24], [sflag:$0xD], $0x40, s5, s16, $0xb8;
	[tilespmem:$0x1F440] =	vst v63  }
0x74: {  	_ =	swait.ge [sflag:s21], $0x2000  }
0x75: {  	[sflag:s21] =	ssyncset.done $0x0  }
0x76: {  	s2 =	sadd.s32 $0x2A80, s14;
	[sflag:s21] =	ssyncadd.s32 $0xFFFFE000  }
0x77: {  	[spmem:s1] =	stream.indirect.scatter.add.f32 [tilespmem:s26], [sflag:$0xE], $0x40, s2, s16, $0xb8;
	[tilespmem:$0x1F440] =	vst v63  }
0x78: {  	_ =	swait.ge [sflag:s23], $0x2000  }
0x79: {  	[sflag:s23] =	ssyncset.done $0x0  }
0x7a: {  	s5 =	sadd.s32 $0x2B00, s14;
	[sflag:s23] =	ssyncadd.s32 $0xFFFFE000  }
0x7b: {  	[spmem:s1] =	stream.indirect.scatter.add.f32 [tilespmem:s28], [sflag:$0xF], $0x40, s5, s16, $0xb8;
	[tilespmem:$0x1F440] =	vst v63  }
.LBB2_5:
0x7c: {  	s11 =	sadd.s32 $0x1000, s11  }
0x7d: {  	p1 =	sne.s32 s11, $0xA000  }
.Ltmp3:
0x7e: {  	_ = 	snop;
	(pc) =	sbr.rel @!p1 .LBB2_6-.Ltmp3, $4  }
0x7f: {  	_ =	swait.ge [sflag:s25], $0x2000  }
0x80: {  	[sflag:s25] =	ssyncset.done $0x0  }
0x81: {  	s4 =	sadd.s32 $0x2B80, s14;
	[sflag:s25] =	ssyncadd.s32 $0xFFFFE000  }
0x82: {  	[spmem:s1] =	stream.indirect.scatter.add.f32 [tilespmem:s30], [sflag:$0x10], $0x40, s4, s16, $0xb8;
	[tilespmem:$0x1F440] =	vst v63  }
.LBB2_2:
0x83: {  	p1 =	seq.s32 s11, $0x0  }
0x84: {  	s4 =	simm.s32 @!p1 $0xF  }
0x85: {  	_ =	swait.ge @!p1 [sflag:s4], $0x2000  }
0x86: {  	s14 =	sshra.s32 s11, $0x2;
	[sflag:s4] =	ssyncset.done @!p1 $0x0  }
0x87: {  	s2 =	sadd.s32 $0x300, s14;
	[sflag:s4] =	ssyncadd.s32 @!p1 $0xFFFFE000  }
0x88: {  	[tilespmem:s28], [sflag:$0x7] =	stream.indirect.gather [hbm4b:s3+s16], $0x40, s2, s16, $0xb8;
	[tilespmem:$0x1F440] =	vst v63  }
0x89: {  	_ =	swait.ge [sflag:s29], $0x2000  }
0x8a: {  	[sflag:s29] =	ssyncset.done $0x0  }
0x8b: {  	s5 =	sadd.s32 $0x2800, s14;
	s4 =	simm.s32 @!p1 $0x10;
	[sflag:s29] =	ssyncadd.s32 $0xFFFFE000  }
0x8c: {  	[spmem:s1] =	stream.indirect.scatter.add.f32 [tilespmem:s17], [sflag:$0x9], $0x40, s5, s16, $0xb8;
	[tilespmem:$0x1F440] =	vst v63  }
0x8d: {  	_ =	swait.ge @!p1 [sflag:s4], $0x2000  }
0x8e: {  	[sflag:s4] =	ssyncset.done @!p1 $0x0  }
0x8f: {  	s2 =	sadd.s32 $0x380, s14;
	[sflag:s4] =	ssyncadd.s32 @!p1 $0xFFFFE000;
	p1 =	seq.s32 s11, $0x9000  }
0x90: {  	[tilespmem:s30], [sflag:$0x8] =	stream.indirect.gather [hbm4b:s3+s16], $0x40, s2, s16, $0xb8;
	[tilespmem:$0x1F440] =	vst v63  }
.Ltmp4:
0x91: {  	_ = 	snop;
	(pc) =	sbr.rel @p1 .LBB2_4-.Ltmp4, $4  }
0x92: {  	_ =	swait.ge [sflag:s31], $0x2000  }
0x93: {  	[sflag:s31] =	ssyncset.done $0x0  }
0x94: {  	s5 =	sadd.s32 $0x2880, s14;
	s4 =	sadd.s32 $0x2900, s14;
	[sflag:s31] =	ssyncadd.s32 $0xFFFFE000  }
0x95: {  	[spmem:s1] =	stream.indirect.scatter.add.f32 [tilespmem:s18], [sflag:$0xA], $0x40, s5, s16, $0xb8;
	[tilespmem:$0x1F440] =	vst v63  }
0x96: {  	_ =	swait.ge [sflag:s6], $0x2000  }
0x97: {  	[sflag:s6] =	ssyncset.done $0x0  }
0x98: {  	s5 =	sadd.s32 $0x400, s14;
	[sflag:s6] =	ssyncadd.s32 $0xFFFFE000  }
0x99: {  	[tilespmem:s17], [sflag:$0x1] =	stream.indirect.gather [hbm4b:s3+s16], $0x40, s5, s16, $0xb8;
	[tilespmem:$0x1F440] =	vst v63  }
0x9a: {  	_ =	swait.ge [sflag:s0], $0x2000  }
0x9b: {  	[sflag:s0] =	ssyncset.done $0x0  }
0x9c: {  	[sflag:s0] =	ssyncadd.s32 $0xFFFFE000  }
0x9d: {  	[spmem:s1] =	stream.indirect.scatter.add.f32 [tilespmem:s20], [sflag:$0xB], $0x40, s4, s16, $0xb8;
	[tilespmem:$0x1F440] =	vst v63  }
0x9e: {  	_ =	swait.ge [sflag:s7], $0x2000  }
0x9f: {  	[sflag:s7] =	ssyncset.done $0x0  }
0xa0: {  	s5 =	sadd.s32 $0x480, s14;
	[sflag:s7] =	ssyncadd.s32 $0xFFFFE000  }
0xa1: {  	[tilespmem:s18], [sflag:$0x2] =	stream.indirect.gather [hbm4b:s3+s16], $0x40, s5, s16, $0xb8;
	[tilespmem:$0x1F440] =	vst v63  }
0xa2: {  	_ =	swait.ge [sflag:s15], $0x2000  }
0xa3: {  	[sflag:s15] =	ssyncset.done $0x0  }
0xa4: {  	s2 =	sadd.s32 $0x2980, s14;
	[sflag:s15] =	ssyncadd.s32 $0xFFFFE000  }
0xa5: {  	[spmem:s1] =	stream.indirect.scatter.add.f32 [tilespmem:s22], [sflag:$0xC], $0x40, s2, s16, $0xb8;
	[tilespmem:$0x1F440] =	vst v63  }
0xa6: {  	_ =	swait.ge [sflag:s8], $0x2000  }
0xa7: {  	[sflag:s8] =	ssyncset.done $0x0  }
0xa8: {  	s5 =	sadd.s32 $0x500, s14;
	[sflag:s8] =	ssyncadd.s32 $0xFFFFE000  }
0xa9: {  	[tilespmem:s20], [sflag:$0x3] =	stream.indirect.gather [hbm4b:s3+s16], $0x40, s5, s16, $0xb8;
	[tilespmem:$0x1F440] =	vst v63  }
0xaa: {  	_ =	swait.ge [sflag:s19], $0x2000  }
0xab: {  	[sflag:s19] =	ssyncset.done $0x0  }
0xac: {  	s2 =	sadd.s32 $0x2A00, s14;
	[sflag:s19] =	ssyncadd.s32 $0xFFFFE000  }
0xad: {  	[spmem:s1] =	stream.indirect.scatter.add.f32 [tilespmem:s24], [sflag:$0xD], $0x40, s2, s16, $0xb8;
	[tilespmem:$0x1F440] =	vst v63  }
0xae: {  	_ =	swait.ge [sflag:s9], $0x2000  }
0xaf: {  	[sflag:s9] =	ssyncset.done $0x0  }
0xb0: {  	s5 =	sadd.s32 $0x580, s14;
	[sflag:s9] =	ssyncadd.s32 $0xFFFFE000  }
0xb1: {  	[tilespmem:s22], [sflag:$0x4] =	stream.indirect.gather [hbm4b:s3+s16], $0x40, s5, s16, $0xb8;
	[tilespmem:$0x1F440] =	vst v63  }
0xb2: {  	_ =	swait.ge [sflag:s21], $0x2000  }
0xb3: {  	[sflag:s21] =	ssyncset.done $0x0  }
0xb4: {  	s2 =	sadd.s32 $0x2A80, s14;
	[sflag:s21] =	ssyncadd.s32 $0xFFFFE000  }
0xb5: {  	[spmem:s1] =	stream.indirect.scatter.add.f32 [tilespmem:s26], [sflag:$0xE], $0x40, s2, s16, $0xb8;
	[tilespmem:$0x1F440] =	vst v63  }
0xb6: {  	_ =	swait.ge [sflag:s10], $0x2000  }
0xb7: {  	[sflag:s10] =	ssyncset.done $0x0  }
0xb8: {  	s5 =	sadd.s32 $0x600, s14;
	[sflag:s10] =	ssyncadd.s32 $0xFFFFE000  }
0xb9: {  	[tilespmem:s24], [sflag:$0x5] =	stream.indirect.gather [hbm4b:s3+s16], $0x40, s5, s16, $0xb8;
	[tilespmem:$0x1F440] =	vst v63  }
0xba: {  	_ =	swait.ge [sflag:s23], $0x2000  }
0xbb: {  	[sflag:s23] =	ssyncset.done $0x0  }
0xbc: {  	s2 =	sadd.s32 $0x2B00, s14;
	[sflag:s23] =	ssyncadd.s32 $0xFFFFE000  }
0xbd: {  	[spmem:s1] =	stream.indirect.scatter.add.f32 [tilespmem:s28], [sflag:$0xF], $0x40, s2, s16, $0xb8;
	[tilespmem:$0x1F440] =	vst v63  }
.Ltmp5:
0xbe: {  	_ = 	snop;
	(pc) =	sbr.rel .LBB2_5-.Ltmp5, $4  }
0xbf: {  	_ =	swait.ge [sflag:s13], $0x2000  }
0xc0: {  	[sflag:s13] =	ssyncset.done $0x0  }
0xc1: {  	s5 =	sadd.s32 $0x680, s14;
	[sflag:s13] =	ssyncadd.s32 $0xFFFFE000  }
0xc2: {  	[tilespmem:s26], [sflag:$0x6] =	stream.indirect.gather [hbm4b:s3+s16], $0x40, s5, s16, $0xb8;
	[tilespmem:$0x1F440] =	vst v63  }
.LBB2_7:
0xc3: {  	_ =	sfence.sel $0x180000  }
0xc4: {  	[bflag:$0x0] =	sbarrier.arrive $0xFFFF  }
0xc5: {  	_ =	strace $0x9000004D  }
0xc6: {  	[bflag:$0x2] =	sbarrier.arrive $0xFFFF  }
0xc7: {  	s0 =	rddreg [dreg:$0x2]  }
0xc8: {  	s0 =	sadd.s32 @!p0 $0x100000, s0  }
0xc9: {  	[sflag:s0] =	ssyncadd.tile.s32 @!p0 $0x1;
	_ =	shalt  }
.Lfunc_end2:
_tile_overlayer_lowered:
.L_overlay_start_2:
0xca: {  	(tag) =	ssettag $0x2  }
0xcb: {  	s0 =	rddreg [dreg:$0x0];
	s2 =	stileid.u32  }
0xcc: {  	s1 =	rddreg [dreg:$0x1];
	p0 =	sne.s32 s2, $0x0  }
0xcd: {  	s3 =	rddreg [dreg:$0x2];
	[bflag:$0x3] =	sbarrier.arrive $0xFFFF;
	s2 =	simm.s32 @!p0 $0x1C11  }
0xce: {  	[timem:s3], [sflag:s2] =	dma.local @!p0 [hbm:s0], s1  }
0xcf: {  	s0 =	simm.s32 @!p0 $0x11  }
0xd0: {  	_ =	swait.ge @!p0 [sflag:s0], s1  }
0xd1: {  	s1 =	ssub.s32 @!p0 $0x0, s1;
	[sflag:s0] =	ssyncset.done @!p0 $0x0  }
0xd2: {  	[sflag:s0] =	ssyncadd.s32 @!p0 s1  }
0xd3: {  	[bflag:$0x3] =	sbarrier.arrive $0xFFFF  }
0xd4: {  	_ =	shalt  }

// kernel: kernel.8.cloned.1.call-start
scs
__scs_entry_jumppad:
0x0: {  	(pc) =	sbr.rel $0x88, $3  }
0x1: {  	(tag) =	ssettag $0x0;
	lr =	simm.s32 $0x1  }
0x2: {  	[smem:$0x3F98] =	sst lr;
	_ =	strace $0xD0000000  }
0x3: {  	_ = 	snop  }
0x4: {  	_ = 	snop  }
0x5: {  	_ = 	snop  }
0x6: {  	_ = 	snop  }
0x7: {  	_ = 	snop  }
__scs_overlays_trampoline_lowered:
0x8: {  	[smem:$0x3FA7] =	sst s0  }
0x9: {  	[smem:$0x3FA8] =	sst s1  }
0xa: {  	[smem:$0x3FA9] =	sst s2  }
0xb: {  	[smem:$0x3FAA] =	sst s3  }
0xc: {  	[smem:$0x3FAB] =	sst s4  }
0xd: {  	[smem:$0x3FAC] =	sst s5  }
0xe: {  	[smem:$0x3FAD] =	sst s6  }
0xf: {  	[smem:$0x3FAE] =	sst s7  }
0x10: {  	[smem:$0x3FAF] =	sst s8  }
0x11: {  	[smem:$0x3FB0] =	sst s9;
	s0 =	simm.s32 @!p0 $0x0  }
0x12: {  	s1 =	sld [smem:$0x3F96];
	s0 =	simm.s32 @p0 $0x1  }
0x13: {  	[smem:$0x3FB1] =	sst s0;
	s0 =	simm.s32 @!p1 $0x0  }
0x14: {  	s2 =	sld [smem:$0x3F95];
	s0 =	simm.s32 @p1 $0x1  }
0x15: {  	[smem:$0x3FB2] =	sst s0;
	s0 =	simm.s32 @!p2 $0x0  }
0x16: {  	s3 =	sld [smem:$0x3FDB];
	s0 =	simm.s32 @p2 $0x1  }
0x17: {  	s4 =	simm.s32 $0x1BF5;
	[smem:$0x3FB4] =	sst s0  }
0x18: {  	s0 =	sld [smem:$0x3F97];
	_ =	swait.ge [sflag:s4], $0x0  }
0x19: {  	s7 =	sld [smem:$0x3F98]  }
0x1a: {  	s8 =	sadd.s32 $0xFFFFE003, lr  }
0x1b: {  	s9 =	sadd.s32 $0xFFFFFEF7, lr;
	s5 =	simm.s32 $0xFFFFFFFF;
	p2 =	slt.u32 s8, $0xFFFFF086  }
0x1c: {  	p1 =	slt.u32 s9, $0xF7A;
	s5 =	simm.s32 @!p2 $0x0  }
0x1d: {  	s5 =	simm.s32 @p1 $0x1;
	p0 =	seq.s32 s7, s2  }
0x1e: {  	s7 =	smul.u32 @!p0 $0xF7A, s2;
	p2 =	seq.s32 @!p0 s5, $0x0  }
0x1f: {  	s9 =	smul.u32 $0xF7A, s1;
	s8 =	simm.s32 @!p0 $0x1BF5;
	p2 =	por !p2, p0  }
0x20: {  	[sflag:s8] =	ssyncset.s32 @!p0 $0xFFFFF086;
	s6 =	sadd.s32 @!p0 s3, s7;
	s7 =	simm.s32 @!p0 $0x108  }
0x21: {  	s3 =	sadd.s32 s3, s9;
	s6 =	sadd.s32 @!p0 $0x88, s6;
	s7 =	simm.s32 @p2 $0x1082  }
0x22: {  	[simem:s7], [sflag:s8] =	dma.local @!p0 [hbm:s6], $0xF7A  }
0x23: {  	s9 =	sor.u32 $0xD0000000, s2;
	s6 =	simm.s32 $0x108;
	_ =	swait.ge @!p0 [sflag:s8], $0x0  }
0x24: {  	s3 =	sadd.s32 $0x88, s3;
	s6 =	simm.s32 @!p1 $0x1082;
	[sflag:s4] =	ssyncset.s32 $0xFFFFF086  }
0x25: {  	[simem:s6], [sflag:s4] =	dma.local [hbm:s3], $0xF7A  }
0x26: {  	[smem:$0x3F98] =	sst s1;
	(tag) =	ssettag s2;
	_ =	strace s9  }
0x27: {  	s1 =	sld [smem:$0x3FA8]  }
0x28: {  	s2 =	sld [smem:$0x3FA9]  }
0x29: {  	s4 =	sld [smem:$0x3FAB]  }
0x2a: {  	p0 =	seq.s32 s5, $0x0;
	s5 =	sld [smem:$0x3FAC]  }
0x2b: {  	s6 =	sld [smem:$0x3FAD]  }
0x2c: {  	s7 =	sld [smem:$0x3FAE]  }
0x2d: {  	s3 =	simm.s32 $0x108;
	s8 =	sld [smem:$0x3FAF]  }
0x2e: {  	s3 =	simm.s32 @!p0 $0x1082;
	s9 =	sld [smem:$0x3FB0]  }
0x2f: {  	lr =	sadd.s32 s0, s3;
	s0 =	sld [smem:$0x3FA7]  }
0x30: {  	s3 =	sld [smem:$0x3FAA]  }
0x31: {  	[smem:$0x3FB3] =	sst s10  }
0x32: {  	s10 =	sld [smem:$0x3FB1];
	_ =	sdelay $0x3  }
0x33: {  	p0 =	seq.s32 s10, $0x1;
	s10 =	sld [smem:$0x3FB3];
	_ =	sdelay $0x3  }
0x34: {  	[smem:$0x3FB3] =	sst s10  }
0x35: {  	s10 =	sld [smem:$0x3FB2];
	_ =	sdelay $0x3  }
0x36: {  	p1 =	seq.s32 s10, $0x1;
	s10 =	sld [smem:$0x3FB3];
	_ =	sdelay $0x3  }
0x37: {  	[smem:$0x3FB3] =	sst s10  }
0x38: {  	s10 =	sld [smem:$0x3FB4]  }
0x39: {  	_ = 	snop;
	(pc) =	sbr.ind lr, $3  }
0x3a: {  	_ = 	snop  }
0x3b: {  	_ = 	snop  }
0x3c: {  	p2 =	seq.s32 s10, $0x1;
	s10 =	sld [smem:$0x3FB3]  }
0x3d: {  	_ =	shalt  }
0x3e: {  	_ =	shalt  }
0x3f: {  	_ =	shalt  }
0x40: {  	_ =	shalt  }
0x41: {  	_ =	shalt  }
0x42: {  	_ =	shalt  }
0x43: {  	_ =	shalt  }
0x44: {  	_ =	shalt  }
0x45: {  	_ =	shalt  }
0x46: {  	_ =	shalt  }
0x47: {  	_ =	shalt  }
0x48: {  	_ =	shalt  }
0x49: {  	_ =	shalt  }
0x4a: {  	_ =	shalt  }
0x4b: {  	_ =	shalt  }
0x4c: {  	_ =	shalt  }
0x4d: {  	_ =	shalt  }
0x4e: {  	_ =	shalt  }
0x4f: {  	_ =	shalt  }
0x50: {  	_ =	shalt  }
0x51: {  	_ =	shalt  }
0x52: {  	_ =	shalt  }
0x53: {  	_ =	shalt  }
0x54: {  	_ =	shalt  }
0x55: {  	_ =	shalt  }
0x56: {  	_ =	shalt  }
0x57: {  	_ =	shalt  }
0x58: {  	_ =	shalt  }
0x59: {  	_ =	shalt  }
0x5a: {  	_ =	shalt  }
0x5b: {  	_ =	shalt  }
0x5c: {  	_ =	shalt  }
0x5d: {  	_ =	shalt  }
0x5e: {  	_ =	shalt  }
0x5f: {  	_ =	shalt  }
0x60: {  	_ =	shalt  }
0x61: {  	_ =	shalt  }
0x62: {  	_ =	shalt  }
0x63: {  	_ =	shalt  }
0x64: {  	_ =	shalt  }
0x65: {  	_ =	shalt  }
0x66: {  	_ =	shalt  }
0x67: {  	_ =	shalt  }
0x68: {  	_ =	shalt  }
0x69: {  	_ =	shalt  }
0x6a: {  	_ =	shalt  }
0x6b: {  	_ =	shalt  }
0x6c: {  	_ =	shalt  }
0x6d: {  	_ =	shalt  }
0x6e: {  	_ =	shalt  }
0x6f: {  	_ =	shalt  }
0x70: {  	_ =	shalt  }
0x71: {  	_ =	shalt  }
0x72: {  	_ =	shalt  }
0x73: {  	_ =	shalt  }
0x74: {  	_ =	shalt  }
0x75: {  	_ =	shalt  }
0x76: {  	_ =	shalt  }
0x77: {  	_ =	shalt  }
0x78: {  	_ =	shalt  }
0x79: {  	_ =	shalt  }
0x7a: {  	_ =	shalt  }
0x7b: {  	_ =	shalt  }
0x7c: {  	_ =	shalt  }
0x7d: {  	_ =	shalt  }
0x7e: {  	_ =	shalt  }
0x7f: {  	_ =	shalt  }
0x80: {  	_ =	shalt  }
0x81: {  	_ =	shalt  }
0x82: {  	_ =	shalt  }
0x83: {  	_ =	shalt  }
0x84: {  	_ =	shalt  }
0x85: {  	_ =	shalt  }
0x86: {  	_ =	shalt  }
0x87: {  	_ =	shalt  }
.Lfunc_end0:
.L_simem_size_0:
called_computation_lowered:
.L_overlay_start_0:
0x88: {  	s2 =	sld [smem:$0x3FD9]  }
0x89: {  	s3 =	sld [smem:$0x3FFE];
	_ =	sdelay $0x1  }
0x8a: {  	s1 =	srdreg.scid  }
0x8b: {  	s0 =	sand.u32 $0x1, s1  }
0x8c: {  	s16 =	sshll.u32 s0, $0xA;
	s2 =	sadd.s32 s3, s2  }
0x8d: {  	s2 =	sadd.s32 s2, s16  }
0x8e: {  	[smem:$0x3FBF] =	sst s2  }
0x8f: {  	_ = 	snop  }
0x90: {  	(tm) =	ssettm $0x1  }
0x91: {  	s17 =	sld [smem:$0x3FFB];
	_ =	sdelay $0x3  }
0x92: {  	_ =	strace s17  }
0x93: {  	s2 =	sld [smem:$0x3FFC];
	_ =	sdelay $0x3  }
0x94: {  	_ =	strace s2  }
0x95: {  	s2 =	sld [smem:$0x3FFD];
	_ =	sdelay $0x3  }
0x96: {  	_ =	strace s2  }
0x97: {  	_ =	strace $0x8FFFFFFF  }
0x98: {  	s18 =	sld [smem:$0x3FDB];
	_ =	sdelay $0x1  }
0x99: {  	s19 =	simm.s32 $_scs_section_size  }
0x9a: {  	s4 =	simm.s32 $_size__tile_overlayer_lowered;
	s5 =	simm.s32 $_tile_overlayer_lowered  }
0x9b: {  	s22 =	simm.s32 $0x1BFF;
	s21 =	sshll.u32 s5, $0x1;
	s2 =	sadd.s32 s19, s18  }
0x9c: {  	s6 =	simm.s32 $0x0;
	s20 =	sshll.u32 s4, $0x1;
	s4 =	sadd.s32 s21, s2  }
0x9d: {  	[timem:s6], [sflag:s22] =	dma.local [hbm:s4], s20  }
0x9e: {  	_ =	swait.ge [sflag:s22], s20  }
0x9f: {  	s3 =	ssub.s32 $0x0, s20;
	[sflag:s22] =	ssyncset.done $0x0  }
0xa0: {  	[sflag:s22] =	ssyncadd.s32 s3;
	_ =	sdelay $0x1  }
0xa1: {  	s23 =	simm.s32 $0x1B8B  }
0xa2: {  	_ =	swait.ge [sflag:s23], $0x1  }
0xa3: {  	[sflag:s23] =	ssyncset.done $0x0  }
0xa4: {  	s25 =	simm.s32 $0x1B8E;
	s24 =	sld [smem:$0x3FFE];
	[sflag:s23] =	ssyncadd.s32 $0xFFFFFFFF  }
0xa5: {  	s26 =	simm.s32 $execute0_lowered;
	[smem:$0x3FD2] =	sst s25  }
0xa6: {  	s4 =	sshll.u32 s26, $0x1;
	_ =	strace $0x80000046;
	[dreg:$0x1] =	wrdreg $0xFFFFFFFF  }
0xa7: {  	s28 =	simm.s32 $_size_execute0_lowered;
	s2 =	sadd.s32 s2, s4;
	[dreg:$0x0] =	wrdreg $0x0  }
0xa8: {  	s4 =	sshll.u32 s28, $0x1;
	[dreg:$0x2] =	wrdreg s2  }
0xa9: {  	[dreg:$0x3] =	wrdreg s4  }
0xaa: {  	[dreg:$0x4] =	wrdreg $0xC0  }
0xab: {  	_ =	task [dreg:s6], $0x5FFFF  }
0xac: {  	[dreg:$0x1] =	wrdreg $0xFFFFFFFF  }
0xad: {  	[dreg:$0x0] =	wrdreg $0x60  }
0xae: {  	[dreg:$0x2] =	wrdreg s24  }
0xaf: {  	[dreg:$0x3] =	wrdreg $0x30000  }
0xb0: {  	[dreg:$0x4] =	wrdreg $0x9  }
0xb1: {  	_ =	task.clear_ibuf [dreg:s6], $0x5FFFF;
	_ =	strace $0x90000046  }
0xb2: {  	s29 =	simm.s32 $0x9;
	_ =	strace $0x80000048  }
0xb3: {  	_ =	swait.ge [sflag:s29], $0x1  }
0xb4: {  	[sflag:s29] =	ssyncadd.s32 $0xFFFFFFFF  }
0xb5: {  	_ =	strace $0x90000048  }
0xb6: {  	_ =	sfence  }
0xb7: {  	s30 =	sld [smem:$0x0];
	_ =	sdelay $0x2  }
0xb8: {  	s31 =	sshll.u32 s1, $0xD;
	s1 =	sshrl.u32 s1, $0x2  }
0xb9: {  	s3 =	sand.u32 $0x4000, s31;
	s1 =	sadd.s32 s1, s30  }
0xba: {  	s0 =	sor.u32 s3, s0;
	s1 =	sshll.u32 s1, $0x11  }
0xbb: {  	s0 =	sor.u32 s1, s0  }
0xbc: {  	s0 =	sadd.s32 $0x8F2B, s0  }
0xbd: {  	[sflag:s0] =	ssyncadd.remote.s32 $0x1  }
0xbe: {  	_ =	sfence.sel $0xFFFF  }
0xbf: {  	[dreg:$0x0] =	wrdreg $0xFFFFFFFF;
	(pc) =	sbr.abs _section_cstart, $3  }
0xc0: {  	[dreg:$0x1] =	wrdreg $0xFFFFFFFF  }
0xc1: {  	_ =	task.clear_ibuf [dreg:s6], $0x2FFFF;
	_ =	strace $0x9FFFFFFF  }
0xc2: {  	(tm) =	ssettm $0x7FFFFFFF  }
0xc3: {  	_ =	shalt  }
tec
execute0_lowered:
.L_overlay_start_1:
0x0: {  	(tag) =	ssettag $0x1  }
0x1: {  	s0 =	srdreg.scid;
	s5 =	rddreg [dreg:$0x0]  }
0x2: {  	s10 =	stileid.u32;
	s1 =	rddreg [dreg:$0x1]  }
0x3: {  	s15 =	simm.s32 $0x80;
	s18 =	simm.s32 $0x200;
	s19 =	simm.s32 $0x280  }
0x4: {  	s20 =	simm.s32 $0x300;
	s21 =	simm.s32 $0x380;
	s22 =	simm.s32 $0x1  }
0x5: {  	s28 =	simm.s32 $0x6;
	s29 =	simm.s32 $0x7;
	s30 =	simm.s32 $0x8  }
0x6: {  	s31 =	simm.s32 $0x0;
	s0 =	sand.u32 $0x1, s0;
	s4 =	sadd.s32 $0x15C00, s5  }
0x7: {  	s8 =	sadd.s32 $0x16400, s5;
	s9 =	smul.u32 $0x2700, s10;
	s24 =	sshll.u32 s10, $0x9  }
0x8: {  	s25 =	sshll.u32 s10, $0x6;
	s14 =	sadd.s32 $0x27000, s1;
	p0 =	sne.s32 s10, $0x0  }
0x9: {  	s2 =	sshll.u32 s0, $0x4;
	s7 =	ssub.s32 $0x2, s0;
	s0 =	smul.u32 $0x27100, s0  }
0xa: {  	s13 =	sadd.s32 s24, s1;
	s24 =	simm.s32 $0x3;
	s3 =	sor.u32 s10, s2  }
0xb: {  	s2 =	simm.s32 $0x0;
	s23 =	sshrl.u32 s7, $0x1;
	s12 =	sadd.s32 s9, s1  }
0xc: {  	s13 =	sadd.s32 $0x27100, s13;
	s3 =	smul.u32 $0x500, s3;
	[smem:$0x7FF] =	sst s2  }
0xd: {  	s11 =	ssub.s32 s7, s23;
	s26 =	sadd.s32 s9, s0;
	s0 =	sshrl.u32 s0, $0x3  }
0xe: {  	s10 =	sshrl.u32 s12, $0x3;
	s12 =	sshrl.u32 s13, $0x3;
	s13 =	sshrl.u32 @!p0 s14, $0x3  }
0xf: {  	s14 =	simm.s32 $0x2800;
	s23 =	simm.s32 $0x2;
	_ =	strace $0x80000047  }
0x10: {  	s7 =	sshrl.u32 s26, $0x3;
	s0 =	sadd.s32 s8, s0;
	s9 =	smax.u32 s11, $0x1  }
0x11: {  	s11 =	simm.s32 $0x9;
	s26 =	simm.s32 $0x5;
	s6 =	sadd.s32 s3, s5  }
0x12: {  	s3 =	sadd.s32 $0x16200, s5;
	s5 =	sor.u32 $0x1C09, s25;
	s7 =	sadd.s32 s8, s7  }
0x13: {  	s8 =	sadd.s32 $0x4E00, s0;
	s25 =	simm.s32 $0x4;
	s6 =	sadd.s32 $0x1C00, s6  }
.LBB2_1:
0x14: {  	[spmem:s10], [sflag:s5] =	dma.local [hbm:s4], $0x4E0  }
0x15: {  	_ =	swait.ge [sflag:s11], $0x4E0  }
0x16: {  	[sflag:s11] =	ssyncset.done $0x0  }
0x17: {  	[sflag:s11] =	ssyncadd.s32 $0xFFFFFB20  }
0x18: {  	[spmem:s12], [sflag:s5] =	dma.local [hbm:s4], $0x40  }
0x19: {  	_ =	swait.ge [sflag:s11], $0x40  }
0x1a: {  	[sflag:s11] =	ssyncset.done $0x0  }
0x1b: {  	s0 =	simm.s32 @!p0 $0x9;
	[sflag:s11] =	ssyncadd.s32 $0xFFFFFFC0  }
0x1c: {  	[spmem:s13], [sflag:s5] =	dma.local @!p0 [hbm:s4], $0x20  }
0x1d: {  	_ =	swait.ge @!p0 [sflag:s0], $0x20  }
0x1e: {  	[sflag:s0] =	ssyncset.done @!p0 $0x0  }
0x1f: {  	[sflag:s0] =	ssyncadd.s32 @!p0 $0xFFFFFFE0  }
0x20: {  	[tilespmem:s14], [sflag:$0x9] =	stream.linear.gather [hbm4b:s3+s2], $0x800, $0x38;
	[tilespmem:$0x5910] =	vst v63  }
0x21: {  	_ =	swait.ge [sflag:s11], $0x800  }
0x22: {  	[sflag:s11] =	ssyncset.done $0x0  }
0x23: {  	[sflag:s11] =	ssyncadd.s32 $0xFFFFF800  }
0x24: {  	[tilespmem:s2], [sflag:$0x9] =	stream.linear.gather [hbm4b:s6+s2], $0x2800, $0x38;
	[tilespmem:$0x5910] =	vst v63  }
0x25: {  	_ =	swait.ge [sflag:s11], $0x2800  }
0x26: {  	[sflag:s11] =	ssyncset.done $0x0  }
0x27: {  	[sflag:s11] =	ssyncadd.s32 $0xFFFFD800  }
0x28: {  	[bflag:$0x0] =	sbarrier.arrive $0xFFFF  }
0x29: {  	[spmem:s1] =	stream.indirect.scatter.add.f32 [tilespmem:s14], [sflag:$0x1], $0x10, s2, s15, $0xb8;
	[tilespmem:$0x5910] =	vst v63  }
0x2a: {  	_ = 	snop  }
0x2b: {  	[spmem:s1] =	stream.indirect.scatter.add.f32 [tilespmem:s14], [sflag:$0x2], $0x10, s15, s15, $0xb8;
	[tilespmem:$0x5910] =	vst v63  }
0x2c: {  	s17 =	simm.s32 $0x100  }
0x2d: {  	[spmem:s1] =	stream.indirect.scatter.add.f32 [tilespmem:s14], [sflag:$0x3], $0x10, s17, s15, $0xb8;
	[tilespmem:$0x5910] =	vst v63  }
0x2e: {  	s16 =	simm.s32 $0x180  }
0x2f: {  	[spmem:s1] =	stream.indirect.scatter.add.f32 [tilespmem:s14], [sflag:$0x4], $0x10, s16, s15, $0xb8;
	[tilespmem:$0x5910] =	vst v63  }
0x30: {  	_ = 	snop  }
0x31: {  	[spmem:s1] =	stream.indirect.scatter.add.f32 [tilespmem:s14], [sflag:$0x5], $0x10, s18, s15, $0xb8;
	[tilespmem:$0x5910] =	vst v63  }
0x32: {  	_ = 	snop  }
0x33: {  	[spmem:s1] =	stream.indirect.scatter.add.f32 [tilespmem:s14], [sflag:$0x6], $0x10, s19, s15, $0xb8;
	[tilespmem:$0x5910] =	vst v63  }
0x34: {  	_ = 	snop  }
0x35: {  	[spmem:s1] =	stream.indirect.scatter.add.f32 [tilespmem:s14], [sflag:$0x7], $0x10, s20, s15, $0xb8;
	[tilespmem:$0x5910] =	vst v63  }
0x36: {  	_ = 	snop  }
0x37: {  	[spmem:s1] =	stream.indirect.scatter.add.f32 [tilespmem:s14], [sflag:$0x8], $0x10, s21, s15, $0xb8;
	[tilespmem:$0x5910] =	vst v63  }
0x38: {  	_ =	swait.ge [sflag:s22], $0x800  }
0x39: {  	[sflag:s22] =	ssyncset.done $0x0  }
0x3a: {  	s17 =	simm.s32 $0x400;
	[sflag:s22] =	ssyncadd.s32 $0xFFFFF800  }
0x3b: {  	[spmem:s1] =	stream.indirect.scatter.add.f32 [tilespmem:s14], [sflag:$0x1], $0x10, s17, s15, $0xb8;
	[tilespmem:$0x5910] =	vst v63  }
0x3c: {  	_ =	swait.ge [sflag:s23], $0x800  }
0x3d: {  	[sflag:s23] =	ssyncset.done $0x0  }
0x3e: {  	s16 =	simm.s32 $0x480;
	[sflag:s23] =	ssyncadd.s32 $0xFFFFF800  }
0x3f: {  	[spmem:s1] =	stream.indirect.scatter.add.f32 [tilespmem:s14], [sflag:$0x2], $0x10, s16, s15, $0xb8;
	[tilespmem:$0x5910] =	vst v63  }
0x40: {  	_ =	swait.ge [sflag:s24], $0x800  }
0x41: {  	[sflag:s24] =	ssyncset.done $0x0  }
0x42: {  	s17 =	simm.s32 $0x500;
	[sflag:s24] =	ssyncadd.s32 $0xFFFFF800  }
0x43: {  	[spmem:s1] =	stream.indirect.scatter.add.f32 [tilespmem:s14], [sflag:$0x3], $0x10, s17, s15, $0xb8;
	[tilespmem:$0x5910] =	vst v63  }
0x44: {  	_ =	swait.ge [sflag:s25], $0x800  }
0x45: {  	[sflag:s25] =	ssyncset.done $0x0  }
0x46: {  	s16 =	simm.s32 $0x580;
	[sflag:s25] =	ssyncadd.s32 $0xFFFFF800  }
0x47: {  	[spmem:s1] =	stream.indirect.scatter.add.f32 [tilespmem:s14], [sflag:$0x4], $0x10, s16, s15, $0xb8;
	[tilespmem:$0x5910] =	vst v63  }
0x48: {  	_ =	swait.ge [sflag:s26], $0x800  }
0x49: {  	[sflag:s26] =	ssyncset.done $0x0  }
0x4a: {  	s17 =	simm.s32 $0x600;
	[sflag:s26] =	ssyncadd.s32 $0xFFFFF800  }
0x4b: {  	[spmem:s1] =	stream.indirect.scatter.add.f32 [tilespmem:s14], [sflag:$0x5], $0x10, s17, s15, $0xb8;
	[tilespmem:$0x5910] =	vst v63  }
0x4c: {  	_ =	swait.ge [sflag:s28], $0x800  }
0x4d: {  	[sflag:s28] =	ssyncset.done $0x0  }
0x4e: {  	s16 =	simm.s32 $0x680;
	[sflag:s28] =	ssyncadd.s32 $0xFFFFF800  }
0x4f: {  	[spmem:s1] =	stream.indirect.scatter.add.f32 [tilespmem:s14], [sflag:$0x6], $0x10, s16, s15, $0xb8;
	[tilespmem:$0x5910] =	vst v63  }
0x50: {  	_ =	swait.ge [sflag:s29], $0x800  }
0x51: {  	[sflag:s29] =	ssyncset.done $0x0  }
0x52: {  	s17 =	simm.s32 $0x700;
	[sflag:s29] =	ssyncadd.s32 $0xFFFFF800  }
0x53: {  	[spmem:s1] =	stream.indirect.scatter.add.f32 [tilespmem:s14], [sflag:$0x7], $0x10, s17, s15, $0xb8;
	[tilespmem:$0x5910] =	vst v63  }
0x54: {  	_ =	swait.ge [sflag:s30], $0x800  }
0x55: {  	[sflag:s30] =	ssyncset.done $0x0  }
0x56: {  	s0 =	simm.s32 $0x1000;
	s16 =	simm.s32 $0x780;
	[sflag:s30] =	ssyncadd.s32 $0xFFFFF800  }
.LBB2_2:
0x57: {  	[spmem:s1] =	stream.indirect.scatter.add.f32 [tilespmem:s14], [sflag:$0x8], $0x10, s16, s15, $0xb8;
	[tilespmem:$0x5910] =	vst v63  }
0x58: {  	s16 =	smov.u32 s0  }
0x59: {  	p1 =	sne.s32 s0, $0x8000;
	s0 =	sadd.s32 $0x1000, s0;
	_ =	swait.ge [sflag:s22], $0x800  }
0x5a: {  	s16 =	sshra.s32 s16, $0x2;
	[sflag:s22] =	ssyncset.done $0x0  }
0x5b: {  	s17 =	sadd.s32 $0x400, s16;
	[sflag:s22] =	ssyncadd.s32 $0xFFFFF800  }
0x5c: {  	[spmem:s1] =	stream.indirect.scatter.add.f32 [tilespmem:s14], [sflag:$0x1], $0x10, s17, s15, $0xb8;
	[tilespmem:$0x5910] =	vst v63  }
0x5d: {  	_ =	swait.ge [sflag:s23], $0x800  }
0x5e: {  	[sflag:s23] =	ssyncset.done $0x0  }
0x5f: {  	s17 =	sadd.s32 $0x480, s16;
	[sflag:s23] =	ssyncadd.s32 $0xFFFFF800  }
0x60: {  	[spmem:s1] =	stream.indirect.scatter.add.f32 [tilespmem:s14], [sflag:$0x2], $0x10, s17, s15, $0xb8;
	[tilespmem:$0x5910] =	vst v63  }
0x61: {  	_ =	swait.ge [sflag:s24], $0x800  }
0x62: {  	[sflag:s24] =	ssyncset.done $0x0  }
0x63: {  	s17 =	sadd.s32 $0x500, s16;
	[sflag:s24] =	ssyncadd.s32 $0xFFFFF800  }
0x64: {  	[spmem:s1] =	stream.indirect.scatter.add.f32 [tilespmem:s14], [sflag:$0x3], $0x10, s17, s15, $0xb8;
	[tilespmem:$0x5910] =	vst v63  }
0x65: {  	_ =	swait.ge [sflag:s25], $0x800  }
0x66: {  	[sflag:s25] =	ssyncset.done $0x0  }
0x67: {  	s17 =	sadd.s32 $0x580, s16;
	[sflag:s25] =	ssyncadd.s32 $0xFFFFF800  }
0x68: {  	[spmem:s1] =	stream.indirect.scatter.add.f32 [tilespmem:s14], [sflag:$0x4], $0x10, s17, s15, $0xb8;
	[tilespmem:$0x5910] =	vst v63  }
0x69: {  	_ =	swait.ge [sflag:s26], $0x800  }
0x6a: {  	[sflag:s26] =	ssyncset.done $0x0  }
0x6b: {  	s17 =	sadd.s32 $0x600, s16;
	[sflag:s26] =	ssyncadd.s32 $0xFFFFF800  }
0x6c: {  	[spmem:s1] =	stream.indirect.scatter.add.f32 [tilespmem:s14], [sflag:$0x5], $0x10, s17, s15, $0xb8;
	[tilespmem:$0x5910] =	vst v63  }
0x6d: {  	_ =	swait.ge [sflag:s28], $0x800  }
0x6e: {  	[sflag:s28] =	ssyncset.done $0x0  }
0x6f: {  	s17 =	sadd.s32 $0x680, s16;
	[sflag:s28] =	ssyncadd.s32 $0xFFFFF800  }
0x70: {  	[spmem:s1] =	stream.indirect.scatter.add.f32 [tilespmem:s14], [sflag:$0x6], $0x10, s17, s15, $0xb8;
	[tilespmem:$0x5910] =	vst v63  }
0x71: {  	_ =	swait.ge [sflag:s29], $0x800  }
0x72: {  	[sflag:s29] =	ssyncset.done $0x0  }
.Ltmp0:
0x73: {  	s17 =	sadd.s32 $0x700, s16;
	[sflag:s29] =	ssyncadd.s32 $0xFFFFF800;
	(pc) =	sbr.rel @p1 .LBB2_2-.Ltmp0, $4  }
0x74: {  	[spmem:s1] =	stream.indirect.scatter.add.f32 [tilespmem:s14], [sflag:$0x7], $0x10, s17, s15, $0xb8;
	[tilespmem:$0x5910] =	vst v63  }
0x75: {  	_ =	swait.ge [sflag:s30], $0x800  }
0x76: {  	[sflag:s30] =	ssyncset.done $0x0  }
0x77: {  	s16 =	sadd.s32 $0x780, s16;
	[sflag:s30] =	ssyncadd.s32 $0xFFFFF800  }
0x78: {  	[spmem:s1] =	stream.indirect.scatter.add.f32 [tilespmem:s14], [sflag:$0x8], $0x10, s16, s15, $0xb8;
	[tilespmem:$0x5910] =	vst v63  }
0x79: {  	_ =	swait.ge [sflag:s22], $0x800  }
0x7a: {  	[sflag:s22] =	ssyncset.done $0x0  }
0x7b: {  	[sflag:s22] =	ssyncadd.s32 $0xFFFFF800  }
0x7c: {  	_ =	swait.ge [sflag:s23], $0x800  }
0x7d: {  	[sflag:s23] =	ssyncset.done $0x0  }
0x7e: {  	[sflag:s23] =	ssyncadd.s32 $0xFFFFF800  }
0x7f: {  	_ =	swait.ge [sflag:s24], $0x800  }
0x80: {  	[sflag:s24] =	ssyncset.done $0x0  }
0x81: {  	[sflag:s24] =	ssyncadd.s32 $0xFFFFF800  }
0x82: {  	_ =	swait.ge [sflag:s25], $0x800  }
0x83: {  	[sflag:s25] =	ssyncset.done $0x0  }
0x84: {  	[sflag:s25] =	ssyncadd.s32 $0xFFFFF800  }
0x85: {  	_ =	swait.ge [sflag:s26], $0x800  }
0x86: {  	[sflag:s26] =	ssyncset.done $0x0  }
0x87: {  	[sflag:s26] =	ssyncadd.s32 $0xFFFFF800  }
0x88: {  	_ =	swait.ge [sflag:s28], $0x800  }
0x89: {  	[sflag:s28] =	ssyncset.done $0x0  }
0x8a: {  	[sflag:s28] =	ssyncadd.s32 $0xFFFFF800  }
0x8b: {  	_ =	swait.ge [sflag:s29], $0x800  }
0x8c: {  	[sflag:s29] =	ssyncset.done $0x0  }
0x8d: {  	[sflag:s29] =	ssyncadd.s32 $0xFFFFF800  }
0x8e: {  	_ =	swait.ge [sflag:s30], $0x800  }
0x8f: {  	[sflag:s30] =	ssyncset.done $0x0  }
0x90: {  	[sflag:s30] =	ssyncadd.s32 $0xFFFFF800  }
0x91: {  	[bflag:$0x0] =	sbarrier.arrive $0xFFFF  }
0x92: {  	[hbm:s7], [sflag:s5] =	dma.local [spmem:s10], $0x4E0  }
0x93: {  	s31 =	sadd.s32 $0x1, s31;
	_ =	swait.ge [sflag:s11], $0x4E0  }
0x94: {  	p1 =	sne.s32 s31, s9;
	[sflag:s11] =	ssyncset.done $0x0  }
.Ltmp1:
0x95: {  	s0 =	simm.s32 @!p0 $0x9;
	[sflag:s11] =	ssyncadd.s32 $0xFFFFFB20;
	(pc) =	sbr.rel @p1 .LBB2_1-.Ltmp1, $4  }
0x96: {  	[hbm:s8], [sflag:s5] =	dma.local @!p0 [spmem:s13], $0x20  }
0x97: {  	_ =	swait.ge @!p0 [sflag:s0], $0x20  }
0x98: {  	[sflag:s0] =	ssyncset.done @!p0 $0x0  }
0x99: {  	[sflag:s0] =	ssyncadd.s32 @!p0 $0xFFFFFFE0  }
0x9a: {  	_ =	sfence.sel $0x180000  }
0x9b: {  	[bflag:$0x0] =	sbarrier.arrive $0xFFFF  }
0x9c: {  	_ =	strace $0x90000047  }
0x9d: {  	[bflag:$0x2] =	sbarrier.arrive $0xFFFF  }
0x9e: {  	s0 =	rddreg [dreg:$0x2]  }
0x9f: {  	s0 =	sadd.s32 @!p0 $0x100000, s0  }
0xa0: {  	[sflag:s0] =	ssyncadd.tile.s32 @!p0 $0x1;
	_ =	shalt  }
.Lfunc_end2:
_tile_overlayer_lowered:
.L_overlay_start_2:
0xa1: {  	(tag) =	ssettag $0x2  }
0xa2: {  	s0 =	rddreg [dreg:$0x0];
	s2 =	stileid.u32  }
0xa3: {  	s1 =	rddreg [dreg:$0x1];
	p0 =	sne.s32 s2, $0x0  }
0xa4: {  	s3 =	rddreg [dreg:$0x2];
	[bflag:$0x3] =	sbarrier.arrive $0xFFFF;
	s2 =	simm.s32 @!p0 $0x1C09  }
0xa5: {  	[timem:s3], [sflag:s2] =	dma.local @!p0 [hbm:s0], s1  }
0xa6: {  	s0 =	simm.s32 @!p0 $0x9  }
0xa7: {  	_ =	swait.ge @!p0 [sflag:s0], s1  }
0xa8: {  	s1 =	ssub.s32 @!p0 $0x0, s1;
	[sflag:s0] =	ssyncset.done @!p0 $0x0  }
0xa9: {  	[sflag:s0] =	ssyncadd.s32 @!p0 s1  }
0xaa: {  	[bflag:$0x3] =	sbarrier.arrive $0xFFFF  }
0xab: {  	_ =	shalt  }

</sc_bundles>
